<compile_context>
chip_gen: v7x
topology: tpu7x:2x2x1
jax: 0.10.2.dev20260603
libtpu: 0.0.44.dev20260713+nightly
codegen_flags: <defaults>
</compile_context>

<pallas_src>
import functools

import jax
import jax.numpy as jnp
from jax import lax
from jax.experimental import pallas as pl
from jax.experimental.pallas import tpu as pltpu
from jax.experimental.pallas import tpu_sc as plsc

N = 10000
E = 320000
D = 128
NC = 2
NS = 16
NW = NC * NS
EPW = E // NW
CHUNK = 125
NCHUNK = EPW // CHUNK
NBUF = 2
SUPER = 16
NSUPER = NCHUNK // SUPER
NPAD = 10240
STRIPE = NPAD // NS
DCHUNK = 80
DNCHUNK = EPW // DCHUNK

_MESH = functools.partial(
    plsc.VectorSubcoreMesh, core_axis_name="c", subcore_axis_name="s")


def _deg_body(row_hbm, zeros_hbm, out_hbm, idx_v, ones_v, deg_sh):
    cid = lax.axis_index("c")
    sid = lax.axis_index("s")
    wid = sid * NC + cid
    pltpu.sync_copy(row_hbm.at[wid], idx_v)
    pltpu.sync_copy(zeros_hbm, deg_sh.at[pl.ds(sid * STRIPE, STRIPE)])
    for v in range(DCHUNK // 16):
        ones_v[pl.ds(v * 16, 16)] = jnp.ones((16,), jnp.float32)
    plsc.subcore_barrier()

    def body(j, carry):
        pltpu.sync_copy(ones_v, deg_sh.at[idx_v.at[j]], add=True)
        return carry

    lax.fori_loop(0, DNCHUNK, body, 0)
    plsc.subcore_barrier()
    pltpu.sync_copy(deg_sh.at[pl.ds(sid * STRIPE, STRIPE)],
                    out_hbm.at[cid, 0, pl.ds(sid * STRIPE, STRIPE)])


_deg_kernel = functools.partial(
    pl.kernel,
    out_type=jax.ShapeDtypeStruct((NC, 1, NPAD), jnp.float32),
    mesh=_MESH(),
    scratch_types=[
        pltpu.VMEM((DNCHUNK, DCHUNK), jnp.int32),
        pltpu.VMEM((DCHUNK,), jnp.float32),
        pltpu.VMEM_SHARED((NPAD,), jnp.float32),
    ],
)(_deg_body)


def _spmm_body(y_hbm, col_hbm, row_hbm, zeros_hbm, out_hbm,
               idx_c, idx_r, buf0, buf1, acc_sh, sem0, sem1):
    bufs = (buf0, buf1)
    sems = (sem0, sem1)
    cid = lax.axis_index("c")
    sid = lax.axis_index("s")
    wid = sid * NC + cid
    pltpu.sync_copy(zeros_hbm, acc_sh.at[pl.ds(sid * STRIPE, STRIPE)])
    plsc.subcore_barrier()

    for s in range(NSUPER):
        pltpu.sync_copy(col_hbm.at[wid, s], idx_c)
        pltpu.sync_copy(row_hbm.at[wid, s], idx_r)
        pltpu.async_copy(y_hbm.at[idx_c.at[0]], bufs[0], sems[0])

        def group(g, carry):
            for b in range(NBUF):
                j = g * NBUF + b
                nxt = j + 1
                nb = (b + 1) % NBUF

                @pl.when(nxt < SUPER)
                def _():
                    pltpu.async_copy(y_hbm.at[idx_c.at[nxt]], bufs[nb],
                                     sems[nb])

                pltpu.make_async_copy(y_hbm.at[idx_c.at[j]], bufs[b],
                                      sems[b]).wait()
                pltpu.sync_copy(bufs[b], acc_sh.at[idx_r.at[j]], add=True)
            return carry

        lax.fori_loop(0, SUPER // NBUF, group, 0)
    plsc.subcore_barrier()
    pltpu.sync_copy(acc_sh.at[pl.ds(sid * STRIPE, STRIPE)],
                    out_hbm.at[cid, pl.ds(sid * STRIPE, STRIPE)])


_spmm_kernel = functools.partial(
    pl.kernel,
    out_type=jax.ShapeDtypeStruct((NC, NPAD, D), jnp.float32),
    mesh=_MESH(),
    scratch_types=[
        pltpu.VMEM((SUPER, CHUNK), jnp.int32),
        pltpu.VMEM((SUPER, CHUNK), jnp.int32),
        pltpu.VMEM((CHUNK, D), jnp.float32),
        pltpu.VMEM((CHUNK, D), jnp.float32),
        pltpu.VMEM_SHARED((NPAD, D), jnp.float32),
        pltpu.SemaphoreType.DMA,
        pltpu.SemaphoreType.DMA,
    ],
)(_spmm_body)


BR = 2000


def _scale_body(p0_ref, p1_ref, x_ref, y_ref, dis_ref):
    deg = p0_ref[...] + p1_ref[...]
    dis = jnp.where(deg > 0.0, lax.rsqrt(deg), 0.0)
    dis_ref[...] = dis
    y_ref[...] = dis * x_ref[...]


def _tc_scale(p0, p1, x):
    return pl.pallas_call(
        _scale_body,
        grid=(N // BR,),
        in_specs=[
            pl.BlockSpec((BR, 1), lambda i: (i, 0)),
            pl.BlockSpec((BR, 1), lambda i: (i, 0)),
            pl.BlockSpec((BR, D), lambda i: (i, 0)),
        ],
        out_specs=[
            pl.BlockSpec((BR, D), lambda i: (i, 0)),
            pl.BlockSpec((BR, 1), lambda i: (i, 0)),
        ],
        out_shape=[
            jax.ShapeDtypeStruct((N, D), jnp.float32),
            jax.ShapeDtypeStruct((N, 1), jnp.float32),
        ],
    )(p0, p1, x)


def _mid_body(dis_ref, q0_ref, q1_ref, tx1_ref, y2_ref):
    dis = dis_ref[...]
    tx1 = -dis * (q0_ref[0] + q1_ref[0])
    tx1_ref[...] = tx1
    y2_ref[...] = dis * tx1


def _tc_mid(dis, agg):
    return pl.pallas_call(
        _mid_body,
        grid=(N // BR,),
        in_specs=[
            pl.BlockSpec((BR, 1), lambda i: (i, 0)),
            pl.BlockSpec((1, BR, D), lambda i: (0, i, 0)),
            pl.BlockSpec((1, BR, D), lambda i: (1, i, 0)),
        ],
        out_specs=[
            pl.BlockSpec((BR, D), lambda i: (i, 0)),
            pl.BlockSpec((BR, D), lambda i: (i, 0)),
        ],
        out_shape=[
            jax.ShapeDtypeStruct((N, D), jnp.float32),
            jax.ShapeDtypeStruct((N, D), jnp.float32),
        ],
    )(dis, agg, agg)


def _final_body(x_ref, tx1_ref, dis_ref, q0_ref, q1_ref,
                wz_ref, wh_ref, bz_ref, bh_ref, h_ref):
    x = x_ref[...]
    tx1 = tx1_ref[...]
    tx2 = -2.0 * dis_ref[...] * (q0_ref[0] + q1_ref[0]) - x
    dot = functools.partial(
        jnp.dot, precision=lax.Precision.HIGHEST,
        preferred_element_type=jnp.float32)
    sz = (dot(x, wz_ref[0]) + dot(tx1, wz_ref[1]) + dot(tx2, wz_ref[2])
          + bz_ref[...])
    sh = (dot(x, wh_ref[0]) + dot(tx1, wh_ref[1]) + dot(tx2, wh_ref[2])
          + bh_ref[...])
    h_ref[...] = (1.0 - jax.nn.sigmoid(sz)) * jnp.tanh(sh)


def _tc_final(x, tx1, dis, agg, wz, wh, bz, bh):
    return pl.pallas_call(
        _final_body,
        grid=(N // BR,),
        in_specs=[
            pl.BlockSpec((BR, D), lambda i: (i, 0)),
            pl.BlockSpec((BR, D), lambda i: (i, 0)),
            pl.BlockSpec((BR, 1), lambda i: (i, 0)),
            pl.BlockSpec((1, BR, D), lambda i: (0, i, 0)),
            pl.BlockSpec((1, BR, D), lambda i: (1, i, 0)),
            pl.BlockSpec((3, D, D), lambda i: (0, 0, 0)),
            pl.BlockSpec((3, D, D), lambda i: (0, 0, 0)),
            pl.BlockSpec((1, D), lambda i: (0, 0)),
            pl.BlockSpec((1, D), lambda i: (0, 0)),
        ],
        out_specs=pl.BlockSpec((BR, D), lambda i: (i, 0)),
        out_shape=jax.ShapeDtypeStruct((N, D), jnp.float32),
    )(x, tx1, dis, agg, agg, wz, wh, bz, bh)


def kernel(X, edge_index, W_xz, b_xz, W_hz, b_hz, W_xr, b_xr, W_hr, b_hr,
           W_xh, b_xh, W_hh, b_hh):
    row4d = edge_index[0].reshape(NW, NSUPER, SUPER, CHUNK)
    col4d = edge_index[1].reshape(NW, NSUPER, SUPER, CHUNK)
    row3d = edge_index[0].reshape(NW, DNCHUNK, DCHUNK)
    z_row = jnp.zeros((STRIPE,), jnp.float32)
    z_acc = jnp.zeros((STRIPE, D), jnp.float32)

    deg_p = _deg_kernel(row3d, z_row)
    p0 = deg_p[0, 0, :N, None]
    p1 = deg_p[1, 0, :N, None]
    y1, dis = _tc_scale(p0, p1, X)

    agg1 = _spmm_kernel(y1, col4d, row4d, z_acc)
    tx1, y2 = _tc_mid(dis, agg1)

    agg2 = _spmm_kernel(y2, col4d, row4d, z_acc)
    bz = (b_xz + b_hz)[None, :]
    bh = (b_xh + b_hh)[None, :]
    return _tc_final(X, tx1, dis, agg2, W_xz, W_xh, bz, bh)

# --- scband reference (transcript-rebuilt; emitter-appended) ---
"""Pipeline reference for scband-gconv-gru-66503273611823 (READ-ONLY COPY).

The authoritative reference and input builder live on the scoring server;
editing this copy changes nothing except your own understanding.
"""

import jax, jax.numpy as jnp
import numpy as np

N = 10000
E = 320000
D = 128
KORD = 3
LAMBDA_MAX = 2.0  # PyG ChebConv default for normalization='sym' when lambda_max is None


def _lhat_weights(edge_index, num_nodes):
    # get_laplacian(sym) with edge_weight=None (ones), scaled by 2/lambda_max, then self-loops of -1
    row, col = edge_index[0], edge_index[1]
    w = jnp.ones(row.shape[0], dtype=jnp.float32)
    deg = jax.ops.segment_sum(w, row, num_segments=num_nodes)
    dis = jnp.where(deg > 0, deg ** -0.5, 0.0)
    off = -(dis[row] * w * dis[col]) * (2.0 / LAMBDA_MAX)  # scaled off-diagonal of L
    diag = (2.0 / LAMBDA_MAX) * 1.0 - 1.0                  # scaled diagonal (I from laplacian) minus added -1 self-loop
    return off, diag


def _lhat_matvec(x, edge_index, off, diag, num_nodes):
    row, col = edge_index[0], edge_index[1]
    agg = jax.ops.segment_sum(off[:, None] * x[col], row, num_segments=num_nodes)
    return agg + diag * x


def cheb_conv(x, edge_index, W, b, num_nodes):
    off, diag = _lhat_weights(edge_index, num_nodes)
    k_total = W.shape[0]
    Tx_0 = x
    out = Tx_0 @ W[0]
    Tx_1 = x
    if k_total > 1:
        Tx_1 = _lhat_matvec(x, edge_index, off, diag, num_nodes)
        out = out + Tx_1 @ W[1]
    for k in range(2, k_total):
        Tx_2 = 2.0 * _lhat_matvec(Tx_1, edge_index, off, diag, num_nodes) - Tx_0
        out = out + Tx_2 @ W[k]
        Tx_0, Tx_1 = Tx_1, Tx_2
    return out + b


def setup_inputs(seed: int = 0) -> dict:
    key = jax.random.key(seed)
    ks = jax.random.split(key, 16)
    X = jax.random.normal(ks[0], (N, D), dtype=jnp.float32)
    edge_index = jax.random.randint(ks[1], (2, E), 0, N, dtype=jnp.int32)
    inp = {"X": X, "edge_index": edge_index}
    names = ["xz", "hz", "xr", "hr", "xh", "hh"]
    for i, nm in enumerate(names):
        inp["W_" + nm] = jax.random.normal(ks[2 + 2 * i], (KORD, D, D), dtype=jnp.float32) * 0.05
        inp["b_" + nm] = jax.random.normal(ks[3 + 2 * i], (D,), dtype=jnp.float32) * 0.05
    return inp


def reference(X, edge_index, W_xz, b_xz, W_hz, b_hz, W_xr, b_xr, W_hr, b_hr, W_xh, b_xh, W_hh, b_hh):
    # H is None -> zeros init
    H = jnp.zeros((X.shape[0], W_xz.shape[2]), dtype=X.dtype)
    Z = jax.nn.sigmoid(cheb_conv(X, edge_index, W_xz, b_xz, N) + cheb_conv(H, edge_index, W_hz, b_hz, N))
    R = jax.nn.sigmoid(cheb_conv(X, edge_index, W_xr, b_xr, N) + cheb_conv(H, edge_index, W_hr, b_hr, N))
    H_tilde = jnp.tanh(cheb_conv(X, edge_index, W_xh, b_xh, N) + cheb_conv(H * R, edge_index, W_hh, b_hh, N))
    H_new = Z * H + (1.0 - Z) * H_tilde
    return H_new

if __name__ == "__main__":
    import jax
    _d = setup_inputs()
    print(jax.jit(kernel)(*tuple(_d.values())))

</pallas_src>

<mosaic_0001>
#map = affine_map<(d0, d1) -> (0, 0, 0)>
#map1 = affine_map<(d0, d1) -> (0)>
module attributes {stable_mosaic.version = 14 : i64} {
  func.func @_deg_body(%arg0: i32, %arg1: i32, %arg2: memref<32x125x80xi32, #tpu.memory_space<hbm>>, %arg3: memref<640xf32, #tpu.memory_space<hbm>>, %arg4: memref<2x1x10240xf32, #tpu.memory_space<hbm>>, %arg5: memref<125x80xi32, #tpu.memory_space<vmem>>, %arg6: memref<80xf32, #tpu.memory_space<vmem>>, %arg7: memref<10240xf32, #tpu.memory_space<vmem_shared>>) attributes {dimension_semantics = [#tpu.dimension_semantics<core_parallel>, #tpu.dimension_semantics<subcore_parallel>], iteration_bounds = array<i64: 2, 16>, scalar_prefetch = 0 : i64, scratch_operands = 3 : i64, tpu.core_type = #tpu.core_type<sc_vector_subcore>, window_params = [{transform_indices = #map}, {transform_indices = #map1}, {transform_indices = #map}]} {
    %mul3A = arith.constant 2 : i32
    %mul3A_0 = arith.muli %arg1, %mul3A : i32
    %add3A = arith.addi %mul3A_0, %arg0 : i32
    "tpu.region"() ({
      %run_scoped3A_41 = tpu.sem_alloc : memref<!tpu.dma_semaphore, #tpu.memory_space<semaphore_mem>>
      %dma_start3A = arith.constant 0 : i32
      %dma_start3A_42 = arith.constant 0 : i32
      %dma_start3A_43 = tpu.memref_slice %arg2[%add3A, %dma_start3A, %dma_start3A_42] : memref<32x125x80xi32, #tpu.memory_space<hbm>> -> memref<1x125x80xi32, #tpu.memory_space<hbm>>
      %dma_start3A_44 = tpu.memref_squeeze %dma_start3A_43 : memref<1x125x80xi32, #tpu.memory_space<hbm>> -> memref<125x80xi32, #tpu.memory_space<hbm>>
      %dma_start3A_45 = arith.constant 0 : i32
      %dma_start3A_46 = arith.constant 0 : i32
      %dma_start3A_47 = tpu.memref_slice %arg2[%add3A, %dma_start3A_45, %dma_start3A_46] : memref<32x125x80xi32, #tpu.memory_space<hbm>> -> memref<1x125x80xi32, #tpu.memory_space<hbm>>
      %dma_start3A_48 = tpu.memref_squeeze %dma_start3A_47 : memref<1x125x80xi32, #tpu.memory_space<hbm>> -> memref<125x80xi32, #tpu.memory_space<hbm>>
      tpu.enqueue_dma source(%dma_start3A_48 : memref<125x80xi32, #tpu.memory_space<hbm>>) target(%arg5 : memref<125x80xi32, #tpu.memory_space<vmem>>) target_semaphore(%run_scoped3A_41 : memref<!tpu.dma_semaphore, #tpu.memory_space<semaphore_mem>>)
      %dma_wait3A = arith.constant 0 : i32
      %dma_wait3A_49 = arith.constant 0 : i32
      %dma_wait3A_50 = tpu.memref_slice %arg2[%add3A, %dma_wait3A, %dma_wait3A_49] : memref<32x125x80xi32, #tpu.memory_space<hbm>> -> memref<1x125x80xi32, #tpu.memory_space<hbm>>
      %dma_wait3A_51 = tpu.memref_squeeze %dma_wait3A_50 : memref<1x125x80xi32, #tpu.memory_space<hbm>> -> memref<125x80xi32, #tpu.memory_space<hbm>>
      %dma_wait3A_52 = arith.constant 0 : i32
      %dma_wait3A_53 = arith.constant 0 : i32
      %dma_wait3A_54 = tpu.memref_slice %arg2[%add3A, %dma_wait3A_52, %dma_wait3A_53] : memref<32x125x80xi32, #tpu.memory_space<hbm>> -> memref<1x125x80xi32, #tpu.memory_space<hbm>>
      %dma_wait3A_55 = tpu.memref_squeeze %dma_wait3A_54 : memref<1x125x80xi32, #tpu.memory_space<hbm>> -> memref<125x80xi32, #tpu.memory_space<hbm>>
      tpu.wait_dma2 semaphore(%run_scoped3A_41 : memref<!tpu.dma_semaphore, #tpu.memory_space<semaphore_mem>>) src(%dma_wait3A_55 : memref<125x80xi32, #tpu.memory_space<hbm>>) dst(%arg5 : memref<125x80xi32, #tpu.memory_space<vmem>>)
      tpu.yield
    }) : () -> ()
    %mul3A_1 = arith.constant 640 : i32
    %mul3A_2 = arith.muli %arg1, %mul3A_1 : i32
    "tpu.region"() ({
      %run_scoped3A_41 = tpu.sem_alloc : memref<!tpu.dma_semaphore, #tpu.memory_space<semaphore_mem>>
      %dma_start3A = tpu.memref_slice %arg7[%mul3A_2] : memref<10240xf32, #tpu.memory_space<vmem_shared>> -> memref<640xf32, #tpu.memory_space<vmem_shared>>
      tpu.enqueue_dma source(%arg3 : memref<640xf32, #tpu.memory_space<hbm>>) target(%dma_start3A : memref<640xf32, #tpu.memory_space<vmem_shared>>) target_semaphore(%run_scoped3A_41 : memref<!tpu.dma_semaphore, #tpu.memory_space<semaphore_mem>>)
      %dma_wait3A = tpu.memref_slice %arg7[%mul3A_2] : memref<10240xf32, #tpu.memory_space<vmem_shared>> -> memref<640xf32, #tpu.memory_space<vmem_shared>>
      tpu.wait_dma2 semaphore(%run_scoped3A_41 : memref<!tpu.dma_semaphore, #tpu.memory_space<semaphore_mem>>) src(%arg3 : memref<640xf32, #tpu.memory_space<hbm>>) dst(%dma_wait3A : memref<640xf32, #tpu.memory_space<vmem_shared>>)
      tpu.yield
    }) : () -> ()
    %broadcast_in_dim3A = arith.constant 1.000000e+00 : f32
    %broadcast_in_dim3A_3 = vector.broadcast %broadcast_in_dim3A : f32 to vector<16xf32>
    %swap3A = arith.constant 0 : index
    %swap3A_4 = tpu.vector_load %arg6[%swap3A] {strides = array<i32>} : memref<80xf32, #tpu.memory_space<vmem>>, vector<16xf32>,
    %swap3A_5 = vector.shape_cast %swap3A_4 : vector<16xf32> to vector<16xf32>
    %swap3A_6 = vector.shape_cast %broadcast_in_dim3A_3 : vector<16xf32> to vector<16xf32>
    tpu.vector_store %arg6[%swap3A], %swap3A_6 {strides = array<i32>} : memref<80xf32, #tpu.memory_space<vmem>>, vector<16xf32>,
    %broadcast_in_dim3A_7 = arith.constant 1.000000e+00 : f32
    %broadcast_in_dim3A_8 = vector.broadcast %broadcast_in_dim3A_7 : f32 to vector<16xf32>
    %swap3A_9 = arith.constant 16 : index
    %swap3A_10 = tpu.vector_load %arg6[%swap3A_9] {strides = array<i32>} : memref<80xf32, #tpu.memory_space<vmem>>, vector<16xf32>,
    %swap3A_11 = vector.shape_cast %swap3A_10 : vector<16xf32> to vector<16xf32>
    %swap3A_12 = vector.shape_cast %broadcast_in_dim3A_8 : vector<16xf32> to vector<16xf32>
    tpu.vector_store %arg6[%swap3A_9], %swap3A_12 {strides = array<i32>} : memref<80xf32, #tpu.memory_space<vmem>>, vector<16xf32>,
    %broadcast_in_dim3A_13 = arith.constant 1.000000e+00 : f32
    %broadcast_in_dim3A_14 = vector.broadcast %broadcast_in_dim3A_13 : f32 to vector<16xf32>
    %swap3A_15 = arith.constant 32 : index
    %swap3A_16 = tpu.vector_load %arg6[%swap3A_15] {strides = array<i32>} : memref<80xf32, #tpu.memory_space<vmem>>, vector<16xf32>,
    %swap3A_17 = vector.shape_cast %swap3A_16 : vector<16xf32> to vector<16xf32>
    %swap3A_18 = vector.shape_cast %broadcast_in_dim3A_14 : vector<16xf32> to vector<16xf32>
    tpu.vector_store %arg6[%swap3A_15], %swap3A_18 {strides = array<i32>} : memref<80xf32, #tpu.memory_space<vmem>>, vector<16xf32>,
    %broadcast_in_dim3A_19 = arith.constant 1.000000e+00 : f32
    %broadcast_in_dim3A_20 = vector.broadcast %broadcast_in_dim3A_19 : f32 to vector<16xf32>
    %swap3A_21 = arith.constant 48 : index
    %swap3A_22 = tpu.vector_load %arg6[%swap3A_21] {strides = array<i32>} : memref<80xf32, #tpu.memory_space<vmem>>, vector<16xf32>,
    %swap3A_23 = vector.shape_cast %swap3A_22 : vector<16xf32> to vector<16xf32>
    %swap3A_24 = vector.shape_cast %broadcast_in_dim3A_20 : vector<16xf32> to vector<16xf32>
    tpu.vector_store %arg6[%swap3A_21], %swap3A_24 {strides = array<i32>} : memref<80xf32, #tpu.memory_space<vmem>>, vector<16xf32>,
    %broadcast_in_dim3A_25 = arith.constant 1.000000e+00 : f32
    %broadcast_in_dim3A_26 = vector.broadcast %broadcast_in_dim3A_25 : f32 to vector<16xf32>
    %swap3A_27 = arith.constant 64 : index
    %swap3A_28 = tpu.vector_load %arg6[%swap3A_27] {strides = array<i32>} : memref<80xf32, #tpu.memory_space<vmem>>, vector<16xf32>,
    %swap3A_29 = vector.shape_cast %swap3A_28 : vector<16xf32> to vector<16xf32>
    %swap3A_30 = vector.shape_cast %broadcast_in_dim3A_26 : vector<16xf32> to vector<16xf32>
    tpu.vector_store %arg6[%swap3A_27], %swap3A_30 {strides = array<i32>} : memref<80xf32, #tpu.memory_space<vmem>>, vector<16xf32>,
    %barrier3A = arith.constant 0 : index
    tpu.barrier barrier_id(%barrier3A)
    %scan3A = arith.constant 0 : i32
    %scan3A_31 = arith.constant 0 : i32
    %scan3A_32 = arith.constant 125 : i32
    %scan3A_33 = arith.addi %scan3A_31, %scan3A_32 : i32
    %scan3A_34 = arith.constant 1 : i32
    scf.for %scan3A_41 = %scan3A_31 to %scan3A_33 step %scan3A_34  : i32 {
      "tpu.region"() ({
        %run_scoped3A_42 = tpu.sem_alloc : memref<!tpu.dma_semaphore, #tpu.memory_space<semaphore_mem>>
        %dma_start3A = arith.constant 0 : i32
        %dma_start3A_43 = tpu.memref_slice %arg5[%scan3A_41, %dma_start3A] : memref<125x80xi32, #tpu.memory_space<vmem>> -> memref<1x80xi32, #tpu.memory_space<vmem>>
        %dma_start3A_44 = tpu.memref_squeeze %dma_start3A_43 : memref<1x80xi32, #tpu.memory_space<vmem>> -> memref<80xi32, #tpu.memory_space<vmem>>
        %dma_start3A_45 = arith.constant 0 : i32
        %dma_start3A_46 = tpu.memref_slice %arg7[%dma_start3A_45] : memref<10240xf32, #tpu.memory_space<vmem_shared>> -> memref<10240xf32, #tpu.memory_space<vmem_shared>>
        tpu.enqueue_indirect_dma source(%arg6 : memref<80xf32, #tpu.memory_space<vmem>>) target(%dma_start3A_46 : memref<10240xf32, #tpu.memory_space<vmem_shared>>) offsets(%dma_start3A_44 : memref<80xi32, #tpu.memory_space<vmem>>) semaphore(%run_scoped3A_42 : memref<!tpu.dma_semaphore, #tpu.memory_space<semaphore_mem>>) {add = true}
        %dma_wait3A = arith.constant 0 : i32
        %dma_wait3A_47 = tpu.memref_slice %arg5[%scan3A_41, %dma_wait3A] : memref<125x80xi32, #tpu.memory_space<vmem>> -> memref<1x80xi32, #tpu.memory_space<vmem>>
        %dma_wait3A_48 = tpu.memref_squeeze %dma_wait3A_47 : memref<1x80xi32, #tpu.memory_space<vmem>> -> memref<80xi32, #tpu.memory_space<vmem>>
        %dma_wait3A_49 = arith.constant 0 : i32
        %dma_wait3A_50 = tpu.memref_slice %arg7[%dma_wait3A_49] : memref<10240xf32, #tpu.memory_space<vmem_shared>> -> memref<10240xf32, #tpu.memory_space<vmem_shared>>
        tpu.wait_indirect_dma semaphore(%run_scoped3A_42 : memref<!tpu.dma_semaphore, #tpu.memory_space<semaphore_mem>>) src(%arg6 : memref<80xf32, #tpu.memory_space<vmem>>) dst(%dma_wait3A_50 : memref<10240xf32, #tpu.memory_space<vmem_shared>>)
        tpu.yield
      }) : () -> ()
    }
    %scan3A_35 = arith.constant 125 : i32
    %barrier3A_36 = arith.constant 0 : index
    tpu.barrier barrier_id(%barrier3A_36)
    %mul3A_37 = arith.constant 640 : i32
    %mul3A_38 = arith.muli %arg1, %mul3A_37 : i32
    %mul3A_39 = arith.constant 640 : i32
    %mul3A_40 = arith.muli %arg1, %mul3A_39 : i32
    %run_scoped3A = arith.constant 0 : i32
    "tpu.region"() ({
      %run_scoped3A_41 = tpu.sem_alloc : memref<!tpu.dma_semaphore, #tpu.memory_space<semaphore_mem>>
      %dma_start3A = tpu.memref_slice %arg4[%arg0, %run_scoped3A, %mul3A_40] : memref<2x1x10240xf32, #tpu.memory_space<hbm>> -> memref<1x1x640xf32, #tpu.memory_space<hbm>>
      %dma_start3A_42 = tpu.memref_squeeze %dma_start3A : memref<1x1x640xf32, #tpu.memory_space<hbm>> -> memref<640xf32, #tpu.memory_space<hbm>>
      %dma_start3A_43 = tpu.memref_slice %arg7[%mul3A_38] : memref<10240xf32, #tpu.memory_space<vmem_shared>> -> memref<640xf32, #tpu.memory_space<vmem_shared>>
      tpu.enqueue_dma source(%dma_start3A_43 : memref<640xf32, #tpu.memory_space<vmem_shared>>) target(%dma_start3A_42 : memref<640xf32, #tpu.memory_space<hbm>>) target_semaphore(%run_scoped3A_41 : memref<!tpu.dma_semaphore, #tpu.memory_space<semaphore_mem>>)
      %dma_wait3A = tpu.memref_slice %arg4[%arg0, %run_scoped3A, %mul3A_40] : memref<2x1x10240xf32, #tpu.memory_space<hbm>> -> memref<1x1x640xf32, #tpu.memory_space<hbm>>
      %dma_wait3A_44 = tpu.memref_squeeze %dma_wait3A : memref<1x1x640xf32, #tpu.memory_space<hbm>> -> memref<640xf32, #tpu.memory_space<hbm>>
      %dma_wait3A_45 = tpu.memref_slice %arg7[%mul3A_38] : memref<10240xf32, #tpu.memory_space<vmem_shared>> -> memref<640xf32, #tpu.memory_space<vmem_shared>>
      tpu.wait_dma2 semaphore(%run_scoped3A_41 : memref<!tpu.dma_semaphore, #tpu.memory_space<semaphore_mem>>) src(%dma_wait3A_45 : memref<640xf32, #tpu.memory_space<vmem_shared>>) dst(%dma_wait3A_44 : memref<640xf32, #tpu.memory_space<hbm>>)
      tpu.yield
    }) : () -> ()
    return
  }
}

#map = affine_map<(d0, d1) -> (0, 0)>
#map1 = affine_map<(d0, d1) -> (0, 0, 0, 0)>
#map2 = affine_map<(d0, d1) -> (0, 0, 0)>
module attributes {stable_mosaic.version = 14 : i64} {
  func.func @_spmm_body(%arg0: i32, %arg1: i32, %arg2: memref<10000x128xf32, #tpu.memory_space<hbm>>, %arg3: memref<32x5x16x125xi32, #tpu.memory_space<hbm>>, %arg4: memref<32x5x16x125xi32, #tpu.memory_space<hbm>>, %arg5: memref<640x128xf32, #tpu.memory_space<hbm>>, %arg6: memref<2x10240x128xf32, #tpu.memory_space<hbm>>, %arg7: memref<16x125xi32, #tpu.memory_space<vmem>>, %arg8: memref<16x125xi32, #tpu.memory_space<vmem>>, %arg9: memref<125x128xf32, #tpu.memory_space<vmem>>, %arg10: memref<125x128xf32, #tpu.memory_space<vmem>>, %arg11: memref<10240x128xf32, #tpu.memory_space<vmem_shared>>, %arg12: memref<!tpu.dma_semaphore, #tpu.memory_space<semaphore_mem>>, %arg13: memref<!tpu.dma_semaphore, #tpu.memory_space<semaphore_mem>>) attributes {dimension_semantics = [#tpu.dimension_semantics<core_parallel>, #tpu.dimension_semantics<subcore_parallel>], iteration_bounds = array<i64: 2, 16>, scalar_prefetch = 0 : i64, scratch_operands = 7 : i64, tpu.core_type = #tpu.core_type<sc_vector_subcore>, window_params = [{transform_indices = #map}, {transform_indices = #map1}, {transform_indices = #map1}, {transform_indices = #map}, {transform_indices = #map2}]} {
    %mul3A = arith.constant 2 : i32
    %mul3A_0 = arith.muli %arg1, %mul3A : i32
    %add3A = arith.addi %mul3A_0, %arg0 : i32
    %mul3A_1 = arith.constant 640 : i32
    %mul3A_2 = arith.muli %arg1, %mul3A_1 : i32
    "tpu.region"() ({
      %run_scoped3A_80 = tpu.sem_alloc : memref<!tpu.dma_semaphore, #tpu.memory_space<semaphore_mem>>
      %dma_start3A_81 = arith.constant 0 : i32
      %dma_start3A_82 = tpu.memref_slice %arg11[%mul3A_2, %dma_start3A_81] : memref<10240x128xf32, #tpu.memory_space<vmem_shared>> -> memref<640x128xf32, #tpu.memory_space<vmem_shared>>
      tpu.enqueue_dma source(%arg5 : memref<640x128xf32, #tpu.memory_space<hbm>>) target(%dma_start3A_82 : memref<640x128xf32, #tpu.memory_space<vmem_shared>>) target_semaphore(%run_scoped3A_80 : memref<!tpu.dma_semaphore, #tpu.memory_space<semaphore_mem>>)
      %dma_wait3A = arith.constant 0 : i32
      %dma_wait3A_83 = tpu.memref_slice %arg11[%mul3A_2, %dma_wait3A] : memref<10240x128xf32, #tpu.memory_space<vmem_shared>> -> memref<640x128xf32, #tpu.memory_space<vmem_shared>>
      tpu.wait_dma2 semaphore(%run_scoped3A_80 : memref<!tpu.dma_semaphore, #tpu.memory_space<semaphore_mem>>) src(%arg5 : memref<640x128xf32, #tpu.memory_space<hbm>>) dst(%dma_wait3A_83 : memref<640x128xf32, #tpu.memory_space<vmem_shared>>)
      tpu.yield
    }) : () -> ()
    %barrier3A = arith.constant 0 : index
    tpu.barrier barrier_id(%barrier3A)
    %run_scoped3A = arith.constant 0 : i32
    "tpu.region"() ({
      %run_scoped3A_80 = tpu.sem_alloc : memref<!tpu.dma_semaphore, #tpu.memory_space<semaphore_mem>>
      %dma_start3A_81 = arith.constant 0 : i32
      %dma_start3A_82 = arith.constant 0 : i32
      %dma_start3A_83 = tpu.memref_slice %arg3[%add3A, %run_scoped3A, %dma_start3A_81, %dma_start3A_82] : memref<32x5x16x125xi32, #tpu.memory_space<hbm>> -> memref<1x1x16x125xi32, #tpu.memory_space<hbm>>
      %dma_start3A_84 = tpu.memref_squeeze %dma_start3A_83 : memref<1x1x16x125xi32, #tpu.memory_space<hbm>> -> memref<16x125xi32, #tpu.memory_space<hbm>>
      %dma_start3A_85 = arith.constant 0 : i32
      %dma_start3A_86 = arith.constant 0 : i32
      %dma_start3A_87 = tpu.memref_slice %arg3[%add3A, %run_scoped3A, %dma_start3A_85, %dma_start3A_86] : memref<32x5x16x125xi32, #tpu.memory_space<hbm>> -> memref<1x1x16x125xi32, #tpu.memory_space<hbm>>
      %dma_start3A_88 = tpu.memref_squeeze %dma_start3A_87 : memref<1x1x16x125xi32, #tpu.memory_space<hbm>> -> memref<16x125xi32, #tpu.memory_space<hbm>>
      tpu.enqueue_dma source(%dma_start3A_88 : memref<16x125xi32, #tpu.memory_space<hbm>>) target(%arg7 : memref<16x125xi32, #tpu.memory_space<vmem>>) target_semaphore(%run_scoped3A_80 : memref<!tpu.dma_semaphore, #tpu.memory_space<semaphore_mem>>)
      %dma_wait3A = arith.constant 0 : i32
      %dma_wait3A_89 = arith.constant 0 : i32
      %dma_wait3A_90 = tpu.memref_slice %arg3[%add3A, %run_scoped3A, %dma_wait3A, %dma_wait3A_89] : memref<32x5x16x125xi32, #tpu.memory_space<hbm>> -> memref<1x1x16x125xi32, #tpu.memory_space<hbm>>
      %dma_wait3A_91 = tpu.memref_squeeze %dma_wait3A_90 : memref<1x1x16x125xi32, #tpu.memory_space<hbm>> -> memref<16x125xi32, #tpu.memory_space<hbm>>
      %dma_wait3A_92 = arith.constant 0 : i32
      %dma_wait3A_93 = arith.constant 0 : i32
      %dma_wait3A_94 = tpu.memref_slice %arg3[%add3A, %run_scoped3A, %dma_wait3A_92, %dma_wait3A_93] : memref<32x5x16x125xi32, #tpu.memory_space<hbm>> -> memref<1x1x16x125xi32, #tpu.memory_space<hbm>>
      %dma_wait3A_95 = tpu.memref_squeeze %dma_wait3A_94 : memref<1x1x16x125xi32, #tpu.memory_space<hbm>> -> memref<16x125xi32, #tpu.memory_space<hbm>>
      tpu.wait_dma2 semaphore(%run_scoped3A_80 : memref<!tpu.dma_semaphore, #tpu.memory_space<semaphore_mem>>) src(%dma_wait3A_95 : memref<16x125xi32, #tpu.memory_space<hbm>>) dst(%arg7 : memref<16x125xi32, #tpu.memory_space<vmem>>)
      tpu.yield
    }) : () -> ()
    %run_scoped3A_3 = arith.constant 0 : i32
    "tpu.region"() ({
      %run_scoped3A_80 = tpu.sem_alloc : memref<!tpu.dma_semaphore, #tpu.memory_space<semaphore_mem>>
      %dma_start3A_81 = arith.constant 0 : i32
      %dma_start3A_82 = arith.constant 0 : i32
      %dma_start3A_83 = tpu.memref_slice %arg4[%add3A, %run_scoped3A_3, %dma_start3A_81, %dma_start3A_82] : memref<32x5x16x125xi32, #tpu.memory_space<hbm>> -> memref<1x1x16x125xi32, #tpu.memory_space<hbm>>
      %dma_start3A_84 = tpu.memref_squeeze %dma_start3A_83 : memref<1x1x16x125xi32, #tpu.memory_space<hbm>> -> memref<16x125xi32, #tpu.memory_space<hbm>>
      %dma_start3A_85 = arith.constant 0 : i32
      %dma_start3A_86 = arith.constant 0 : i32
      %dma_start3A_87 = tpu.memref_slice %arg4[%add3A, %run_scoped3A_3, %dma_start3A_85, %dma_start3A_86] : memref<32x5x16x125xi32, #tpu.memory_space<hbm>> -> memref<1x1x16x125xi32, #tpu.memory_space<hbm>>
      %dma_start3A_88 = tpu.memref_squeeze %dma_start3A_87 : memref<1x1x16x125xi32, #tpu.memory_space<hbm>> -> memref<16x125xi32, #tpu.memory_space<hbm>>
      tpu.enqueue_dma source(%dma_start3A_88 : memref<16x125xi32, #tpu.memory_space<hbm>>) target(%arg8 : memref<16x125xi32, #tpu.memory_space<vmem>>) target_semaphore(%run_scoped3A_80 : memref<!tpu.dma_semaphore, #tpu.memory_space<semaphore_mem>>)
      %dma_wait3A = arith.constant 0 : i32
      %dma_wait3A_89 = arith.constant 0 : i32
      %dma_wait3A_90 = tpu.memref_slice %arg4[%add3A, %run_scoped3A_3, %dma_wait3A, %dma_wait3A_89] : memref<32x5x16x125xi32, #tpu.memory_space<hbm>> -> memref<1x1x16x125xi32, #tpu.memory_space<hbm>>
      %dma_wait3A_91 = tpu.memref_squeeze %dma_wait3A_90 : memref<1x1x16x125xi32, #tpu.memory_space<hbm>> -> memref<16x125xi32, #tpu.memory_space<hbm>>
      %dma_wait3A_92 = arith.constant 0 : i32
      %dma_wait3A_93 = arith.constant 0 : i32
      %dma_wait3A_94 = tpu.memref_slice %arg4[%add3A, %run_scoped3A_3, %dma_wait3A_92, %dma_wait3A_93] : memref<32x5x16x125xi32, #tpu.memory_space<hbm>> -> memref<1x1x16x125xi32, #tpu.memory_space<hbm>>
      %dma_wait3A_95 = tpu.memref_squeeze %dma_wait3A_94 : memref<1x1x16x125xi32, #tpu.memory_space<hbm>> -> memref<16x125xi32, #tpu.memory_space<hbm>>
      tpu.wait_dma2 semaphore(%run_scoped3A_80 : memref<!tpu.dma_semaphore, #tpu.memory_space<semaphore_mem>>) src(%dma_wait3A_95 : memref<16x125xi32, #tpu.memory_space<hbm>>) dst(%arg8 : memref<16x125xi32, #tpu.memory_space<vmem>>)
      tpu.yield
    }) : () -> ()
    %dma_start3A = arith.constant 0 : i32
    %dma_start3A_4 = arith.constant 0 : i32
    %dma_start3A_5 = tpu.memref_slice %arg7[%dma_start3A, %dma_start3A_4] : memref<16x125xi32, #tpu.memory_space<vmem>> -> memref<1x125xi32, #tpu.memory_space<vmem>>
    %dma_start3A_6 = tpu.memref_squeeze %dma_start3A_5 : memref<1x125xi32, #tpu.memory_space<vmem>> -> memref<125xi32, #tpu.memory_space<vmem>>
    %dma_start3A_7 = arith.constant 0 : i32
    %dma_start3A_8 = arith.constant 0 : i32
    %dma_start3A_9 = tpu.memref_slice %arg2[%dma_start3A_7, %dma_start3A_8] : memref<10000x128xf32, #tpu.memory_space<hbm>> -> memref<10000x128xf32, #tpu.memory_space<hbm>>
    tpu.enqueue_indirect_dma source(%dma_start3A_9 : memref<10000x128xf32, #tpu.memory_space<hbm>>) target(%arg9 : memref<125x128xf32, #tpu.memory_space<vmem>>) offsets(%dma_start3A_6 : memref<125xi32, #tpu.memory_space<vmem>>) semaphore(%arg12 : memref<!tpu.dma_semaphore, #tpu.memory_space<semaphore_mem>>)
    %scan3A = arith.constant 0 : i32
    %scan3A_10 = arith.constant 0 : i32
    %scan3A_11 = arith.constant 8 : i32
    %scan3A_12 = arith.addi %scan3A_10, %scan3A_11 : i32
    %scan3A_13 = arith.constant 1 : i32
    scf.for %scan3A_80 = %scan3A_10 to %scan3A_12 step %scan3A_13  : i32 {
      %mul3A_81 = arith.constant 2 : i32
      %mul3A_82 = arith.muli %scan3A_80, %mul3A_81 : i32
      %add3A_83 = arith.constant 0 : i32
      %add3A_84 = arith.addi %mul3A_82, %add3A_83 : i32
      %add3A_85 = arith.constant 1 : i32
      %add3A_86 = arith.addi %add3A_84, %add3A_85 : i32
      %lt3A = arith.constant 16 : i32
      %lt3A_87 = arith.cmpi slt, %add3A_86, %lt3A : i32
      %convert_element_type3A = arith.extui %lt3A_87 : i1 to i32
      %cond3A = arith.constant 0 : i32
      %cond3A_88 = arith.cmpi ne, %convert_element_type3A, %cond3A : i32
      scf.if %cond3A_88 {
        %dma_start3A_111 = arith.constant 0 : i32
        %dma_start3A_112 = tpu.memref_slice %arg7[%add3A_86, %dma_start3A_111] : memref<16x125xi32, #tpu.memory_space<vmem>> -> memref<1x125xi32, #tpu.memory_space<vmem>>
        %dma_start3A_113 = tpu.memref_squeeze %dma_start3A_112 : memref<1x125xi32, #tpu.memory_space<vmem>> -> memref<125xi32, #tpu.memory_space<vmem>>
        %dma_start3A_114 = arith.constant 0 : i32
        %dma_start3A_115 = arith.constant 0 : i32
        %dma_start3A_116 = tpu.memref_slice %arg2[%dma_start3A_114, %dma_start3A_115] : memref<10000x128xf32, #tpu.memory_space<hbm>> -> memref<10000x128xf32, #tpu.memory_space<hbm>>
        tpu.enqueue_indirect_dma source(%dma_start3A_116 : memref<10000x128xf32, #tpu.memory_space<hbm>>) target(%arg10 : memref<125x128xf32, #tpu.memory_space<vmem>>) offsets(%dma_start3A_113 : memref<125xi32, #tpu.memory_space<vmem>>) semaphore(%arg13 : memref<!tpu.dma_semaphore, #tpu.memory_space<semaphore_mem>>)
      } else {
      }
      %dma_wait3A = arith.constant 0 : i32
      %dma_wait3A_89 = tpu.memref_slice %arg7[%add3A_84, %dma_wait3A] : memref<16x125xi32, #tpu.memory_space<vmem>> -> memref<1x125xi32, #tpu.memory_space<vmem>>
      %dma_wait3A_90 = tpu.memref_squeeze %dma_wait3A_89 : memref<1x125xi32, #tpu.memory_space<vmem>> -> memref<125xi32, #tpu.memory_space<vmem>>
      %dma_wait3A_91 = arith.constant 0 : i32
      %dma_wait3A_92 = arith.constant 0 : i32
      %dma_wait3A_93 = tpu.memref_slice %arg2[%dma_wait3A_91, %dma_wait3A_92] : memref<10000x128xf32, #tpu.memory_space<hbm>> -> memref<10000x128xf32, #tpu.memory_space<hbm>>
      tpu.wait_indirect_dma semaphore(%arg12 : memref<!tpu.dma_semaphore, #tpu.memory_space<semaphore_mem>>) src(%dma_wait3A_93 : memref<10000x128xf32, #tpu.memory_space<hbm>>) dst(%arg9 : memref<125x128xf32, #tpu.memory_space<vmem>>)
      "tpu.region"() ({
        %run_scoped3A_111 = tpu.sem_alloc : memref<!tpu.dma_semaphore, #tpu.memory_space<semaphore_mem>>
        %dma_start3A_112 = arith.constant 0 : i32
        %dma_start3A_113 = tpu.memref_slice %arg8[%add3A_84, %dma_start3A_112] : memref<16x125xi32, #tpu.memory_space<vmem>> -> memref<1x125xi32, #tpu.memory_space<vmem>>
        %dma_start3A_114 = tpu.memref_squeeze %dma_start3A_113 : memref<1x125xi32, #tpu.memory_space<vmem>> -> memref<125xi32, #tpu.memory_space<vmem>>
        %dma_start3A_115 = arith.constant 0 : i32
        %dma_start3A_116 = arith.constant 0 : i32
        %dma_start3A_117 = tpu.memref_slice %arg11[%dma_start3A_115, %dma_start3A_116] : memref<10240x128xf32, #tpu.memory_space<vmem_shared>> -> memref<10240x128xf32, #tpu.memory_space<vmem_shared>>
        tpu.enqueue_indirect_dma source(%arg9 : memref<125x128xf32, #tpu.memory_space<vmem>>) target(%dma_start3A_117 : memref<10240x128xf32, #tpu.memory_space<vmem_shared>>) offsets(%dma_start3A_114 : memref<125xi32, #tpu.memory_space<vmem>>) semaphore(%run_scoped3A_111 : memref<!tpu.dma_semaphore, #tpu.memory_space<semaphore_mem>>) {add = true}
        %dma_wait3A_118 = arith.constant 0 : i32
        %dma_wait3A_119 = tpu.memref_slice %arg8[%add3A_84, %dma_wait3A_118] : memref<16x125xi32, #tpu.memory_space<vmem>> -> memref<1x125xi32, #tpu.memory_space<vmem>>
        %dma_wait3A_120 = tpu.memref_squeeze %dma_wait3A_119 : memref<1x125xi32, #tpu.memory_space<vmem>> -> memref<125xi32, #tpu.memory_space<vmem>>
        %dma_wait3A_121 = arith.constant 0 : i32
        %dma_wait3A_122 = arith.constant 0 : i32
        %dma_wait3A_123 = tpu.memref_slice %arg11[%dma_wait3A_121, %dma_wait3A_122] : memref<10240x128xf32, #tpu.memory_space<vmem_shared>> -> memref<10240x128xf32, #tpu.memory_space<vmem_shared>>
        tpu.wait_indirect_dma semaphore(%run_scoped3A_111 : memref<!tpu.dma_semaphore, #tpu.memory_space<semaphore_mem>>) src(%arg9 : memref<125x128xf32, #tpu.memory_space<vmem>>) dst(%dma_wait3A_123 : memref<10240x128xf32, #tpu.memory_space<vmem_shared>>)
        tpu.yield
      }) : () -> ()
      %mul3A_94 = arith.constant 2 : i32
      %mul3A_95 = arith.muli %scan3A_80, %mul3A_94 : i32
      %add3A_96 = arith.constant 1 : i32
      %add3A_97 = arith.addi %mul3A_95, %add3A_96 : i32
      %add3A_98 = arith.constant 1 : i32
      %add3A_99 = arith.addi %add3A_97, %add3A_98 : i32
      %lt3A_100 = arith.constant 16 : i32
      %lt3A_101 = arith.cmpi slt, %add3A_99, %lt3A_100 : i32
      %convert_element_type3A_102 = arith.extui %lt3A_101 : i1 to i32
      %cond3A_103 = arith.constant 0 : i32
      %cond3A_104 = arith.cmpi ne, %convert_element_type3A_102, %cond3A_103 : i32
      scf.if %cond3A_104 {
        %dma_start3A_111 = arith.constant 0 : i32
        %dma_start3A_112 = tpu.memref_slice %arg7[%add3A_99, %dma_start3A_111] : memref<16x125xi32, #tpu.memory_space<vmem>> -> memref<1x125xi32, #tpu.memory_space<vmem>>
        %dma_start3A_113 = tpu.memref_squeeze %dma_start3A_112 : memref<1x125xi32, #tpu.memory_space<vmem>> -> memref<125xi32, #tpu.memory_space<vmem>>
        %dma_start3A_114 = arith.constant 0 : i32
        %dma_start3A_115 = arith.constant 0 : i32
        %dma_start3A_116 = tpu.memref_slice %arg2[%dma_start3A_114, %dma_start3A_115] : memref<10000x128xf32, #tpu.memory_space<hbm>> -> memref<10000x128xf32, #tpu.memory_space<hbm>>
        tpu.enqueue_indirect_dma source(%dma_start3A_116 : memref<10000x128xf32, #tpu.memory_space<hbm>>) target(%arg9 : memref<125x128xf32, #tpu.memory_space<vmem>>) offsets(%dma_start3A_113 : memref<125xi32, #tpu.memory_space<vmem>>) semaphore(%arg12 : memref<!tpu.dma_semaphore, #tpu.memory_space<semaphore_mem>>)
      } else {
      }
      %dma_wait3A_105 = arith.constant 0 : i32
      %dma_wait3A_106 = tpu.memref_slice %arg7[%add3A_97, %dma_wait3A_105] : memref<16x125xi32, #tpu.memory_space<vmem>> -> memref<1x125xi32, #tpu.memory_space<vmem>>
      %dma_wait3A_107 = tpu.memref_squeeze %dma_wait3A_106 : memref<1x125xi32, #tpu.memory_space<vmem>> -> memref<125xi32, #tpu.memory_space<vmem>>
      %dma_wait3A_108 = arith.constant 0 : i32
      %dma_wait3A_109 = arith.constant 0 : i32
      %dma_wait3A_110 = tpu.memref_slice %arg2[%dma_wait3A_108, %dma_wait3A_109] : memref<10000x128xf32, #tpu.memory_space<hbm>> -> memref<10000x128xf32, #tpu.memory_space<hbm>>
      tpu.wait_indirect_dma semaphore(%arg13 : memref<!tpu.dma_semaphore, #tpu.memory_space<semaphore_mem>>) src(%dma_wait3A_110 : memref<10000x128xf32, #tpu.memory_space<hbm>>) dst(%arg10 : memref<125x128xf32, #tpu.memory_space<vmem>>)
      "tpu.region"() ({
        %run_scoped3A_111 = tpu.sem_alloc : memref<!tpu.dma_semaphore, #tpu.memory_space<semaphore_mem>>
        %dma_start3A_112 = arith.constant 0 : i32
        %dma_start3A_113 = tpu.memref_slice %arg8[%add3A_97, %dma_start3A_112] : memref<16x125xi32, #tpu.memory_space<vmem>> -> memref<1x125xi32, #tpu.memory_space<vmem>>
        %dma_start3A_114 = tpu.memref_squeeze %dma_start3A_113 : memref<1x125xi32, #tpu.memory_space<vmem>> -> memref<125xi32, #tpu.memory_space<vmem>>
        %dma_start3A_115 = arith.constant 0 : i32
        %dma_start3A_116 = arith.constant 0 : i32
        %dma_start3A_117 = tpu.memref_slice %arg11[%dma_start3A_115, %dma_start3A_116] : memref<10240x128xf32, #tpu.memory_space<vmem_shared>> -> memref<10240x128xf32, #tpu.memory_space<vmem_shared>>
        tpu.enqueue_indirect_dma source(%arg10 : memref<125x128xf32, #tpu.memory_space<vmem>>) target(%dma_start3A_117 : memref<10240x128xf32, #tpu.memory_space<vmem_shared>>) offsets(%dma_start3A_114 : memref<125xi32, #tpu.memory_space<vmem>>) semaphore(%run_scoped3A_111 : memref<!tpu.dma_semaphore, #tpu.memory_space<semaphore_mem>>) {add = true}
        %dma_wait3A_118 = arith.constant 0 : i32
        %dma_wait3A_119 = tpu.memref_slice %arg8[%add3A_97, %dma_wait3A_118] : memref<16x125xi32, #tpu.memory_space<vmem>> -> memref<1x125xi32, #tpu.memory_space<vmem>>
        %dma_wait3A_120 = tpu.memref_squeeze %dma_wait3A_119 : memref<1x125xi32, #tpu.memory_space<vmem>> -> memref<125xi32, #tpu.memory_space<vmem>>
        %dma_wait3A_121 = arith.constant 0 : i32
        %dma_wait3A_122 = arith.constant 0 : i32
        %dma_wait3A_123 = tpu.memref_slice %arg11[%dma_wait3A_121, %dma_wait3A_122] : memref<10240x128xf32, #tpu.memory_space<vmem_shared>> -> memref<10240x128xf32, #tpu.memory_space<vmem_shared>>
        tpu.wait_indirect_dma semaphore(%run_scoped3A_111 : memref<!tpu.dma_semaphore, #tpu.memory_space<semaphore_mem>>) src(%arg10 : memref<125x128xf32, #tpu.memory_space<vmem>>) dst(%dma_wait3A_123 : memref<10240x128xf32, #tpu.memory_space<vmem_shared>>)
        tpu.yield
      }) : () -> ()
    }
    %scan3A_14 = arith.constant 8 : i32
    %run_scoped3A_15 = arith.constant 1 : i32
    "tpu.region"() ({
      %run_scoped3A_80 = tpu.sem_alloc : memref<!tpu.dma_semaphore, #tpu.memory_space<semaphore_mem>>
      %dma_start3A_81 = arith.constant 0 : i32
      %dma_start3A_82 = arith.constant 0 : i32
      %dma_start3A_83 = tpu.memref_slice %arg3[%add3A, %run_scoped3A_15, %dma_start3A_81, %dma_start3A_82] : memref<32x5x16x125xi32, #tpu.memory_space<hbm>> -> memref<1x1x16x125xi32, #tpu.memory_space<hbm>>
      %dma_start3A_84 = tpu.memref_squeeze %dma_start3A_83 : memref<1x1x16x125xi32, #tpu.memory_space<hbm>> -> memref<16x125xi32, #tpu.memory_space<hbm>>
      %dma_start3A_85 = arith.constant 0 : i32
      %dma_start3A_86 = arith.constant 0 : i32
      %dma_start3A_87 = tpu.memref_slice %arg3[%add3A, %run_scoped3A_15, %dma_start3A_85, %dma_start3A_86] : memref<32x5x16x125xi32, #tpu.memory_space<hbm>> -> memref<1x1x16x125xi32, #tpu.memory_space<hbm>>
      %dma_start3A_88 = tpu.memref_squeeze %dma_start3A_87 : memref<1x1x16x125xi32, #tpu.memory_space<hbm>> -> memref<16x125xi32, #tpu.memory_space<hbm>>
      tpu.enqueue_dma source(%dma_start3A_88 : memref<16x125xi32, #tpu.memory_space<hbm>>) target(%arg7 : memref<16x125xi32, #tpu.memory_space<vmem>>) target_semaphore(%run_scoped3A_80 : memref<!tpu.dma_semaphore, #tpu.memory_space<semaphore_mem>>)
      %dma_wait3A = arith.constant 0 : i32
      %dma_wait3A_89 = arith.constant 0 : i32
      %dma_wait3A_90 = tpu.memref_slice %arg3[%add3A, %run_scoped3A_15, %dma_wait3A, %dma_wait3A_89] : memref<32x5x16x125xi32, #tpu.memory_space<hbm>> -> memref<1x1x16x125xi32, #tpu.memory_space<hbm>>
      %dma_wait3A_91 = tpu.memref_squeeze %dma_wait3A_90 : memref<1x1x16x125xi32, #tpu.memory_space<hbm>> -> memref<16x125xi32, #tpu.memory_space<hbm>>
      %dma_wait3A_92 = arith.constant 0 : i32
      %dma_wait3A_93 = arith.constant 0 : i32
      %dma_wait3A_94 = tpu.memref_slice %arg3[%add3A, %run_scoped3A_15, %dma_wait3A_92, %dma_wait3A_93] : memref<32x5x16x125xi32, #tpu.memory_space<hbm>> -> memref<1x1x16x125xi32, #tpu.memory_space<hbm>>
      %dma_wait3A_95 = tpu.memref_squeeze %dma_wait3A_94 : memref<1x1x16x125xi32, #tpu.memory_space<hbm>> -> memref<16x125xi32, #tpu.memory_space<hbm>>
      tpu.wait_dma2 semaphore(%run_scoped3A_80 : memref<!tpu.dma_semaphore, #tpu.memory_space<semaphore_mem>>) src(%dma_wait3A_95 : memref<16x125xi32, #tpu.memory_space<hbm>>) dst(%arg7 : memref<16x125xi32, #tpu.memory_space<vmem>>)
      tpu.yield
    }) : () -> ()
    %run_scoped3A_16 = arith.constant 1 : i32
    "tpu.region"() ({
      %run_scoped3A_80 = tpu.sem_alloc : memref<!tpu.dma_semaphore, #tpu.memory_space<semaphore_mem>>
      %dma_start3A_81 = arith.constant 0 : i32
      %dma_start3A_82 = arith.constant 0 : i32
      %dma_start3A_83 = tpu.memref_slice %arg4[%add3A, %run_scoped3A_16, %dma_start3A_81, %dma_start3A_82] : memref<32x5x16x125xi32, #tpu.memory_space<hbm>> -> memref<1x1x16x125xi32, #tpu.memory_space<hbm>>
      %dma_start3A_84 = tpu.memref_squeeze %dma_start3A_83 : memref<1x1x16x125xi32, #tpu.memory_space<hbm>> -> memref<16x125xi32, #tpu.memory_space<hbm>>
      %dma_start3A_85 = arith.constant 0 : i32
      %dma_start3A_86 = arith.constant 0 : i32
      %dma_start3A_87 = tpu.memref_slice %arg4[%add3A, %run_scoped3A_16, %dma_start3A_85, %dma_start3A_86] : memref<32x5x16x125xi32, #tpu.memory_space<hbm>> -> memref<1x1x16x125xi32, #tpu.memory_space<hbm>>
      %dma_start3A_88 = tpu.memref_squeeze %dma_start3A_87 : memref<1x1x16x125xi32, #tpu.memory_space<hbm>> -> memref<16x125xi32, #tpu.memory_space<hbm>>
      tpu.enqueue_dma source(%dma_start3A_88 : memref<16x125xi32, #tpu.memory_space<hbm>>) target(%arg8 : memref<16x125xi32, #tpu.memory_space<vmem>>) target_semaphore(%run_scoped3A_80 : memref<!tpu.dma_semaphore, #tpu.memory_space<semaphore_mem>>)
      %dma_wait3A = arith.constant 0 : i32
      %dma_wait3A_89 = arith.constant 0 : i32
      %dma_wait3A_90 = tpu.memref_slice %arg4[%add3A, %run_scoped3A_16, %dma_wait3A, %dma_wait3A_89] : memref<32x5x16x125xi32, #tpu.memory_space<hbm>> -> memref<1x1x16x125xi32, #tpu.memory_space<hbm>>
      %dma_wait3A_91 = tpu.memref_squeeze %dma_wait3A_90 : memref<1x1x16x125xi32, #tpu.memory_space<hbm>> -> memref<16x125xi32, #tpu.memory_space<hbm>>
      %dma_wait3A_92 = arith.constant 0 : i32
      %dma_wait3A_93 = arith.constant 0 : i32
      %dma_wait3A_94 = tpu.memref_slice %arg4[%add3A, %run_scoped3A_16, %dma_wait3A_92, %dma_wait3A_93] : memref<32x5x16x125xi32, #tpu.memory_space<hbm>> -> memref<1x1x16x125xi32, #tpu.memory_space<hbm>>
      %dma_wait3A_95 = tpu.memref_squeeze %dma_wait3A_94 : memref<1x1x16x125xi32, #tpu.memory_space<hbm>> -> memref<16x125xi32, #tpu.memory_space<hbm>>
      tpu.wait_dma2 semaphore(%run_scoped3A_80 : memref<!tpu.dma_semaphore, #tpu.memory_space<semaphore_mem>>) src(%dma_wait3A_95 : memref<16x125xi32, #tpu.memory_space<hbm>>) dst(%arg8 : memref<16x125xi32, #tpu.memory_space<vmem>>)
      tpu.yield
    }) : () -> ()
    %dma_start3A_17 = arith.constant 0 : i32
    %dma_start3A_18 = arith.constant 0 : i32
    %dma_start3A_19 = tpu.memref_slice %arg7[%dma_start3A_17, %dma_start3A_18] : memref<16x125xi32, #tpu.memory_space<vmem>> -> memref<1x125xi32, #tpu.memory_space<vmem>>
    %dma_start3A_20 = tpu.memref_squeeze %dma_start3A_19 : memref<1x125xi32, #tpu.memory_space<vmem>> -> memref<125xi32, #tpu.memory_space<vmem>>
    %dma_start3A_21 = arith.constant 0 : i32
    %dma_start3A_22 = arith.constant 0 : i32
    %dma_start3A_23 = tpu.memref_slice %arg2[%dma_start3A_21, %dma_start3A_22] : memref<10000x128xf32, #tpu.memory_space<hbm>> -> memref<10000x128xf32, #tpu.memory_space<hbm>>
    tpu.enqueue_indirect_dma source(%dma_start3A_23 : memref<10000x128xf32, #tpu.memory_space<hbm>>) target(%arg9 : memref<125x128xf32, #tpu.memory_space<vmem>>) offsets(%dma_start3A_20 : memref<125xi32, #tpu.memory_space<vmem>>) semaphore(%arg12 : memref<!tpu.dma_semaphore, #tpu.memory_space<semaphore_mem>>)
    %scan3A_24 = arith.constant 0 : i32
    %scan3A_25 = arith.constant 0 : i32
    %scan3A_26 = arith.constant 8 : i32
    %scan3A_27 = arith.addi %scan3A_25, %scan3A_26 : i32
    %scan3A_28 = arith.constant 1 : i32
    scf.for %scan3A_80 = %scan3A_25 to %scan3A_27 step %scan3A_28  : i32 {
      %mul3A_81 = arith.constant 2 : i32
      %mul3A_82 = arith.muli %scan3A_80, %mul3A_81 : i32
      %add3A_83 = arith.constant 0 : i32
      %add3A_84 = arith.addi %mul3A_82, %add3A_83 : i32
      %add3A_85 = arith.constant 1 : i32
      %add3A_86 = arith.addi %add3A_84, %add3A_85 : i32
      %lt3A = arith.constant 16 : i32
      %lt3A_87 = arith.cmpi slt, %add3A_86, %lt3A : i32
      %convert_element_type3A = arith.extui %lt3A_87 : i1 to i32
      %cond3A = arith.constant 0 : i32
      %cond3A_88 = arith.cmpi ne, %convert_element_type3A, %cond3A : i32
      scf.if %cond3A_88 {
        %dma_start3A_111 = arith.constant 0 : i32
        %dma_start3A_112 = tpu.memref_slice %arg7[%add3A_86, %dma_start3A_111] : memref<16x125xi32, #tpu.memory_space<vmem>> -> memref<1x125xi32, #tpu.memory_space<vmem>>
        %dma_start3A_113 = tpu.memref_squeeze %dma_start3A_112 : memref<1x125xi32, #tpu.memory_space<vmem>> -> memref<125xi32, #tpu.memory_space<vmem>>
        %dma_start3A_114 = arith.constant 0 : i32
        %dma_start3A_115 = arith.constant 0 : i32
        %dma_start3A_116 = tpu.memref_slice %arg2[%dma_start3A_114, %dma_start3A_115] : memref<10000x128xf32, #tpu.memory_space<hbm>> -> memref<10000x128xf32, #tpu.memory_space<hbm>>
        tpu.enqueue_indirect_dma source(%dma_start3A_116 : memref<10000x128xf32, #tpu.memory_space<hbm>>) target(%arg10 : memref<125x128xf32, #tpu.memory_space<vmem>>) offsets(%dma_start3A_113 : memref<125xi32, #tpu.memory_space<vmem>>) semaphore(%arg13 : memref<!tpu.dma_semaphore, #tpu.memory_space<semaphore_mem>>)
      } else {
      }
      %dma_wait3A = arith.constant 0 : i32
      %dma_wait3A_89 = tpu.memref_slice %arg7[%add3A_84, %dma_wait3A] : memref<16x125xi32, #tpu.memory_space<vmem>> -> memref<1x125xi32, #tpu.memory_space<vmem>>
      %dma_wait3A_90 = tpu.memref_squeeze %dma_wait3A_89 : memref<1x125xi32, #tpu.memory_space<vmem>> -> memref<125xi32, #tpu.memory_space<vmem>>
      %dma_wait3A_91 = arith.constant 0 : i32
      %dma_wait3A_92 = arith.constant 0 : i32
      %dma_wait3A_93 = tpu.memref_slice %arg2[%dma_wait3A_91, %dma_wait3A_92] : memref<10000x128xf32, #tpu.memory_space<hbm>> -> memref<10000x128xf32, #tpu.memory_space<hbm>>
      tpu.wait_indirect_dma semaphore(%arg12 : memref<!tpu.dma_semaphore, #tpu.memory_space<semaphore_mem>>) src(%dma_wait3A_93 : memref<10000x128xf32, #tpu.memory_space<hbm>>) dst(%arg9 : memref<125x128xf32, #tpu.memory_space<vmem>>)
      "tpu.region"() ({
        %run_scoped3A_111 = tpu.sem_alloc : memref<!tpu.dma_semaphore, #tpu.memory_space<semaphore_mem>>
        %dma_start3A_112 = arith.constant 0 : i32
        %dma_start3A_113 = tpu.memref_slice %arg8[%add3A_84, %dma_start3A_112] : memref<16x125xi32, #tpu.memory_space<vmem>> -> memref<1x125xi32, #tpu.memory_space<vmem>>
        %dma_start3A_114 = tpu.memref_squeeze %dma_start3A_113 : memref<1x125xi32, #tpu.memory_space<vmem>> -> memref<125xi32, #tpu.memory_space<vmem>>
        %dma_start3A_115 = arith.constant 0 : i32
        %dma_start3A_116 = arith.constant 0 : i32
        %dma_start3A_117 = tpu.memref_slice %arg11[%dma_start3A_115, %dma_start3A_116] : memref<10240x128xf32, #tpu.memory_space<vmem_shared>> -> memref<10240x128xf32, #tpu.memory_space<vmem_shared>>
        tpu.enqueue_indirect_dma source(%arg9 : memref<125x128xf32, #tpu.memory_space<vmem>>) target(%dma_start3A_117 : memref<10240x128xf32, #tpu.memory_space<vmem_shared>>) offsets(%dma_start3A_114 : memref<125xi32, #tpu.memory_space<vmem>>) semaphore(%run_scoped3A_111 : memref<!tpu.dma_semaphore, #tpu.memory_space<semaphore_mem>>) {add = true}
        %dma_wait3A_118 = arith.constant 0 : i32
        %dma_wait3A_119 = tpu.memref_slice %arg8[%add3A_84, %dma_wait3A_118] : memref<16x125xi32, #tpu.memory_space<vmem>> -> memref<1x125xi32, #tpu.memory_space<vmem>>
        %dma_wait3A_120 = tpu.memref_squeeze %dma_wait3A_119 : memref<1x125xi32, #tpu.memory_space<vmem>> -> memref<125xi32, #tpu.memory_space<vmem>>
        %dma_wait3A_121 = arith.constant 0 : i32
        %dma_wait3A_122 = arith.constant 0 : i32
        %dma_wait3A_123 = tpu.memref_slice %arg11[%dma_wait3A_121, %dma_wait3A_122] : memref<10240x128xf32, #tpu.memory_space<vmem_shared>> -> memref<10240x128xf32, #tpu.memory_space<vmem_shared>>
        tpu.wait_indirect_dma semaphore(%run_scoped3A_111 : memref<!tpu.dma_semaphore, #tpu.memory_space<semaphore_mem>>) src(%arg9 : memref<125x128xf32, #tpu.memory_space<vmem>>) dst(%dma_wait3A_123 : memref<10240x128xf32, #tpu.memory_space<vmem_shared>>)
        tpu.yield
      }) : () -> ()
      %mul3A_94 = arith.constant 2 : i32
      %mul3A_95 = arith.muli %scan3A_80, %mul3A_94 : i32
      %add3A_96 = arith.constant 1 : i32
      %add3A_97 = arith.addi %mul3A_95, %add3A_96 : i32
      %add3A_98 = arith.constant 1 : i32
      %add3A_99 = arith.addi %add3A_97, %add3A_98 : i32
      %lt3A_100 = arith.constant 16 : i32
      %lt3A_101 = arith.cmpi slt, %add3A_99, %lt3A_100 : i32
      %convert_element_type3A_102 = arith.extui %lt3A_101 : i1 to i32
      %cond3A_103 = arith.constant 0 : i32
      %cond3A_104 = arith.cmpi ne, %convert_element_type3A_102, %cond3A_103 : i32
      scf.if %cond3A_104 {
        %dma_start3A_111 = arith.constant 0 : i32
        %dma_start3A_112 = tpu.memref_slice %arg7[%add3A_99, %dma_start3A_111] : memref<16x125xi32, #tpu.memory_space<vmem>> -> memref<1x125xi32, #tpu.memory_space<vmem>>
        %dma_start3A_113 = tpu.memref_squeeze %dma_start3A_112 : memref<1x125xi32, #tpu.memory_space<vmem>> -> memref<125xi32, #tpu.memory_space<vmem>>
        %dma_start3A_114 = arith.constant 0 : i32
        %dma_start3A_115 = arith.constant 0 : i32
        %dma_start3A_116 = tpu.memref_slice %arg2[%dma_start3A_114, %dma_start3A_115] : memref<10000x128xf32, #tpu.memory_space<hbm>> -> memref<10000x128xf32, #tpu.memory_space<hbm>>
        tpu.enqueue_indirect_dma source(%dma_start3A_116 : memref<10000x128xf32, #tpu.memory_space<hbm>>) target(%arg9 : memref<125x128xf32, #tpu.memory_space<vmem>>) offsets(%dma_start3A_113 : memref<125xi32, #tpu.memory_space<vmem>>) semaphore(%arg12 : memref<!tpu.dma_semaphore, #tpu.memory_space<semaphore_mem>>)
      } else {
      }
      %dma_wait3A_105 = arith.constant 0 : i32
      %dma_wait3A_106 = tpu.memref_slice %arg7[%add3A_97, %dma_wait3A_105] : memref<16x125xi32, #tpu.memory_space<vmem>> -> memref<1x125xi32, #tpu.memory_space<vmem>>
      %dma_wait3A_107 = tpu.memref_squeeze %dma_wait3A_106 : memref<1x125xi32, #tpu.memory_space<vmem>> -> memref<125xi32, #tpu.memory_space<vmem>>
      %dma_wait3A_108 = arith.constant 0 : i32
      %dma_wait3A_109 = arith.constant 0 : i32
      %dma_wait3A_110 = tpu.memref_slice %arg2[%dma_wait3A_108, %dma_wait3A_109] : memref<10000x128xf32, #tpu.memory_space<hbm>> -> memref<10000x128xf32, #tpu.memory_space<hbm>>
      tpu.wait_indirect_dma semaphore(%arg13 : memref<!tpu.dma_semaphore, #tpu.memory_space<semaphore_mem>>) src(%dma_wait3A_110 : memref<10000x128xf32, #tpu.memory_space<hbm>>) dst(%arg10 : memref<125x128xf32, #tpu.memory_space<vmem>>)
      "tpu.region"() ({
        %run_scoped3A_111 = tpu.sem_alloc : memref<!tpu.dma_semaphore, #tpu.memory_space<semaphore_mem>>
        %dma_start3A_112 = arith.constant 0 : i32
        %dma_start3A_113 = tpu.memref_slice %arg8[%add3A_97, %dma_start3A_112] : memref<16x125xi32, #tpu.memory_space<vmem>> -> memref<1x125xi32, #tpu.memory_space<vmem>>
        %dma_start3A_114 = tpu.memref_squeeze %dma_start3A_113 : memref<1x125xi32, #tpu.memory_space<vmem>> -> memref<125xi32, #tpu.memory_space<vmem>>
        %dma_start3A_115 = arith.constant 0 : i32
        %dma_start3A_116 = arith.constant 0 : i32
        %dma_start3A_117 = tpu.memref_slice %arg11[%dma_start3A_115, %dma_start3A_116] : memref<10240x128xf32, #tpu.memory_space<vmem_shared>> -> memref<10240x128xf32, #tpu.memory_space<vmem_shared>>
        tpu.enqueue_indirect_dma source(%arg10 : memref<125x128xf32, #tpu.memory_space<vmem>>) target(%dma_start3A_117 : memref<10240x128xf32, #tpu.memory_space<vmem_shared>>) offsets(%dma_start3A_114 : memref<125xi32, #tpu.memory_space<vmem>>) semaphore(%run_scoped3A_111 : memref<!tpu.dma_semaphore, #tpu.memory_space<semaphore_mem>>) {add = true}
        %dma_wait3A_118 = arith.constant 0 : i32
        %dma_wait3A_119 = tpu.memref_slice %arg8[%add3A_97, %dma_wait3A_118] : memref<16x125xi32, #tpu.memory_space<vmem>> -> memref<1x125xi32, #tpu.memory_space<vmem>>
        %dma_wait3A_120 = tpu.memref_squeeze %dma_wait3A_119 : memref<1x125xi32, #tpu.memory_space<vmem>> -> memref<125xi32, #tpu.memory_space<vmem>>
        %dma_wait3A_121 = arith.constant 0 : i32
        %dma_wait3A_122 = arith.constant 0 : i32
        %dma_wait3A_123 = tpu.memref_slice %arg11[%dma_wait3A_121, %dma_wait3A_122] : memref<10240x128xf32, #tpu.memory_space<vmem_shared>> -> memref<10240x128xf32, #tpu.memory_space<vmem_shared>>
        tpu.wait_indirect_dma semaphore(%run_scoped3A_111 : memref<!tpu.dma_semaphore, #tpu.memory_space<semaphore_mem>>) src(%arg10 : memref<125x128xf32, #tpu.memory_space<vmem>>) dst(%dma_wait3A_123 : memref<10240x128xf32, #tpu.memory_space<vmem_shared>>)
        tpu.yield
      }) : () -> ()
    }
    %scan3A_29 = arith.constant 8 : i32
    %run_scoped3A_30 = arith.constant 2 : i32
    "tpu.region"() ({
      %run_scoped3A_80 = tpu.sem_alloc : memref<!tpu.dma_semaphore, #tpu.memory_space<semaphore_mem>>
      %dma_start3A_81 = arith.constant 0 : i32
      %dma_start3A_82 = arith.constant 0 : i32
      %dma_start3A_83 = tpu.memref_slice %arg3[%add3A, %run_scoped3A_30, %dma_start3A_81, %dma_start3A_82] : memref<32x5x16x125xi32, #tpu.memory_space<hbm>> -> memref<1x1x16x125xi32, #tpu.memory_space<hbm>>
      %dma_start3A_84 = tpu.memref_squeeze %dma_start3A_83 : memref<1x1x16x125xi32, #tpu.memory_space<hbm>> -> memref<16x125xi32, #tpu.memory_space<hbm>>
      %dma_start3A_85 = arith.constant 0 : i32
      %dma_start3A_86 = arith.constant 0 : i32
      %dma_start3A_87 = tpu.memref_slice %arg3[%add3A, %run_scoped3A_30, %dma_start3A_85, %dma_start3A_86] : memref<32x5x16x125xi32, #tpu.memory_space<hbm>> -> memref<1x1x16x125xi32, #tpu.memory_space<hbm>>
      %dma_start3A_88 = tpu.memref_squeeze %dma_start3A_87 : memref<1x1x16x125xi32, #tpu.memory_space<hbm>> -> memref<16x125xi32, #tpu.memory_space<hbm>>
      tpu.enqueue_dma source(%dma_start3A_88 : memref<16x125xi32, #tpu.memory_space<hbm>>) target(%arg7 : memref<16x125xi32, #tpu.memory_space<vmem>>) target_semaphore(%run_scoped3A_80 : memref<!tpu.dma_semaphore, #tpu.memory_space<semaphore_mem>>)
      %dma_wait3A = arith.constant 0 : i32
      %dma_wait3A_89 = arith.constant 0 : i32
      %dma_wait3A_90 = tpu.memref_slice %arg3[%add3A, %run_scoped3A_30, %dma_wait3A, %dma_wait3A_89] : memref<32x5x16x125xi32, #tpu.memory_space<hbm>> -> memref<1x1x16x125xi32, #tpu.memory_space<hbm>>
      %dma_wait3A_91 = tpu.memref_squeeze %dma_wait3A_90 : memref<1x1x16x125xi32, #tpu.memory_space<hbm>> -> memref<16x125xi32, #tpu.memory_space<hbm>>
      %dma_wait3A_92 = arith.constant 0 : i32
      %dma_wait3A_93 = arith.constant 0 : i32
      %dma_wait3A_94 = tpu.memref_slice %arg3[%add3A, %run_scoped3A_30, %dma_wait3A_92, %dma_wait3A_93] : memref<32x5x16x125xi32, #tpu.memory_space<hbm>> -> memref<1x1x16x125xi32, #tpu.memory_space<hbm>>
      %dma_wait3A_95 = tpu.memref_squeeze %dma_wait3A_94 : memref<1x1x16x125xi32, #tpu.memory_space<hbm>> -> memref<16x125xi32, #tpu.memory_space<hbm>>
      tpu.wait_dma2 semaphore(%run_scoped3A_80 : memref<!tpu.dma_semaphore, #tpu.memory_space<semaphore_mem>>) src(%dma_wait3A_95 : memref<16x125xi32, #tpu.memory_space<hbm>>) dst(%arg7 : memref<16x125xi32, #tpu.memory_space<vmem>>)
      tpu.yield
    }) : () -> ()
    %run_scoped3A_31 = arith.constant 2 : i32
    "tpu.region"() ({
      %run_scoped3A_80 = tpu.sem_alloc : memref<!tpu.dma_semaphore, #tpu.memory_space<semaphore_mem>>
      %dma_start3A_81 = arith.constant 0 : i32
      %dma_start3A_82 = arith.constant 0 : i32
      %dma_start3A_83 = tpu.memref_slice %arg4[%add3A, %run_scoped3A_31, %dma_start3A_81, %dma_start3A_82] : memref<32x5x16x125xi32, #tpu.memory_space<hbm>> -> memref<1x1x16x125xi32, #tpu.memory_space<hbm>>
      %dma_start3A_84 = tpu.memref_squeeze %dma_start3A_83 : memref<1x1x16x125xi32, #tpu.memory_space<hbm>> -> memref<16x125xi32, #tpu.memory_space<hbm>>
      %dma_start3A_85 = arith.constant 0 : i32
      %dma_start3A_86 = arith.constant 0 : i32
      %dma_start3A_87 = tpu.memref_slice %arg4[%add3A, %run_scoped3A_31, %dma_start3A_85, %dma_start3A_86] : memref<32x5x16x125xi32, #tpu.memory_space<hbm>> -> memref<1x1x16x125xi32, #tpu.memory_space<hbm>>
      %dma_start3A_88 = tpu.memref_squeeze %dma_start3A_87 : memref<1x1x16x125xi32, #tpu.memory_space<hbm>> -> memref<16x125xi32, #tpu.memory_space<hbm>>
      tpu.enqueue_dma source(%dma_start3A_88 : memref<16x125xi32, #tpu.memory_space<hbm>>) target(%arg8 : memref<16x125xi32, #tpu.memory_space<vmem>>) target_semaphore(%run_scoped3A_80 : memref<!tpu.dma_semaphore, #tpu.memory_space<semaphore_mem>>)
      %dma_wait3A = arith.constant 0 : i32
      %dma_wait3A_89 = arith.constant 0 : i32
      %dma_wait3A_90 = tpu.memref_slice %arg4[%add3A, %run_scoped3A_31, %dma_wait3A, %dma_wait3A_89] : memref<32x5x16x125xi32, #tpu.memory_space<hbm>> -> memref<1x1x16x125xi32, #tpu.memory_space<hbm>>
      %dma_wait3A_91 = tpu.memref_squeeze %dma_wait3A_90 : memref<1x1x16x125xi32, #tpu.memory_space<hbm>> -> memref<16x125xi32, #tpu.memory_space<hbm>>
      %dma_wait3A_92 = arith.constant 0 : i32
      %dma_wait3A_93 = arith.constant 0 : i32
      %dma_wait3A_94 = tpu.memref_slice %arg4[%add3A, %run_scoped3A_31, %dma_wait3A_92, %dma_wait3A_93] : memref<32x5x16x125xi32, #tpu.memory_space<hbm>> -> memref<1x1x16x125xi32, #tpu.memory_space<hbm>>
      %dma_wait3A_95 = tpu.memref_squeeze %dma_wait3A_94 : memref<1x1x16x125xi32, #tpu.memory_space<hbm>> -> memref<16x125xi32, #tpu.memory_space<hbm>>
      tpu.wait_dma2 semaphore(%run_scoped3A_80 : memref<!tpu.dma_semaphore, #tpu.memory_space<semaphore_mem>>) src(%dma_wait3A_95 : memref<16x125xi32, #tpu.memory_space<hbm>>) dst(%arg8 : memref<16x125xi32, #tpu.memory_space<vmem>>)
      tpu.yield
    }) : () -> ()
    %dma_start3A_32 = arith.constant 0 : i32
    %dma_start3A_33 = arith.constant 0 : i32
    %dma_start3A_34 = tpu.memref_slice %arg7[%dma_start3A_32, %dma_start3A_33] : memref<16x125xi32, #tpu.memory_space<vmem>> -> memref<1x125xi32, #tpu.memory_space<vmem>>
    %dma_start3A_35 = tpu.memref_squeeze %dma_start3A_34 : memref<1x125xi32, #tpu.memory_space<vmem>> -> memref<125xi32, #tpu.memory_space<vmem>>
    %dma_start3A_36 = arith.constant 0 : i32
    %dma_start3A_37 = arith.constant 0 : i32
    %dma_start3A_38 = tpu.memref_slice %arg2[%dma_start3A_36, %dma_start3A_37] : memref<10000x128xf32, #tpu.memory_space<hbm>> -> memref<10000x128xf32, #tpu.memory_space<hbm>>
    tpu.enqueue_indirect_dma source(%dma_start3A_38 : memref<10000x128xf32, #tpu.memory_space<hbm>>) target(%arg9 : memref<125x128xf32, #tpu.memory_space<vmem>>) offsets(%dma_start3A_35 : memref<125xi32, #tpu.memory_space<vmem>>) semaphore(%arg12 : memref<!tpu.dma_semaphore, #tpu.memory_space<semaphore_mem>>)
    %scan3A_39 = arith.constant 0 : i32
    %scan3A_40 = arith.constant 0 : i32
    %scan3A_41 = arith.constant 8 : i32
    %scan3A_42 = arith.addi %scan3A_40, %scan3A_41 : i32
    %scan3A_43 = arith.constant 1 : i32
    scf.for %scan3A_80 = %scan3A_40 to %scan3A_42 step %scan3A_43  : i32 {
      %mul3A_81 = arith.constant 2 : i32
      %mul3A_82 = arith.muli %scan3A_80, %mul3A_81 : i32
      %add3A_83 = arith.constant 0 : i32
      %add3A_84 = arith.addi %mul3A_82, %add3A_83 : i32
      %add3A_85 = arith.constant 1 : i32
      %add3A_86 = arith.addi %add3A_84, %add3A_85 : i32
      %lt3A = arith.constant 16 : i32
      %lt3A_87 = arith.cmpi slt, %add3A_86, %lt3A : i32
      %convert_element_type3A = arith.extui %lt3A_87 : i1 to i32
      %cond3A = arith.constant 0 : i32
      %cond3A_88 = arith.cmpi ne, %convert_element_type3A, %cond3A : i32
      scf.if %cond3A_88 {
        %dma_start3A_111 = arith.constant 0 : i32
        %dma_start3A_112 = tpu.memref_slice %arg7[%add3A_86, %dma_start3A_111] : memref<16x125xi32, #tpu.memory_space<vmem>> -> memref<1x125xi32, #tpu.memory_space<vmem>>
        %dma_start3A_113 = tpu.memref_squeeze %dma_start3A_112 : memref<1x125xi32, #tpu.memory_space<vmem>> -> memref<125xi32, #tpu.memory_space<vmem>>
        %dma_start3A_114 = arith.constant 0 : i32
        %dma_start3A_115 = arith.constant 0 : i32
        %dma_start3A_116 = tpu.memref_slice %arg2[%dma_start3A_114, %dma_start3A_115] : memref<10000x128xf32, #tpu.memory_space<hbm>> -> memref<10000x128xf32, #tpu.memory_space<hbm>>
        tpu.enqueue_indirect_dma source(%dma_start3A_116 : memref<10000x128xf32, #tpu.memory_space<hbm>>) target(%arg10 : memref<125x128xf32, #tpu.memory_space<vmem>>) offsets(%dma_start3A_113 : memref<125xi32, #tpu.memory_space<vmem>>) semaphore(%arg13 : memref<!tpu.dma_semaphore, #tpu.memory_space<semaphore_mem>>)
      } else {
      }
      %dma_wait3A = arith.constant 0 : i32
      %dma_wait3A_89 = tpu.memref_slice %arg7[%add3A_84, %dma_wait3A] : memref<16x125xi32, #tpu.memory_space<vmem>> -> memref<1x125xi32, #tpu.memory_space<vmem>>
      %dma_wait3A_90 = tpu.memref_squeeze %dma_wait3A_89 : memref<1x125xi32, #tpu.memory_space<vmem>> -> memref<125xi32, #tpu.memory_space<vmem>>
      %dma_wait3A_91 = arith.constant 0 : i32
      %dma_wait3A_92 = arith.constant 0 : i32
      %dma_wait3A_93 = tpu.memref_slice %arg2[%dma_wait3A_91, %dma_wait3A_92] : memref<10000x128xf32, #tpu.memory_space<hbm>> -> memref<10000x128xf32, #tpu.memory_space<hbm>>
      tpu.wait_indirect_dma semaphore(%arg12 : memref<!tpu.dma_semaphore, #tpu.memory_space<semaphore_mem>>) src(%dma_wait3A_93 : memref<10000x128xf32, #tpu.memory_space<hbm>>) dst(%arg9 : memref<125x128xf32, #tpu.memory_space<vmem>>)
      "tpu.region"() ({
        %run_scoped3A_111 = tpu.sem_alloc : memref<!tpu.dma_semaphore, #tpu.memory_space<semaphore_mem>>
        %dma_start3A_112 = arith.constant 0 : i32
        %dma_start3A_113 = tpu.memref_slice %arg8[%add3A_84, %dma_start3A_112] : memref<16x125xi32, #tpu.memory_space<vmem>> -> memref<1x125xi32, #tpu.memory_space<vmem>>
        %dma_start3A_114 = tpu.memref_squeeze %dma_start3A_113 : memref<1x125xi32, #tpu.memory_space<vmem>> -> memref<125xi32, #tpu.memory_space<vmem>>
        %dma_start3A_115 = arith.constant 0 : i32
        %dma_start3A_116 = arith.constant 0 : i32
        %dma_start3A_117 = tpu.memref_slice %arg11[%dma_start3A_115, %dma_start3A_116] : memref<10240x128xf32, #tpu.memory_space<vmem_shared>> -> memref<10240x128xf32, #tpu.memory_space<vmem_shared>>
        tpu.enqueue_indirect_dma source(%arg9 : memref<125x128xf32, #tpu.memory_space<vmem>>) target(%dma_start3A_117 : memref<10240x128xf32, #tpu.memory_space<vmem_shared>>) offsets(%dma_start3A_114 : memref<125xi32, #tpu.memory_space<vmem>>) semaphore(%run_scoped3A_111 : memref<!tpu.dma_semaphore, #tpu.memory_space<semaphore_mem>>) {add = true}
        %dma_wait3A_118 = arith.constant 0 : i32
        %dma_wait3A_119 = tpu.memref_slice %arg8[%add3A_84, %dma_wait3A_118] : memref<16x125xi32, #tpu.memory_space<vmem>> -> memref<1x125xi32, #tpu.memory_space<vmem>>
        %dma_wait3A_120 = tpu.memref_squeeze %dma_wait3A_119 : memref<1x125xi32, #tpu.memory_space<vmem>> -> memref<125xi32, #tpu.memory_space<vmem>>
        %dma_wait3A_121 = arith.constant 0 : i32
        %dma_wait3A_122 = arith.constant 0 : i32
        %dma_wait3A_123 = tpu.memref_slice %arg11[%dma_wait3A_121, %dma_wait3A_122] : memref<10240x128xf32, #tpu.memory_space<vmem_shared>> -> memref<10240x128xf32, #tpu.memory_space<vmem_shared>>
        tpu.wait_indirect_dma semaphore(%run_scoped3A_111 : memref<!tpu.dma_semaphore, #tpu.memory_space<semaphore_mem>>) src(%arg9 : memref<125x128xf32, #tpu.memory_space<vmem>>) dst(%dma_wait3A_123 : memref<10240x128xf32, #tpu.memory_space<vmem_shared>>)
        tpu.yield
      }) : () -> ()
      %mul3A_94 = arith.constant 2 : i32
      %mul3A_95 = arith.muli %scan3A_80, %mul3A_94 : i32
      %add3A_96 = arith.constant 1 : i32
      %add3A_97 = arith.addi %mul3A_95, %add3A_96 : i32
      %add3A_98 = arith.constant 1 : i32
      %add3A_99 = arith.addi %add3A_97, %add3A_98 : i32
      %lt3A_100 = arith.constant 16 : i32
      %lt3A_101 = arith.cmpi slt, %add3A_99, %lt3A_100 : i32
      %convert_element_type3A_102 = arith.extui %lt3A_101 : i1 to i32
      %cond3A_103 = arith.constant 0 : i32
      %cond3A_104 = arith.cmpi ne, %convert_element_type3A_102, %cond3A_103 : i32
      scf.if %cond3A_104 {
        %dma_start3A_111 = arith.constant 0 : i32
        %dma_start3A_112 = tpu.memref_slice %arg7[%add3A_99, %dma_start3A_111] : memref<16x125xi32, #tpu.memory_space<vmem>> -> memref<1x125xi32, #tpu.memory_space<vmem>>
        %dma_start3A_113 = tpu.memref_squeeze %dma_start3A_112 : memref<1x125xi32, #tpu.memory_space<vmem>> -> memref<125xi32, #tpu.memory_space<vmem>>
        %dma_start3A_114 = arith.constant 0 : i32
        %dma_start3A_115 = arith.constant 0 : i32
        %dma_start3A_116 = tpu.memref_slice %arg2[%dma_start3A_114, %dma_start3A_115] : memref<10000x128xf32, #tpu.memory_space<hbm>> -> memref<10000x128xf32, #tpu.memory_space<hbm>>
        tpu.enqueue_indirect_dma source(%dma_start3A_116 : memref<10000x128xf32, #tpu.memory_space<hbm>>) target(%arg9 : memref<125x128xf32, #tpu.memory_space<vmem>>) offsets(%dma_start3A_113 : memref<125xi32, #tpu.memory_space<vmem>>) semaphore(%arg12 : memref<!tpu.dma_semaphore, #tpu.memory_space<semaphore_mem>>)
      } else {
      }
      %dma_wait3A_105 = arith.constant 0 : i32
      %dma_wait3A_106 = tpu.memref_slice %arg7[%add3A_97, %dma_wait3A_105] : memref<16x125xi32, #tpu.memory_space<vmem>> -> memref<1x125xi32, #tpu.memory_space<vmem>>
      %dma_wait3A_107 = tpu.memref_squeeze %dma_wait3A_106 : memref<1x125xi32, #tpu.memory_space<vmem>> -> memref<125xi32, #tpu.memory_space<vmem>>
      %dma_wait3A_108 = arith.constant 0 : i32
      %dma_wait3A_109 = arith.constant 0 : i32
      %dma_wait3A_110 = tpu.memref_slice %arg2[%dma_wait3A_108, %dma_wait3A_109] : memref<10000x128xf32, #tpu.memory_space<hbm>> -> memref<10000x128xf32, #tpu.memory_space<hbm>>
      tpu.wait_indirect_dma semaphore(%arg13 : memref<!tpu.dma_semaphore, #tpu.memory_space<semaphore_mem>>) src(%dma_wait3A_110 : memref<10000x128xf32, #tpu.memory_space<hbm>>) dst(%arg10 : memref<125x128xf32, #tpu.memory_space<vmem>>)
      "tpu.region"() ({
        %run_scoped3A_111 = tpu.sem_alloc : memref<!tpu.dma_semaphore, #tpu.memory_space<semaphore_mem>>
        %dma_start3A_112 = arith.constant 0 : i32
        %dma_start3A_113 = tpu.memref_slice %arg8[%add3A_97, %dma_start3A_112] : memref<16x125xi32, #tpu.memory_space<vmem>> -> memref<1x125xi32, #tpu.memory_space<vmem>>
        %dma_start3A_114 = tpu.memref_squeeze %dma_start3A_113 : memref<1x125xi32, #tpu.memory_space<vmem>> -> memref<125xi32, #tpu.memory_space<vmem>>
        %dma_start3A_115 = arith.constant 0 : i32
        %dma_start3A_116 = arith.constant 0 : i32
        %dma_start3A_117 = tpu.memref_slice %arg11[%dma_start3A_115, %dma_start3A_116] : memref<10240x128xf32, #tpu.memory_space<vmem_shared>> -> memref<10240x128xf32, #tpu.memory_space<vmem_shared>>
        tpu.enqueue_indirect_dma source(%arg10 : memref<125x128xf32, #tpu.memory_space<vmem>>) target(%dma_start3A_117 : memref<10240x128xf32, #tpu.memory_space<vmem_shared>>) offsets(%dma_start3A_114 : memref<125xi32, #tpu.memory_space<vmem>>) semaphore(%run_scoped3A_111 : memref<!tpu.dma_semaphore, #tpu.memory_space<semaphore_mem>>) {add = true}
        %dma_wait3A_118 = arith.constant 0 : i32
        %dma_wait3A_119 = tpu.memref_slice %arg8[%add3A_97, %dma_wait3A_118] : memref<16x125xi32, #tpu.memory_space<vmem>> -> memref<1x125xi32, #tpu.memory_space<vmem>>
        %dma_wait3A_120 = tpu.memref_squeeze %dma_wait3A_119 : memref<1x125xi32, #tpu.memory_space<vmem>> -> memref<125xi32, #tpu.memory_space<vmem>>
        %dma_wait3A_121 = arith.constant 0 : i32
        %dma_wait3A_122 = arith.constant 0 : i32
        %dma_wait3A_123 = tpu.memref_slice %arg11[%dma_wait3A_121, %dma_wait3A_122] : memref<10240x128xf32, #tpu.memory_space<vmem_shared>> -> memref<10240x128xf32, #tpu.memory_space<vmem_shared>>
        tpu.wait_indirect_dma semaphore(%run_scoped3A_111 : memref<!tpu.dma_semaphore, #tpu.memory_space<semaphore_mem>>) src(%arg10 : memref<125x128xf32, #tpu.memory_space<vmem>>) dst(%dma_wait3A_123 : memref<10240x128xf32, #tpu.memory_space<vmem_shared>>)
        tpu.yield
      }) : () -> ()
    }
    %scan3A_44 = arith.constant 8 : i32
    %run_scoped3A_45 = arith.constant 3 : i32
    "tpu.region"() ({
      %run_scoped3A_80 = tpu.sem_alloc : memref<!tpu.dma_semaphore, #tpu.memory_space<semaphore_mem>>
      %dma_start3A_81 = arith.constant 0 : i32
      %dma_start3A_82 = arith.constant 0 : i32
      %dma_start3A_83 = tpu.memref_slice %arg3[%add3A, %run_scoped3A_45, %dma_start3A_81, %dma_start3A_82] : memref<32x5x16x125xi32, #tpu.memory_space<hbm>> -> memref<1x1x16x125xi32, #tpu.memory_space<hbm>>
      %dma_start3A_84 = tpu.memref_squeeze %dma_start3A_83 : memref<1x1x16x125xi32, #tpu.memory_space<hbm>> -> memref<16x125xi32, #tpu.memory_space<hbm>>
      %dma_start3A_85 = arith.constant 0 : i32
      %dma_start3A_86 = arith.constant 0 : i32
      %dma_start3A_87 = tpu.memref_slice %arg3[%add3A, %run_scoped3A_45, %dma_start3A_85, %dma_start3A_86] : memref<32x5x16x125xi32, #tpu.memory_space<hbm>> -> memref<1x1x16x125xi32, #tpu.memory_space<hbm>>
      %dma_start3A_88 = tpu.memref_squeeze %dma_start3A_87 : memref<1x1x16x125xi32, #tpu.memory_space<hbm>> -> memref<16x125xi32, #tpu.memory_space<hbm>>
      tpu.enqueue_dma source(%dma_start3A_88 : memref<16x125xi32, #tpu.memory_space<hbm>>) target(%arg7 : memref<16x125xi32, #tpu.memory_space<vmem>>) target_semaphore(%run_scoped3A_80 : memref<!tpu.dma_semaphore, #tpu.memory_space<semaphore_mem>>)
      %dma_wait3A = arith.constant 0 : i32
      %dma_wait3A_89 = arith.constant 0 : i32
      %dma_wait3A_90 = tpu.memref_slice %arg3[%add3A, %run_scoped3A_45, %dma_wait3A, %dma_wait3A_89] : memref<32x5x16x125xi32, #tpu.memory_space<hbm>> -> memref<1x1x16x125xi32, #tpu.memory_space<hbm>>
      %dma_wait3A_91 = tpu.memref_squeeze %dma_wait3A_90 : memref<1x1x16x125xi32, #tpu.memory_space<hbm>> -> memref<16x125xi32, #tpu.memory_space<hbm>>
      %dma_wait3A_92 = arith.constant 0 : i32
      %dma_wait3A_93 = arith.constant 0 : i32
      %dma_wait3A_94 = tpu.memref_slice %arg3[%add3A, %run_scoped3A_45, %dma_wait3A_92, %dma_wait3A_93] : memref<32x5x16x125xi32, #tpu.memory_space<hbm>> -> memref<1x1x16x125xi32, #tpu.memory_space<hbm>>
      %dma_wait3A_95 = tpu.memref_squeeze %dma_wait3A_94 : memref<1x1x16x125xi32, #tpu.memory_space<hbm>> -> memref<16x125xi32, #tpu.memory_space<hbm>>
      tpu.wait_dma2 semaphore(%run_scoped3A_80 : memref<!tpu.dma_semaphore, #tpu.memory_space<semaphore_mem>>) src(%dma_wait3A_95 : memref<16x125xi32, #tpu.memory_space<hbm>>) dst(%arg7 : memref<16x125xi32, #tpu.memory_space<vmem>>)
      tpu.yield
    }) : () -> ()
    %run_scoped3A_46 = arith.constant 3 : i32
    "tpu.region"() ({
      %run_scoped3A_80 = tpu.sem_alloc : memref<!tpu.dma_semaphore, #tpu.memory_space<semaphore_mem>>
      %dma_start3A_81 = arith.constant 0 : i32
      %dma_start3A_82 = arith.constant 0 : i32
      %dma_start3A_83 = tpu.memref_slice %arg4[%add3A, %run_scoped3A_46, %dma_start3A_81, %dma_start3A_82] : memref<32x5x16x125xi32, #tpu.memory_space<hbm>> -> memref<1x1x16x125xi32, #tpu.memory_space<hbm>>
      %dma_start3A_84 = tpu.memref_squeeze %dma_start3A_83 : memref<1x1x16x125xi32, #tpu.memory_space<hbm>> -> memref<16x125xi32, #tpu.memory_space<hbm>>
      %dma_start3A_85 = arith.constant 0 : i32
      %dma_start3A_86 = arith.constant 0 : i32
      %dma_start3A_87 = tpu.memref_slice %arg4[%add3A, %run_scoped3A_46, %dma_start3A_85, %dma_start3A_86] : memref<32x5x16x125xi32, #tpu.memory_space<hbm>> -> memref<1x1x16x125xi32, #tpu.memory_space<hbm>>
      %dma_start3A_88 = tpu.memref_squeeze %dma_start3A_87 : memref<1x1x16x125xi32, #tpu.memory_space<hbm>> -> memref<16x125xi32, #tpu.memory_space<hbm>>
      tpu.enqueue_dma source(%dma_start3A_88 : memref<16x125xi32, #tpu.memory_space<hbm>>) target(%arg8 : memref<16x125xi32, #tpu.memory_space<vmem>>) target_semaphore(%run_scoped3A_80 : memref<!tpu.dma_semaphore, #tpu.memory_space<semaphore_mem>>)
      %dma_wait3A = arith.constant 0 : i32
      %dma_wait3A_89 = arith.constant 0 : i32
      %dma_wait3A_90 = tpu.memref_slice %arg4[%add3A, %run_scoped3A_46, %dma_wait3A, %dma_wait3A_89] : memref<32x5x16x125xi32, #tpu.memory_space<hbm>> -> memref<1x1x16x125xi32, #tpu.memory_space<hbm>>
      %dma_wait3A_91 = tpu.memref_squeeze %dma_wait3A_90 : memref<1x1x16x125xi32, #tpu.memory_space<hbm>> -> memref<16x125xi32, #tpu.memory_space<hbm>>
      %dma_wait3A_92 = arith.constant 0 : i32
      %dma_wait3A_93 = arith.constant 0 : i32
      %dma_wait3A_94 = tpu.memref_slice %arg4[%add3A, %run_scoped3A_46, %dma_wait3A_92, %dma_wait3A_93] : memref<32x5x16x125xi32, #tpu.memory_space<hbm>> -> memref<1x1x16x125xi32, #tpu.memory_space<hbm>>
      %dma_wait3A_95 = tpu.memref_squeeze %dma_wait3A_94 : memref<1x1x16x125xi32, #tpu.memory_space<hbm>> -> memref<16x125xi32, #tpu.memory_space<hbm>>
      tpu.wait_dma2 semaphore(%run_scoped3A_80 : memref<!tpu.dma_semaphore, #tpu.memory_space<semaphore_mem>>) src(%dma_wait3A_95 : memref<16x125xi32, #tpu.memory_space<hbm>>) dst(%arg8 : memref<16x125xi32, #tpu.memory_space<vmem>>)
      tpu.yield
    }) : () -> ()
    %dma_start3A_47 = arith.constant 0 : i32
    %dma_start3A_48 = arith.constant 0 : i32
    %dma_start3A_49 = tpu.memref_slice %arg7[%dma_start3A_47, %dma_start3A_48] : memref<16x125xi32, #tpu.memory_space<vmem>> -> memref<1x125xi32, #tpu.memory_space<vmem>>
    %dma_start3A_50 = tpu.memref_squeeze %dma_start3A_49 : memref<1x125xi32, #tpu.memory_space<vmem>> -> memref<125xi32, #tpu.memory_space<vmem>>
    %dma_start3A_51 = arith.constant 0 : i32
    %dma_start3A_52 = arith.constant 0 : i32
    %dma_start3A_53 = tpu.memref_slice %arg2[%dma_start3A_51, %dma_start3A_52] : memref<10000x128xf32, #tpu.memory_space<hbm>> -> memref<10000x128xf32, #tpu.memory_space<hbm>>
    tpu.enqueue_indirect_dma source(%dma_start3A_53 : memref<10000x128xf32, #tpu.memory_space<hbm>>) target(%arg9 : memref<125x128xf32, #tpu.memory_space<vmem>>) offsets(%dma_start3A_50 : memref<125xi32, #tpu.memory_space<vmem>>) semaphore(%arg12 : memref<!tpu.dma_semaphore, #tpu.memory_space<semaphore_mem>>)
    %scan3A_54 = arith.constant 0 : i32
    %scan3A_55 = arith.constant 0 : i32
    %scan3A_56 = arith.constant 8 : i32
    %scan3A_57 = arith.addi %scan3A_55, %scan3A_56 : i32
    %scan3A_58 = arith.constant 1 : i32
    scf.for %scan3A_80 = %scan3A_55 to %scan3A_57 step %scan3A_58  : i32 {
      %mul3A_81 = arith.constant 2 : i32
      %mul3A_82 = arith.muli %scan3A_80, %mul3A_81 : i32
      %add3A_83 = arith.constant 0 : i32
      %add3A_84 = arith.addi %mul3A_82, %add3A_83 : i32
      %add3A_85 = arith.constant 1 : i32
      %add3A_86 = arith.addi %add3A_84, %add3A_85 : i32
      %lt3A = arith.constant 16 : i32
      %lt3A_87 = arith.cmpi slt, %add3A_86, %lt3A : i32
      %convert_element_type3A = arith.extui %lt3A_87 : i1 to i32
      %cond3A = arith.constant 0 : i32
      %cond3A_88 = arith.cmpi ne, %convert_element_type3A, %cond3A : i32
      scf.if %cond3A_88 {
        %dma_start3A_111 = arith.constant 0 : i32
        %dma_start3A_112 = tpu.memref_slice %arg7[%add3A_86, %dma_start3A_111] : memref<16x125xi32, #tpu.memory_space<vmem>> -> memref<1x125xi32, #tpu.memory_space<vmem>>
        %dma_start3A_113 = tpu.memref_squeeze %dma_start3A_112 : memref<1x125xi32, #tpu.memory_space<vmem>> -> memref<125xi32, #tpu.memory_space<vmem>>
        %dma_start3A_114 = arith.constant 0 : i32
        %dma_start3A_115 = arith.constant 0 : i32
        %dma_start3A_116 = tpu.memref_slice %arg2[%dma_start3A_114, %dma_start3A_115] : memref<10000x128xf32, #tpu.memory_space<hbm>> -> memref<10000x128xf32, #tpu.memory_space<hbm>>
        tpu.enqueue_indirect_dma source(%dma_start3A_116 : memref<10000x128xf32, #tpu.memory_space<hbm>>) target(%arg10 : memref<125x128xf32, #tpu.memory_space<vmem>>) offsets(%dma_start3A_113 : memref<125xi32, #tpu.memory_space<vmem>>) semaphore(%arg13 : memref<!tpu.dma_semaphore, #tpu.memory_space<semaphore_mem>>)
      } else {
      }
      %dma_wait3A = arith.constant 0 : i32
      %dma_wait3A_89 = tpu.memref_slice %arg7[%add3A_84, %dma_wait3A] : memref<16x125xi32, #tpu.memory_space<vmem>> -> memref<1x125xi32, #tpu.memory_space<vmem>>
      %dma_wait3A_90 = tpu.memref_squeeze %dma_wait3A_89 : memref<1x125xi32, #tpu.memory_space<vmem>> -> memref<125xi32, #tpu.memory_space<vmem>>
      %dma_wait3A_91 = arith.constant 0 : i32
      %dma_wait3A_92 = arith.constant 0 : i32
      %dma_wait3A_93 = tpu.memref_slice %arg2[%dma_wait3A_91, %dma_wait3A_92] : memref<10000x128xf32, #tpu.memory_space<hbm>> -> memref<10000x128xf32, #tpu.memory_space<hbm>>
      tpu.wait_indirect_dma semaphore(%arg12 : memref<!tpu.dma_semaphore, #tpu.memory_space<semaphore_mem>>) src(%dma_wait3A_93 : memref<10000x128xf32, #tpu.memory_space<hbm>>) dst(%arg9 : memref<125x128xf32, #tpu.memory_space<vmem>>)
      "tpu.region"() ({
        %run_scoped3A_111 = tpu.sem_alloc : memref<!tpu.dma_semaphore, #tpu.memory_space<semaphore_mem>>
        %dma_start3A_112 = arith.constant 0 : i32
        %dma_start3A_113 = tpu.memref_slice %arg8[%add3A_84, %dma_start3A_112] : memref<16x125xi32, #tpu.memory_space<vmem>> -> memref<1x125xi32, #tpu.memory_space<vmem>>
        %dma_start3A_114 = tpu.memref_squeeze %dma_start3A_113 : memref<1x125xi32, #tpu.memory_space<vmem>> -> memref<125xi32, #tpu.memory_space<vmem>>
        %dma_start3A_115 = arith.constant 0 : i32
        %dma_start3A_116 = arith.constant 0 : i32
        %dma_start3A_117 = tpu.memref_slice %arg11[%dma_start3A_115, %dma_start3A_116] : memref<10240x128xf32, #tpu.memory_space<vmem_shared>> -> memref<10240x128xf32, #tpu.memory_space<vmem_shared>>
        tpu.enqueue_indirect_dma source(%arg9 : memref<125x128xf32, #tpu.memory_space<vmem>>) target(%dma_start3A_117 : memref<10240x128xf32, #tpu.memory_space<vmem_shared>>) offsets(%dma_start3A_114 : memref<125xi32, #tpu.memory_space<vmem>>) semaphore(%run_scoped3A_111 : memref<!tpu.dma_semaphore, #tpu.memory_space<semaphore_mem>>) {add = true}
        %dma_wait3A_118 = arith.constant 0 : i32
        %dma_wait3A_119 = tpu.memref_slice %arg8[%add3A_84, %dma_wait3A_118] : memref<16x125xi32, #tpu.memory_space<vmem>> -> memref<1x125xi32, #tpu.memory_space<vmem>>
        %dma_wait3A_120 = tpu.memref_squeeze %dma_wait3A_119 : memref<1x125xi32, #tpu.memory_space<vmem>> -> memref<125xi32, #tpu.memory_space<vmem>>
        %dma_wait3A_121 = arith.constant 0 : i32
        %dma_wait3A_122 = arith.constant 0 : i32
        %dma_wait3A_123 = tpu.memref_slice %arg11[%dma_wait3A_121, %dma_wait3A_122] : memref<10240x128xf32, #tpu.memory_space<vmem_shared>> -> memref<10240x128xf32, #tpu.memory_space<vmem_shared>>
        tpu.wait_indirect_dma semaphore(%run_scoped3A_111 : memref<!tpu.dma_semaphore, #tpu.memory_space<semaphore_mem>>) src(%arg9 : memref<125x128xf32, #tpu.memory_space<vmem>>) dst(%dma_wait3A_123 : memref<10240x128xf32, #tpu.memory_space<vmem_shared>>)
        tpu.yield
      }) : () -> ()
      %mul3A_94 = arith.constant 2 : i32
      %mul3A_95 = arith.muli %scan3A_80, %mul3A_94 : i32
      %add3A_96 = arith.constant 1 : i32
      %add3A_97 = arith.addi %mul3A_95, %add3A_96 : i32
      %add3A_98 = arith.constant 1 : i32
      %add3A_99 = arith.addi %add3A_97, %add3A_98 : i32
      %lt3A_100 = arith.constant 16 : i32
      %lt3A_101 = arith.cmpi slt, %add3A_99, %lt3A_100 : i32
      %convert_element_type3A_102 = arith.extui %lt3A_101 : i1 to i32
      %cond3A_103 = arith.constant 0 : i32
      %cond3A_104 = arith.cmpi ne, %convert_element_type3A_102, %cond3A_103 : i32
      scf.if %cond3A_104 {
        %dma_start3A_111 = arith.constant 0 : i32
        %dma_start3A_112 = tpu.memref_slice %arg7[%add3A_99, %dma_start3A_111] : memref<16x125xi32, #tpu.memory_space<vmem>> -> memref<1x125xi32, #tpu.memory_space<vmem>>
        %dma_start3A_113 = tpu.memref_squeeze %dma_start3A_112 : memref<1x125xi32, #tpu.memory_space<vmem>> -> memref<125xi32, #tpu.memory_space<vmem>>
        %dma_start3A_114 = arith.constant 0 : i32
        %dma_start3A_115 = arith.constant 0 : i32
        %dma_start3A_116 = tpu.memref_slice %arg2[%dma_start3A_114, %dma_start3A_115] : memref<10000x128xf32, #tpu.memory_space<hbm>> -> memref<10000x128xf32, #tpu.memory_space<hbm>>
        tpu.enqueue_indirect_dma source(%dma_start3A_116 : memref<10000x128xf32, #tpu.memory_space<hbm>>) target(%arg9 : memref<125x128xf32, #tpu.memory_space<vmem>>) offsets(%dma_start3A_113 : memref<125xi32, #tpu.memory_space<vmem>>) semaphore(%arg12 : memref<!tpu.dma_semaphore, #tpu.memory_space<semaphore_mem>>)
      } else {
      }
      %dma_wait3A_105 = arith.constant 0 : i32
      %dma_wait3A_106 = tpu.memref_slice %arg7[%add3A_97, %dma_wait3A_105] : memref<16x125xi32, #tpu.memory_space<vmem>> -> memref<1x125xi32, #tpu.memory_space<vmem>>
      %dma_wait3A_107 = tpu.memref_squeeze %dma_wait3A_106 : memref<1x125xi32, #tpu.memory_space<vmem>> -> memref<125xi32, #tpu.memory_space<vmem>>
      %dma_wait3A_108 = arith.constant 0 : i32
      %dma_wait3A_109 = arith.constant 0 : i32
      %dma_wait3A_110 = tpu.memref_slice %arg2[%dma_wait3A_108, %dma_wait3A_109] : memref<10000x128xf32, #tpu.memory_space<hbm>> -> memref<10000x128xf32, #tpu.memory_space<hbm>>
      tpu.wait_indirect_dma semaphore(%arg13 : memref<!tpu.dma_semaphore, #tpu.memory_space<semaphore_mem>>) src(%dma_wait3A_110 : memref<10000x128xf32, #tpu.memory_space<hbm>>) dst(%arg10 : memref<125x128xf32, #tpu.memory_space<vmem>>)
      "tpu.region"() ({
        %run_scoped3A_111 = tpu.sem_alloc : memref<!tpu.dma_semaphore, #tpu.memory_space<semaphore_mem>>
        %dma_start3A_112 = arith.constant 0 : i32
        %dma_start3A_113 = tpu.memref_slice %arg8[%add3A_97, %dma_start3A_112] : memref<16x125xi32, #tpu.memory_space<vmem>> -> memref<1x125xi32, #tpu.memory_space<vmem>>
        %dma_start3A_114 = tpu.memref_squeeze %dma_start3A_113 : memref<1x125xi32, #tpu.memory_space<vmem>> -> memref<125xi32, #tpu.memory_space<vmem>>
        %dma_start3A_115 = arith.constant 0 : i32
        %dma_start3A_116 = arith.constant 0 : i32
        %dma_start3A_117 = tpu.memref_slice %arg11[%dma_start3A_115, %dma_start3A_116] : memref<10240x128xf32, #tpu.memory_space<vmem_shared>> -> memref<10240x128xf32, #tpu.memory_space<vmem_shared>>
        tpu.enqueue_indirect_dma source(%arg10 : memref<125x128xf32, #tpu.memory_space<vmem>>) target(%dma_start3A_117 : memref<10240x128xf32, #tpu.memory_space<vmem_shared>>) offsets(%dma_start3A_114 : memref<125xi32, #tpu.memory_space<vmem>>) semaphore(%run_scoped3A_111 : memref<!tpu.dma_semaphore, #tpu.memory_space<semaphore_mem>>) {add = true}
        %dma_wait3A_118 = arith.constant 0 : i32
        %dma_wait3A_119 = tpu.memref_slice %arg8[%add3A_97, %dma_wait3A_118] : memref<16x125xi32, #tpu.memory_space<vmem>> -> memref<1x125xi32, #tpu.memory_space<vmem>>
        %dma_wait3A_120 = tpu.memref_squeeze %dma_wait3A_119 : memref<1x125xi32, #tpu.memory_space<vmem>> -> memref<125xi32, #tpu.memory_space<vmem>>
        %dma_wait3A_121 = arith.constant 0 : i32
        %dma_wait3A_122 = arith.constant 0 : i32
        %dma_wait3A_123 = tpu.memref_slice %arg11[%dma_wait3A_121, %dma_wait3A_122] : memref<10240x128xf32, #tpu.memory_space<vmem_shared>> -> memref<10240x128xf32, #tpu.memory_space<vmem_shared>>
        tpu.wait_indirect_dma semaphore(%run_scoped3A_111 : memref<!tpu.dma_semaphore, #tpu.memory_space<semaphore_mem>>) src(%arg10 : memref<125x128xf32, #tpu.memory_space<vmem>>) dst(%dma_wait3A_123 : memref<10240x128xf32, #tpu.memory_space<vmem_shared>>)
        tpu.yield
      }) : () -> ()
    }
    %scan3A_59 = arith.constant 8 : i32
    %run_scoped3A_60 = arith.constant 4 : i32
    "tpu.region"() ({
      %run_scoped3A_80 = tpu.sem_alloc : memref<!tpu.dma_semaphore, #tpu.memory_space<semaphore_mem>>
      %dma_start3A_81 = arith.constant 0 : i32
      %dma_start3A_82 = arith.constant 0 : i32
      %dma_start3A_83 = tpu.memref_slice %arg3[%add3A, %run_scoped3A_60, %dma_start3A_81, %dma_start3A_82] : memref<32x5x16x125xi32, #tpu.memory_space<hbm>> -> memref<1x1x16x125xi32, #tpu.memory_space<hbm>>
      %dma_start3A_84 = tpu.memref_squeeze %dma_start3A_83 : memref<1x1x16x125xi32, #tpu.memory_space<hbm>> -> memref<16x125xi32, #tpu.memory_space<hbm>>
      %dma_start3A_85 = arith.constant 0 : i32
      %dma_start3A_86 = arith.constant 0 : i32
      %dma_start3A_87 = tpu.memref_slice %arg3[%add3A, %run_scoped3A_60, %dma_start3A_85, %dma_start3A_86] : memref<32x5x16x125xi32, #tpu.memory_space<hbm>> -> memref<1x1x16x125xi32, #tpu.memory_space<hbm>>
      %dma_start3A_88 = tpu.memref_squeeze %dma_start3A_87 : memref<1x1x16x125xi32, #tpu.memory_space<hbm>> -> memref<16x125xi32, #tpu.memory_space<hbm>>
      tpu.enqueue_dma source(%dma_start3A_88 : memref<16x125xi32, #tpu.memory_space<hbm>>) target(%arg7 : memref<16x125xi32, #tpu.memory_space<vmem>>) target_semaphore(%run_scoped3A_80 : memref<!tpu.dma_semaphore, #tpu.memory_space<semaphore_mem>>)
      %dma_wait3A = arith.constant 0 : i32
      %dma_wait3A_89 = arith.constant 0 : i32
      %dma_wait3A_90 = tpu.memref_slice %arg3[%add3A, %run_scoped3A_60, %dma_wait3A, %dma_wait3A_89] : memref<32x5x16x125xi32, #tpu.memory_space<hbm>> -> memref<1x1x16x125xi32, #tpu.memory_space<hbm>>
      %dma_wait3A_91 = tpu.memref_squeeze %dma_wait3A_90 : memref<1x1x16x125xi32, #tpu.memory_space<hbm>> -> memref<16x125xi32, #tpu.memory_space<hbm>>
      %dma_wait3A_92 = arith.constant 0 : i32
      %dma_wait3A_93 = arith.constant 0 : i32
      %dma_wait3A_94 = tpu.memref_slice %arg3[%add3A, %run_scoped3A_60, %dma_wait3A_92, %dma_wait3A_93] : memref<32x5x16x125xi32, #tpu.memory_space<hbm>> -> memref<1x1x16x125xi32, #tpu.memory_space<hbm>>
      %dma_wait3A_95 = tpu.memref_squeeze %dma_wait3A_94 : memref<1x1x16x125xi32, #tpu.memory_space<hbm>> -> memref<16x125xi32, #tpu.memory_space<hbm>>
      tpu.wait_dma2 semaphore(%run_scoped3A_80 : memref<!tpu.dma_semaphore, #tpu.memory_space<semaphore_mem>>) src(%dma_wait3A_95 : memref<16x125xi32, #tpu.memory_space<hbm>>) dst(%arg7 : memref<16x125xi32, #tpu.memory_space<vmem>>)
      tpu.yield
    }) : () -> ()
    %run_scoped3A_61 = arith.constant 4 : i32
    "tpu.region"() ({
      %run_scoped3A_80 = tpu.sem_alloc : memref<!tpu.dma_semaphore, #tpu.memory_space<semaphore_mem>>
      %dma_start3A_81 = arith.constant 0 : i32
      %dma_start3A_82 = arith.constant 0 : i32
      %dma_start3A_83 = tpu.memref_slice %arg4[%add3A, %run_scoped3A_61, %dma_start3A_81, %dma_start3A_82] : memref<32x5x16x125xi32, #tpu.memory_space<hbm>> -> memref<1x1x16x125xi32, #tpu.memory_space<hbm>>
      %dma_start3A_84 = tpu.memref_squeeze %dma_start3A_83 : memref<1x1x16x125xi32, #tpu.memory_space<hbm>> -> memref<16x125xi32, #tpu.memory_space<hbm>>
      %dma_start3A_85 = arith.constant 0 : i32
      %dma_start3A_86 = arith.constant 0 : i32
      %dma_start3A_87 = tpu.memref_slice %arg4[%add3A, %run_scoped3A_61, %dma_start3A_85, %dma_start3A_86] : memref<32x5x16x125xi32, #tpu.memory_space<hbm>> -> memref<1x1x16x125xi32, #tpu.memory_space<hbm>>
      %dma_start3A_88 = tpu.memref_squeeze %dma_start3A_87 : memref<1x1x16x125xi32, #tpu.memory_space<hbm>> -> memref<16x125xi32, #tpu.memory_space<hbm>>
      tpu.enqueue_dma source(%dma_start3A_88 : memref<16x125xi32, #tpu.memory_space<hbm>>) target(%arg8 : memref<16x125xi32, #tpu.memory_space<vmem>>) target_semaphore(%run_scoped3A_80 : memref<!tpu.dma_semaphore, #tpu.memory_space<semaphore_mem>>)
      %dma_wait3A = arith.constant 0 : i32
      %dma_wait3A_89 = arith.constant 0 : i32
      %dma_wait3A_90 = tpu.memref_slice %arg4[%add3A, %run_scoped3A_61, %dma_wait3A, %dma_wait3A_89] : memref<32x5x16x125xi32, #tpu.memory_space<hbm>> -> memref<1x1x16x125xi32, #tpu.memory_space<hbm>>
      %dma_wait3A_91 = tpu.memref_squeeze %dma_wait3A_90 : memref<1x1x16x125xi32, #tpu.memory_space<hbm>> -> memref<16x125xi32, #tpu.memory_space<hbm>>
      %dma_wait3A_92 = arith.constant 0 : i32
      %dma_wait3A_93 = arith.constant 0 : i32
      %dma_wait3A_94 = tpu.memref_slice %arg4[%add3A, %run_scoped3A_61, %dma_wait3A_92, %dma_wait3A_93] : memref<32x5x16x125xi32, #tpu.memory_space<hbm>> -> memref<1x1x16x125xi32, #tpu.memory_space<hbm>>
      %dma_wait3A_95 = tpu.memref_squeeze %dma_wait3A_94 : memref<1x1x16x125xi32, #tpu.memory_space<hbm>> -> memref<16x125xi32, #tpu.memory_space<hbm>>
      tpu.wait_dma2 semaphore(%run_scoped3A_80 : memref<!tpu.dma_semaphore, #tpu.memory_space<semaphore_mem>>) src(%dma_wait3A_95 : memref<16x125xi32, #tpu.memory_space<hbm>>) dst(%arg8 : memref<16x125xi32, #tpu.memory_space<vmem>>)
      tpu.yield
    }) : () -> ()
    %dma_start3A_62 = arith.constant 0 : i32
    %dma_start3A_63 = arith.constant 0 : i32
    %dma_start3A_64 = tpu.memref_slice %arg7[%dma_start3A_62, %dma_start3A_63] : memref<16x125xi32, #tpu.memory_space<vmem>> -> memref<1x125xi32, #tpu.memory_space<vmem>>
    %dma_start3A_65 = tpu.memref_squeeze %dma_start3A_64 : memref<1x125xi32, #tpu.memory_space<vmem>> -> memref<125xi32, #tpu.memory_space<vmem>>
    %dma_start3A_66 = arith.constant 0 : i32
    %dma_start3A_67 = arith.constant 0 : i32
    %dma_start3A_68 = tpu.memref_slice %arg2[%dma_start3A_66, %dma_start3A_67] : memref<10000x128xf32, #tpu.memory_space<hbm>> -> memref<10000x128xf32, #tpu.memory_space<hbm>>
    tpu.enqueue_indirect_dma source(%dma_start3A_68 : memref<10000x128xf32, #tpu.memory_space<hbm>>) target(%arg9 : memref<125x128xf32, #tpu.memory_space<vmem>>) offsets(%dma_start3A_65 : memref<125xi32, #tpu.memory_space<vmem>>) semaphore(%arg12 : memref<!tpu.dma_semaphore, #tpu.memory_space<semaphore_mem>>)
    %scan3A_69 = arith.constant 0 : i32
    %scan3A_70 = arith.constant 0 : i32
    %scan3A_71 = arith.constant 8 : i32
    %scan3A_72 = arith.addi %scan3A_70, %scan3A_71 : i32
    %scan3A_73 = arith.constant 1 : i32
    scf.for %scan3A_80 = %scan3A_70 to %scan3A_72 step %scan3A_73  : i32 {
      %mul3A_81 = arith.constant 2 : i32
      %mul3A_82 = arith.muli %scan3A_80, %mul3A_81 : i32
      %add3A_83 = arith.constant 0 : i32
      %add3A_84 = arith.addi %mul3A_82, %add3A_83 : i32
      %add3A_85 = arith.constant 1 : i32
      %add3A_86 = arith.addi %add3A_84, %add3A_85 : i32
      %lt3A = arith.constant 16 : i32
      %lt3A_87 = arith.cmpi slt, %add3A_86, %lt3A : i32
      %convert_element_type3A = arith.extui %lt3A_87 : i1 to i32
      %cond3A = arith.constant 0 : i32
      %cond3A_88 = arith.cmpi ne, %convert_element_type3A, %cond3A : i32
      scf.if %cond3A_88 {
        %dma_start3A_111 = arith.constant 0 : i32
        %dma_start3A_112 = tpu.memref_slice %arg7[%add3A_86, %dma_start3A_111] : memref<16x125xi32, #tpu.memory_space<vmem>> -> memref<1x125xi32, #tpu.memory_space<vmem>>
        %dma_start3A_113 = tpu.memref_squeeze %dma_start3A_112 : memref<1x125xi32, #tpu.memory_space<vmem>> -> memref<125xi32, #tpu.memory_space<vmem>>
        %dma_start3A_114 = arith.constant 0 : i32
        %dma_start3A_115 = arith.constant 0 : i32
        %dma_start3A_116 = tpu.memref_slice %arg2[%dma_start3A_114, %dma_start3A_115] : memref<10000x128xf32, #tpu.memory_space<hbm>> -> memref<10000x128xf32, #tpu.memory_space<hbm>>
        tpu.enqueue_indirect_dma source(%dma_start3A_116 : memref<10000x128xf32, #tpu.memory_space<hbm>>) target(%arg10 : memref<125x128xf32, #tpu.memory_space<vmem>>) offsets(%dma_start3A_113 : memref<125xi32, #tpu.memory_space<vmem>>) semaphore(%arg13 : memref<!tpu.dma_semaphore, #tpu.memory_space<semaphore_mem>>)
      } else {
      }
      %dma_wait3A = arith.constant 0 : i32
      %dma_wait3A_89 = tpu.memref_slice %arg7[%add3A_84, %dma_wait3A] : memref<16x125xi32, #tpu.memory_space<vmem>> -> memref<1x125xi32, #tpu.memory_space<vmem>>
      %dma_wait3A_90 = tpu.memref_squeeze %dma_wait3A_89 : memref<1x125xi32, #tpu.memory_space<vmem>> -> memref<125xi32, #tpu.memory_space<vmem>>
      %dma_wait3A_91 = arith.constant 0 : i32
      %dma_wait3A_92 = arith.constant 0 : i32
      %dma_wait3A_93 = tpu.memref_slice %arg2[%dma_wait3A_91, %dma_wait3A_92] : memref<10000x128xf32, #tpu.memory_space<hbm>> -> memref<10000x128xf32, #tpu.memory_space<hbm>>
      tpu.wait_indirect_dma semaphore(%arg12 : memref<!tpu.dma_semaphore, #tpu.memory_space<semaphore_mem>>) src(%dma_wait3A_93 : memref<10000x128xf32, #tpu.memory_space<hbm>>) dst(%arg9 : memref<125x128xf32, #tpu.memory_space<vmem>>)
      "tpu.region"() ({
        %run_scoped3A_111 = tpu.sem_alloc : memref<!tpu.dma_semaphore, #tpu.memory_space<semaphore_mem>>
        %dma_start3A_112 = arith.constant 0 : i32
        %dma_start3A_113 = tpu.memref_slice %arg8[%add3A_84, %dma_start3A_112] : memref<16x125xi32, #tpu.memory_space<vmem>> -> memref<1x125xi32, #tpu.memory_space<vmem>>
        %dma_start3A_114 = tpu.memref_squeeze %dma_start3A_113 : memref<1x125xi32, #tpu.memory_space<vmem>> -> memref<125xi32, #tpu.memory_space<vmem>>
        %dma_start3A_115 = arith.constant 0 : i32
        %dma_start3A_116 = arith.constant 0 : i32
        %dma_start3A_117 = tpu.memref_slice %arg11[%dma_start3A_115, %dma_start3A_116] : memref<10240x128xf32, #tpu.memory_space<vmem_shared>> -> memref<10240x128xf32, #tpu.memory_space<vmem_shared>>
        tpu.enqueue_indirect_dma source(%arg9 : memref<125x128xf32, #tpu.memory_space<vmem>>) target(%dma_start3A_117 : memref<10240x128xf32, #tpu.memory_space<vmem_shared>>) offsets(%dma_start3A_114 : memref<125xi32, #tpu.memory_space<vmem>>) semaphore(%run_scoped3A_111 : memref<!tpu.dma_semaphore, #tpu.memory_space<semaphore_mem>>) {add = true}
        %dma_wait3A_118 = arith.constant 0 : i32
        %dma_wait3A_119 = tpu.memref_slice %arg8[%add3A_84, %dma_wait3A_118] : memref<16x125xi32, #tpu.memory_space<vmem>> -> memref<1x125xi32, #tpu.memory_space<vmem>>
        %dma_wait3A_120 = tpu.memref_squeeze %dma_wait3A_119 : memref<1x125xi32, #tpu.memory_space<vmem>> -> memref<125xi32, #tpu.memory_space<vmem>>
        %dma_wait3A_121 = arith.constant 0 : i32
        %dma_wait3A_122 = arith.constant 0 : i32
        %dma_wait3A_123 = tpu.memref_slice %arg11[%dma_wait3A_121, %dma_wait3A_122] : memref<10240x128xf32, #tpu.memory_space<vmem_shared>> -> memref<10240x128xf32, #tpu.memory_space<vmem_shared>>
        tpu.wait_indirect_dma semaphore(%run_scoped3A_111 : memref<!tpu.dma_semaphore, #tpu.memory_space<semaphore_mem>>) src(%arg9 : memref<125x128xf32, #tpu.memory_space<vmem>>) dst(%dma_wait3A_123 : memref<10240x128xf32, #tpu.memory_space<vmem_shared>>)
        tpu.yield
      }) : () -> ()
      %mul3A_94 = arith.constant 2 : i32
      %mul3A_95 = arith.muli %scan3A_80, %mul3A_94 : i32
      %add3A_96 = arith.constant 1 : i32
      %add3A_97 = arith.addi %mul3A_95, %add3A_96 : i32
      %add3A_98 = arith.constant 1 : i32
      %add3A_99 = arith.addi %add3A_97, %add3A_98 : i32
      %lt3A_100 = arith.constant 16 : i32
      %lt3A_101 = arith.cmpi slt, %add3A_99, %lt3A_100 : i32
      %convert_element_type3A_102 = arith.extui %lt3A_101 : i1 to i32
      %cond3A_103 = arith.constant 0 : i32
      %cond3A_104 = arith.cmpi ne, %convert_element_type3A_102, %cond3A_103 : i32
      scf.if %cond3A_104 {
        %dma_start3A_111 = arith.constant 0 : i32
        %dma_start3A_112 = tpu.memref_slice %arg7[%add3A_99, %dma_start3A_111] : memref<16x125xi32, #tpu.memory_space<vmem>> -> memref<1x125xi32, #tpu.memory_space<vmem>>
        %dma_start3A_113 = tpu.memref_squeeze %dma_start3A_112 : memref<1x125xi32, #tpu.memory_space<vmem>> -> memref<125xi32, #tpu.memory_space<vmem>>
        %dma_start3A_114 = arith.constant 0 : i32
        %dma_start3A_115 = arith.constant 0 : i32
        %dma_start3A_116 = tpu.memref_slice %arg2[%dma_start3A_114, %dma_start3A_115] : memref<10000x128xf32, #tpu.memory_space<hbm>> -> memref<10000x128xf32, #tpu.memory_space<hbm>>
        tpu.enqueue_indirect_dma source(%dma_start3A_116 : memref<10000x128xf32, #tpu.memory_space<hbm>>) target(%arg9 : memref<125x128xf32, #tpu.memory_space<vmem>>) offsets(%dma_start3A_113 : memref<125xi32, #tpu.memory_space<vmem>>) semaphore(%arg12 : memref<!tpu.dma_semaphore, #tpu.memory_space<semaphore_mem>>)
      } else {
      }
      %dma_wait3A_105 = arith.constant 0 : i32
      %dma_wait3A_106 = tpu.memref_slice %arg7[%add3A_97, %dma_wait3A_105] : memref<16x125xi32, #tpu.memory_space<vmem>> -> memref<1x125xi32, #tpu.memory_space<vmem>>
      %dma_wait3A_107 = tpu.memref_squeeze %dma_wait3A_106 : memref<1x125xi32, #tpu.memory_space<vmem>> -> memref<125xi32, #tpu.memory_space<vmem>>
      %dma_wait3A_108 = arith.constant 0 : i32
      %dma_wait3A_109 = arith.constant 0 : i32
      %dma_wait3A_110 = tpu.memref_slice %arg2[%dma_wait3A_108, %dma_wait3A_109] : memref<10000x128xf32, #tpu.memory_space<hbm>> -> memref<10000x128xf32, #tpu.memory_space<hbm>>
      tpu.wait_indirect_dma semaphore(%arg13 : memref<!tpu.dma_semaphore, #tpu.memory_space<semaphore_mem>>) src(%dma_wait3A_110 : memref<10000x128xf32, #tpu.memory_space<hbm>>) dst(%arg10 : memref<125x128xf32, #tpu.memory_space<vmem>>)
      "tpu.region"() ({
        %run_scoped3A_111 = tpu.sem_alloc : memref<!tpu.dma_semaphore, #tpu.memory_space<semaphore_mem>>
        %dma_start3A_112 = arith.constant 0 : i32
        %dma_start3A_113 = tpu.memref_slice %arg8[%add3A_97, %dma_start3A_112] : memref<16x125xi32, #tpu.memory_space<vmem>> -> memref<1x125xi32, #tpu.memory_space<vmem>>
        %dma_start3A_114 = tpu.memref_squeeze %dma_start3A_113 : memref<1x125xi32, #tpu.memory_space<vmem>> -> memref<125xi32, #tpu.memory_space<vmem>>
        %dma_start3A_115 = arith.constant 0 : i32
        %dma_start3A_116 = arith.constant 0 : i32
        %dma_start3A_117 = tpu.memref_slice %arg11[%dma_start3A_115, %dma_start3A_116] : memref<10240x128xf32, #tpu.memory_space<vmem_shared>> -> memref<10240x128xf32, #tpu.memory_space<vmem_shared>>
        tpu.enqueue_indirect_dma source(%arg10 : memref<125x128xf32, #tpu.memory_space<vmem>>) target(%dma_start3A_117 : memref<10240x128xf32, #tpu.memory_space<vmem_shared>>) offsets(%dma_start3A_114 : memref<125xi32, #tpu.memory_space<vmem>>) semaphore(%run_scoped3A_111 : memref<!tpu.dma_semaphore, #tpu.memory_space<semaphore_mem>>) {add = true}
        %dma_wait3A_118 = arith.constant 0 : i32
        %dma_wait3A_119 = tpu.memref_slice %arg8[%add3A_97, %dma_wait3A_118] : memref<16x125xi32, #tpu.memory_space<vmem>> -> memref<1x125xi32, #tpu.memory_space<vmem>>
        %dma_wait3A_120 = tpu.memref_squeeze %dma_wait3A_119 : memref<1x125xi32, #tpu.memory_space<vmem>> -> memref<125xi32, #tpu.memory_space<vmem>>
        %dma_wait3A_121 = arith.constant 0 : i32
        %dma_wait3A_122 = arith.constant 0 : i32
        %dma_wait3A_123 = tpu.memref_slice %arg11[%dma_wait3A_121, %dma_wait3A_122] : memref<10240x128xf32, #tpu.memory_space<vmem_shared>> -> memref<10240x128xf32, #tpu.memory_space<vmem_shared>>
        tpu.wait_indirect_dma semaphore(%run_scoped3A_111 : memref<!tpu.dma_semaphore, #tpu.memory_space<semaphore_mem>>) src(%arg10 : memref<125x128xf32, #tpu.memory_space<vmem>>) dst(%dma_wait3A_123 : memref<10240x128xf32, #tpu.memory_space<vmem_shared>>)
        tpu.yield
      }) : () -> ()
    }
    %scan3A_74 = arith.constant 8 : i32
    %barrier3A_75 = arith.constant 0 : index
    tpu.barrier barrier_id(%barrier3A_75)
    %mul3A_76 = arith.constant 640 : i32
    %mul3A_77 = arith.muli %arg1, %mul3A_76 : i32
    %mul3A_78 = arith.constant 640 : i32
    %mul3A_79 = arith.muli %arg1, %mul3A_78 : i32
    "tpu.region"() ({
      %run_scoped3A_80 = tpu.sem_alloc : memref<!tpu.dma_semaphore, #tpu.memory_space<semaphore_mem>>
      %dma_start3A_81 = arith.constant 0 : i32
      %dma_start3A_82 = tpu.memref_slice %arg6[%arg0, %mul3A_79, %dma_start3A_81] : memref<2x10240x128xf32, #tpu.memory_space<hbm>> -> memref<1x640x128xf32, #tpu.memory_space<hbm>>
      %dma_start3A_83 = tpu.memref_squeeze %dma_start3A_82 : memref<1x640x128xf32, #tpu.memory_space<hbm>> -> memref<640x128xf32, #tpu.memory_space<hbm>>
      %dma_start3A_84 = arith.constant 0 : i32
      %dma_start3A_85 = tpu.memref_slice %arg11[%mul3A_77, %dma_start3A_84] : memref<10240x128xf32, #tpu.memory_space<vmem_shared>> -> memref<640x128xf32, #tpu.memory_space<vmem_shared>>
      tpu.enqueue_dma source(%dma_start3A_85 : memref<640x128xf32, #tpu.memory_space<vmem_shared>>) target(%dma_start3A_83 : memref<640x128xf32, #tpu.memory_space<hbm>>) target_semaphore(%run_scoped3A_80 : memref<!tpu.dma_semaphore, #tpu.memory_space<semaphore_mem>>)
      %dma_wait3A = arith.constant 0 : i32
      %dma_wait3A_86 = tpu.memref_slice %arg6[%arg0, %mul3A_79, %dma_wait3A] : memref<2x10240x128xf32, #tpu.memory_space<hbm>> -> memref<1x640x128xf32, #tpu.memory_space<hbm>>
      %dma_wait3A_87 = tpu.memref_squeeze %dma_wait3A_86 : memref<1x640x128xf32, #tpu.memory_space<hbm>> -> memref<640x128xf32, #tpu.memory_space<hbm>>
      %dma_wait3A_88 = arith.constant 0 : i32
      %dma_wait3A_89 = tpu.memref_slice %arg11[%mul3A_77, %dma_wait3A_88] : memref<10240x128xf32, #tpu.memory_space<vmem_shared>> -> memref<640x128xf32, #tpu.memory_space<vmem_shared>>
      tpu.wait_dma2 semaphore(%run_scoped3A_80 : memref<!tpu.dma_semaphore, #tpu.memory_space<semaphore_mem>>) src(%dma_wait3A_89 : memref<640x128xf32, #tpu.memory_space<vmem_shared>>) dst(%dma_wait3A_87 : memref<640x128xf32, #tpu.memory_space<hbm>>)
      tpu.yield
    }) : () -> ()
    return
  }
}

#map = affine_map<(d0, d1) -> (0, 0)>
#map1 = affine_map<(d0, d1) -> (0, 0, 0, 0)>
#map2 = affine_map<(d0, d1) -> (0, 0, 0)>
module attributes {stable_mosaic.version = 14 : i64} {
  func.func @_spmm_body(%arg0: i32, %arg1: i32, %arg2: memref<10000x128xf32, #tpu.memory_space<hbm>>, %arg3: memref<32x5x16x125xi32, #tpu.memory_space<hbm>>, %arg4: memref<32x5x16x125xi32, #tpu.memory_space<hbm>>, %arg5: memref<640x128xf32, #tpu.memory_space<hbm>>, %arg6: memref<2x10240x128xf32, #tpu.memory_space<hbm>>, %arg7: memref<16x125xi32, #tpu.memory_space<vmem>>, %arg8: memref<16x125xi32, #tpu.memory_space<vmem>>, %arg9: memref<125x128xf32, #tpu.memory_space<vmem>>, %arg10: memref<125x128xf32, #tpu.memory_space<vmem>>, %arg11: memref<10240x128xf32, #tpu.memory_space<vmem_shared>>, %arg12: memref<!tpu.dma_semaphore, #tpu.memory_space<semaphore_mem>>, %arg13: memref<!tpu.dma_semaphore, #tpu.memory_space<semaphore_mem>>) attributes {dimension_semantics = [#tpu.dimension_semantics<core_parallel>, #tpu.dimension_semantics<subcore_parallel>], iteration_bounds = array<i64: 2, 16>, scalar_prefetch = 0 : i64, scratch_operands = 7 : i64, tpu.core_type = #tpu.core_type<sc_vector_subcore>, window_params = [{transform_indices = #map}, {transform_indices = #map1}, {transform_indices = #map1}, {transform_indices = #map}, {transform_indices = #map2}]} {
    %mul3A = arith.constant 2 : i32
    %mul3A_0 = arith.muli %arg1, %mul3A : i32
    %add3A = arith.addi %mul3A_0, %arg0 : i32
    %mul3A_1 = arith.constant 640 : i32
    %mul3A_2 = arith.muli %arg1, %mul3A_1 : i32
    "tpu.region"() ({
      %run_scoped3A_80 = tpu.sem_alloc : memref<!tpu.dma_semaphore, #tpu.memory_space<semaphore_mem>>
      %dma_start3A_81 = arith.constant 0 : i32
      %dma_start3A_82 = tpu.memref_slice %arg11[%mul3A_2, %dma_start3A_81] : memref<10240x128xf32, #tpu.memory_space<vmem_shared>> -> memref<640x128xf32, #tpu.memory_space<vmem_shared>>
      tpu.enqueue_dma source(%arg5 : memref<640x128xf32, #tpu.memory_space<hbm>>) target(%dma_start3A_82 : memref<640x128xf32, #tpu.memory_space<vmem_shared>>) target_semaphore(%run_scoped3A_80 : memref<!tpu.dma_semaphore, #tpu.memory_space<semaphore_mem>>)
      %dma_wait3A = arith.constant 0 : i32
      %dma_wait3A_83 = tpu.memref_slice %arg11[%mul3A_2, %dma_wait3A] : memref<10240x128xf32, #tpu.memory_space<vmem_shared>> -> memref<640x128xf32, #tpu.memory_space<vmem_shared>>
      tpu.wait_dma2 semaphore(%run_scoped3A_80 : memref<!tpu.dma_semaphore, #tpu.memory_space<semaphore_mem>>) src(%arg5 : memref<640x128xf32, #tpu.memory_space<hbm>>) dst(%dma_wait3A_83 : memref<640x128xf32, #tpu.memory_space<vmem_shared>>)
      tpu.yield
    }) : () -> ()
    %barrier3A = arith.constant 0 : index
    tpu.barrier barrier_id(%barrier3A)
    %run_scoped3A = arith.constant 0 : i32
    "tpu.region"() ({
      %run_scoped3A_80 = tpu.sem_alloc : memref<!tpu.dma_semaphore, #tpu.memory_space<semaphore_mem>>
      %dma_start3A_81 = arith.constant 0 : i32
      %dma_start3A_82 = arith.constant 0 : i32
      %dma_start3A_83 = tpu.memref_slice %arg3[%add3A, %run_scoped3A, %dma_start3A_81, %dma_start3A_82] : memref<32x5x16x125xi32, #tpu.memory_space<hbm>> -> memref<1x1x16x125xi32, #tpu.memory_space<hbm>>
      %dma_start3A_84 = tpu.memref_squeeze %dma_start3A_83 : memref<1x1x16x125xi32, #tpu.memory_space<hbm>> -> memref<16x125xi32, #tpu.memory_space<hbm>>
      %dma_start3A_85 = arith.constant 0 : i32
      %dma_start3A_86 = arith.constant 0 : i32
      %dma_start3A_87 = tpu.memref_slice %arg3[%add3A, %run_scoped3A, %dma_start3A_85, %dma_start3A_86] : memref<32x5x16x125xi32, #tpu.memory_space<hbm>> -> memref<1x1x16x125xi32, #tpu.memory_space<hbm>>
      %dma_start3A_88 = tpu.memref_squeeze %dma_start3A_87 : memref<1x1x16x125xi32, #tpu.memory_space<hbm>> -> memref<16x125xi32, #tpu.memory_space<hbm>>
      tpu.enqueue_dma source(%dma_start3A_88 : memref<16x125xi32, #tpu.memory_space<hbm>>) target(%arg7 : memref<16x125xi32, #tpu.memory_space<vmem>>) target_semaphore(%run_scoped3A_80 : memref<!tpu.dma_semaphore, #tpu.memory_space<semaphore_mem>>)
      %dma_wait3A = arith.constant 0 : i32
      %dma_wait3A_89 = arith.constant 0 : i32
      %dma_wait3A_90 = tpu.memref_slice %arg3[%add3A, %run_scoped3A, %dma_wait3A, %dma_wait3A_89] : memref<32x5x16x125xi32, #tpu.memory_space<hbm>> -> memref<1x1x16x125xi32, #tpu.memory_space<hbm>>
      %dma_wait3A_91 = tpu.memref_squeeze %dma_wait3A_90 : memref<1x1x16x125xi32, #tpu.memory_space<hbm>> -> memref<16x125xi32, #tpu.memory_space<hbm>>
      %dma_wait3A_92 = arith.constant 0 : i32
      %dma_wait3A_93 = arith.constant 0 : i32
      %dma_wait3A_94 = tpu.memref_slice %arg3[%add3A, %run_scoped3A, %dma_wait3A_92, %dma_wait3A_93] : memref<32x5x16x125xi32, #tpu.memory_space<hbm>> -> memref<1x1x16x125xi32, #tpu.memory_space<hbm>>
      %dma_wait3A_95 = tpu.memref_squeeze %dma_wait3A_94 : memref<1x1x16x125xi32, #tpu.memory_space<hbm>> -> memref<16x125xi32, #tpu.memory_space<hbm>>
      tpu.wait_dma2 semaphore(%run_scoped3A_80 : memref<!tpu.dma_semaphore, #tpu.memory_space<semaphore_mem>>) src(%dma_wait3A_95 : memref<16x125xi32, #tpu.memory_space<hbm>>) dst(%arg7 : memref<16x125xi32, #tpu.memory_space<vmem>>)
      tpu.yield
    }) : () -> ()
    %run_scoped3A_3 = arith.constant 0 : i32
    "tpu.region"() ({
      %run_scoped3A_80 = tpu.sem_alloc : memref<!tpu.dma_semaphore, #tpu.memory_space<semaphore_mem>>
      %dma_start3A_81 = arith.constant 0 : i32
      %dma_start3A_82 = arith.constant 0 : i32
      %dma_start3A_83 = tpu.memref_slice %arg4[%add3A, %run_scoped3A_3, %dma_start3A_81, %dma_start3A_82] : memref<32x5x16x125xi32, #tpu.memory_space<hbm>> -> memref<1x1x16x125xi32, #tpu.memory_space<hbm>>
      %dma_start3A_84 = tpu.memref_squeeze %dma_start3A_83 : memref<1x1x16x125xi32, #tpu.memory_space<hbm>> -> memref<16x125xi32, #tpu.memory_space<hbm>>
      %dma_start3A_85 = arith.constant 0 : i32
      %dma_start3A_86 = arith.constant 0 : i32
      %dma_start3A_87 = tpu.memref_slice %arg4[%add3A, %run_scoped3A_3, %dma_start3A_85, %dma_start3A_86] : memref<32x5x16x125xi32, #tpu.memory_space<hbm>> -> memref<1x1x16x125xi32, #tpu.memory_space<hbm>>
      %dma_start3A_88 = tpu.memref_squeeze %dma_start3A_87 : memref<1x1x16x125xi32, #tpu.memory_space<hbm>> -> memref<16x125xi32, #tpu.memory_space<hbm>>
      tpu.enqueue_dma source(%dma_start3A_88 : memref<16x125xi32, #tpu.memory_space<hbm>>) target(%arg8 : memref<16x125xi32, #tpu.memory_space<vmem>>) target_semaphore(%run_scoped3A_80 : memref<!tpu.dma_semaphore, #tpu.memory_space<semaphore_mem>>)
      %dma_wait3A = arith.constant 0 : i32
      %dma_wait3A_89 = arith.constant 0 : i32
      %dma_wait3A_90 = tpu.memref_slice %arg4[%add3A, %run_scoped3A_3, %dma_wait3A, %dma_wait3A_89] : memref<32x5x16x125xi32, #tpu.memory_space<hbm>> -> memref<1x1x16x125xi32, #tpu.memory_space<hbm>>
      %dma_wait3A_91 = tpu.memref_squeeze %dma_wait3A_90 : memref<1x1x16x125xi32, #tpu.memory_space<hbm>> -> memref<16x125xi32, #tpu.memory_space<hbm>>
      %dma_wait3A_92 = arith.constant 0 : i32
      %dma_wait3A_93 = arith.constant 0 : i32
      %dma_wait3A_94 = tpu.memref_slice %arg4[%add3A, %run_scoped3A_3, %dma_wait3A_92, %dma_wait3A_93] : memref<32x5x16x125xi32, #tpu.memory_space<hbm>> -> memref<1x1x16x125xi32, #tpu.memory_space<hbm>>
      %dma_wait3A_95 = tpu.memref_squeeze %dma_wait3A_94 : memref<1x1x16x125xi32, #tpu.memory_space<hbm>> -> memref<16x125xi32, #tpu.memory_space<hbm>>
      tpu.wait_dma2 semaphore(%run_scoped3A_80 : memref<!tpu.dma_semaphore, #tpu.memory_space<semaphore_mem>>) src(%dma_wait3A_95 : memref<16x125xi32, #tpu.memory_space<hbm>>) dst(%arg8 : memref<16x125xi32, #tpu.memory_space<vmem>>)
      tpu.yield
    }) : () -> ()
    %dma_start3A = arith.constant 0 : i32
    %dma_start3A_4 = arith.constant 0 : i32
    %dma_start3A_5 = tpu.memref_slice %arg7[%dma_start3A, %dma_start3A_4] : memref<16x125xi32, #tpu.memory_space<vmem>> -> memref<1x125xi32, #tpu.memory_space<vmem>>
    %dma_start3A_6 = tpu.memref_squeeze %dma_start3A_5 : memref<1x125xi32, #tpu.memory_space<vmem>> -> memref<125xi32, #tpu.memory_space<vmem>>
    %dma_start3A_7 = arith.constant 0 : i32
    %dma_start3A_8 = arith.constant 0 : i32
    %dma_start3A_9 = tpu.memref_slice %arg2[%dma_start3A_7, %dma_start3A_8] : memref<10000x128xf32, #tpu.memory_space<hbm>> -> memref<10000x128xf32, #tpu.memory_space<hbm>>
    tpu.enqueue_indirect_dma source(%dma_start3A_9 : memref<10000x128xf32, #tpu.memory_space<hbm>>) target(%arg9 : memref<125x128xf32, #tpu.memory_space<vmem>>) offsets(%dma_start3A_6 : memref<125xi32, #tpu.memory_space<vmem>>) semaphore(%arg12 : memref<!tpu.dma_semaphore, #tpu.memory_space<semaphore_mem>>)
    %scan3A = arith.constant 0 : i32
    %scan3A_10 = arith.constant 0 : i32
    %scan3A_11 = arith.constant 8 : i32
    %scan3A_12 = arith.addi %scan3A_10, %scan3A_11 : i32
    %scan3A_13 = arith.constant 1 : i32
    scf.for %scan3A_80 = %scan3A_10 to %scan3A_12 step %scan3A_13  : i32 {
      %mul3A_81 = arith.constant 2 : i32
      %mul3A_82 = arith.muli %scan3A_80, %mul3A_81 : i32
      %add3A_83 = arith.constant 0 : i32
      %add3A_84 = arith.addi %mul3A_82, %add3A_83 : i32
      %add3A_85 = arith.constant 1 : i32
      %add3A_86 = arith.addi %add3A_84, %add3A_85 : i32
      %lt3A = arith.constant 16 : i32
      %lt3A_87 = arith.cmpi slt, %add3A_86, %lt3A : i32
      %convert_element_type3A = arith.extui %lt3A_87 : i1 to i32
      %cond3A = arith.constant 0 : i32
      %cond3A_88 = arith.cmpi ne, %convert_element_type3A, %cond3A : i32
      scf.if %cond3A_88 {
        %dma_start3A_111 = arith.constant 0 : i32
        %dma_start3A_112 = tpu.memref_slice %arg7[%add3A_86, %dma_start3A_111] : memref<16x125xi32, #tpu.memory_space<vmem>> -> memref<1x125xi32, #tpu.memory_space<vmem>>
        %dma_start3A_113 = tpu.memref_squeeze %dma_start3A_112 : memref<1x125xi32, #tpu.memory_space<vmem>> -> memref<125xi32, #tpu.memory_space<vmem>>
        %dma_start3A_114 = arith.constant 0 : i32
        %dma_start3A_115 = arith.constant 0 : i32
        %dma_start3A_116 = tpu.memref_slice %arg2[%dma_start3A_114, %dma_start3A_115] : memref<10000x128xf32, #tpu.memory_space<hbm>> -> memref<10000x128xf32, #tpu.memory_space<hbm>>
        tpu.enqueue_indirect_dma source(%dma_start3A_116 : memref<10000x128xf32, #tpu.memory_space<hbm>>) target(%arg10 : memref<125x128xf32, #tpu.memory_space<vmem>>) offsets(%dma_start3A_113 : memref<125xi32, #tpu.memory_space<vmem>>) semaphore(%arg13 : memref<!tpu.dma_semaphore, #tpu.memory_space<semaphore_mem>>)
      } else {
      }
      %dma_wait3A = arith.constant 0 : i32
      %dma_wait3A_89 = tpu.memref_slice %arg7[%add3A_84, %dma_wait3A] : memref<16x125xi32, #tpu.memory_space<vmem>> -> memref<1x125xi32, #tpu.memory_space<vmem>>
      %dma_wait3A_90 = tpu.memref_squeeze %dma_wait3A_89 : memref<1x125xi32, #tpu.memory_space<vmem>> -> memref<125xi32, #tpu.memory_space<vmem>>
      %dma_wait3A_91 = arith.constant 0 : i32
      %dma_wait3A_92 = arith.constant 0 : i32
      %dma_wait3A_93 = tpu.memref_slice %arg2[%dma_wait3A_91, %dma_wait3A_92] : memref<10000x128xf32, #tpu.memory_space<hbm>> -> memref<10000x128xf32, #tpu.memory_space<hbm>>
      tpu.wait_indirect_dma semaphore(%arg12 : memref<!tpu.dma_semaphore, #tpu.memory_space<semaphore_mem>>) src(%dma_wait3A_93 : memref<10000x128xf32, #tpu.memory_space<hbm>>) dst(%arg9 : memref<125x128xf32, #tpu.memory_space<vmem>>)
      "tpu.region"() ({
        %run_scoped3A_111 = tpu.sem_alloc : memref<!tpu.dma_semaphore, #tpu.memory_space<semaphore_mem>>
        %dma_start3A_112 = arith.constant 0 : i32
        %dma_start3A_113 = tpu.memref_slice %arg8[%add3A_84, %dma_start3A_112] : memref<16x125xi32, #tpu.memory_space<vmem>> -> memref<1x125xi32, #tpu.memory_space<vmem>>
        %dma_start3A_114 = tpu.memref_squeeze %dma_start3A_113 : memref<1x125xi32, #tpu.memory_space<vmem>> -> memref<125xi32, #tpu.memory_space<vmem>>
        %dma_start3A_115 = arith.constant 0 : i32
        %dma_start3A_116 = arith.constant 0 : i32
        %dma_start3A_117 = tpu.memref_slice %arg11[%dma_start3A_115, %dma_start3A_116] : memref<10240x128xf32, #tpu.memory_space<vmem_shared>> -> memref<10240x128xf32, #tpu.memory_space<vmem_shared>>
        tpu.enqueue_indirect_dma source(%arg9 : memref<125x128xf32, #tpu.memory_space<vmem>>) target(%dma_start3A_117 : memref<10240x128xf32, #tpu.memory_space<vmem_shared>>) offsets(%dma_start3A_114 : memref<125xi32, #tpu.memory_space<vmem>>) semaphore(%run_scoped3A_111 : memref<!tpu.dma_semaphore, #tpu.memory_space<semaphore_mem>>) {add = true}
        %dma_wait3A_118 = arith.constant 0 : i32
        %dma_wait3A_119 = tpu.memref_slice %arg8[%add3A_84, %dma_wait3A_118] : memref<16x125xi32, #tpu.memory_space<vmem>> -> memref<1x125xi32, #tpu.memory_space<vmem>>
        %dma_wait3A_120 = tpu.memref_squeeze %dma_wait3A_119 : memref<1x125xi32, #tpu.memory_space<vmem>> -> memref<125xi32, #tpu.memory_space<vmem>>
        %dma_wait3A_121 = arith.constant 0 : i32
        %dma_wait3A_122 = arith.constant 0 : i32
        %dma_wait3A_123 = tpu.memref_slice %arg11[%dma_wait3A_121, %dma_wait3A_122] : memref<10240x128xf32, #tpu.memory_space<vmem_shared>> -> memref<10240x128xf32, #tpu.memory_space<vmem_shared>>
        tpu.wait_indirect_dma semaphore(%run_scoped3A_111 : memref<!tpu.dma_semaphore, #tpu.memory_space<semaphore_mem>>) src(%arg9 : memref<125x128xf32, #tpu.memory_space<vmem>>) dst(%dma_wait3A_123 : memref<10240x128xf32, #tpu.memory_space<vmem_shared>>)
        tpu.yield
      }) : () -> ()
      %mul3A_94 = arith.constant 2 : i32
      %mul3A_95 = arith.muli %scan3A_80, %mul3A_94 : i32
      %add3A_96 = arith.constant 1 : i32
      %add3A_97 = arith.addi %mul3A_95, %add3A_96 : i32
      %add3A_98 = arith.constant 1 : i32
      %add3A_99 = arith.addi %add3A_97, %add3A_98 : i32
      %lt3A_100 = arith.constant 16 : i32
      %lt3A_101 = arith.cmpi slt, %add3A_99, %lt3A_100 : i32
      %convert_element_type3A_102 = arith.extui %lt3A_101 : i1 to i32
      %cond3A_103 = arith.constant 0 : i32
      %cond3A_104 = arith.cmpi ne, %convert_element_type3A_102, %cond3A_103 : i32
      scf.if %cond3A_104 {
        %dma_start3A_111 = arith.constant 0 : i32
        %dma_start3A_112 = tpu.memref_slice %arg7[%add3A_99, %dma_start3A_111] : memref<16x125xi32, #tpu.memory_space<vmem>> -> memref<1x125xi32, #tpu.memory_space<vmem>>
        %dma_start3A_113 = tpu.memref_squeeze %dma_start3A_112 : memref<1x125xi32, #tpu.memory_space<vmem>> -> memref<125xi32, #tpu.memory_space<vmem>>
        %dma_start3A_114 = arith.constant 0 : i32
        %dma_start3A_115 = arith.constant 0 : i32
        %dma_start3A_116 = tpu.memref_slice %arg2[%dma_start3A_114, %dma_start3A_115] : memref<10000x128xf32, #tpu.memory_space<hbm>> -> memref<10000x128xf32, #tpu.memory_space<hbm>>
        tpu.enqueue_indirect_dma source(%dma_start3A_116 : memref<10000x128xf32, #tpu.memory_space<hbm>>) target(%arg9 : memref<125x128xf32, #tpu.memory_space<vmem>>) offsets(%dma_start3A_113 : memref<125xi32, #tpu.memory_space<vmem>>) semaphore(%arg12 : memref<!tpu.dma_semaphore, #tpu.memory_space<semaphore_mem>>)
      } else {
      }
      %dma_wait3A_105 = arith.constant 0 : i32
      %dma_wait3A_106 = tpu.memref_slice %arg7[%add3A_97, %dma_wait3A_105] : memref<16x125xi32, #tpu.memory_space<vmem>> -> memref<1x125xi32, #tpu.memory_space<vmem>>
      %dma_wait3A_107 = tpu.memref_squeeze %dma_wait3A_106 : memref<1x125xi32, #tpu.memory_space<vmem>> -> memref<125xi32, #tpu.memory_space<vmem>>
      %dma_wait3A_108 = arith.constant 0 : i32
      %dma_wait3A_109 = arith.constant 0 : i32
      %dma_wait3A_110 = tpu.memref_slice %arg2[%dma_wait3A_108, %dma_wait3A_109] : memref<10000x128xf32, #tpu.memory_space<hbm>> -> memref<10000x128xf32, #tpu.memory_space<hbm>>
      tpu.wait_indirect_dma semaphore(%arg13 : memref<!tpu.dma_semaphore, #tpu.memory_space<semaphore_mem>>) src(%dma_wait3A_110 : memref<10000x128xf32, #tpu.memory_space<hbm>>) dst(%arg10 : memref<125x128xf32, #tpu.memory_space<vmem>>)
      "tpu.region"() ({
        %run_scoped3A_111 = tpu.sem_alloc : memref<!tpu.dma_semaphore, #tpu.memory_space<semaphore_mem>>
        %dma_start3A_112 = arith.constant 0 : i32
        %dma_start3A_113 = tpu.memref_slice %arg8[%add3A_97, %dma_start3A_112] : memref<16x125xi32, #tpu.memory_space<vmem>> -> memref<1x125xi32, #tpu.memory_space<vmem>>
        %dma_start3A_114 = tpu.memref_squeeze %dma_start3A_113 : memref<1x125xi32, #tpu.memory_space<vmem>> -> memref<125xi32, #tpu.memory_space<vmem>>
        %dma_start3A_115 = arith.constant 0 : i32
        %dma_start3A_116 = arith.constant 0 : i32
        %dma_start3A_117 = tpu.memref_slice %arg11[%dma_start3A_115, %dma_start3A_116] : memref<10240x128xf32, #tpu.memory_space<vmem_shared>> -> memref<10240x128xf32, #tpu.memory_space<vmem_shared>>
        tpu.enqueue_indirect_dma source(%arg10 : memref<125x128xf32, #tpu.memory_space<vmem>>) target(%dma_start3A_117 : memref<10240x128xf32, #tpu.memory_space<vmem_shared>>) offsets(%dma_start3A_114 : memref<125xi32, #tpu.memory_space<vmem>>) semaphore(%run_scoped3A_111 : memref<!tpu.dma_semaphore, #tpu.memory_space<semaphore_mem>>) {add = true}
        %dma_wait3A_118 = arith.constant 0 : i32
        %dma_wait3A_119 = tpu.memref_slice %arg8[%add3A_97, %dma_wait3A_118] : memref<16x125xi32, #tpu.memory_space<vmem>> -> memref<1x125xi32, #tpu.memory_space<vmem>>
        %dma_wait3A_120 = tpu.memref_squeeze %dma_wait3A_119 : memref<1x125xi32, #tpu.memory_space<vmem>> -> memref<125xi32, #tpu.memory_space<vmem>>
        %dma_wait3A_121 = arith.constant 0 : i32
        %dma_wait3A_122 = arith.constant 0 : i32
        %dma_wait3A_123 = tpu.memref_slice %arg11[%dma_wait3A_121, %dma_wait3A_122] : memref<10240x128xf32, #tpu.memory_space<vmem_shared>> -> memref<10240x128xf32, #tpu.memory_space<vmem_shared>>
        tpu.wait_indirect_dma semaphore(%run_scoped3A_111 : memref<!tpu.dma_semaphore, #tpu.memory_space<semaphore_mem>>) src(%arg10 : memref<125x128xf32, #tpu.memory_space<vmem>>) dst(%dma_wait3A_123 : memref<10240x128xf32, #tpu.memory_space<vmem_shared>>)
        tpu.yield
      }) : () -> ()
    }
    %scan3A_14 = arith.constant 8 : i32
    %run_scoped3A_15 = arith.constant 1 : i32
    "tpu.region"() ({
      %run_scoped3A_80 = tpu.sem_alloc : memref<!tpu.dma_semaphore, #tpu.memory_space<semaphore_mem>>
      %dma_start3A_81 = arith.constant 0 : i32
      %dma_start3A_82 = arith.constant 0 : i32
      %dma_start3A_83 = tpu.memref_slice %arg3[%add3A, %run_scoped3A_15, %dma_start3A_81, %dma_start3A_82] : memref<32x5x16x125xi32, #tpu.memory_space<hbm>> -> memref<1x1x16x125xi32, #tpu.memory_space<hbm>>
      %dma_start3A_84 = tpu.memref_squeeze %dma_start3A_83 : memref<1x1x16x125xi32, #tpu.memory_space<hbm>> -> memref<16x125xi32, #tpu.memory_space<hbm>>
      %dma_start3A_85 = arith.constant 0 : i32
      %dma_start3A_86 = arith.constant 0 : i32
      %dma_start3A_87 = tpu.memref_slice %arg3[%add3A, %run_scoped3A_15, %dma_start3A_85, %dma_start3A_86] : memref<32x5x16x125xi32, #tpu.memory_space<hbm>> -> memref<1x1x16x125xi32, #tpu.memory_space<hbm>>
      %dma_start3A_88 = tpu.memref_squeeze %dma_start3A_87 : memref<1x1x16x125xi32, #tpu.memory_space<hbm>> -> memref<16x125xi32, #tpu.memory_space<hbm>>
      tpu.enqueue_dma source(%dma_start3A_88 : memref<16x125xi32, #tpu.memory_space<hbm>>) target(%arg7 : memref<16x125xi32, #tpu.memory_space<vmem>>) target_semaphore(%run_scoped3A_80 : memref<!tpu.dma_semaphore, #tpu.memory_space<semaphore_mem>>)
      %dma_wait3A = arith.constant 0 : i32
      %dma_wait3A_89 = arith.constant 0 : i32
      %dma_wait3A_90 = tpu.memref_slice %arg3[%add3A, %run_scoped3A_15, %dma_wait3A, %dma_wait3A_89] : memref<32x5x16x125xi32, #tpu.memory_space<hbm>> -> memref<1x1x16x125xi32, #tpu.memory_space<hbm>>
      %dma_wait3A_91 = tpu.memref_squeeze %dma_wait3A_90 : memref<1x1x16x125xi32, #tpu.memory_space<hbm>> -> memref<16x125xi32, #tpu.memory_space<hbm>>
      %dma_wait3A_92 = arith.constant 0 : i32
      %dma_wait3A_93 = arith.constant 0 : i32
      %dma_wait3A_94 = tpu.memref_slice %arg3[%add3A, %run_scoped3A_15, %dma_wait3A_92, %dma_wait3A_93] : memref<32x5x16x125xi32, #tpu.memory_space<hbm>> -> memref<1x1x16x125xi32, #tpu.memory_space<hbm>>
      %dma_wait3A_95 = tpu.memref_squeeze %dma_wait3A_94 : memref<1x1x16x125xi32, #tpu.memory_space<hbm>> -> memref<16x125xi32, #tpu.memory_space<hbm>>
      tpu.wait_dma2 semaphore(%run_scoped3A_80 : memref<!tpu.dma_semaphore, #tpu.memory_space<semaphore_mem>>) src(%dma_wait3A_95 : memref<16x125xi32, #tpu.memory_space<hbm>>) dst(%arg7 : memref<16x125xi32, #tpu.memory_space<vmem>>)
      tpu.yield
    }) : () -> ()
    %run_scoped3A_16 = arith.constant 1 : i32
    "tpu.region"() ({
      %run_scoped3A_80 = tpu.sem_alloc : memref<!tpu.dma_semaphore, #tpu.memory_space<semaphore_mem>>
      %dma_start3A_81 = arith.constant 0 : i32
      %dma_start3A_82 = arith.constant 0 : i32
      %dma_start3A_83 = tpu.memref_slice %arg4[%add3A, %run_scoped3A_16, %dma_start3A_81, %dma_start3A_82] : memref<32x5x16x125xi32, #tpu.memory_space<hbm>> -> memref<1x1x16x125xi32, #tpu.memory_space<hbm>>
      %dma_start3A_84 = tpu.memref_squeeze %dma_start3A_83 : memref<1x1x16x125xi32, #tpu.memory_space<hbm>> -> memref<16x125xi32, #tpu.memory_space<hbm>>
      %dma_start3A_85 = arith.constant 0 : i32
      %dma_start3A_86 = arith.constant 0 : i32
      %dma_start3A_87 = tpu.memref_slice %arg4[%add3A, %run_scoped3A_16, %dma_start3A_85, %dma_start3A_86] : memref<32x5x16x125xi32, #tpu.memory_space<hbm>> -> memref<1x1x16x125xi32, #tpu.memory_space<hbm>>
      %dma_start3A_88 = tpu.memref_squeeze %dma_start3A_87 : memref<1x1x16x125xi32, #tpu.memory_space<hbm>> -> memref<16x125xi32, #tpu.memory_space<hbm>>
      tpu.enqueue_dma source(%dma_start3A_88 : memref<16x125xi32, #tpu.memory_space<hbm>>) target(%arg8 : memref<16x125xi32, #tpu.memory_space<vmem>>) target_semaphore(%run_scoped3A_80 : memref<!tpu.dma_semaphore, #tpu.memory_space<semaphore_mem>>)
      %dma_wait3A = arith.constant 0 : i32
      %dma_wait3A_89 = arith.constant 0 : i32
      %dma_wait3A_90 = tpu.memref_slice %arg4[%add3A, %run_scoped3A_16, %dma_wait3A, %dma_wait3A_89] : memref<32x5x16x125xi32, #tpu.memory_space<hbm>> -> memref<1x1x16x125xi32, #tpu.memory_space<hbm>>
      %dma_wait3A_91 = tpu.memref_squeeze %dma_wait3A_90 : memref<1x1x16x125xi32, #tpu.memory_space<hbm>> -> memref<16x125xi32, #tpu.memory_space<hbm>>
      %dma_wait3A_92 = arith.constant 0 : i32
      %dma_wait3A_93 = arith.constant 0 : i32
      %dma_wait3A_94 = tpu.memref_slice %arg4[%add3A, %run_scoped3A_16, %dma_wait3A_92, %dma_wait3A_93] : memref<32x5x16x125xi32, #tpu.memory_space<hbm>> -> memref<1x1x16x125xi32, #tpu.memory_space<hbm>>
      %dma_wait3A_95 = tpu.memref_squeeze %dma_wait3A_94 : memref<1x1x16x125xi32, #tpu.memory_space<hbm>> -> memref<16x125xi32, #tpu.memory_space<hbm>>
      tpu.wait_dma2 semaphore(%run_scoped3A_80 : memref<!tpu.dma_semaphore, #tpu.memory_space<semaphore_mem>>) src(%dma_wait3A_95 : memref<16x125xi32, #tpu.memory_space<hbm>>) dst(%arg8 : memref<16x125xi32, #tpu.memory_space<vmem>>)
      tpu.yield
    }) : () -> ()
    %dma_start3A_17 = arith.constant 0 : i32
    %dma_start3A_18 = arith.constant 0 : i32
    %dma_start3A_19 = tpu.memref_slice %arg7[%dma_start3A_17, %dma_start3A_18] : memref<16x125xi32, #tpu.memory_space<vmem>> -> memref<1x125xi32, #tpu.memory_space<vmem>>
    %dma_start3A_20 = tpu.memref_squeeze %dma_start3A_19 : memref<1x125xi32, #tpu.memory_space<vmem>> -> memref<125xi32, #tpu.memory_space<vmem>>
    %dma_start3A_21 = arith.constant 0 : i32
    %dma_start3A_22 = arith.constant 0 : i32
    %dma_start3A_23 = tpu.memref_slice %arg2[%dma_start3A_21, %dma_start3A_22] : memref<10000x128xf32, #tpu.memory_space<hbm>> -> memref<10000x128xf32, #tpu.memory_space<hbm>>
    tpu.enqueue_indirect_dma source(%dma_start3A_23 : memref<10000x128xf32, #tpu.memory_space<hbm>>) target(%arg9 : memref<125x128xf32, #tpu.memory_space<vmem>>) offsets(%dma_start3A_20 : memref<125xi32, #tpu.memory_space<vmem>>) semaphore(%arg12 : memref<!tpu.dma_semaphore, #tpu.memory_space<semaphore_mem>>)
    %scan3A_24 = arith.constant 0 : i32
    %scan3A_25 = arith.constant 0 : i32
    %scan3A_26 = arith.constant 8 : i32
    %scan3A_27 = arith.addi %scan3A_25, %scan3A_26 : i32
    %scan3A_28 = arith.constant 1 : i32
    scf.for %scan3A_80 = %scan3A_25 to %scan3A_27 step %scan3A_28  : i32 {
      %mul3A_81 = arith.constant 2 : i32
      %mul3A_82 = arith.muli %scan3A_80, %mul3A_81 : i32
      %add3A_83 = arith.constant 0 : i32
      %add3A_84 = arith.addi %mul3A_82, %add3A_83 : i32
      %add3A_85 = arith.constant 1 : i32
      %add3A_86 = arith.addi %add3A_84, %add3A_85 : i32
      %lt3A = arith.constant 16 : i32
      %lt3A_87 = arith.cmpi slt, %add3A_86, %lt3A : i32
      %convert_element_type3A = arith.extui %lt3A_87 : i1 to i32
      %cond3A = arith.constant 0 : i32
      %cond3A_88 = arith.cmpi ne, %convert_element_type3A, %cond3A : i32
      scf.if %cond3A_88 {
        %dma_start3A_111 = arith.constant 0 : i32
        %dma_start3A_112 = tpu.memref_slice %arg7[%add3A_86, %dma_start3A_111] : memref<16x125xi32, #tpu.memory_space<vmem>> -> memref<1x125xi32, #tpu.memory_space<vmem>>
        %dma_start3A_113 = tpu.memref_squeeze %dma_start3A_112 : memref<1x125xi32, #tpu.memory_space<vmem>> -> memref<125xi32, #tpu.memory_space<vmem>>
        %dma_start3A_114 = arith.constant 0 : i32
        %dma_start3A_115 = arith.constant 0 : i32
        %dma_start3A_116 = tpu.memref_slice %arg2[%dma_start3A_114, %dma_start3A_115] : memref<10000x128xf32, #tpu.memory_space<hbm>> -> memref<10000x128xf32, #tpu.memory_space<hbm>>
        tpu.enqueue_indirect_dma source(%dma_start3A_116 : memref<10000x128xf32, #tpu.memory_space<hbm>>) target(%arg10 : memref<125x128xf32, #tpu.memory_space<vmem>>) offsets(%dma_start3A_113 : memref<125xi32, #tpu.memory_space<vmem>>) semaphore(%arg13 : memref<!tpu.dma_semaphore, #tpu.memory_space<semaphore_mem>>)
      } else {
      }
      %dma_wait3A = arith.constant 0 : i32
      %dma_wait3A_89 = tpu.memref_slice %arg7[%add3A_84, %dma_wait3A] : memref<16x125xi32, #tpu.memory_space<vmem>> -> memref<1x125xi32, #tpu.memory_space<vmem>>
      %dma_wait3A_90 = tpu.memref_squeeze %dma_wait3A_89 : memref<1x125xi32, #tpu.memory_space<vmem>> -> memref<125xi32, #tpu.memory_space<vmem>>
      %dma_wait3A_91 = arith.constant 0 : i32
      %dma_wait3A_92 = arith.constant 0 : i32
      %dma_wait3A_93 = tpu.memref_slice %arg2[%dma_wait3A_91, %dma_wait3A_92] : memref<10000x128xf32, #tpu.memory_space<hbm>> -> memref<10000x128xf32, #tpu.memory_space<hbm>>
      tpu.wait_indirect_dma semaphore(%arg12 : memref<!tpu.dma_semaphore, #tpu.memory_space<semaphore_mem>>) src(%dma_wait3A_93 : memref<10000x128xf32, #tpu.memory_space<hbm>>) dst(%arg9 : memref<125x128xf32, #tpu.memory_space<vmem>>)
      "tpu.region"() ({
        %run_scoped3A_111 = tpu.sem_alloc : memref<!tpu.dma_semaphore, #tpu.memory_space<semaphore_mem>>
        %dma_start3A_112 = arith.constant 0 : i32
        %dma_start3A_113 = tpu.memref_slice %arg8[%add3A_84, %dma_start3A_112] : memref<16x125xi32, #tpu.memory_space<vmem>> -> memref<1x125xi32, #tpu.memory_space<vmem>>
        %dma_start3A_114 = tpu.memref_squeeze %dma_start3A_113 : memref<1x125xi32, #tpu.memory_space<vmem>> -> memref<125xi32, #tpu.memory_space<vmem>>
        %dma_start3A_115 = arith.constant 0 : i32
        %dma_start3A_116 = arith.constant 0 : i32
        %dma_start3A_117 = tpu.memref_slice %arg11[%dma_start3A_115, %dma_start3A_116] : memref<10240x128xf32, #tpu.memory_space<vmem_shared>> -> memref<10240x128xf32, #tpu.memory_space<vmem_shared>>
        tpu.enqueue_indirect_dma source(%arg9 : memref<125x128xf32, #tpu.memory_space<vmem>>) target(%dma_start3A_117 : memref<10240x128xf32, #tpu.memory_space<vmem_shared>>) offsets(%dma_start3A_114 : memref<125xi32, #tpu.memory_space<vmem>>) semaphore(%run_scoped3A_111 : memref<!tpu.dma_semaphore, #tpu.memory_space<semaphore_mem>>) {add = true}
        %dma_wait3A_118 = arith.constant 0 : i32
        %dma_wait3A_119 = tpu.memref_slice %arg8[%add3A_84, %dma_wait3A_118] : memref<16x125xi32, #tpu.memory_space<vmem>> -> memref<1x125xi32, #tpu.memory_space<vmem>>
        %dma_wait3A_120 = tpu.memref_squeeze %dma_wait3A_119 : memref<1x125xi32, #tpu.memory_space<vmem>> -> memref<125xi32, #tpu.memory_space<vmem>>
        %dma_wait3A_121 = arith.constant 0 : i32
        %dma_wait3A_122 = arith.constant 0 : i32
        %dma_wait3A_123 = tpu.memref_slice %arg11[%dma_wait3A_121, %dma_wait3A_122] : memref<10240x128xf32, #tpu.memory_space<vmem_shared>> -> memref<10240x128xf32, #tpu.memory_space<vmem_shared>>
        tpu.wait_indirect_dma semaphore(%run_scoped3A_111 : memref<!tpu.dma_semaphore, #tpu.memory_space<semaphore_mem>>) src(%arg9 : memref<125x128xf32, #tpu.memory_space<vmem>>) dst(%dma_wait3A_123 : memref<10240x128xf32, #tpu.memory_space<vmem_shared>>)
        tpu.yield
      }) : () -> ()
      %mul3A_94 = arith.constant 2 : i32
      %mul3A_95 = arith.muli %scan3A_80, %mul3A_94 : i32
      %add3A_96 = arith.constant 1 : i32
      %add3A_97 = arith.addi %mul3A_95, %add3A_96 : i32
      %add3A_98 = arith.constant 1 : i32
      %add3A_99 = arith.addi %add3A_97, %add3A_98 : i32
      %lt3A_100 = arith.constant 16 : i32
      %lt3A_101 = arith.cmpi slt, %add3A_99, %lt3A_100 : i32
      %convert_element_type3A_102 = arith.extui %lt3A_101 : i1 to i32
      %cond3A_103 = arith.constant 0 : i32
      %cond3A_104 = arith.cmpi ne, %convert_element_type3A_102, %cond3A_103 : i32
      scf.if %cond3A_104 {
        %dma_start3A_111 = arith.constant 0 : i32
        %dma_start3A_112 = tpu.memref_slice %arg7[%add3A_99, %dma_start3A_111] : memref<16x125xi32, #tpu.memory_space<vmem>> -> memref<1x125xi32, #tpu.memory_space<vmem>>
        %dma_start3A_113 = tpu.memref_squeeze %dma_start3A_112 : memref<1x125xi32, #tpu.memory_space<vmem>> -> memref<125xi32, #tpu.memory_space<vmem>>
        %dma_start3A_114 = arith.constant 0 : i32
        %dma_start3A_115 = arith.constant 0 : i32
        %dma_start3A_116 = tpu.memref_slice %arg2[%dma_start3A_114, %dma_start3A_115] : memref<10000x128xf32, #tpu.memory_space<hbm>> -> memref<10000x128xf32, #tpu.memory_space<hbm>>
        tpu.enqueue_indirect_dma source(%dma_start3A_116 : memref<10000x128xf32, #tpu.memory_space<hbm>>) target(%arg9 : memref<125x128xf32, #tpu.memory_space<vmem>>) offsets(%dma_start3A_113 : memref<125xi32, #tpu.memory_space<vmem>>) semaphore(%arg12 : memref<!tpu.dma_semaphore, #tpu.memory_space<semaphore_mem>>)
      } else {
      }
      %dma_wait3A_105 = arith.constant 0 : i32
      %dma_wait3A_106 = tpu.memref_slice %arg7[%add3A_97, %dma_wait3A_105] : memref<16x125xi32, #tpu.memory_space<vmem>> -> memref<1x125xi32, #tpu.memory_space<vmem>>
      %dma_wait3A_107 = tpu.memref_squeeze %dma_wait3A_106 : memref<1x125xi32, #tpu.memory_space<vmem>> -> memref<125xi32, #tpu.memory_space<vmem>>
      %dma_wait3A_108 = arith.constant 0 : i32
      %dma_wait3A_109 = arith.constant 0 : i32
      %dma_wait3A_110 = tpu.memref_slice %arg2[%dma_wait3A_108, %dma_wait3A_109] : memref<10000x128xf32, #tpu.memory_space<hbm>> -> memref<10000x128xf32, #tpu.memory_space<hbm>>
      tpu.wait_indirect_dma semaphore(%arg13 : memref<!tpu.dma_semaphore, #tpu.memory_space<semaphore_mem>>) src(%dma_wait3A_110 : memref<10000x128xf32, #tpu.memory_space<hbm>>) dst(%arg10 : memref<125x128xf32, #tpu.memory_space<vmem>>)
      "tpu.region"() ({
        %run_scoped3A_111 = tpu.sem_alloc : memref<!tpu.dma_semaphore, #tpu.memory_space<semaphore_mem>>
        %dma_start3A_112 = arith.constant 0 : i32
        %dma_start3A_113 = tpu.memref_slice %arg8[%add3A_97, %dma_start3A_112] : memref<16x125xi32, #tpu.memory_space<vmem>> -> memref<1x125xi32, #tpu.memory_space<vmem>>
        %dma_start3A_114 = tpu.memref_squeeze %dma_start3A_113 : memref<1x125xi32, #tpu.memory_space<vmem>> -> memref<125xi32, #tpu.memory_space<vmem>>
        %dma_start3A_115 = arith.constant 0 : i32
        %dma_start3A_116 = arith.constant 0 : i32
        %dma_start3A_117 = tpu.memref_slice %arg11[%dma_start3A_115, %dma_start3A_116] : memref<10240x128xf32, #tpu.memory_space<vmem_shared>> -> memref<10240x128xf32, #tpu.memory_space<vmem_shared>>
        tpu.enqueue_indirect_dma source(%arg10 : memref<125x128xf32, #tpu.memory_space<vmem>>) target(%dma_start3A_117 : memref<10240x128xf32, #tpu.memory_space<vmem_shared>>) offsets(%dma_start3A_114 : memref<125xi32, #tpu.memory_space<vmem>>) semaphore(%run_scoped3A_111 : memref<!tpu.dma_semaphore, #tpu.memory_space<semaphore_mem>>) {add = true}
        %dma_wait3A_118 = arith.constant 0 : i32
        %dma_wait3A_119 = tpu.memref_slice %arg8[%add3A_97, %dma_wait3A_118] : memref<16x125xi32, #tpu.memory_space<vmem>> -> memref<1x125xi32, #tpu.memory_space<vmem>>
        %dma_wait3A_120 = tpu.memref_squeeze %dma_wait3A_119 : memref<1x125xi32, #tpu.memory_space<vmem>> -> memref<125xi32, #tpu.memory_space<vmem>>
        %dma_wait3A_121 = arith.constant 0 : i32
        %dma_wait3A_122 = arith.constant 0 : i32
        %dma_wait3A_123 = tpu.memref_slice %arg11[%dma_wait3A_121, %dma_wait3A_122] : memref<10240x128xf32, #tpu.memory_space<vmem_shared>> -> memref<10240x128xf32, #tpu.memory_space<vmem_shared>>
        tpu.wait_indirect_dma semaphore(%run_scoped3A_111 : memref<!tpu.dma_semaphore, #tpu.memory_space<semaphore_mem>>) src(%arg10 : memref<125x128xf32, #tpu.memory_space<vmem>>) dst(%dma_wait3A_123 : memref<10240x128xf32, #tpu.memory_space<vmem_shared>>)
        tpu.yield
      }) : () -> ()
    }
    %scan3A_29 = arith.constant 8 : i32
    %run_scoped3A_30 = arith.constant 2 : i32
    "tpu.region"() ({
      %run_scoped3A_80 = tpu.sem_alloc : memref<!tpu.dma_semaphore, #tpu.memory_space<semaphore_mem>>
      %dma_start3A_81 = arith.constant 0 : i32
      %dma_start3A_82 = arith.constant 0 : i32
      %dma_start3A_83 = tpu.memref_slice %arg3[%add3A, %run_scoped3A_30, %dma_start3A_81, %dma_start3A_82] : memref<32x5x16x125xi32, #tpu.memory_space<hbm>> -> memref<1x1x16x125xi32, #tpu.memory_space<hbm>>
      %dma_start3A_84 = tpu.memref_squeeze %dma_start3A_83 : memref<1x1x16x125xi32, #tpu.memory_space<hbm>> -> memref<16x125xi32, #tpu.memory_space<hbm>>
      %dma_start3A_85 = arith.constant 0 : i32
      %dma_start3A_86 = arith.constant 0 : i32
      %dma_start3A_87 = tpu.memref_slice %arg3[%add3A, %run_scoped3A_30, %dma_start3A_85, %dma_start3A_86] : memref<32x5x16x125xi32, #tpu.memory_space<hbm>> -> memref<1x1x16x125xi32, #tpu.memory_space<hbm>>
      %dma_start3A_88 = tpu.memref_squeeze %dma_start3A_87 : memref<1x1x16x125xi32, #tpu.memory_space<hbm>> -> memref<16x125xi32, #tpu.memory_space<hbm>>
      tpu.enqueue_dma source(%dma_start3A_88 : memref<16x125xi32, #tpu.memory_space<hbm>>) target(%arg7 : memref<16x125xi32, #tpu.memory_space<vmem>>) target_semaphore(%run_scoped3A_80 : memref<!tpu.dma_semaphore, #tpu.memory_space<semaphore_mem>>)
      %dma_wait3A = arith.constant 0 : i32
      %dma_wait3A_89 = arith.constant 0 : i32
      %dma_wait3A_90 = tpu.memref_slice %arg3[%add3A, %run_scoped3A_30, %dma_wait3A, %dma_wait3A_89] : memref<32x5x16x125xi32, #tpu.memory_space<hbm>> -> memref<1x1x16x125xi32, #tpu.memory_space<hbm>>
      %dma_wait3A_91 = tpu.memref_squeeze %dma_wait3A_90 : memref<1x1x16x125xi32, #tpu.memory_space<hbm>> -> memref<16x125xi32, #tpu.memory_space<hbm>>
      %dma_wait3A_92 = arith.constant 0 : i32
      %dma_wait3A_93 = arith.constant 0 : i32
      %dma_wait3A_94 = tpu.memref_slice %arg3[%add3A, %run_scoped3A_30, %dma_wait3A_92, %dma_wait3A_93] : memref<32x5x16x125xi32, #tpu.memory_space<hbm>> -> memref<1x1x16x125xi32, #tpu.memory_space<hbm>>
      %dma_wait3A_95 = tpu.memref_squeeze %dma_wait3A_94 : memref<1x1x16x125xi32, #tpu.memory_space<hbm>> -> memref<16x125xi32, #tpu.memory_space<hbm>>
      tpu.wait_dma2 semaphore(%run_scoped3A_80 : memref<!tpu.dma_semaphore, #tpu.memory_space<semaphore_mem>>) src(%dma_wait3A_95 : memref<16x125xi32, #tpu.memory_space<hbm>>) dst(%arg7 : memref<16x125xi32, #tpu.memory_space<vmem>>)
      tpu.yield
    }) : () -> ()
    %run_scoped3A_31 = arith.constant 2 : i32
    "tpu.region"() ({
      %run_scoped3A_80 = tpu.sem_alloc : memref<!tpu.dma_semaphore, #tpu.memory_space<semaphore_mem>>
      %dma_start3A_81 = arith.constant 0 : i32
      %dma_start3A_82 = arith.constant 0 : i32
      %dma_start3A_83 = tpu.memref_slice %arg4[%add3A, %run_scoped3A_31, %dma_start3A_81, %dma_start3A_82] : memref<32x5x16x125xi32, #tpu.memory_space<hbm>> -> memref<1x1x16x125xi32, #tpu.memory_space<hbm>>
      %dma_start3A_84 = tpu.memref_squeeze %dma_start3A_83 : memref<1x1x16x125xi32, #tpu.memory_space<hbm>> -> memref<16x125xi32, #tpu.memory_space<hbm>>
      %dma_start3A_85 = arith.constant 0 : i32
      %dma_start3A_86 = arith.constant 0 : i32
      %dma_start3A_87 = tpu.memref_slice %arg4[%add3A, %run_scoped3A_31, %dma_start3A_85, %dma_start3A_86] : memref<32x5x16x125xi32, #tpu.memory_space<hbm>> -> memref<1x1x16x125xi32, #tpu.memory_space<hbm>>
      %dma_start3A_88 = tpu.memref_squeeze %dma_start3A_87 : memref<1x1x16x125xi32, #tpu.memory_space<hbm>> -> memref<16x125xi32, #tpu.memory_space<hbm>>
      tpu.enqueue_dma source(%dma_start3A_88 : memref<16x125xi32, #tpu.memory_space<hbm>>) target(%arg8 : memref<16x125xi32, #tpu.memory_space<vmem>>) target_semaphore(%run_scoped3A_80 : memref<!tpu.dma_semaphore, #tpu.memory_space<semaphore_mem>>)
      %dma_wait3A = arith.constant 0 : i32
      %dma_wait3A_89 = arith.constant 0 : i32
      %dma_wait3A_90 = tpu.memref_slice %arg4[%add3A, %run_scoped3A_31, %dma_wait3A, %dma_wait3A_89] : memref<32x5x16x125xi32, #tpu.memory_space<hbm>> -> memref<1x1x16x125xi32, #tpu.memory_space<hbm>>
      %dma_wait3A_91 = tpu.memref_squeeze %dma_wait3A_90 : memref<1x1x16x125xi32, #tpu.memory_space<hbm>> -> memref<16x125xi32, #tpu.memory_space<hbm>>
      %dma_wait3A_92 = arith.constant 0 : i32
      %dma_wait3A_93 = arith.constant 0 : i32
      %dma_wait3A_94 = tpu.memref_slice %arg4[%add3A, %run_scoped3A_31, %dma_wait3A_92, %dma_wait3A_93] : memref<32x5x16x125xi32, #tpu.memory_space<hbm>> -> memref<1x1x16x125xi32, #tpu.memory_space<hbm>>
      %dma_wait3A_95 = tpu.memref_squeeze %dma_wait3A_94 : memref<1x1x16x125xi32, #tpu.memory_space<hbm>> -> memref<16x125xi32, #tpu.memory_space<hbm>>
      tpu.wait_dma2 semaphore(%run_scoped3A_80 : memref<!tpu.dma_semaphore, #tpu.memory_space<semaphore_mem>>) src(%dma_wait3A_95 : memref<16x125xi32, #tpu.memory_space<hbm>>) dst(%arg8 : memref<16x125xi32, #tpu.memory_space<vmem>>)
      tpu.yield
    }) : () -> ()
    %dma_start3A_32 = arith.constant 0 : i32
    %dma_start3A_33 = arith.constant 0 : i32
    %dma_start3A_34 = tpu.memref_slice %arg7[%dma_start3A_32, %dma_start3A_33] : memref<16x125xi32, #tpu.memory_space<vmem>> -> memref<1x125xi32, #tpu.memory_space<vmem>>
    %dma_start3A_35 = tpu.memref_squeeze %dma_start3A_34 : memref<1x125xi32, #tpu.memory_space<vmem>> -> memref<125xi32, #tpu.memory_space<vmem>>
    %dma_start3A_36 = arith.constant 0 : i32
    %dma_start3A_37 = arith.constant 0 : i32
    %dma_start3A_38 = tpu.memref_slice %arg2[%dma_start3A_36, %dma_start3A_37] : memref<10000x128xf32, #tpu.memory_space<hbm>> -> memref<10000x128xf32, #tpu.memory_space<hbm>>
    tpu.enqueue_indirect_dma source(%dma_start3A_38 : memref<10000x128xf32, #tpu.memory_space<hbm>>) target(%arg9 : memref<125x128xf32, #tpu.memory_space<vmem>>) offsets(%dma_start3A_35 : memref<125xi32, #tpu.memory_space<vmem>>) semaphore(%arg12 : memref<!tpu.dma_semaphore, #tpu.memory_space<semaphore_mem>>)
    %scan3A_39 = arith.constant 0 : i32
    %scan3A_40 = arith.constant 0 : i32
    %scan3A_41 = arith.constant 8 : i32
    %scan3A_42 = arith.addi %scan3A_40, %scan3A_41 : i32
    %scan3A_43 = arith.constant 1 : i32
    scf.for %scan3A_80 = %scan3A_40 to %scan3A_42 step %scan3A_43  : i32 {
      %mul3A_81 = arith.constant 2 : i32
      %mul3A_82 = arith.muli %scan3A_80, %mul3A_81 : i32
      %add3A_83 = arith.constant 0 : i32
      %add3A_84 = arith.addi %mul3A_82, %add3A_83 : i32
      %add3A_85 = arith.constant 1 : i32
      %add3A_86 = arith.addi %add3A_84, %add3A_85 : i32
      %lt3A = arith.constant 16 : i32
      %lt3A_87 = arith.cmpi slt, %add3A_86, %lt3A : i32
      %convert_element_type3A = arith.extui %lt3A_87 : i1 to i32
      %cond3A = arith.constant 0 : i32
      %cond3A_88 = arith.cmpi ne, %convert_element_type3A, %cond3A : i32
      scf.if %cond3A_88 {
        %dma_start3A_111 = arith.constant 0 : i32
        %dma_start3A_112 = tpu.memref_slice %arg7[%add3A_86, %dma_start3A_111] : memref<16x125xi32, #tpu.memory_space<vmem>> -> memref<1x125xi32, #tpu.memory_space<vmem>>
        %dma_start3A_113 = tpu.memref_squeeze %dma_start3A_112 : memref<1x125xi32, #tpu.memory_space<vmem>> -> memref<125xi32, #tpu.memory_space<vmem>>
        %dma_start3A_114 = arith.constant 0 : i32
        %dma_start3A_115 = arith.constant 0 : i32
        %dma_start3A_116 = tpu.memref_slice %arg2[%dma_start3A_114, %dma_start3A_115] : memref<10000x128xf32, #tpu.memory_space<hbm>> -> memref<10000x128xf32, #tpu.memory_space<hbm>>
        tpu.enqueue_indirect_dma source(%dma_start3A_116 : memref<10000x128xf32, #tpu.memory_space<hbm>>) target(%arg10 : memref<125x128xf32, #tpu.memory_space<vmem>>) offsets(%dma_start3A_113 : memref<125xi32, #tpu.memory_space<vmem>>) semaphore(%arg13 : memref<!tpu.dma_semaphore, #tpu.memory_space<semaphore_mem>>)
      } else {
      }
      %dma_wait3A = arith.constant 0 : i32
      %dma_wait3A_89 = tpu.memref_slice %arg7[%add3A_84, %dma_wait3A] : memref<16x125xi32, #tpu.memory_space<vmem>> -> memref<1x125xi32, #tpu.memory_space<vmem>>
      %dma_wait3A_90 = tpu.memref_squeeze %dma_wait3A_89 : memref<1x125xi32, #tpu.memory_space<vmem>> -> memref<125xi32, #tpu.memory_space<vmem>>
      %dma_wait3A_91 = arith.constant 0 : i32
      %dma_wait3A_92 = arith.constant 0 : i32
      %dma_wait3A_93 = tpu.memref_slice %arg2[%dma_wait3A_91, %dma_wait3A_92] : memref<10000x128xf32, #tpu.memory_space<hbm>> -> memref<10000x128xf32, #tpu.memory_space<hbm>>
      tpu.wait_indirect_dma semaphore(%arg12 : memref<!tpu.dma_semaphore, #tpu.memory_space<semaphore_mem>>) src(%dma_wait3A_93 : memref<10000x128xf32, #tpu.memory_space<hbm>>) dst(%arg9 : memref<125x128xf32, #tpu.memory_space<vmem>>)
      "tpu.region"() ({
        %run_scoped3A_111 = tpu.sem_alloc : memref<!tpu.dma_semaphore, #tpu.memory_space<semaphore_mem>>
        %dma_start3A_112 = arith.constant 0 : i32
        %dma_start3A_113 = tpu.memref_slice %arg8[%add3A_84, %dma_start3A_112] : memref<16x125xi32, #tpu.memory_space<vmem>> -> memref<1x125xi32, #tpu.memory_space<vmem>>
        %dma_start3A_114 = tpu.memref_squeeze %dma_start3A_113 : memref<1x125xi32, #tpu.memory_space<vmem>> -> memref<125xi32, #tpu.memory_space<vmem>>
        %dma_start3A_115 = arith.constant 0 : i32
        %dma_start3A_116 = arith.constant 0 : i32
        %dma_start3A_117 = tpu.memref_slice %arg11[%dma_start3A_115, %dma_start3A_116] : memref<10240x128xf32, #tpu.memory_space<vmem_shared>> -> memref<10240x128xf32, #tpu.memory_space<vmem_shared>>
        tpu.enqueue_indirect_dma source(%arg9 : memref<125x128xf32, #tpu.memory_space<vmem>>) target(%dma_start3A_117 : memref<10240x128xf32, #tpu.memory_space<vmem_shared>>) offsets(%dma_start3A_114 : memref<125xi32, #tpu.memory_space<vmem>>) semaphore(%run_scoped3A_111 : memref<!tpu.dma_semaphore, #tpu.memory_space<semaphore_mem>>) {add = true}
        %dma_wait3A_118 = arith.constant 0 : i32
        %dma_wait3A_119 = tpu.memref_slice %arg8[%add3A_84, %dma_wait3A_118] : memref<16x125xi32, #tpu.memory_space<vmem>> -> memref<1x125xi32, #tpu.memory_space<vmem>>
        %dma_wait3A_120 = tpu.memref_squeeze %dma_wait3A_119 : memref<1x125xi32, #tpu.memory_space<vmem>> -> memref<125xi32, #tpu.memory_space<vmem>>
        %dma_wait3A_121 = arith.constant 0 : i32
        %dma_wait3A_122 = arith.constant 0 : i32
        %dma_wait3A_123 = tpu.memref_slice %arg11[%dma_wait3A_121, %dma_wait3A_122] : memref<10240x128xf32, #tpu.memory_space<vmem_shared>> -> memref<10240x128xf32, #tpu.memory_space<vmem_shared>>
        tpu.wait_indirect_dma semaphore(%run_scoped3A_111 : memref<!tpu.dma_semaphore, #tpu.memory_space<semaphore_mem>>) src(%arg9 : memref<125x128xf32, #tpu.memory_space<vmem>>) dst(%dma_wait3A_123 : memref<10240x128xf32, #tpu.memory_space<vmem_shared>>)
        tpu.yield
      }) : () -> ()
      %mul3A_94 = arith.constant 2 : i32
      %mul3A_95 = arith.muli %scan3A_80, %mul3A_94 : i32
      %add3A_96 = arith.constant 1 : i32
      %add3A_97 = arith.addi %mul3A_95, %add3A_96 : i32
      %add3A_98 = arith.constant 1 : i32
      %add3A_99 = arith.addi %add3A_97, %add3A_98 : i32
      %lt3A_100 = arith.constant 16 : i32
      %lt3A_101 = arith.cmpi slt, %add3A_99, %lt3A_100 : i32
      %convert_element_type3A_102 = arith.extui %lt3A_101 : i1 to i32
      %cond3A_103 = arith.constant 0 : i32
      %cond3A_104 = arith.cmpi ne, %convert_element_type3A_102, %cond3A_103 : i32
      scf.if %cond3A_104 {
        %dma_start3A_111 = arith.constant 0 : i32
        %dma_start3A_112 = tpu.memref_slice %arg7[%add3A_99, %dma_start3A_111] : memref<16x125xi32, #tpu.memory_space<vmem>> -> memref<1x125xi32, #tpu.memory_space<vmem>>
        %dma_start3A_113 = tpu.memref_squeeze %dma_start3A_112 : memref<1x125xi32, #tpu.memory_space<vmem>> -> memref<125xi32, #tpu.memory_space<vmem>>
        %dma_start3A_114 = arith.constant 0 : i32
        %dma_start3A_115 = arith.constant 0 : i32
        %dma_start3A_116 = tpu.memref_slice %arg2[%dma_start3A_114, %dma_start3A_115] : memref<10000x128xf32, #tpu.memory_space<hbm>> -> memref<10000x128xf32, #tpu.memory_space<hbm>>
        tpu.enqueue_indirect_dma source(%dma_start3A_116 : memref<10000x128xf32, #tpu.memory_space<hbm>>) target(%arg9 : memref<125x128xf32, #tpu.memory_space<vmem>>) offsets(%dma_start3A_113 : memref<125xi32, #tpu.memory_space<vmem>>) semaphore(%arg12 : memref<!tpu.dma_semaphore, #tpu.memory_space<semaphore_mem>>)
      } else {
      }
      %dma_wait3A_105 = arith.constant 0 : i32
      %dma_wait3A_106 = tpu.memref_slice %arg7[%add3A_97, %dma_wait3A_105] : memref<16x125xi32, #tpu.memory_space<vmem>> -> memref<1x125xi32, #tpu.memory_space<vmem>>
      %dma_wait3A_107 = tpu.memref_squeeze %dma_wait3A_106 : memref<1x125xi32, #tpu.memory_space<vmem>> -> memref<125xi32, #tpu.memory_space<vmem>>
      %dma_wait3A_108 = arith.constant 0 : i32
      %dma_wait3A_109 = arith.constant 0 : i32
      %dma_wait3A_110 = tpu.memref_slice %arg2[%dma_wait3A_108, %dma_wait3A_109] : memref<10000x128xf32, #tpu.memory_space<hbm>> -> memref<10000x128xf32, #tpu.memory_space<hbm>>
      tpu.wait_indirect_dma semaphore(%arg13 : memref<!tpu.dma_semaphore, #tpu.memory_space<semaphore_mem>>) src(%dma_wait3A_110 : memref<10000x128xf32, #tpu.memory_space<hbm>>) dst(%arg10 : memref<125x128xf32, #tpu.memory_space<vmem>>)
      "tpu.region"() ({
        %run_scoped3A_111 = tpu.sem_alloc : memref<!tpu.dma_semaphore, #tpu.memory_space<semaphore_mem>>
        %dma_start3A_112 = arith.constant 0 : i32
        %dma_start3A_113 = tpu.memref_slice %arg8[%add3A_97, %dma_start3A_112] : memref<16x125xi32, #tpu.memory_space<vmem>> -> memref<1x125xi32, #tpu.memory_space<vmem>>
        %dma_start3A_114 = tpu.memref_squeeze %dma_start3A_113 : memref<1x125xi32, #tpu.memory_space<vmem>> -> memref<125xi32, #tpu.memory_space<vmem>>
        %dma_start3A_115 = arith.constant 0 : i32
        %dma_start3A_116 = arith.constant 0 : i32
        %dma_start3A_117 = tpu.memref_slice %arg11[%dma_start3A_115, %dma_start3A_116] : memref<10240x128xf32, #tpu.memory_space<vmem_shared>> -> memref<10240x128xf32, #tpu.memory_space<vmem_shared>>
        tpu.enqueue_indirect_dma source(%arg10 : memref<125x128xf32, #tpu.memory_space<vmem>>) target(%dma_start3A_117 : memref<10240x128xf32, #tpu.memory_space<vmem_shared>>) offsets(%dma_start3A_114 : memref<125xi32, #tpu.memory_space<vmem>>) semaphore(%run_scoped3A_111 : memref<!tpu.dma_semaphore, #tpu.memory_space<semaphore_mem>>) {add = true}
        %dma_wait3A_118 = arith.constant 0 : i32
        %dma_wait3A_119 = tpu.memref_slice %arg8[%add3A_97, %dma_wait3A_118] : memref<16x125xi32, #tpu.memory_space<vmem>> -> memref<1x125xi32, #tpu.memory_space<vmem>>
        %dma_wait3A_120 = tpu.memref_squeeze %dma_wait3A_119 : memref<1x125xi32, #tpu.memory_space<vmem>> -> memref<125xi32, #tpu.memory_space<vmem>>
        %dma_wait3A_121 = arith.constant 0 : i32
        %dma_wait3A_122 = arith.constant 0 : i32
        %dma_wait3A_123 = tpu.memref_slice %arg11[%dma_wait3A_121, %dma_wait3A_122] : memref<10240x128xf32, #tpu.memory_space<vmem_shared>> -> memref<10240x128xf32, #tpu.memory_space<vmem_shared>>
        tpu.wait_indirect_dma semaphore(%run_scoped3A_111 : memref<!tpu.dma_semaphore, #tpu.memory_space<semaphore_mem>>) src(%arg10 : memref<125x128xf32, #tpu.memory_space<vmem>>) dst(%dma_wait3A_123 : memref<10240x128xf32, #tpu.memory_space<vmem_shared>>)
        tpu.yield
      }) : () -> ()
    }
    %scan3A_44 = arith.constant 8 : i32
    %run_scoped3A_45 = arith.constant 3 : i32
    "tpu.region"() ({
      %run_scoped3A_80 = tpu.sem_alloc : memref<!tpu.dma_semaphore, #tpu.memory_space<semaphore_mem>>
      %dma_start3A_81 = arith.constant 0 : i32
      %dma_start3A_82 = arith.constant 0 : i32
      %dma_start3A_83 = tpu.memref_slice %arg3[%add3A, %run_scoped3A_45, %dma_start3A_81, %dma_start3A_82] : memref<32x5x16x125xi32, #tpu.memory_space<hbm>> -> memref<1x1x16x125xi32, #tpu.memory_space<hbm>>
      %dma_start3A_84 = tpu.memref_squeeze %dma_start3A_83 : memref<1x1x16x125xi32, #tpu.memory_space<hbm>> -> memref<16x125xi32, #tpu.memory_space<hbm>>
      %dma_start3A_85 = arith.constant 0 : i32
      %dma_start3A_86 = arith.constant 0 : i32
      %dma_start3A_87 = tpu.memref_slice %arg3[%add3A, %run_scoped3A_45, %dma_start3A_85, %dma_start3A_86] : memref<32x5x16x125xi32, #tpu.memory_space<hbm>> -> memref<1x1x16x125xi32, #tpu.memory_space<hbm>>
      %dma_start3A_88 = tpu.memref_squeeze %dma_start3A_87 : memref<1x1x16x125xi32, #tpu.memory_space<hbm>> -> memref<16x125xi32, #tpu.memory_space<hbm>>
      tpu.enqueue_dma source(%dma_start3A_88 : memref<16x125xi32, #tpu.memory_space<hbm>>) target(%arg7 : memref<16x125xi32, #tpu.memory_space<vmem>>) target_semaphore(%run_scoped3A_80 : memref<!tpu.dma_semaphore, #tpu.memory_space<semaphore_mem>>)
      %dma_wait3A = arith.constant 0 : i32
      %dma_wait3A_89 = arith.constant 0 : i32
      %dma_wait3A_90 = tpu.memref_slice %arg3[%add3A, %run_scoped3A_45, %dma_wait3A, %dma_wait3A_89] : memref<32x5x16x125xi32, #tpu.memory_space<hbm>> -> memref<1x1x16x125xi32, #tpu.memory_space<hbm>>
      %dma_wait3A_91 = tpu.memref_squeeze %dma_wait3A_90 : memref<1x1x16x125xi32, #tpu.memory_space<hbm>> -> memref<16x125xi32, #tpu.memory_space<hbm>>
      %dma_wait3A_92 = arith.constant 0 : i32
      %dma_wait3A_93 = arith.constant 0 : i32
      %dma_wait3A_94 = tpu.memref_slice %arg3[%add3A, %run_scoped3A_45, %dma_wait3A_92, %dma_wait3A_93] : memref<32x5x16x125xi32, #tpu.memory_space<hbm>> -> memref<1x1x16x125xi32, #tpu.memory_space<hbm>>
      %dma_wait3A_95 = tpu.memref_squeeze %dma_wait3A_94 : memref<1x1x16x125xi32, #tpu.memory_space<hbm>> -> memref<16x125xi32, #tpu.memory_space<hbm>>
      tpu.wait_dma2 semaphore(%run_scoped3A_80 : memref<!tpu.dma_semaphore, #tpu.memory_space<semaphore_mem>>) src(%dma_wait3A_95 : memref<16x125xi32, #tpu.memory_space<hbm>>) dst(%arg7 : memref<16x125xi32, #tpu.memory_space<vmem>>)
      tpu.yield
    }) : () -> ()
    %run_scoped3A_46 = arith.constant 3 : i32
    "tpu.region"() ({
      %run_scoped3A_80 = tpu.sem_alloc : memref<!tpu.dma_semaphore, #tpu.memory_space<semaphore_mem>>
      %dma_start3A_81 = arith.constant 0 : i32
      %dma_start3A_82 = arith.constant 0 : i32
      %dma_start3A_83 = tpu.memref_slice %arg4[%add3A, %run_scoped3A_46, %dma_start3A_81, %dma_start3A_82] : memref<32x5x16x125xi32, #tpu.memory_space<hbm>> -> memref<1x1x16x125xi32, #tpu.memory_space<hbm>>
      %dma_start3A_84 = tpu.memref_squeeze %dma_start3A_83 : memref<1x1x16x125xi32, #tpu.memory_space<hbm>> -> memref<16x125xi32, #tpu.memory_space<hbm>>
      %dma_start3A_85 = arith.constant 0 : i32
      %dma_start3A_86 = arith.constant 0 : i32
      %dma_start3A_87 = tpu.memref_slice %arg4[%add3A, %run_scoped3A_46, %dma_start3A_85, %dma_start3A_86] : memref<32x5x16x125xi32, #tpu.memory_space<hbm>> -> memref<1x1x16x125xi32, #tpu.memory_space<hbm>>
      %dma_start3A_88 = tpu.memref_squeeze %dma_start3A_87 : memref<1x1x16x125xi32, #tpu.memory_space<hbm>> -> memref<16x125xi32, #tpu.memory_space<hbm>>
      tpu.enqueue_dma source(%dma_start3A_88 : memref<16x125xi32, #tpu.memory_space<hbm>>) target(%arg8 : memref<16x125xi32, #tpu.memory_space<vmem>>) target_semaphore(%run_scoped3A_80 : memref<!tpu.dma_semaphore, #tpu.memory_space<semaphore_mem>>)
      %dma_wait3A = arith.constant 0 : i32
      %dma_wait3A_89 = arith.constant 0 : i32
      %dma_wait3A_90 = tpu.memref_slice %arg4[%add3A, %run_scoped3A_46, %dma_wait3A, %dma_wait3A_89] : memref<32x5x16x125xi32, #tpu.memory_space<hbm>> -> memref<1x1x16x125xi32, #tpu.memory_space<hbm>>
      %dma_wait3A_91 = tpu.memref_squeeze %dma_wait3A_90 : memref<1x1x16x125xi32, #tpu.memory_space<hbm>> -> memref<16x125xi32, #tpu.memory_space<hbm>>
      %dma_wait3A_92 = arith.constant 0 : i32
      %dma_wait3A_93 = arith.constant 0 : i32
      %dma_wait3A_94 = tpu.memref_slice %arg4[%add3A, %run_scoped3A_46, %dma_wait3A_92, %dma_wait3A_93] : memref<32x5x16x125xi32, #tpu.memory_space<hbm>> -> memref<1x1x16x125xi32, #tpu.memory_space<hbm>>
      %dma_wait3A_95 = tpu.memref_squeeze %dma_wait3A_94 : memref<1x1x16x125xi32, #tpu.memory_space<hbm>> -> memref<16x125xi32, #tpu.memory_space<hbm>>
      tpu.wait_dma2 semaphore(%run_scoped3A_80 : memref<!tpu.dma_semaphore, #tpu.memory_space<semaphore_mem>>) src(%dma_wait3A_95 : memref<16x125xi32, #tpu.memory_space<hbm>>) dst(%arg8 : memref<16x125xi32, #tpu.memory_space<vmem>>)
      tpu.yield
    }) : () -> ()
    %dma_start3A_47 = arith.constant 0 : i32
    %dma_start3A_48 = arith.constant 0 : i32
    %dma_start3A_49 = tpu.memref_slice %arg7[%dma_start3A_47, %dma_start3A_48] : memref<16x125xi32, #tpu.memory_space<vmem>> -> memref<1x125xi32, #tpu.memory_space<vmem>>
    %dma_start3A_50 = tpu.memref_squeeze %dma_start3A_49 : memref<1x125xi32, #tpu.memory_space<vmem>> -> memref<125xi32, #tpu.memory_space<vmem>>
    %dma_start3A_51 = arith.constant 0 : i32
    %dma_start3A_52 = arith.constant 0 : i32
    %dma_start3A_53 = tpu.memref_slice %arg2[%dma_start3A_51, %dma_start3A_52] : memref<10000x128xf32, #tpu.memory_space<hbm>> -> memref<10000x128xf32, #tpu.memory_space<hbm>>
    tpu.enqueue_indirect_dma source(%dma_start3A_53 : memref<10000x128xf32, #tpu.memory_space<hbm>>) target(%arg9 : memref<125x128xf32, #tpu.memory_space<vmem>>) offsets(%dma_start3A_50 : memref<125xi32, #tpu.memory_space<vmem>>) semaphore(%arg12 : memref<!tpu.dma_semaphore, #tpu.memory_space<semaphore_mem>>)
    %scan3A_54 = arith.constant 0 : i32
    %scan3A_55 = arith.constant 0 : i32
    %scan3A_56 = arith.constant 8 : i32
    %scan3A_57 = arith.addi %scan3A_55, %scan3A_56 : i32
    %scan3A_58 = arith.constant 1 : i32
    scf.for %scan3A_80 = %scan3A_55 to %scan3A_57 step %scan3A_58  : i32 {
      %mul3A_81 = arith.constant 2 : i32
      %mul3A_82 = arith.muli %scan3A_80, %mul3A_81 : i32
      %add3A_83 = arith.constant 0 : i32
      %add3A_84 = arith.addi %mul3A_82, %add3A_83 : i32
      %add3A_85 = arith.constant 1 : i32
      %add3A_86 = arith.addi %add3A_84, %add3A_85 : i32
      %lt3A = arith.constant 16 : i32
      %lt3A_87 = arith.cmpi slt, %add3A_86, %lt3A : i32
      %convert_element_type3A = arith.extui %lt3A_87 : i1 to i32
      %cond3A = arith.constant 0 : i32
      %cond3A_88 = arith.cmpi ne, %convert_element_type3A, %cond3A : i32
      scf.if %cond3A_88 {
        %dma_start3A_111 = arith.constant 0 : i32
        %dma_start3A_112 = tpu.memref_slice %arg7[%add3A_86, %dma_start3A_111] : memref<16x125xi32, #tpu.memory_space<vmem>> -> memref<1x125xi32, #tpu.memory_space<vmem>>
        %dma_start3A_113 = tpu.memref_squeeze %dma_start3A_112 : memref<1x125xi32, #tpu.memory_space<vmem>> -> memref<125xi32, #tpu.memory_space<vmem>>
        %dma_start3A_114 = arith.constant 0 : i32
        %dma_start3A_115 = arith.constant 0 : i32
        %dma_start3A_116 = tpu.memref_slice %arg2[%dma_start3A_114, %dma_start3A_115] : memref<10000x128xf32, #tpu.memory_space<hbm>> -> memref<10000x128xf32, #tpu.memory_space<hbm>>
        tpu.enqueue_indirect_dma source(%dma_start3A_116 : memref<10000x128xf32, #tpu.memory_space<hbm>>) target(%arg10 : memref<125x128xf32, #tpu.memory_space<vmem>>) offsets(%dma_start3A_113 : memref<125xi32, #tpu.memory_space<vmem>>) semaphore(%arg13 : memref<!tpu.dma_semaphore, #tpu.memory_space<semaphore_mem>>)
      } else {
      }
      %dma_wait3A = arith.constant 0 : i32
      %dma_wait3A_89 = tpu.memref_slice %arg7[%add3A_84, %dma_wait3A] : memref<16x125xi32, #tpu.memory_space<vmem>> -> memref<1x125xi32, #tpu.memory_space<vmem>>
      %dma_wait3A_90 = tpu.memref_squeeze %dma_wait3A_89 : memref<1x125xi32, #tpu.memory_space<vmem>> -> memref<125xi32, #tpu.memory_space<vmem>>
      %dma_wait3A_91 = arith.constant 0 : i32
      %dma_wait3A_92 = arith.constant 0 : i32
      %dma_wait3A_93 = tpu.memref_slice %arg2[%dma_wait3A_91, %dma_wait3A_92] : memref<10000x128xf32, #tpu.memory_space<hbm>> -> memref<10000x128xf32, #tpu.memory_space<hbm>>
      tpu.wait_indirect_dma semaphore(%arg12 : memref<!tpu.dma_semaphore, #tpu.memory_space<semaphore_mem>>) src(%dma_wait3A_93 : memref<10000x128xf32, #tpu.memory_space<hbm>>) dst(%arg9 : memref<125x128xf32, #tpu.memory_space<vmem>>)
      "tpu.region"() ({
        %run_scoped3A_111 = tpu.sem_alloc : memref<!tpu.dma_semaphore, #tpu.memory_space<semaphore_mem>>
        %dma_start3A_112 = arith.constant 0 : i32
        %dma_start3A_113 = tpu.memref_slice %arg8[%add3A_84, %dma_start3A_112] : memref<16x125xi32, #tpu.memory_space<vmem>> -> memref<1x125xi32, #tpu.memory_space<vmem>>
        %dma_start3A_114 = tpu.memref_squeeze %dma_start3A_113 : memref<1x125xi32, #tpu.memory_space<vmem>> -> memref<125xi32, #tpu.memory_space<vmem>>
        %dma_start3A_115 = arith.constant 0 : i32
        %dma_start3A_116 = arith.constant 0 : i32
        %dma_start3A_117 = tpu.memref_slice %arg11[%dma_start3A_115, %dma_start3A_116] : memref<10240x128xf32, #tpu.memory_space<vmem_shared>> -> memref<10240x128xf32, #tpu.memory_space<vmem_shared>>
        tpu.enqueue_indirect_dma source(%arg9 : memref<125x128xf32, #tpu.memory_space<vmem>>) target(%dma_start3A_117 : memref<10240x128xf32, #tpu.memory_space<vmem_shared>>) offsets(%dma_start3A_114 : memref<125xi32, #tpu.memory_space<vmem>>) semaphore(%run_scoped3A_111 : memref<!tpu.dma_semaphore, #tpu.memory_space<semaphore_mem>>) {add = true}
        %dma_wait3A_118 = arith.constant 0 : i32
        %dma_wait3A_119 = tpu.memref_slice %arg8[%add3A_84, %dma_wait3A_118] : memref<16x125xi32, #tpu.memory_space<vmem>> -> memref<1x125xi32, #tpu.memory_space<vmem>>
        %dma_wait3A_120 = tpu.memref_squeeze %dma_wait3A_119 : memref<1x125xi32, #tpu.memory_space<vmem>> -> memref<125xi32, #tpu.memory_space<vmem>>
        %dma_wait3A_121 = arith.constant 0 : i32
        %dma_wait3A_122 = arith.constant 0 : i32
        %dma_wait3A_123 = tpu.memref_slice %arg11[%dma_wait3A_121, %dma_wait3A_122] : memref<10240x128xf32, #tpu.memory_space<vmem_shared>> -> memref<10240x128xf32, #tpu.memory_space<vmem_shared>>
        tpu.wait_indirect_dma semaphore(%run_scoped3A_111 : memref<!tpu.dma_semaphore, #tpu.memory_space<semaphore_mem>>) src(%arg9 : memref<125x128xf32, #tpu.memory_space<vmem>>) dst(%dma_wait3A_123 : memref<10240x128xf32, #tpu.memory_space<vmem_shared>>)
        tpu.yield
      }) : () -> ()
      %mul3A_94 = arith.constant 2 : i32
      %mul3A_95 = arith.muli %scan3A_80, %mul3A_94 : i32
      %add3A_96 = arith.constant 1 : i32
      %add3A_97 = arith.addi %mul3A_95, %add3A_96 : i32
      %add3A_98 = arith.constant 1 : i32
      %add3A_99 = arith.addi %add3A_97, %add3A_98 : i32
      %lt3A_100 = arith.constant 16 : i32
      %lt3A_101 = arith.cmpi slt, %add3A_99, %lt3A_100 : i32
      %convert_element_type3A_102 = arith.extui %lt3A_101 : i1 to i32
      %cond3A_103 = arith.constant 0 : i32
      %cond3A_104 = arith.cmpi ne, %convert_element_type3A_102, %cond3A_103 : i32
      scf.if %cond3A_104 {
        %dma_start3A_111 = arith.constant 0 : i32
        %dma_start3A_112 = tpu.memref_slice %arg7[%add3A_99, %dma_start3A_111] : memref<16x125xi32, #tpu.memory_space<vmem>> -> memref<1x125xi32, #tpu.memory_space<vmem>>
        %dma_start3A_113 = tpu.memref_squeeze %dma_start3A_112 : memref<1x125xi32, #tpu.memory_space<vmem>> -> memref<125xi32, #tpu.memory_space<vmem>>
        %dma_start3A_114 = arith.constant 0 : i32
        %dma_start3A_115 = arith.constant 0 : i32
        %dma_start3A_116 = tpu.memref_slice %arg2[%dma_start3A_114, %dma_start3A_115] : memref<10000x128xf32, #tpu.memory_space<hbm>> -> memref<10000x128xf32, #tpu.memory_space<hbm>>
        tpu.enqueue_indirect_dma source(%dma_start3A_116 : memref<10000x128xf32, #tpu.memory_space<hbm>>) target(%arg9 : memref<125x128xf32, #tpu.memory_space<vmem>>) offsets(%dma_start3A_113 : memref<125xi32, #tpu.memory_space<vmem>>) semaphore(%arg12 : memref<!tpu.dma_semaphore, #tpu.memory_space<semaphore_mem>>)
      } else {
      }
      %dma_wait3A_105 = arith.constant 0 : i32
      %dma_wait3A_106 = tpu.memref_slice %arg7[%add3A_97, %dma_wait3A_105] : memref<16x125xi32, #tpu.memory_space<vmem>> -> memref<1x125xi32, #tpu.memory_space<vmem>>
      %dma_wait3A_107 = tpu.memref_squeeze %dma_wait3A_106 : memref<1x125xi32, #tpu.memory_space<vmem>> -> memref<125xi32, #tpu.memory_space<vmem>>
      %dma_wait3A_108 = arith.constant 0 : i32
      %dma_wait3A_109 = arith.constant 0 : i32
      %dma_wait3A_110 = tpu.memref_slice %arg2[%dma_wait3A_108, %dma_wait3A_109] : memref<10000x128xf32, #tpu.memory_space<hbm>> -> memref<10000x128xf32, #tpu.memory_space<hbm>>
      tpu.wait_indirect_dma semaphore(%arg13 : memref<!tpu.dma_semaphore, #tpu.memory_space<semaphore_mem>>) src(%dma_wait3A_110 : memref<10000x128xf32, #tpu.memory_space<hbm>>) dst(%arg10 : memref<125x128xf32, #tpu.memory_space<vmem>>)
      "tpu.region"() ({
        %run_scoped3A_111 = tpu.sem_alloc : memref<!tpu.dma_semaphore, #tpu.memory_space<semaphore_mem>>
        %dma_start3A_112 = arith.constant 0 : i32
        %dma_start3A_113 = tpu.memref_slice %arg8[%add3A_97, %dma_start3A_112] : memref<16x125xi32, #tpu.memory_space<vmem>> -> memref<1x125xi32, #tpu.memory_space<vmem>>
        %dma_start3A_114 = tpu.memref_squeeze %dma_start3A_113 : memref<1x125xi32, #tpu.memory_space<vmem>> -> memref<125xi32, #tpu.memory_space<vmem>>
        %dma_start3A_115 = arith.constant 0 : i32
        %dma_start3A_116 = arith.constant 0 : i32
        %dma_start3A_117 = tpu.memref_slice %arg11[%dma_start3A_115, %dma_start3A_116] : memref<10240x128xf32, #tpu.memory_space<vmem_shared>> -> memref<10240x128xf32, #tpu.memory_space<vmem_shared>>
        tpu.enqueue_indirect_dma source(%arg10 : memref<125x128xf32, #tpu.memory_space<vmem>>) target(%dma_start3A_117 : memref<10240x128xf32, #tpu.memory_space<vmem_shared>>) offsets(%dma_start3A_114 : memref<125xi32, #tpu.memory_space<vmem>>) semaphore(%run_scoped3A_111 : memref<!tpu.dma_semaphore, #tpu.memory_space<semaphore_mem>>) {add = true}
        %dma_wait3A_118 = arith.constant 0 : i32
        %dma_wait3A_119 = tpu.memref_slice %arg8[%add3A_97, %dma_wait3A_118] : memref<16x125xi32, #tpu.memory_space<vmem>> -> memref<1x125xi32, #tpu.memory_space<vmem>>
        %dma_wait3A_120 = tpu.memref_squeeze %dma_wait3A_119 : memref<1x125xi32, #tpu.memory_space<vmem>> -> memref<125xi32, #tpu.memory_space<vmem>>
        %dma_wait3A_121 = arith.constant 0 : i32
        %dma_wait3A_122 = arith.constant 0 : i32
        %dma_wait3A_123 = tpu.memref_slice %arg11[%dma_wait3A_121, %dma_wait3A_122] : memref<10240x128xf32, #tpu.memory_space<vmem_shared>> -> memref<10240x128xf32, #tpu.memory_space<vmem_shared>>
        tpu.wait_indirect_dma semaphore(%run_scoped3A_111 : memref<!tpu.dma_semaphore, #tpu.memory_space<semaphore_mem>>) src(%arg10 : memref<125x128xf32, #tpu.memory_space<vmem>>) dst(%dma_wait3A_123 : memref<10240x128xf32, #tpu.memory_space<vmem_shared>>)
        tpu.yield
      }) : () -> ()
    }
    %scan3A_59 = arith.constant 8 : i32
    %run_scoped3A_60 = arith.constant 4 : i32
    "tpu.region"() ({
      %run_scoped3A_80 = tpu.sem_alloc : memref<!tpu.dma_semaphore, #tpu.memory_space<semaphore_mem>>
      %dma_start3A_81 = arith.constant 0 : i32
      %dma_start3A_82 = arith.constant 0 : i32
      %dma_start3A_83 = tpu.memref_slice %arg3[%add3A, %run_scoped3A_60, %dma_start3A_81, %dma_start3A_82] : memref<32x5x16x125xi32, #tpu.memory_space<hbm>> -> memref<1x1x16x125xi32, #tpu.memory_space<hbm>>
      %dma_start3A_84 = tpu.memref_squeeze %dma_start3A_83 : memref<1x1x16x125xi32, #tpu.memory_space<hbm>> -> memref<16x125xi32, #tpu.memory_space<hbm>>
      %dma_start3A_85 = arith.constant 0 : i32
      %dma_start3A_86 = arith.constant 0 : i32
      %dma_start3A_87 = tpu.memref_slice %arg3[%add3A, %run_scoped3A_60, %dma_start3A_85, %dma_start3A_86] : memref<32x5x16x125xi32, #tpu.memory_space<hbm>> -> memref<1x1x16x125xi32, #tpu.memory_space<hbm>>
      %dma_start3A_88 = tpu.memref_squeeze %dma_start3A_87 : memref<1x1x16x125xi32, #tpu.memory_space<hbm>> -> memref<16x125xi32, #tpu.memory_space<hbm>>
      tpu.enqueue_dma source(%dma_start3A_88 : memref<16x125xi32, #tpu.memory_space<hbm>>) target(%arg7 : memref<16x125xi32, #tpu.memory_space<vmem>>) target_semaphore(%run_scoped3A_80 : memref<!tpu.dma_semaphore, #tpu.memory_space<semaphore_mem>>)
      %dma_wait3A = arith.constant 0 : i32
      %dma_wait3A_89 = arith.constant 0 : i32
      %dma_wait3A_90 = tpu.memref_slice %arg3[%add3A, %run_scoped3A_60, %dma_wait3A, %dma_wait3A_89] : memref<32x5x16x125xi32, #tpu.memory_space<hbm>> -> memref<1x1x16x125xi32, #tpu.memory_space<hbm>>
      %dma_wait3A_91 = tpu.memref_squeeze %dma_wait3A_90 : memref<1x1x16x125xi32, #tpu.memory_space<hbm>> -> memref<16x125xi32, #tpu.memory_space<hbm>>
      %dma_wait3A_92 = arith.constant 0 : i32
      %dma_wait3A_93 = arith.constant 0 : i32
      %dma_wait3A_94 = tpu.memref_slice %arg3[%add3A, %run_scoped3A_60, %dma_wait3A_92, %dma_wait3A_93] : memref<32x5x16x125xi32, #tpu.memory_space<hbm>> -> memref<1x1x16x125xi32, #tpu.memory_space<hbm>>
      %dma_wait3A_95 = tpu.memref_squeeze %dma_wait3A_94 : memref<1x1x16x125xi32, #tpu.memory_space<hbm>> -> memref<16x125xi32, #tpu.memory_space<hbm>>
      tpu.wait_dma2 semaphore(%run_scoped3A_80 : memref<!tpu.dma_semaphore, #tpu.memory_space<semaphore_mem>>) src(%dma_wait3A_95 : memref<16x125xi32, #tpu.memory_space<hbm>>) dst(%arg7 : memref<16x125xi32, #tpu.memory_space<vmem>>)
      tpu.yield
    }) : () -> ()
    %run_scoped3A_61 = arith.constant 4 : i32
    "tpu.region"() ({
      %run_scoped3A_80 = tpu.sem_alloc : memref<!tpu.dma_semaphore, #tpu.memory_space<semaphore_mem>>
      %dma_start3A_81 = arith.constant 0 : i32
      %dma_start3A_82 = arith.constant 0 : i32
      %dma_start3A_83 = tpu.memref_slice %arg4[%add3A, %run_scoped3A_61, %dma_start3A_81, %dma_start3A_82] : memref<32x5x16x125xi32, #tpu.memory_space<hbm>> -> memref<1x1x16x125xi32, #tpu.memory_space<hbm>>
      %dma_start3A_84 = tpu.memref_squeeze %dma_start3A_83 : memref<1x1x16x125xi32, #tpu.memory_space<hbm>> -> memref<16x125xi32, #tpu.memory_space<hbm>>
      %dma_start3A_85 = arith.constant 0 : i32
      %dma_start3A_86 = arith.constant 0 : i32
      %dma_start3A_87 = tpu.memref_slice %arg4[%add3A, %run_scoped3A_61, %dma_start3A_85, %dma_start3A_86] : memref<32x5x16x125xi32, #tpu.memory_space<hbm>> -> memref<1x1x16x125xi32, #tpu.memory_space<hbm>>
      %dma_start3A_88 = tpu.memref_squeeze %dma_start3A_87 : memref<1x1x16x125xi32, #tpu.memory_space<hbm>> -> memref<16x125xi32, #tpu.memory_space<hbm>>
      tpu.enqueue_dma source(%dma_start3A_88 : memref<16x125xi32, #tpu.memory_space<hbm>>) target(%arg8 : memref<16x125xi32, #tpu.memory_space<vmem>>) target_semaphore(%run_scoped3A_80 : memref<!tpu.dma_semaphore, #tpu.memory_space<semaphore_mem>>)
      %dma_wait3A = arith.constant 0 : i32
      %dma_wait3A_89 = arith.constant 0 : i32
      %dma_wait3A_90 = tpu.memref_slice %arg4[%add3A, %run_scoped3A_61, %dma_wait3A, %dma_wait3A_89] : memref<32x5x16x125xi32, #tpu.memory_space<hbm>> -> memref<1x1x16x125xi32, #tpu.memory_space<hbm>>
      %dma_wait3A_91 = tpu.memref_squeeze %dma_wait3A_90 : memref<1x1x16x125xi32, #tpu.memory_space<hbm>> -> memref<16x125xi32, #tpu.memory_space<hbm>>
      %dma_wait3A_92 = arith.constant 0 : i32
      %dma_wait3A_93 = arith.constant 0 : i32
      %dma_wait3A_94 = tpu.memref_slice %arg4[%add3A, %run_scoped3A_61, %dma_wait3A_92, %dma_wait3A_93] : memref<32x5x16x125xi32, #tpu.memory_space<hbm>> -> memref<1x1x16x125xi32, #tpu.memory_space<hbm>>
      %dma_wait3A_95 = tpu.memref_squeeze %dma_wait3A_94 : memref<1x1x16x125xi32, #tpu.memory_space<hbm>> -> memref<16x125xi32, #tpu.memory_space<hbm>>
      tpu.wait_dma2 semaphore(%run_scoped3A_80 : memref<!tpu.dma_semaphore, #tpu.memory_space<semaphore_mem>>) src(%dma_wait3A_95 : memref<16x125xi32, #tpu.memory_space<hbm>>) dst(%arg8 : memref<16x125xi32, #tpu.memory_space<vmem>>)
      tpu.yield
    }) : () -> ()
    %dma_start3A_62 = arith.constant 0 : i32
    %dma_start3A_63 = arith.constant 0 : i32
    %dma_start3A_64 = tpu.memref_slice %arg7[%dma_start3A_62, %dma_start3A_63] : memref<16x125xi32, #tpu.memory_space<vmem>> -> memref<1x125xi32, #tpu.memory_space<vmem>>
    %dma_start3A_65 = tpu.memref_squeeze %dma_start3A_64 : memref<1x125xi32, #tpu.memory_space<vmem>> -> memref<125xi32, #tpu.memory_space<vmem>>
    %dma_start3A_66 = arith.constant 0 : i32
    %dma_start3A_67 = arith.constant 0 : i32
    %dma_start3A_68 = tpu.memref_slice %arg2[%dma_start3A_66, %dma_start3A_67] : memref<10000x128xf32, #tpu.memory_space<hbm>> -> memref<10000x128xf32, #tpu.memory_space<hbm>>
    tpu.enqueue_indirect_dma source(%dma_start3A_68 : memref<10000x128xf32, #tpu.memory_space<hbm>>) target(%arg9 : memref<125x128xf32, #tpu.memory_space<vmem>>) offsets(%dma_start3A_65 : memref<125xi32, #tpu.memory_space<vmem>>) semaphore(%arg12 : memref<!tpu.dma_semaphore, #tpu.memory_space<semaphore_mem>>)
    %scan3A_69 = arith.constant 0 : i32
    %scan3A_70 = arith.constant 0 : i32
    %scan3A_71 = arith.constant 8 : i32
    %scan3A_72 = arith.addi %scan3A_70, %scan3A_71 : i32
    %scan3A_73 = arith.constant 1 : i32
    scf.for %scan3A_80 = %scan3A_70 to %scan3A_72 step %scan3A_73  : i32 {
      %mul3A_81 = arith.constant 2 : i32
      %mul3A_82 = arith.muli %scan3A_80, %mul3A_81 : i32
      %add3A_83 = arith.constant 0 : i32
      %add3A_84 = arith.addi %mul3A_82, %add3A_83 : i32
      %add3A_85 = arith.constant 1 : i32
      %add3A_86 = arith.addi %add3A_84, %add3A_85 : i32
      %lt3A = arith.constant 16 : i32
      %lt3A_87 = arith.cmpi slt, %add3A_86, %lt3A : i32
      %convert_element_type3A = arith.extui %lt3A_87 : i1 to i32
      %cond3A = arith.constant 0 : i32
      %cond3A_88 = arith.cmpi ne, %convert_element_type3A, %cond3A : i32
      scf.if %cond3A_88 {
        %dma_start3A_111 = arith.constant 0 : i32
        %dma_start3A_112 = tpu.memref_slice %arg7[%add3A_86, %dma_start3A_111] : memref<16x125xi32, #tpu.memory_space<vmem>> -> memref<1x125xi32, #tpu.memory_space<vmem>>
        %dma_start3A_113 = tpu.memref_squeeze %dma_start3A_112 : memref<1x125xi32, #tpu.memory_space<vmem>> -> memref<125xi32, #tpu.memory_space<vmem>>
        %dma_start3A_114 = arith.constant 0 : i32
        %dma_start3A_115 = arith.constant 0 : i32
        %dma_start3A_116 = tpu.memref_slice %arg2[%dma_start3A_114, %dma_start3A_115] : memref<10000x128xf32, #tpu.memory_space<hbm>> -> memref<10000x128xf32, #tpu.memory_space<hbm>>
        tpu.enqueue_indirect_dma source(%dma_start3A_116 : memref<10000x128xf32, #tpu.memory_space<hbm>>) target(%arg10 : memref<125x128xf32, #tpu.memory_space<vmem>>) offsets(%dma_start3A_113 : memref<125xi32, #tpu.memory_space<vmem>>) semaphore(%arg13 : memref<!tpu.dma_semaphore, #tpu.memory_space<semaphore_mem>>)
      } else {
      }
      %dma_wait3A = arith.constant 0 : i32
      %dma_wait3A_89 = tpu.memref_slice %arg7[%add3A_84, %dma_wait3A] : memref<16x125xi32, #tpu.memory_space<vmem>> -> memref<1x125xi32, #tpu.memory_space<vmem>>
      %dma_wait3A_90 = tpu.memref_squeeze %dma_wait3A_89 : memref<1x125xi32, #tpu.memory_space<vmem>> -> memref<125xi32, #tpu.memory_space<vmem>>
      %dma_wait3A_91 = arith.constant 0 : i32
      %dma_wait3A_92 = arith.constant 0 : i32
      %dma_wait3A_93 = tpu.memref_slice %arg2[%dma_wait3A_91, %dma_wait3A_92] : memref<10000x128xf32, #tpu.memory_space<hbm>> -> memref<10000x128xf32, #tpu.memory_space<hbm>>
      tpu.wait_indirect_dma semaphore(%arg12 : memref<!tpu.dma_semaphore, #tpu.memory_space<semaphore_mem>>) src(%dma_wait3A_93 : memref<10000x128xf32, #tpu.memory_space<hbm>>) dst(%arg9 : memref<125x128xf32, #tpu.memory_space<vmem>>)
      "tpu.region"() ({
        %run_scoped3A_111 = tpu.sem_alloc : memref<!tpu.dma_semaphore, #tpu.memory_space<semaphore_mem>>
        %dma_start3A_112 = arith.constant 0 : i32
        %dma_start3A_113 = tpu.memref_slice %arg8[%add3A_84, %dma_start3A_112] : memref<16x125xi32, #tpu.memory_space<vmem>> -> memref<1x125xi32, #tpu.memory_space<vmem>>
        %dma_start3A_114 = tpu.memref_squeeze %dma_start3A_113 : memref<1x125xi32, #tpu.memory_space<vmem>> -> memref<125xi32, #tpu.memory_space<vmem>>
        %dma_start3A_115 = arith.constant 0 : i32
        %dma_start3A_116 = arith.constant 0 : i32
        %dma_start3A_117 = tpu.memref_slice %arg11[%dma_start3A_115, %dma_start3A_116] : memref<10240x128xf32, #tpu.memory_space<vmem_shared>> -> memref<10240x128xf32, #tpu.memory_space<vmem_shared>>
        tpu.enqueue_indirect_dma source(%arg9 : memref<125x128xf32, #tpu.memory_space<vmem>>) target(%dma_start3A_117 : memref<10240x128xf32, #tpu.memory_space<vmem_shared>>) offsets(%dma_start3A_114 : memref<125xi32, #tpu.memory_space<vmem>>) semaphore(%run_scoped3A_111 : memref<!tpu.dma_semaphore, #tpu.memory_space<semaphore_mem>>) {add = true}
        %dma_wait3A_118 = arith.constant 0 : i32
        %dma_wait3A_119 = tpu.memref_slice %arg8[%add3A_84, %dma_wait3A_118] : memref<16x125xi32, #tpu.memory_space<vmem>> -> memref<1x125xi32, #tpu.memory_space<vmem>>
        %dma_wait3A_120 = tpu.memref_squeeze %dma_wait3A_119 : memref<1x125xi32, #tpu.memory_space<vmem>> -> memref<125xi32, #tpu.memory_space<vmem>>
        %dma_wait3A_121 = arith.constant 0 : i32
        %dma_wait3A_122 = arith.constant 0 : i32
        %dma_wait3A_123 = tpu.memref_slice %arg11[%dma_wait3A_121, %dma_wait3A_122] : memref<10240x128xf32, #tpu.memory_space<vmem_shared>> -> memref<10240x128xf32, #tpu.memory_space<vmem_shared>>
        tpu.wait_indirect_dma semaphore(%run_scoped3A_111 : memref<!tpu.dma_semaphore, #tpu.memory_space<semaphore_mem>>) src(%arg9 : memref<125x128xf32, #tpu.memory_space<vmem>>) dst(%dma_wait3A_123 : memref<10240x128xf32, #tpu.memory_space<vmem_shared>>)
        tpu.yield
      }) : () -> ()
      %mul3A_94 = arith.constant 2 : i32
      %mul3A_95 = arith.muli %scan3A_80, %mul3A_94 : i32
      %add3A_96 = arith.constant 1 : i32
      %add3A_97 = arith.addi %mul3A_95, %add3A_96 : i32
      %add3A_98 = arith.constant 1 : i32
      %add3A_99 = arith.addi %add3A_97, %add3A_98 : i32
      %lt3A_100 = arith.constant 16 : i32
      %lt3A_101 = arith.cmpi slt, %add3A_99, %lt3A_100 : i32
      %convert_element_type3A_102 = arith.extui %lt3A_101 : i1 to i32
      %cond3A_103 = arith.constant 0 : i32
      %cond3A_104 = arith.cmpi ne, %convert_element_type3A_102, %cond3A_103 : i32
      scf.if %cond3A_104 {
        %dma_start3A_111 = arith.constant 0 : i32
        %dma_start3A_112 = tpu.memref_slice %arg7[%add3A_99, %dma_start3A_111] : memref<16x125xi32, #tpu.memory_space<vmem>> -> memref<1x125xi32, #tpu.memory_space<vmem>>
        %dma_start3A_113 = tpu.memref_squeeze %dma_start3A_112 : memref<1x125xi32, #tpu.memory_space<vmem>> -> memref<125xi32, #tpu.memory_space<vmem>>
        %dma_start3A_114 = arith.constant 0 : i32
        %dma_start3A_115 = arith.constant 0 : i32
        %dma_start3A_116 = tpu.memref_slice %arg2[%dma_start3A_114, %dma_start3A_115] : memref<10000x128xf32, #tpu.memory_space<hbm>> -> memref<10000x128xf32, #tpu.memory_space<hbm>>
        tpu.enqueue_indirect_dma source(%dma_start3A_116 : memref<10000x128xf32, #tpu.memory_space<hbm>>) target(%arg9 : memref<125x128xf32, #tpu.memory_space<vmem>>) offsets(%dma_start3A_113 : memref<125xi32, #tpu.memory_space<vmem>>) semaphore(%arg12 : memref<!tpu.dma_semaphore, #tpu.memory_space<semaphore_mem>>)
      } else {
      }
      %dma_wait3A_105 = arith.constant 0 : i32
      %dma_wait3A_106 = tpu.memref_slice %arg7[%add3A_97, %dma_wait3A_105] : memref<16x125xi32, #tpu.memory_space<vmem>> -> memref<1x125xi32, #tpu.memory_space<vmem>>
      %dma_wait3A_107 = tpu.memref_squeeze %dma_wait3A_106 : memref<1x125xi32, #tpu.memory_space<vmem>> -> memref<125xi32, #tpu.memory_space<vmem>>
      %dma_wait3A_108 = arith.constant 0 : i32
      %dma_wait3A_109 = arith.constant 0 : i32
      %dma_wait3A_110 = tpu.memref_slice %arg2[%dma_wait3A_108, %dma_wait3A_109] : memref<10000x128xf32, #tpu.memory_space<hbm>> -> memref<10000x128xf32, #tpu.memory_space<hbm>>
      tpu.wait_indirect_dma semaphore(%arg13 : memref<!tpu.dma_semaphore, #tpu.memory_space<semaphore_mem>>) src(%dma_wait3A_110 : memref<10000x128xf32, #tpu.memory_space<hbm>>) dst(%arg10 : memref<125x128xf32, #tpu.memory_space<vmem>>)
      "tpu.region"() ({
        %run_scoped3A_111 = tpu.sem_alloc : memref<!tpu.dma_semaphore, #tpu.memory_space<semaphore_mem>>
        %dma_start3A_112 = arith.constant 0 : i32
        %dma_start3A_113 = tpu.memref_slice %arg8[%add3A_97, %dma_start3A_112] : memref<16x125xi32, #tpu.memory_space<vmem>> -> memref<1x125xi32, #tpu.memory_space<vmem>>
        %dma_start3A_114 = tpu.memref_squeeze %dma_start3A_113 : memref<1x125xi32, #tpu.memory_space<vmem>> -> memref<125xi32, #tpu.memory_space<vmem>>
        %dma_start3A_115 = arith.constant 0 : i32
        %dma_start3A_116 = arith.constant 0 : i32
        %dma_start3A_117 = tpu.memref_slice %arg11[%dma_start3A_115, %dma_start3A_116] : memref<10240x128xf32, #tpu.memory_space<vmem_shared>> -> memref<10240x128xf32, #tpu.memory_space<vmem_shared>>
        tpu.enqueue_indirect_dma source(%arg10 : memref<125x128xf32, #tpu.memory_space<vmem>>) target(%dma_start3A_117 : memref<10240x128xf32, #tpu.memory_space<vmem_shared>>) offsets(%dma_start3A_114 : memref<125xi32, #tpu.memory_space<vmem>>) semaphore(%run_scoped3A_111 : memref<!tpu.dma_semaphore, #tpu.memory_space<semaphore_mem>>) {add = true}
        %dma_wait3A_118 = arith.constant 0 : i32
        %dma_wait3A_119 = tpu.memref_slice %arg8[%add3A_97, %dma_wait3A_118] : memref<16x125xi32, #tpu.memory_space<vmem>> -> memref<1x125xi32, #tpu.memory_space<vmem>>
        %dma_wait3A_120 = tpu.memref_squeeze %dma_wait3A_119 : memref<1x125xi32, #tpu.memory_space<vmem>> -> memref<125xi32, #tpu.memory_space<vmem>>
        %dma_wait3A_121 = arith.constant 0 : i32
        %dma_wait3A_122 = arith.constant 0 : i32
        %dma_wait3A_123 = tpu.memref_slice %arg11[%dma_wait3A_121, %dma_wait3A_122] : memref<10240x128xf32, #tpu.memory_space<vmem_shared>> -> memref<10240x128xf32, #tpu.memory_space<vmem_shared>>
        tpu.wait_indirect_dma semaphore(%run_scoped3A_111 : memref<!tpu.dma_semaphore, #tpu.memory_space<semaphore_mem>>) src(%arg10 : memref<125x128xf32, #tpu.memory_space<vmem>>) dst(%dma_wait3A_123 : memref<10240x128xf32, #tpu.memory_space<vmem_shared>>)
        tpu.yield
      }) : () -> ()
    }
    %scan3A_74 = arith.constant 8 : i32
    %barrier3A_75 = arith.constant 0 : index
    tpu.barrier barrier_id(%barrier3A_75)
    %mul3A_76 = arith.constant 640 : i32
    %mul3A_77 = arith.muli %arg1, %mul3A_76 : i32
    %mul3A_78 = arith.constant 640 : i32
    %mul3A_79 = arith.muli %arg1, %mul3A_78 : i32
    "tpu.region"() ({
      %run_scoped3A_80 = tpu.sem_alloc : memref<!tpu.dma_semaphore, #tpu.memory_space<semaphore_mem>>
      %dma_start3A_81 = arith.constant 0 : i32
      %dma_start3A_82 = tpu.memref_slice %arg6[%arg0, %mul3A_79, %dma_start3A_81] : memref<2x10240x128xf32, #tpu.memory_space<hbm>> -> memref<1x640x128xf32, #tpu.memory_space<hbm>>
      %dma_start3A_83 = tpu.memref_squeeze %dma_start3A_82 : memref<1x640x128xf32, #tpu.memory_space<hbm>> -> memref<640x128xf32, #tpu.memory_space<hbm>>
      %dma_start3A_84 = arith.constant 0 : i32
      %dma_start3A_85 = tpu.memref_slice %arg11[%mul3A_77, %dma_start3A_84] : memref<10240x128xf32, #tpu.memory_space<vmem_shared>> -> memref<640x128xf32, #tpu.memory_space<vmem_shared>>
      tpu.enqueue_dma source(%dma_start3A_85 : memref<640x128xf32, #tpu.memory_space<vmem_shared>>) target(%dma_start3A_83 : memref<640x128xf32, #tpu.memory_space<hbm>>) target_semaphore(%run_scoped3A_80 : memref<!tpu.dma_semaphore, #tpu.memory_space<semaphore_mem>>)
      %dma_wait3A = arith.constant 0 : i32
      %dma_wait3A_86 = tpu.memref_slice %arg6[%arg0, %mul3A_79, %dma_wait3A] : memref<2x10240x128xf32, #tpu.memory_space<hbm>> -> memref<1x640x128xf32, #tpu.memory_space<hbm>>
      %dma_wait3A_87 = tpu.memref_squeeze %dma_wait3A_86 : memref<1x640x128xf32, #tpu.memory_space<hbm>> -> memref<640x128xf32, #tpu.memory_space<hbm>>
      %dma_wait3A_88 = arith.constant 0 : i32
      %dma_wait3A_89 = tpu.memref_slice %arg11[%mul3A_77, %dma_wait3A_88] : memref<10240x128xf32, #tpu.memory_space<vmem_shared>> -> memref<640x128xf32, #tpu.memory_space<vmem_shared>>
      tpu.wait_dma2 semaphore(%run_scoped3A_80 : memref<!tpu.dma_semaphore, #tpu.memory_space<semaphore_mem>>) src(%dma_wait3A_89 : memref<640x128xf32, #tpu.memory_space<vmem_shared>>) dst(%dma_wait3A_87 : memref<640x128xf32, #tpu.memory_space<hbm>>)
      tpu.yield
    }) : () -> ()
    return
  }
}

module attributes {stable_mosaic.version = 14 : i64} {
  func.func @_scale_body(%arg0: i32, %arg1: memref<2000x1xf32, #tpu.memory_space<vmem>>, %arg2: memref<2000x1xf32, #tpu.memory_space<vmem>>, %arg3: memref<2000x128xf32, #tpu.memory_space<vmem>>, %arg4: memref<2000x128xf32, #tpu.memory_space<vmem>>, %arg5: memref<2000x1xf32, #tpu.memory_space<vmem>>) attributes {dimension_semantics = [#tpu.dimension_semantics<arbitrary>], iteration_bounds = array<i64: 5>, scalar_prefetch = 0 : i64, scratch_operands = 0 : i64, tpu.core_type = #tpu.core_type<tc>, window_params = [{transform_indices = @transform_0, window_bounds = array<i64: 2000, 1>}, {transform_indices = @transform_1, window_bounds = array<i64: 2000, 1>}, {transform_indices = @transform_2, window_bounds = array<i64: 2000, 128>}, {transform_indices = @transform_3, window_bounds = array<i64: 2000, 128>}, {transform_indices = @transform_4, window_bounds = array<i64: 2000, 1>}]} {
    %get3A = arith.constant 0 : index
    %get3A_0 = arith.constant 0 : index
    %get3A_1 = vector.load %arg1[%get3A, %get3A_0] : memref<2000x1xf32, #tpu.memory_space<vmem>>, vector<2000x1xf32>
    %get3A_2 = arith.constant 0 : index
    %get3A_3 = arith.constant 0 : index
    %get3A_4 = vector.load %arg2[%get3A_2, %get3A_3] : memref<2000x1xf32, #tpu.memory_space<vmem>>, vector<2000x1xf32>
    %add3A = arith.addf %get3A_1, %get3A_4 : vector<2000x1xf32>
    %gt3A = arith.constant 0.000000e+00 : f32
    %gt3A_5 = vector.broadcast %gt3A : f32 to vector<2000x1xf32>
    %gt3A_6 = arith.cmpf ogt, %add3A, %gt3A_5 : vector<2000x1xf32>
    %rsqrt3A = math.rsqrt %add3A : vector<2000x1xf32>
    %jit3A = arith.constant 0.000000e+00 : f32
    %broadcast_in_dim3A = vector.broadcast %jit3A : f32 to vector<2000x1xf32>
    %select_n3A = arith.select %gt3A_6, %rsqrt3A, %broadcast_in_dim3A : vector<2000x1xi1>, vector<2000x1xf32>
    %swap3A = arith.constant 0 : index
    %swap3A_7 = arith.constant 0 : index
    %swap3A_8 = vector.load %arg5[%swap3A, %swap3A_7] : memref<2000x1xf32, #tpu.memory_space<vmem>>, vector<2000x1xf32>
    tpu.vector_store %arg5[%swap3A, %swap3A_7], %select_n3A {strides = array<i32>} : memref<2000x1xf32, #tpu.memory_space<vmem>>, vector<2000x1xf32>,
    %get3A_9 = arith.constant 0 : index
    %get3A_10 = arith.constant 0 : index
    %get3A_11 = vector.load %arg3[%get3A_9, %get3A_10] : memref<2000x128xf32, #tpu.memory_space<vmem>>, vector<2000x128xf32>
    %mul3A = vector.broadcast %select_n3A : vector<2000x1xf32> to vector<2000x128xf32>
    %mul3A_12 = arith.mulf %mul3A, %get3A_11 : vector<2000x128xf32>
    %swap3A_13 = arith.constant 0 : index
    %swap3A_14 = arith.constant 0 : index
    %swap3A_15 = vector.load %arg4[%swap3A_13, %swap3A_14] : memref<2000x128xf32, #tpu.memory_space<vmem>>, vector<2000x128xf32>
    tpu.vector_store %arg4[%swap3A_13, %swap3A_14], %mul3A_12 {strides = array<i32>} : memref<2000x128xf32, #tpu.memory_space<vmem>>, vector<2000x128xf32>,
    return
  }
  func.func @transform_0(%arg0: i32) -> (i32, i32) {
    %c0_i32 = arith.constant 0 : i32
    %c0_i32_0 = arith.constant 0 : i32
    return %arg0, %c0_i32 : i32, i32
  }
  func.func @transform_1(%arg0: i32) -> (i32, i32) {
    %c0_i32 = arith.constant 0 : i32
    %c0_i32_0 = arith.constant 0 : i32
    return %arg0, %c0_i32 : i32, i32
  }
  func.func @transform_2(%arg0: i32) -> (i32, i32) {
    %c0_i32 = arith.constant 0 : i32
    %c0_i32_0 = arith.constant 0 : i32
    return %arg0, %c0_i32 : i32, i32
  }
  func.func @transform_3(%arg0: i32) -> (i32, i32) {
    %c0_i32 = arith.constant 0 : i32
    %c0_i32_0 = arith.constant 0 : i32
    return %arg0, %c0_i32 : i32, i32
  }
  func.func @transform_4(%arg0: i32) -> (i32, i32) {
    %c0_i32 = arith.constant 0 : i32
    %c0_i32_0 = arith.constant 0 : i32
    return %arg0, %c0_i32 : i32, i32
  }
}

module attributes {stable_mosaic.version = 14 : i64} {
  func.func @_mid_body(%arg0: i32, %arg1: memref<2000x1xf32, #tpu.memory_space<vmem>>, %arg2: memref<1x2000x128xf32, #tpu.memory_space<vmem>>, %arg3: memref<1x2000x128xf32, #tpu.memory_space<vmem>>, %arg4: memref<2000x128xf32, #tpu.memory_space<vmem>>, %arg5: memref<2000x128xf32, #tpu.memory_space<vmem>>) attributes {dimension_semantics = [#tpu.dimension_semantics<arbitrary>], iteration_bounds = array<i64: 5>, scalar_prefetch = 0 : i64, scratch_operands = 0 : i64, tpu.core_type = #tpu.core_type<tc>, window_params = [{transform_indices = @transform_0, window_bounds = array<i64: 2000, 1>}, {transform_indices = @transform_1, window_bounds = array<i64: 1, 2000, 128>}, {transform_indices = @transform_2, window_bounds = array<i64: 1, 2000, 128>}, {transform_indices = @transform_3, window_bounds = array<i64: 2000, 128>}, {transform_indices = @transform_4, window_bounds = array<i64: 2000, 128>}]} {
    %get3A = arith.constant 0 : index
    %get3A_0 = arith.constant 0 : index
    %get3A_1 = vector.load %arg1[%get3A, %get3A_0] : memref<2000x1xf32, #tpu.memory_space<vmem>>, vector<2000x1xf32>
    %neg3A = arith.constant 0.000000e+00 : f32
    %neg3A_2 = vector.broadcast %neg3A : f32 to vector<2000x1xf32>
    %neg3A_3 = arith.subf %neg3A_2, %get3A_1 : vector<2000x1xf32>
    %get3A_4 = arith.constant 0 : index
    %get3A_5 = arith.constant 0 : index
    %get3A_6 = arith.constant 0 : index
    %get3A_7 = vector.load %arg2[%get3A_4, %get3A_5, %get3A_6] : memref<1x2000x128xf32, #tpu.memory_space<vmem>>, vector<1x2000x128xf32>
    %get3A_8 = vector.shape_cast %get3A_7 : vector<1x2000x128xf32> to vector<2000x128xf32>
    %get3A_9 = arith.constant 0 : index
    %get3A_10 = arith.constant 0 : index
    %get3A_11 = arith.constant 0 : index
    %get3A_12 = vector.load %arg3[%get3A_9, %get3A_10, %get3A_11] : memref<1x2000x128xf32, #tpu.memory_space<vmem>>, vector<1x2000x128xf32>
    %get3A_13 = vector.shape_cast %get3A_12 : vector<1x2000x128xf32> to vector<2000x128xf32>
    %add3A = arith.addf %get3A_8, %get3A_13 : vector<2000x128xf32>
    %mul3A = vector.broadcast %neg3A_3 : vector<2000x1xf32> to vector<2000x128xf32>
    %mul3A_14 = arith.mulf %mul3A, %add3A : vector<2000x128xf32>
    %swap3A = arith.constant 0 : index
    %swap3A_15 = arith.constant 0 : index
    %swap3A_16 = vector.load %arg4[%swap3A, %swap3A_15] : memref<2000x128xf32, #tpu.memory_space<vmem>>, vector<2000x128xf32>
    tpu.vector_store %arg4[%swap3A, %swap3A_15], %mul3A_14 {strides = array<i32>} : memref<2000x128xf32, #tpu.memory_space<vmem>>, vector<2000x128xf32>,
    %mul3A_17 = vector.broadcast %get3A_1 : vector<2000x1xf32> to vector<2000x128xf32>
    %mul3A_18 = arith.mulf %mul3A_17, %mul3A_14 : vector<2000x128xf32>
    %swap3A_19 = arith.constant 0 : index
    %swap3A_20 = arith.constant 0 : index
    %swap3A_21 = vector.load %arg5[%swap3A_19, %swap3A_20] : memref<2000x128xf32, #tpu.memory_space<vmem>>, vector<2000x128xf32>
    tpu.vector_store %arg5[%swap3A_19, %swap3A_20], %mul3A_18 {strides = array<i32>} : memref<2000x128xf32, #tpu.memory_space<vmem>>, vector<2000x128xf32>,
    return
  }
  func.func @transform_0(%arg0: i32) -> (i32, i32) {
    %c0_i32 = arith.constant 0 : i32
    %c0_i32_0 = arith.constant 0 : i32
    return %arg0, %c0_i32 : i32, i32
  }
  func.func @transform_1(%arg0: i32) -> (i32, i32, i32) {
    %c0_i32 = arith.constant 0 : i32
    %c0_i32_0 = arith.constant 0 : i32
    %c0_i32_1 = arith.constant 0 : i32
    return %c0_i32, %arg0, %c0_i32_0 : i32, i32, i32
  }
  func.func @transform_2(%arg0: i32) -> (i32, i32, i32) {
    %c1_i32 = arith.constant 1 : i32
    %c0_i32 = arith.constant 0 : i32
    %c0_i32_0 = arith.constant 0 : i32
    return %c1_i32, %arg0, %c0_i32 : i32, i32, i32
  }
  func.func @transform_3(%arg0: i32) -> (i32, i32) {
    %c0_i32 = arith.constant 0 : i32
    %c0_i32_0 = arith.constant 0 : i32
    return %arg0, %c0_i32 : i32, i32
  }
  func.func @transform_4(%arg0: i32) -> (i32, i32) {
    %c0_i32 = arith.constant 0 : i32
    %c0_i32_0 = arith.constant 0 : i32
    return %arg0, %c0_i32 : i32, i32
  }
}

module attributes {stable_mosaic.version = 14 : i64} {
  func.func @_final_body(%arg0: i32, %arg1: memref<2000x128xf32, #tpu.memory_space<vmem>>, %arg2: memref<2000x128xf32, #tpu.memory_space<vmem>>, %arg3: memref<2000x1xf32, #tpu.memory_space<vmem>>, %arg4: memref<1x2000x128xf32, #tpu.memory_space<vmem>>, %arg5: memref<1x2000x128xf32, #tpu.memory_space<vmem>>, %arg6: memref<3x128x128xf32, #tpu.memory_space<vmem>>, %arg7: memref<3x128x128xf32, #tpu.memory_space<vmem>>, %arg8: memref<1x128xf32, #tpu.memory_space<vmem>>, %arg9: memref<1x128xf32, #tpu.memory_space<vmem>>, %arg10: memref<2000x128xf32, #tpu.memory_space<vmem>>) attributes {dimension_semantics = [#tpu.dimension_semantics<arbitrary>], iteration_bounds = array<i64: 5>, scalar_prefetch = 0 : i64, scratch_operands = 0 : i64, tpu.core_type = #tpu.core_type<tc>, window_params = [{transform_indices = @transform_0, window_bounds = array<i64: 2000, 128>}, {transform_indices = @transform_1, window_bounds = array<i64: 2000, 128>}, {transform_indices = @transform_2, window_bounds = array<i64: 2000, 1>}, {transform_indices = @transform_3, window_bounds = array<i64: 1, 2000, 128>}, {transform_indices = @transform_4, window_bounds = array<i64: 1, 2000, 128>}, {pipeline_mode = #tpu.pipeline_mode<synchronous>, transform_indices = @transform_5, window_bounds = array<i64: 3, 128, 128>}, {pipeline_mode = #tpu.pipeline_mode<synchronous>, transform_indices = @transform_6, window_bounds = array<i64: 3, 128, 128>}, {pipeline_mode = #tpu.pipeline_mode<synchronous>, transform_indices = @transform_7, window_bounds = array<i64: 1, 128>}, {pipeline_mode = #tpu.pipeline_mode<synchronous>, transform_indices = @transform_8, window_bounds = array<i64: 1, 128>}, {transform_indices = @transform_9, window_bounds = array<i64: 2000, 128>}]} {
    %get3A = arith.constant 0 : index
    %get3A_0 = arith.constant 0 : index
    %get3A_1 = vector.load %arg1[%get3A, %get3A_0] : memref<2000x128xf32, #tpu.memory_space<vmem>>, vector<2000x128xf32>
    %get3A_2 = arith.constant 0 : index
    %get3A_3 = arith.constant 0 : index
    %get3A_4 = vector.load %arg2[%get3A_2, %get3A_3] : memref<2000x128xf32, #tpu.memory_space<vmem>>, vector<2000x128xf32>
    %get3A_5 = arith.constant 0 : index
    %get3A_6 = arith.constant 0 : index
    %get3A_7 = vector.load %arg3[%get3A_5, %get3A_6] : memref<2000x1xf32, #tpu.memory_space<vmem>>, vector<2000x1xf32>
    %mul3A = arith.constant -2.000000e+00 : f32
    %mul3A_8 = vector.broadcast %mul3A : f32 to vector<2000x1xf32>
    %mul3A_9 = arith.mulf %mul3A_8, %get3A_7 : vector<2000x1xf32>
    %get3A_10 = arith.constant 0 : index
    %get3A_11 = arith.constant 0 : index
    %get3A_12 = arith.constant 0 : index
    %get3A_13 = vector.load %arg4[%get3A_10, %get3A_11, %get3A_12] : memref<1x2000x128xf32, #tpu.memory_space<vmem>>, vector<1x2000x128xf32>
    %get3A_14 = vector.shape_cast %get3A_13 : vector<1x2000x128xf32> to vector<2000x128xf32>
    %get3A_15 = arith.constant 0 : index
    %get3A_16 = arith.constant 0 : index
    %get3A_17 = arith.constant 0 : index
    %get3A_18 = vector.load %arg5[%get3A_15, %get3A_16, %get3A_17] : memref<1x2000x128xf32, #tpu.memory_space<vmem>>, vector<1x2000x128xf32>
    %get3A_19 = vector.shape_cast %get3A_18 : vector<1x2000x128xf32> to vector<2000x128xf32>
    %add3A = arith.addf %get3A_14, %get3A_19 : vector<2000x128xf32>
    %mul3A_20 = vector.broadcast %mul3A_9 : vector<2000x1xf32> to vector<2000x128xf32>
    %mul3A_21 = arith.mulf %mul3A_20, %add3A : vector<2000x128xf32>
    %sub3A = arith.subf %mul3A_21, %get3A_1 : vector<2000x128xf32>
    %get3A_22 = arith.constant 0 : index
    %get3A_23 = arith.constant 0 : index
    %get3A_24 = arith.constant 0 : index
    %get3A_25 = vector.load %arg6[%get3A_22, %get3A_23, %get3A_24] : memref<3x128x128xf32, #tpu.memory_space<vmem>>, vector<1x128x128xf32>
    %get3A_26 = vector.shape_cast %get3A_25 : vector<1x128x128xf32> to vector<128x128xf32>
    %dot_general3A = arith.constant dense<0.000000e+00> : vector<2000x128xf32>
    %dot_general3A_27 = tpu.matmul %get3A_1, %get3A_26, %dot_general3A {dimension_numbers = #tpu.dot_dimension_numbers<[1], [0], [0], [1], [0, 0, 1, 1], [], []>, precision = #tpu.contract_precision<fp32>, transpose_lhs_hint = false} : vector<2000x128xf32>, vector<128x128xf32>, vector<2000x128xf32> -> vector<2000x128xf32>
    %get3A_28 = arith.constant 1 : index
    %get3A_29 = arith.constant 0 : index
    %get3A_30 = arith.constant 0 : index
    %get3A_31 = vector.load %arg6[%get3A_28, %get3A_29, %get3A_30] : memref<3x128x128xf32, #tpu.memory_space<vmem>>, vector<1x128x128xf32>
    %get3A_32 = vector.shape_cast %get3A_31 : vector<1x128x128xf32> to vector<128x128xf32>
    %dot_general3A_33 = arith.constant dense<0.000000e+00> : vector<2000x128xf32>
    %dot_general3A_34 = tpu.matmul %get3A_4, %get3A_32, %dot_general3A_33 {dimension_numbers = #tpu.dot_dimension_numbers<[1], [0], [0], [1], [0, 0, 1, 1], [], []>, precision = #tpu.contract_precision<fp32>, transpose_lhs_hint = false} : vector<2000x128xf32>, vector<128x128xf32>, vector<2000x128xf32> -> vector<2000x128xf32>
    %add3A_35 = arith.addf %dot_general3A_27, %dot_general3A_34 : vector<2000x128xf32>
    %get3A_36 = arith.constant 2 : index
    %get3A_37 = arith.constant 0 : index
    %get3A_38 = arith.constant 0 : index
    %get3A_39 = vector.load %arg6[%get3A_36, %get3A_37, %get3A_38] : memref<3x128x128xf32, #tpu.memory_space<vmem>>, vector<1x128x128xf32>
    %get3A_40 = vector.shape_cast %get3A_39 : vector<1x128x128xf32> to vector<128x128xf32>
    %dot_general3A_41 = arith.constant dense<0.000000e+00> : vector<2000x128xf32>
    %dot_general3A_42 = tpu.matmul %sub3A, %get3A_40, %dot_general3A_41 {dimension_numbers = #tpu.dot_dimension_numbers<[1], [0], [0], [1], [0, 0, 1, 1], [], []>, precision = #tpu.contract_precision<fp32>, transpose_lhs_hint = false} : vector<2000x128xf32>, vector<128x128xf32>, vector<2000x128xf32> -> vector<2000x128xf32>
    %add3A_43 = arith.addf %add3A_35, %dot_general3A_42 : vector<2000x128xf32>
    %get3A_44 = arith.constant 0 : index
    %get3A_45 = arith.constant 0 : index
    %get3A_46 = vector.load %arg8[%get3A_44, %get3A_45] : memref<1x128xf32, #tpu.memory_space<vmem>>, vector<1x128xf32>
    %add3A_47 = vector.broadcast %get3A_46 : vector<1x128xf32> to vector<2000x128xf32>
    %add3A_48 = arith.addf %add3A_43, %add3A_47 : vector<2000x128xf32>
    %get3A_49 = arith.constant 0 : index
    %get3A_50 = arith.constant 0 : index
    %get3A_51 = arith.constant 0 : index
    %get3A_52 = vector.load %arg7[%get3A_49, %get3A_50, %get3A_51] : memref<3x128x128xf32, #tpu.memory_space<vmem>>, vector<1x128x128xf32>
    %get3A_53 = vector.shape_cast %get3A_52 : vector<1x128x128xf32> to vector<128x128xf32>
    %dot_general3A_54 = arith.constant dense<0.000000e+00> : vector<2000x128xf32>
    %dot_general3A_55 = tpu.matmul %get3A_1, %get3A_53, %dot_general3A_54 {dimension_numbers = #tpu.dot_dimension_numbers<[1], [0], [0], [1], [0, 0, 1, 1], [], []>, precision = #tpu.contract_precision<fp32>, transpose_lhs_hint = false} : vector<2000x128xf32>, vector<128x128xf32>, vector<2000x128xf32> -> vector<2000x128xf32>
    %get3A_56 = arith.constant 1 : index
    %get3A_57 = arith.constant 0 : index
    %get3A_58 = arith.constant 0 : index
    %get3A_59 = vector.load %arg7[%get3A_56, %get3A_57, %get3A_58] : memref<3x128x128xf32, #tpu.memory_space<vmem>>, vector<1x128x128xf32>
    %get3A_60 = vector.shape_cast %get3A_59 : vector<1x128x128xf32> to vector<128x128xf32>
    %dot_general3A_61 = arith.constant dense<0.000000e+00> : vector<2000x128xf32>
    %dot_general3A_62 = tpu.matmul %get3A_4, %get3A_60, %dot_general3A_61 {dimension_numbers = #tpu.dot_dimension_numbers<[1], [0], [0], [1], [0, 0, 1, 1], [], []>, precision = #tpu.contract_precision<fp32>, transpose_lhs_hint = false} : vector<2000x128xf32>, vector<128x128xf32>, vector<2000x128xf32> -> vector<2000x128xf32>
    %add3A_63 = arith.addf %dot_general3A_55, %dot_general3A_62 : vector<2000x128xf32>
    %get3A_64 = arith.constant 2 : index
    %get3A_65 = arith.constant 0 : index
    %get3A_66 = arith.constant 0 : index
    %get3A_67 = vector.load %arg7[%get3A_64, %get3A_65, %get3A_66] : memref<3x128x128xf32, #tpu.memory_space<vmem>>, vector<1x128x128xf32>
    %get3A_68 = vector.shape_cast %get3A_67 : vector<1x128x128xf32> to vector<128x128xf32>
    %dot_general3A_69 = arith.constant dense<0.000000e+00> : vector<2000x128xf32>
    %dot_general3A_70 = tpu.matmul %sub3A, %get3A_68, %dot_general3A_69 {dimension_numbers = #tpu.dot_dimension_numbers<[1], [0], [0], [1], [0, 0, 1, 1], [], []>, precision = #tpu.contract_precision<fp32>, transpose_lhs_hint = false} : vector<2000x128xf32>, vector<128x128xf32>, vector<2000x128xf32> -> vector<2000x128xf32>
    %add3A_71 = arith.addf %add3A_63, %dot_general3A_70 : vector<2000x128xf32>
    %get3A_72 = arith.constant 0 : index
    %get3A_73 = arith.constant 0 : index
    %get3A_74 = vector.load %arg9[%get3A_72, %get3A_73] : memref<1x128xf32, #tpu.memory_space<vmem>>, vector<1x128xf32>
    %add3A_75 = vector.broadcast %get3A_74 : vector<1x128xf32> to vector<2000x128xf32>
    %add3A_76 = arith.addf %add3A_71, %add3A_75 : vector<2000x128xf32>
    %logistic3A = arith.negf %add3A_48 : vector<2000x128xf32>
    %logistic3A_77 = math.exp %logistic3A : vector<2000x128xf32>
    %logistic3A_78 = arith.constant 1.000000e+00 : f32
    %logistic3A_79 = vector.broadcast %logistic3A_78 : f32 to vector<2000x128xf32>
    %logistic3A_80 = arith.addf %logistic3A_79, %logistic3A_77 : vector<2000x128xf32>
    %logistic3A_81 = arith.divf %logistic3A_79, %logistic3A_80 : vector<2000x128xf32>
    %sub3A_82 = arith.constant 1.000000e+00 : f32
    %sub3A_83 = vector.broadcast %sub3A_82 : f32 to vector<2000x128xf32>
    %sub3A_84 = arith.subf %sub3A_83, %logistic3A_81 : vector<2000x128xf32>
    %tanh3A = math.tanh %add3A_76 : vector<2000x128xf32>
    %mul3A_85 = arith.mulf %sub3A_84, %tanh3A : vector<2000x128xf32>
    %swap3A = arith.constant 0 : index
    %swap3A_86 = arith.constant 0 : index
    %swap3A_87 = vector.load %arg10[%swap3A, %swap3A_86] : memref<2000x128xf32, #tpu.memory_space<vmem>>, vector<2000x128xf32>
    tpu.vector_store %arg10[%swap3A, %swap3A_86], %mul3A_85 {strides = array<i32>} : memref<2000x128xf32, #tpu.memory_space<vmem>>, vector<2000x128xf32>,
    return
  }
  func.func @transform_0(%arg0: i32) -> (i32, i32) {
    %c0_i32 = arith.constant 0 : i32
    %c0_i32_0 = arith.constant 0 : i32
    return %arg0, %c0_i32 : i32, i32
  }
  func.func @transform_1(%arg0: i32) -> (i32, i32) {
    %c0_i32 = arith.constant 0 : i32
    %c0_i32_0 = arith.constant 0 : i32
    return %arg0, %c0_i32 : i32, i32
  }
  func.func @transform_2(%arg0: i32) -> (i32, i32) {
    %c0_i32 = arith.constant 0 : i32
    %c0_i32_0 = arith.constant 0 : i32
    return %arg0, %c0_i32 : i32, i32
  }
  func.func @transform_3(%arg0: i32) -> (i32, i32, i32) {
    %c0_i32 = arith.constant 0 : i32
    %c0_i32_0 = arith.constant 0 : i32
    %c0_i32_1 = arith.constant 0 : i32
    return %c0_i32, %arg0, %c0_i32_0 : i32, i32, i32
  }
  func.func @transform_4(%arg0: i32) -> (i32, i32, i32) {
    %c1_i32 = arith.constant 1 : i32
    %c0_i32 = arith.constant 0 : i32
    %c0_i32_0 = arith.constant 0 : i32
    return %c1_i32, %arg0, %c0_i32 : i32, i32, i32
  }
  func.func @transform_5(%arg0: i32) -> (i32, i32, i32) {
    %c0_i32 = arith.constant 0 : i32
    %c0_i32_0 = arith.constant 0 : i32
    %c0_i32_1 = arith.constant 0 : i32
    %c0_i32_2 = arith.constant 0 : i32
    return %c0_i32, %c0_i32_0, %c0_i32_1 : i32, i32, i32
  }
  func.func @transform_6(%arg0: i32) -> (i32, i32, i32) {
    %c0_i32 = arith.constant 0 : i32
    %c0_i32_0 = arith.constant 0 : i32
    %c0_i32_1 = arith.constant 0 : i32
    %c0_i32_2 = arith.constant 0 : i32
    return %c0_i32, %c0_i32_0, %c0_i32_1 : i32, i32, i32
  }
  func.func @transform_7(%arg0: i32) -> (i32, i32) {
    %c0_i32 = arith.constant 0 : i32
    %c0_i32_0 = arith.constant 0 : i32
    %c0_i32_1 = arith.constant 0 : i32
    return %c0_i32, %c0_i32_0 : i32, i32
  }
  func.func @transform_8(%arg0: i32) -> (i32, i32) {
    %c0_i32 = arith.constant 0 : i32
    %c0_i32_0 = arith.constant 0 : i32
    %c0_i32_1 = arith.constant 0 : i32
    return %c0_i32, %c0_i32_0 : i32, i32
  }
  func.func @transform_9(%arg0: i32) -> (i32, i32) {
    %c0_i32 = arith.constant 0 : i32
    %c0_i32_0 = arith.constant 0 : i32
    return %arg0, %c0_i32 : i32, i32
  }
}

</mosaic_0001>

<sc_bundles>
// kernel: kernel.11.cloned.1.call-start
scs
__scs_entry_jumppad:
0x0: {  	(pc) =	sbr.rel $0x88, $3  }
0x1: {  	(tag) =	ssettag $0x0;
	lr =	simm.s32 $0x1  }
0x2: {  	[smem:$0x3F99] =	sst lr;
	_ =	strace $0xD0000000  }
0x3: {  	_ = 	snop  }
0x4: {  	_ = 	snop  }
0x5: {  	_ = 	snop  }
0x6: {  	_ = 	snop  }
0x7: {  	_ = 	snop  }
__scs_overlays_trampoline_lowered:
0x8: {  	[smem:$0x3FA8] =	sst s0  }
0x9: {  	[smem:$0x3FA9] =	sst s1  }
0xa: {  	[smem:$0x3FAA] =	sst s2  }
0xb: {  	[smem:$0x3FAB] =	sst s3  }
0xc: {  	[smem:$0x3FAC] =	sst s4  }
0xd: {  	[smem:$0x3FAD] =	sst s5  }
0xe: {  	[smem:$0x3FAE] =	sst s6  }
0xf: {  	[smem:$0x3FAF] =	sst s7  }
0x10: {  	[smem:$0x3FB0] =	sst s8  }
0x11: {  	[smem:$0x3FB1] =	sst s9;
	s0 =	simm.s32 @!p0 $0x0  }
0x12: {  	s1 =	sld [smem:$0x3F97];
	s0 =	simm.s32 @p0 $0x1  }
0x13: {  	[smem:$0x3FB2] =	sst s0;
	s0 =	simm.s32 @!p1 $0x0  }
0x14: {  	s2 =	sld [smem:$0x3F96];
	s0 =	simm.s32 @p1 $0x1  }
0x15: {  	[smem:$0x3FB3] =	sst s0;
	s0 =	simm.s32 @!p2 $0x0  }
0x16: {  	s3 =	sld [smem:$0x3FDB];
	s0 =	simm.s32 @p2 $0x1  }
0x17: {  	s4 =	simm.s32 $0x1BF5;
	[smem:$0x3FB5] =	sst s0  }
0x18: {  	s0 =	sld [smem:$0x3F98];
	_ =	swait.ge [sflag:s4], $0x0  }
0x19: {  	s7 =	sld [smem:$0x3F99]  }
0x1a: {  	s8 =	sadd.s32 $0xFFFFE003, lr  }
0x1b: {  	s9 =	sadd.s32 $0xFFFFFEF7, lr;
	s5 =	simm.s32 $0xFFFFFFFF;
	p2 =	slt.u32 s8, $0xFFFFF086  }
0x1c: {  	p1 =	slt.u32 s9, $0xF7A;
	s5 =	simm.s32 @!p2 $0x0  }
0x1d: {  	s5 =	simm.s32 @p1 $0x1;
	p0 =	seq.s32 s7, s2  }
0x1e: {  	s7 =	smul.u32 @!p0 $0xF7A, s2;
	p2 =	seq.s32 @!p0 s5, $0x0  }
0x1f: {  	s9 =	smul.u32 $0xF7A, s1;
	s8 =	simm.s32 @!p0 $0x1BF5;
	p2 =	por !p2, p0  }
0x20: {  	[sflag:s8] =	ssyncset.s32 @!p0 $0xFFFFF086;
	s6 =	sadd.s32 @!p0 s3, s7;
	s7 =	simm.s32 @!p0 $0x108  }
0x21: {  	s3 =	sadd.s32 s3, s9;
	s6 =	sadd.s32 @!p0 $0x88, s6;
	s7 =	simm.s32 @p2 $0x1082  }
0x22: {  	[simem:s7], [sflag:s8] =	dma.local @!p0 [hbm:s6], $0xF7A  }
0x23: {  	s9 =	sor.u32 $0xD0000000, s2;
	s6 =	simm.s32 $0x108;
	_ =	swait.ge @!p0 [sflag:s8], $0x0  }
0x24: {  	s3 =	sadd.s32 $0x88, s3;
	s6 =	simm.s32 @!p1 $0x1082;
	[sflag:s4] =	ssyncset.s32 $0xFFFFF086  }
0x25: {  	[simem:s6], [sflag:s4] =	dma.local [hbm:s3], $0xF7A  }
0x26: {  	[smem:$0x3F99] =	sst s1;
	(tag) =	ssettag s2;
	_ =	strace s9  }
0x27: {  	s1 =	sld [smem:$0x3FA9]  }
0x28: {  	s2 =	sld [smem:$0x3FAA]  }
0x29: {  	s4 =	sld [smem:$0x3FAC]  }
0x2a: {  	p0 =	seq.s32 s5, $0x0;
	s5 =	sld [smem:$0x3FAD]  }
0x2b: {  	s6 =	sld [smem:$0x3FAE]  }
0x2c: {  	s7 =	sld [smem:$0x3FAF]  }
0x2d: {  	s3 =	simm.s32 $0x108;
	s8 =	sld [smem:$0x3FB0]  }
0x2e: {  	s3 =	simm.s32 @!p0 $0x1082;
	s9 =	sld [smem:$0x3FB1]  }
0x2f: {  	lr =	sadd.s32 s0, s3;
	s0 =	sld [smem:$0x3FA8]  }
0x30: {  	s3 =	sld [smem:$0x3FAB]  }
0x31: {  	[smem:$0x3FB4] =	sst s10  }
0x32: {  	s10 =	sld [smem:$0x3FB2];
	_ =	sdelay $0x3  }
0x33: {  	p0 =	seq.s32 s10, $0x1;
	s10 =	sld [smem:$0x3FB4];
	_ =	sdelay $0x3  }
0x34: {  	[smem:$0x3FB4] =	sst s10  }
0x35: {  	s10 =	sld [smem:$0x3FB3];
	_ =	sdelay $0x3  }
0x36: {  	p1 =	seq.s32 s10, $0x1;
	s10 =	sld [smem:$0x3FB4];
	_ =	sdelay $0x3  }
0x37: {  	[smem:$0x3FB4] =	sst s10  }
0x38: {  	s10 =	sld [smem:$0x3FB5]  }
0x39: {  	_ = 	snop;
	(pc) =	sbr.ind lr, $3  }
0x3a: {  	_ = 	snop  }
0x3b: {  	_ = 	snop  }
0x3c: {  	p2 =	seq.s32 s10, $0x1;
	s10 =	sld [smem:$0x3FB4]  }
0x3d: {  	_ =	shalt  }
0x3e: {  	_ =	shalt  }
0x3f: {  	_ =	shalt  }
0x40: {  	_ =	shalt  }
0x41: {  	_ =	shalt  }
0x42: {  	_ =	shalt  }
0x43: {  	_ =	shalt  }
0x44: {  	_ =	shalt  }
0x45: {  	_ =	shalt  }
0x46: {  	_ =	shalt  }
0x47: {  	_ =	shalt  }
0x48: {  	_ =	shalt  }
0x49: {  	_ =	shalt  }
0x4a: {  	_ =	shalt  }
0x4b: {  	_ =	shalt  }
0x4c: {  	_ =	shalt  }
0x4d: {  	_ =	shalt  }
0x4e: {  	_ =	shalt  }
0x4f: {  	_ =	shalt  }
0x50: {  	_ =	shalt  }
0x51: {  	_ =	shalt  }
0x52: {  	_ =	shalt  }
0x53: {  	_ =	shalt  }
0x54: {  	_ =	shalt  }
0x55: {  	_ =	shalt  }
0x56: {  	_ =	shalt  }
0x57: {  	_ =	shalt  }
0x58: {  	_ =	shalt  }
0x59: {  	_ =	shalt  }
0x5a: {  	_ =	shalt  }
0x5b: {  	_ =	shalt  }
0x5c: {  	_ =	shalt  }
0x5d: {  	_ =	shalt  }
0x5e: {  	_ =	shalt  }
0x5f: {  	_ =	shalt  }
0x60: {  	_ =	shalt  }
0x61: {  	_ =	shalt  }
0x62: {  	_ =	shalt  }
0x63: {  	_ =	shalt  }
0x64: {  	_ =	shalt  }
0x65: {  	_ =	shalt  }
0x66: {  	_ =	shalt  }
0x67: {  	_ =	shalt  }
0x68: {  	_ =	shalt  }
0x69: {  	_ =	shalt  }
0x6a: {  	_ =	shalt  }
0x6b: {  	_ =	shalt  }
0x6c: {  	_ =	shalt  }
0x6d: {  	_ =	shalt  }
0x6e: {  	_ =	shalt  }
0x6f: {  	_ =	shalt  }
0x70: {  	_ =	shalt  }
0x71: {  	_ =	shalt  }
0x72: {  	_ =	shalt  }
0x73: {  	_ =	shalt  }
0x74: {  	_ =	shalt  }
0x75: {  	_ =	shalt  }
0x76: {  	_ =	shalt  }
0x77: {  	_ =	shalt  }
0x78: {  	_ =	shalt  }
0x79: {  	_ =	shalt  }
0x7a: {  	_ =	shalt  }
0x7b: {  	_ =	shalt  }
0x7c: {  	_ =	shalt  }
0x7d: {  	_ =	shalt  }
0x7e: {  	_ =	shalt  }
0x7f: {  	_ =	shalt  }
0x80: {  	_ =	shalt  }
0x81: {  	_ =	shalt  }
0x82: {  	_ =	shalt  }
0x83: {  	_ =	shalt  }
0x84: {  	_ =	shalt  }
0x85: {  	_ =	shalt  }
0x86: {  	_ =	shalt  }
0x87: {  	_ =	shalt  }
.Lfunc_end0:
.L_simem_size_0:
called_computation.1_lowered:
.L_overlay_start_0:
0x88: {  	s2 =	sld [smem:$0x3FD9]  }
0x89: {  	s3 =	sld [smem:$0x3FFE];
	_ =	sdelay $0x1  }
0x8a: {  	s1 =	srdreg.scid  }
0x8b: {  	s0 =	sand.u32 $0x1, s1  }
0x8c: {  	s17 =	sshll.u32 s0, $0xA;
	s2 =	sadd.s32 s3, s2  }
0x8d: {  	s2 =	sadd.s32 s2, s17  }
0x8e: {  	[smem:$0x3FC0] =	sst s2  }
0x8f: {  	_ = 	snop  }
0x90: {  	s2 =	sld [smem:$0x3FD0];
	(tm) =	ssettm $0x1  }
0x91: {  	s18 =	sld [smem:$0x3FFB];
	_ =	sdelay $0x3  }
0x92: {  	_ =	strace s18  }
0x93: {  	s3 =	sld [smem:$0x3FFC];
	_ =	sdelay $0x3  }
0x94: {  	_ =	strace s3  }
0x95: {  	s3 =	sld [smem:$0x3FFD];
	_ =	sdelay $0x3  }
0x96: {  	_ =	strace s3  }
0x97: {  	_ =	strace $0x8FFFFFFF  }
0x98: {  	s19 =	sld [smem:$0x3FDB];
	_ =	sdelay $0x1  }
0x99: {  	s4 =	simm.s32 $_scs_section_size  }
0x9a: {  	s5 =	simm.s32 $_size__tile_overlayer_lowered;
	s6 =	simm.s32 $_tile_overlayer_lowered  }
0x9b: {  	s22 =	simm.s32 $0x1BFF;
	s21 =	sshll.u32 s6, $0x1;
	s3 =	sadd.s32 s4, s19  }
0x9c: {  	s7 =	simm.s32 $0x0;
	s20 =	sshll.u32 s5, $0x1;
	s5 =	sadd.s32 s21, s3  }
0x9d: {  	[timem:s7], [sflag:s22] =	dma.local [hbm:s5], s20  }
0x9e: {  	_ =	swait.ge [sflag:s22], s20  }
0x9f: {  	s4 =	ssub.s32 $0x0, s20;
	[sflag:s22] =	ssyncset.done $0x0  }
0xa0: {  	[sflag:s22] =	ssyncadd.s32 s4;
	_ =	sdelay $0x1  }
0xa1: {  	s23 =	simm.s32 $0x1B8B  }
0xa2: {  	_ =	swait.ge [sflag:s23], $0x1  }
0xa3: {  	[sflag:s23] =	ssyncset.done $0x0  }
0xa4: {  	s25 =	simm.s32 $0x1B8E;
	s24 =	sld [smem:$0x3FFE];
	[sflag:s23] =	ssyncadd.s32 $0xFFFFFFFF  }
0xa5: {  	s26 =	simm.s32 $execute0_lowered;
	[smem:$0x3FD2] =	sst s25  }
0xa6: {  	s5 =	sshll.u32 s26, $0x1;
	_ =	strace $0x80000049;
	[dreg:$0x1] =	wrdreg $0xFFFFFFFF  }
0xa7: {  	s28 =	simm.s32 $_size_execute0_lowered;
	s3 =	sadd.s32 s3, s5;
	[dreg:$0x0] =	wrdreg $0x0  }
0xa8: {  	s5 =	sshll.u32 s28, $0x1;
	[dreg:$0x2] =	wrdreg s3  }
0xa9: {  	[dreg:$0x3] =	wrdreg s5  }
0xaa: {  	[dreg:$0x4] =	wrdreg $0xC0  }
0xab: {  	_ =	task [dreg:s7], $0x5FFFF  }
0xac: {  	[dreg:$0x1] =	wrdreg $0xFFFFFFFF  }
0xad: {  	[dreg:$0x0] =	wrdreg $0x60  }
0xae: {  	[dreg:$0x2] =	wrdreg s2  }
0xaf: {  	[dreg:$0x3] =	wrdreg s24  }
0xb0: {  	[dreg:$0x4] =	wrdreg $0x90000  }
0xb1: {  	[dreg:$0x5] =	wrdreg $0x9  }
0xb2: {  	_ =	task.clear_ibuf [dreg:s7], $0x6FFFF;
	_ =	strace $0x90000049  }
0xb3: {  	s29 =	simm.s32 $0x9;
	_ =	strace $0x8000004B  }
0xb4: {  	_ =	swait.ge [sflag:s29], $0x1  }
0xb5: {  	[sflag:s29] =	ssyncadd.s32 $0xFFFFFFFF  }
0xb6: {  	_ =	strace $0x9000004B  }
0xb7: {  	_ =	sfence  }
0xb8: {  	s30 =	sld [smem:$0x0];
	_ =	sdelay $0x2  }
0xb9: {  	s31 =	sshll.u32 s1, $0xD;
	s1 =	sshrl.u32 s1, $0x2  }
0xba: {  	s3 =	sand.u32 $0x4000, s31;
	s1 =	sadd.s32 s1, s30  }
0xbb: {  	s0 =	sor.u32 s3, s0;
	s1 =	sshll.u32 s1, $0x11  }
0xbc: {  	s0 =	sor.u32 s1, s0  }
0xbd: {  	s0 =	sadd.s32 $0x8F2B, s0  }
0xbe: {  	[sflag:s0] =	ssyncadd.remote.s32 $0x1  }
0xbf: {  	_ =	sfence.sel $0xFFFF  }
0xc0: {  	[dreg:$0x0] =	wrdreg $0xFFFFFFFF;
	(pc) =	sbr.abs _section_cstart, $3  }
0xc1: {  	[dreg:$0x1] =	wrdreg $0xFFFFFFFF  }
0xc2: {  	_ =	task.clear_ibuf [dreg:s7], $0x2FFFF;
	_ =	strace $0x9FFFFFFF  }
0xc3: {  	(tm) =	ssettm $0x7FFFFFFF  }
tec
execute0_lowered:
.L_overlay_start_1:
0x0: {  	(tag) =	ssettag $0x1  }
0x1: {  	s2 =	rddreg [dreg:$0x0]  }
0x2: {  	s0 =	rddreg [dreg:$0x1]  }
0x3: {  	s1 =	srdreg.scid;
	s7 =	stileid.u32  }
0x4: {  	s3 =	rddreg [dreg:$0x2];
	s16 =	simm.s32 $0x0;
	s8 =	sand.u32 $0x1, s1  }
0x5: {  	s30 =	sshll.u32 s7, $0x1;
	[smem:$0x7FF] =	sst s16;
	s19 =	smul.u32 $0x50000, s7  }
0x6: {  	s5 =	sadd.s32 $0xD000, s0;
	s4 =	sadd.s32 $0x17000, s0;
	s1 =	sor.u32 s8, s30  }
0x7: {  	[dreg:$0x12] =	wrdreg s8;
	s1 =	smul.u32 $0x2800, s1;
	s22 =	sshrl.u32 s19, $0x2  }
0x8: {  	_ =	strace $0x8000004A;
	[dreg:$0x4] =	wrdreg s4;
	s23 =	sadd.s32 s22, s3  }
0x9: {  	s25 =	rddreg [dreg:$0x4];
	s1 =	sshrl.u32 s1, $0x3;
	s26 =	sshrl.u32 s23, $0x3  }
0xa: {  	s6 =	sadd.s32 $0x3000, s0;
	s9 =	sadd.s32 s5, s1;
	[dreg:$0x11] =	wrdreg s26  }
0xb: {  	s11 =	sadd.s32 s6, s1;
	s10 =	sadd.s32 $0x100, s1;
	[dreg:$0x5] =	wrdreg s9  }
0xc: {  	s31 =	smul.u32 $0x14000, s7;
	[dreg:$0x6] =	wrdreg s11;
	s12 =	sadd.s32 s5, s10  }
0xd: {  	s14 =	sadd.s32 $0x200, s1;
	s13 =	sadd.s32 s6, s10;
	[dreg:$0x7] =	wrdreg s12  }
0xe: {  	s8 =	smul.u32 $0x140000, s8;
	s15 =	sadd.s32 s5, s14;
	[dreg:$0x8] =	wrdreg s13  }
0xf: {  	s18 =	sadd.s32 $0x300, s1;
	s17 =	sadd.s32 s6, s14;
	[dreg:$0x9] =	wrdreg s15  }
0x10: {  	s4 =	sadd.s32 s31, s8;
	s20 =	sadd.s32 s5, s18;
	[dreg:$0xa] =	wrdreg s17  }
0x11: {  	s1 =	sadd.s32 $0x400, s1;
	s21 =	sadd.s32 s6, s18;
	[dreg:$0xb] =	wrdreg s20  }
0x12: {  	s4 =	sshrl.u32 s4, $0x3;
	s5 =	sadd.s32 s5, s1;
	[dreg:$0xc] =	wrdreg s21  }
0x13: {  	s0 =	sadd.s32 s4, s0;
	s1 =	sadd.s32 s6, s1;
	[dreg:$0xd] =	wrdreg s5  }
0x14: {  	s24 =	sshll.u32 s7, $0x6;
	s0 =	sadd.s32 $0x19800, s0;
	[dreg:$0xe] =	wrdreg s1  }
0x15: {  	s5 =	sor.u32 $0x1C03, s24;
	[dreg:$0xf] =	wrdreg s0  }
0x16: {  	s6 =	simm.s32 $0x3;
	[dreg:$0x10] =	wrdreg s5  }
0x17: {  	[spmem:s26], [sflag:s5] =	dma.local [hbm:s25], $0x2800  }
0x18: {  	_ =	swait.ge [sflag:s6], $0x2800  }
0x19: {  	[sflag:s6] =	ssyncset.done $0x0  }
0x1a: {  	[sflag:s6] =	ssyncadd.s32 $0xFFFFD800  }
0x1b: {  	[bflag:$0x0] =	sbarrier.arrive $0xFFFF  }
0x1c: {  	s28 =	rddreg [dreg:$0x5]  }
0x1d: {  	[tilespmem:s16], [sflag:$0x3] =	stream.linear.gather [hbm4b:s28+s16], $0x800, $0x38;
	[tilespmem:$0x1D000] =	vst v63  }
0x1e: {  	_ =	swait.ge [sflag:s6], $0x800  }
0x1f: {  	[sflag:s6] =	ssyncset.done $0x0  }
0x20: {  	s30 =	simm.s32 $0x800;
	s29 =	rddreg [dreg:$0x6];
	[sflag:s6] =	ssyncadd.s32 $0xFFFFF800  }
0x21: {  	[tilespmem:s30], [sflag:$0x3] =	stream.linear.gather [hbm4b:s29+s16], $0x800, $0x38;
	[tilespmem:$0x1D000] =	vst v63  }
0x22: {  	_ =	swait.ge [sflag:s6], $0x800  }
0x23: {  	[sflag:s6] =	ssyncset.done $0x0  }
0x24: {  	s9 =	simm.s32 $0x7D;
	s10 =	simm.s32 $0x1000;
	[sflag:s6] =	ssyncadd.s32 $0xFFFFF800  }
0x25: {  	[tilespmem:s10], [sflag:$0x1] =	stream.indirect.gather [hbm4b:s2+s9], $0x80, s16, s9, $0xb8;
	[tilespmem:$0x1D000] =	vst v63  }
0x26: {  	s4 =	simm.s32 $0x80;
	s12 =	simm.s32 $0x5000;
	s13 =	simm.s32 $0x1  }
0x27: {  	[tilespmem:s12], [sflag:$0x2] =	stream.indirect.gather [hbm4b:s2+s9], $0x80, s4, s9, $0xb8;
	[tilespmem:$0x1D000] =	vst v63  }
0x28: {  	_ =	swait.ge [sflag:s13], $0x3E80  }
0x29: {  	[sflag:s13] =	ssyncset.done $0x0  }
0x2a: {  	s31 =	simm.s32 $0x800;
	[sflag:s13] =	ssyncadd.s32 $0xFFFFC180  }
0x2b: {  	[spmem:s3] =	stream.indirect.scatter.add.f32 [tilespmem:s10], [sflag:$0x3], $0x80, s31, s9, $0xb8;
	[tilespmem:$0x1D000] =	vst v63  }
0x2c: {  	_ =	swait.ge [sflag:s6], $0x3E80  }
0x2d: {  	[sflag:s6] =	ssyncset.done $0x0  }
0x2e: {  	s15 =	simm.s32 $0x2;
	s5 =	simm.s32 $0x100;
	[sflag:s6] =	ssyncadd.s32 $0xFFFFC180  }
0x2f: {  	[tilespmem:s10], [sflag:$0x1] =	stream.indirect.gather [hbm4b:s2+s9], $0x80, s5, s9, $0xb8;
	[tilespmem:$0x1D000] =	vst v63  }
0x30: {  	_ =	swait.ge [sflag:s15], $0x3E80  }
0x31: {  	[sflag:s15] =	ssyncset.done $0x0  }
0x32: {  	s7 =	simm.s32 $0x880;
	[sflag:s15] =	ssyncadd.s32 $0xFFFFC180  }
0x33: {  	[spmem:s3] =	stream.indirect.scatter.add.f32 [tilespmem:s12], [sflag:$0x3], $0x80, s7, s9, $0xb8;
	[tilespmem:$0x1D000] =	vst v63  }
0x34: {  	_ =	swait.ge [sflag:s6], $0x3E80  }
0x35: {  	[sflag:s6] =	ssyncset.done $0x0  }
0x36: {  	s8 =	simm.s32 $0x180;
	[sflag:s6] =	ssyncadd.s32 $0xFFFFC180  }
0x37: {  	[tilespmem:s12], [sflag:$0x2] =	stream.indirect.gather [hbm4b:s2+s9], $0x80, s8, s9, $0xb8;
	[tilespmem:$0x1D000] =	vst v63  }
0x38: {  	_ =	swait.ge [sflag:s13], $0x3E80  }
0x39: {  	[sflag:s13] =	ssyncset.done $0x0  }
0x3a: {  	s11 =	simm.s32 $0x900;
	[sflag:s13] =	ssyncadd.s32 $0xFFFFC180  }
0x3b: {  	[spmem:s3] =	stream.indirect.scatter.add.f32 [tilespmem:s10], [sflag:$0x3], $0x80, s11, s9, $0xb8;
	[tilespmem:$0x1D000] =	vst v63  }
0x3c: {  	_ =	swait.ge [sflag:s6], $0x3E80  }
0x3d: {  	[sflag:s6] =	ssyncset.done $0x0  }
0x3e: {  	s14 =	simm.s32 $0x200;
	[sflag:s6] =	ssyncadd.s32 $0xFFFFC180  }
0x3f: {  	[tilespmem:s10], [sflag:$0x1] =	stream.indirect.gather [hbm4b:s2+s9], $0x80, s14, s9, $0xb8;
	[tilespmem:$0x1D000] =	vst v63  }
0x40: {  	_ =	swait.ge [sflag:s15], $0x3E80  }
0x41: {  	[sflag:s15] =	ssyncset.done $0x0  }
0x42: {  	s17 =	simm.s32 $0x980;
	[sflag:s15] =	ssyncadd.s32 $0xFFFFC180  }
0x43: {  	[spmem:s3] =	stream.indirect.scatter.add.f32 [tilespmem:s12], [sflag:$0x3], $0x80, s17, s9, $0xb8;
	[tilespmem:$0x1D000] =	vst v63  }
0x44: {  	_ =	swait.ge [sflag:s6], $0x3E80  }
0x45: {  	[sflag:s6] =	ssyncset.done $0x0  }
0x46: {  	s18 =	simm.s32 $0x280;
	[sflag:s6] =	ssyncadd.s32 $0xFFFFC180  }
0x47: {  	[tilespmem:s12], [sflag:$0x2] =	stream.indirect.gather [hbm4b:s2+s9], $0x80, s18, s9, $0xb8;
	[tilespmem:$0x1D000] =	vst v63  }
0x48: {  	_ =	swait.ge [sflag:s13], $0x3E80  }
0x49: {  	[sflag:s13] =	ssyncset.done $0x0  }
0x4a: {  	s19 =	simm.s32 $0xA00;
	[sflag:s13] =	ssyncadd.s32 $0xFFFFC180  }
0x4b: {  	[spmem:s3] =	stream.indirect.scatter.add.f32 [tilespmem:s10], [sflag:$0x3], $0x80, s19, s9, $0xb8;
	[tilespmem:$0x1D000] =	vst v63  }
0x4c: {  	_ =	swait.ge [sflag:s6], $0x3E80  }
0x4d: {  	[sflag:s6] =	ssyncset.done $0x0  }
0x4e: {  	s20 =	simm.s32 $0x300;
	[sflag:s6] =	ssyncadd.s32 $0xFFFFC180  }
0x4f: {  	[tilespmem:s10], [sflag:$0x1] =	stream.indirect.gather [hbm4b:s2+s9], $0x80, s20, s9, $0xb8;
	[tilespmem:$0x1D000] =	vst v63  }
0x50: {  	_ =	swait.ge [sflag:s15], $0x3E80  }
0x51: {  	[sflag:s15] =	ssyncset.done $0x0  }
0x52: {  	s21 =	simm.s32 $0xA80;
	[sflag:s15] =	ssyncadd.s32 $0xFFFFC180  }
0x53: {  	[spmem:s3] =	stream.indirect.scatter.add.f32 [tilespmem:s12], [sflag:$0x3], $0x80, s21, s9, $0xb8;
	[tilespmem:$0x1D000] =	vst v63  }
0x54: {  	_ =	swait.ge [sflag:s6], $0x3E80  }
0x55: {  	[sflag:s6] =	ssyncset.done $0x0  }
0x56: {  	s22 =	simm.s32 $0x380;
	[sflag:s6] =	ssyncadd.s32 $0xFFFFC180  }
0x57: {  	[tilespmem:s12], [sflag:$0x2] =	stream.indirect.gather [hbm4b:s2+s9], $0x80, s22, s9, $0xb8;
	[tilespmem:$0x1D000] =	vst v63  }
0x58: {  	_ =	swait.ge [sflag:s13], $0x3E80  }
0x59: {  	[sflag:s13] =	ssyncset.done $0x0  }
0x5a: {  	s23 =	simm.s32 $0xB00;
	[sflag:s13] =	ssyncadd.s32 $0xFFFFC180  }
0x5b: {  	[spmem:s3] =	stream.indirect.scatter.add.f32 [tilespmem:s10], [sflag:$0x3], $0x80, s23, s9, $0xb8;
	[tilespmem:$0x1D000] =	vst v63  }
0x5c: {  	_ =	swait.ge [sflag:s6], $0x3E80  }
0x5d: {  	[sflag:s6] =	ssyncset.done $0x0  }
0x5e: {  	s24 =	simm.s32 $0x400;
	[sflag:s6] =	ssyncadd.s32 $0xFFFFC180  }
0x5f: {  	[tilespmem:s10], [sflag:$0x1] =	stream.indirect.gather [hbm4b:s2+s9], $0x80, s24, s9, $0xb8;
	[tilespmem:$0x1D000] =	vst v63  }
0x60: {  	_ =	swait.ge [sflag:s15], $0x3E80  }
0x61: {  	[sflag:s15] =	ssyncset.done $0x0  }
0x62: {  	s25 =	simm.s32 $0xB80;
	[sflag:s15] =	ssyncadd.s32 $0xFFFFC180  }
0x63: {  	[spmem:s3] =	stream.indirect.scatter.add.f32 [tilespmem:s12], [sflag:$0x3], $0x80, s25, s9, $0xb8;
	[tilespmem:$0x1D000] =	vst v63  }
0x64: {  	_ =	swait.ge [sflag:s6], $0x3E80  }
0x65: {  	[sflag:s6] =	ssyncset.done $0x0  }
0x66: {  	s26 =	simm.s32 $0x480;
	[sflag:s6] =	ssyncadd.s32 $0xFFFFC180  }
0x67: {  	[tilespmem:s12], [sflag:$0x2] =	stream.indirect.gather [hbm4b:s2+s9], $0x80, s26, s9, $0xb8;
	[tilespmem:$0x1D000] =	vst v63  }
0x68: {  	_ =	swait.ge [sflag:s13], $0x3E80  }
0x69: {  	[sflag:s13] =	ssyncset.done $0x0  }
0x6a: {  	s28 =	simm.s32 $0xC00;
	[sflag:s13] =	ssyncadd.s32 $0xFFFFC180  }
0x6b: {  	[spmem:s3] =	stream.indirect.scatter.add.f32 [tilespmem:s10], [sflag:$0x3], $0x80, s28, s9, $0xb8;
	[tilespmem:$0x1D000] =	vst v63  }
0x6c: {  	_ =	swait.ge [sflag:s6], $0x3E80  }
0x6d: {  	[sflag:s6] =	ssyncset.done $0x0  }
0x6e: {  	s29 =	simm.s32 $0x500;
	[sflag:s6] =	ssyncadd.s32 $0xFFFFC180  }
0x6f: {  	[tilespmem:s10], [sflag:$0x1] =	stream.indirect.gather [hbm4b:s2+s9], $0x80, s29, s9, $0xb8;
	[tilespmem:$0x1D000] =	vst v63  }
0x70: {  	_ =	swait.ge [sflag:s15], $0x3E80  }
0x71: {  	[sflag:s15] =	ssyncset.done $0x0  }
0x72: {  	s30 =	simm.s32 $0xC80;
	[sflag:s15] =	ssyncadd.s32 $0xFFFFC180  }
0x73: {  	[spmem:s3] =	stream.indirect.scatter.add.f32 [tilespmem:s12], [sflag:$0x3], $0x80, s30, s9, $0xb8;
	[tilespmem:$0x1D000] =	vst v63  }
0x74: {  	_ =	swait.ge [sflag:s6], $0x3E80  }
0x75: {  	[sflag:s6] =	ssyncset.done $0x0  }
0x76: {  	s31 =	simm.s32 $0x580;
	[sflag:s6] =	ssyncadd.s32 $0xFFFFC180  }
0x77: {  	[tilespmem:s12], [sflag:$0x2] =	stream.indirect.gather [hbm4b:s2+s9], $0x80, s31, s9, $0xb8;
	[tilespmem:$0x1D000] =	vst v63  }
0x78: {  	_ =	swait.ge [sflag:s13], $0x3E80  }
0x79: {  	[sflag:s13] =	ssyncset.done $0x0  }
0x7a: {  	s1 =	simm.s32 $0xD00;
	[sflag:s13] =	ssyncadd.s32 $0xFFFFC180  }
0x7b: {  	[spmem:s3] =	stream.indirect.scatter.add.f32 [tilespmem:s10], [sflag:$0x3], $0x80, s1, s9, $0xb8;
	[tilespmem:$0x1D000] =	vst v63  }
0x7c: {  	_ =	swait.ge [sflag:s6], $0x3E80  }
0x7d: {  	[sflag:s6] =	ssyncset.done $0x0  }
0x7e: {  	s4 =	simm.s32 $0x600;
	[sflag:s6] =	ssyncadd.s32 $0xFFFFC180  }
0x7f: {  	[tilespmem:s10], [sflag:$0x1] =	stream.indirect.gather [hbm4b:s2+s9], $0x80, s4, s9, $0xb8;
	[tilespmem:$0x1D000] =	vst v63  }
0x80: {  	_ =	swait.ge [sflag:s15], $0x3E80  }
0x81: {  	[sflag:s15] =	ssyncset.done $0x0  }
0x82: {  	s5 =	simm.s32 $0xD80;
	[sflag:s15] =	ssyncadd.s32 $0xFFFFC180  }
0x83: {  	[spmem:s3] =	stream.indirect.scatter.add.f32 [tilespmem:s12], [sflag:$0x3], $0x80, s5, s9, $0xb8;
	[tilespmem:$0x1D000] =	vst v63  }
0x84: {  	_ =	swait.ge [sflag:s6], $0x3E80  }
0x85: {  	[sflag:s6] =	ssyncset.done $0x0  }
0x86: {  	s7 =	simm.s32 $0x680;
	[sflag:s6] =	ssyncadd.s32 $0xFFFFC180  }
0x87: {  	[tilespmem:s12], [sflag:$0x2] =	stream.indirect.gather [hbm4b:s2+s9], $0x80, s7, s9, $0xb8;
	[tilespmem:$0x1D000] =	vst v63  }
0x88: {  	_ =	swait.ge [sflag:s13], $0x3E80  }
0x89: {  	[sflag:s13] =	ssyncset.done $0x0  }
0x8a: {  	s8 =	simm.s32 $0xE00;
	[sflag:s13] =	ssyncadd.s32 $0xFFFFC180  }
0x8b: {  	[spmem:s3] =	stream.indirect.scatter.add.f32 [tilespmem:s10], [sflag:$0x3], $0x80, s8, s9, $0xb8;
	[tilespmem:$0x1D000] =	vst v63  }
0x8c: {  	_ =	swait.ge [sflag:s6], $0x3E80  }
0x8d: {  	[sflag:s6] =	ssyncset.done $0x0  }
0x8e: {  	s11 =	simm.s32 $0x700;
	[sflag:s6] =	ssyncadd.s32 $0xFFFFC180  }
0x8f: {  	[tilespmem:s10], [sflag:$0x1] =	stream.indirect.gather [hbm4b:s2+s9], $0x80, s11, s9, $0xb8;
	[tilespmem:$0x1D000] =	vst v63  }
0x90: {  	_ =	swait.ge [sflag:s15], $0x3E80  }
0x91: {  	[sflag:s15] =	ssyncset.done $0x0  }
0x92: {  	s14 =	simm.s32 $0xE80;
	[sflag:s15] =	ssyncadd.s32 $0xFFFFC180  }
0x93: {  	[spmem:s3] =	stream.indirect.scatter.add.f32 [tilespmem:s12], [sflag:$0x3], $0x80, s14, s9, $0xb8;
	[tilespmem:$0x1D000] =	vst v63  }
0x94: {  	_ =	swait.ge [sflag:s6], $0x3E80  }
0x95: {  	[sflag:s6] =	ssyncset.done $0x0  }
0x96: {  	s17 =	simm.s32 $0x780;
	[sflag:s6] =	ssyncadd.s32 $0xFFFFC180  }
0x97: {  	[tilespmem:s12], [sflag:$0x2] =	stream.indirect.gather [hbm4b:s2+s9], $0x80, s17, s9, $0xb8;
	[tilespmem:$0x1D000] =	vst v63  }
0x98: {  	_ =	swait.ge [sflag:s13], $0x3E80  }
0x99: {  	[sflag:s13] =	ssyncset.done $0x0  }
0x9a: {  	s18 =	simm.s32 $0xF00;
	[sflag:s13] =	ssyncadd.s32 $0xFFFFC180  }
0x9b: {  	[spmem:s3] =	stream.indirect.scatter.add.f32 [tilespmem:s10], [sflag:$0x3], $0x80, s18, s9, $0xb8;
	[tilespmem:$0x1D000] =	vst v63  }
0x9c: {  	_ =	swait.ge [sflag:s6], $0x3E80  }
0x9d: {  	[sflag:s6] =	ssyncset.done $0x0  }
0x9e: {  	[sflag:s6] =	ssyncadd.s32 $0xFFFFC180  }
0x9f: {  	_ =	swait.ge [sflag:s15], $0x3E80  }
0xa0: {  	[sflag:s15] =	ssyncset.done $0x0  }
0xa1: {  	s19 =	simm.s32 $0xF80;
	[sflag:s15] =	ssyncadd.s32 $0xFFFFC180  }
0xa2: {  	[spmem:s3] =	stream.indirect.scatter.add.f32 [tilespmem:s12], [sflag:$0x3], $0x80, s19, s9, $0xb8;
	[tilespmem:$0x1D000] =	vst v63  }
0xa3: {  	_ =	swait.ge [sflag:s6], $0x3E80  }
0xa4: {  	[sflag:s6] =	ssyncset.done $0x0  }
0xa5: {  	s23 =	rddreg [dreg:$0x7];
	[sflag:s6] =	ssyncadd.s32 $0xFFFFC180  }
0xa6: {  	[tilespmem:s16], [sflag:$0x3] =	stream.linear.gather [hbm4b:s23+s16], $0x800, $0x38;
	[tilespmem:$0x1D000] =	vst v63  }
0xa7: {  	_ =	swait.ge [sflag:s6], $0x800  }
0xa8: {  	[sflag:s6] =	ssyncset.done $0x0  }
0xa9: {  	s21 =	simm.s32 $0x800;
	s20 =	rddreg [dreg:$0x8];
	[sflag:s6] =	ssyncadd.s32 $0xFFFFF800  }
0xaa: {  	[tilespmem:s21], [sflag:$0x3] =	stream.linear.gather [hbm4b:s20+s16], $0x800, $0x38;
	[tilespmem:$0x1D000] =	vst v63  }
0xab: {  	_ =	swait.ge [sflag:s6], $0x800  }
0xac: {  	[sflag:s6] =	ssyncset.done $0x0  }
0xad: {  	[sflag:s6] =	ssyncadd.s32 $0xFFFFF800  }
0xae: {  	[tilespmem:s10], [sflag:$0x1] =	stream.indirect.gather [hbm4b:s2+s9], $0x80, s16, s9, $0xb8;
	[tilespmem:$0x1D000] =	vst v63  }
0xaf: {  	s22 =	simm.s32 $0x80  }
0xb0: {  	[tilespmem:s12], [sflag:$0x2] =	stream.indirect.gather [hbm4b:s2+s9], $0x80, s22, s9, $0xb8;
	[tilespmem:$0x1D000] =	vst v63  }
0xb1: {  	_ =	swait.ge [sflag:s13], $0x3E80  }
0xb2: {  	[sflag:s13] =	ssyncset.done $0x0  }
0xb3: {  	[sflag:s13] =	ssyncadd.s32 $0xFFFFC180  }
0xb4: {  	[spmem:s3] =	stream.indirect.scatter.add.f32 [tilespmem:s10], [sflag:$0x3], $0x80, s21, s9, $0xb8;
	[tilespmem:$0x1D000] =	vst v63  }
0xb5: {  	_ =	swait.ge [sflag:s6], $0x3E80  }
0xb6: {  	[sflag:s6] =	ssyncset.done $0x0  }
0xb7: {  	s1 =	simm.s32 $0x100;
	[sflag:s6] =	ssyncadd.s32 $0xFFFFC180  }
0xb8: {  	[tilespmem:s10], [sflag:$0x1] =	stream.indirect.gather [hbm4b:s2+s9], $0x80, s1, s9, $0xb8;
	[tilespmem:$0x1D000] =	vst v63  }
0xb9: {  	_ =	swait.ge [sflag:s15], $0x3E80  }
0xba: {  	[sflag:s15] =	ssyncset.done $0x0  }
0xbb: {  	s4 =	simm.s32 $0x880;
	[sflag:s15] =	ssyncadd.s32 $0xFFFFC180  }
0xbc: {  	[spmem:s3] =	stream.indirect.scatter.add.f32 [tilespmem:s12], [sflag:$0x3], $0x80, s4, s9, $0xb8;
	[tilespmem:$0x1D000] =	vst v63  }
0xbd: {  	_ =	swait.ge [sflag:s6], $0x3E80  }
0xbe: {  	[sflag:s6] =	ssyncset.done $0x0  }
0xbf: {  	s5 =	simm.s32 $0x180;
	[sflag:s6] =	ssyncadd.s32 $0xFFFFC180  }
0xc0: {  	[tilespmem:s12], [sflag:$0x2] =	stream.indirect.gather [hbm4b:s2+s9], $0x80, s5, s9, $0xb8;
	[tilespmem:$0x1D000] =	vst v63  }
0xc1: {  	_ =	swait.ge [sflag:s13], $0x3E80  }
0xc2: {  	[sflag:s13] =	ssyncset.done $0x0  }
0xc3: {  	s7 =	simm.s32 $0x900;
	[sflag:s13] =	ssyncadd.s32 $0xFFFFC180  }
0xc4: {  	[spmem:s3] =	stream.indirect.scatter.add.f32 [tilespmem:s10], [sflag:$0x3], $0x80, s7, s9, $0xb8;
	[tilespmem:$0x1D000] =	vst v63  }
0xc5: {  	_ =	swait.ge [sflag:s6], $0x3E80  }
0xc6: {  	[sflag:s6] =	ssyncset.done $0x0  }
0xc7: {  	s8 =	simm.s32 $0x200;
	[sflag:s6] =	ssyncadd.s32 $0xFFFFC180  }
0xc8: {  	[tilespmem:s10], [sflag:$0x1] =	stream.indirect.gather [hbm4b:s2+s9], $0x80, s8, s9, $0xb8;
	[tilespmem:$0x1D000] =	vst v63  }
0xc9: {  	_ =	swait.ge [sflag:s15], $0x3E80  }
0xca: {  	[sflag:s15] =	ssyncset.done $0x0  }
0xcb: {  	s11 =	simm.s32 $0x980;
	[sflag:s15] =	ssyncadd.s32 $0xFFFFC180  }
0xcc: {  	[spmem:s3] =	stream.indirect.scatter.add.f32 [tilespmem:s12], [sflag:$0x3], $0x80, s11, s9, $0xb8;
	[tilespmem:$0x1D000] =	vst v63  }
0xcd: {  	_ =	swait.ge [sflag:s6], $0x3E80  }
0xce: {  	[sflag:s6] =	ssyncset.done $0x0  }
0xcf: {  	s14 =	simm.s32 $0x280;
	[sflag:s6] =	ssyncadd.s32 $0xFFFFC180  }
0xd0: {  	[tilespmem:s12], [sflag:$0x2] =	stream.indirect.gather [hbm4b:s2+s9], $0x80, s14, s9, $0xb8;
	[tilespmem:$0x1D000] =	vst v63  }
0xd1: {  	_ =	swait.ge [sflag:s13], $0x3E80  }
0xd2: {  	[sflag:s13] =	ssyncset.done $0x0  }
0xd3: {  	s17 =	simm.s32 $0xA00;
	[sflag:s13] =	ssyncadd.s32 $0xFFFFC180  }
0xd4: {  	[spmem:s3] =	stream.indirect.scatter.add.f32 [tilespmem:s10], [sflag:$0x3], $0x80, s17, s9, $0xb8;
	[tilespmem:$0x1D000] =	vst v63  }
0xd5: {  	_ =	swait.ge [sflag:s6], $0x3E80  }
0xd6: {  	[sflag:s6] =	ssyncset.done $0x0  }
0xd7: {  	s18 =	simm.s32 $0x300;
	[sflag:s6] =	ssyncadd.s32 $0xFFFFC180  }
0xd8: {  	[tilespmem:s10], [sflag:$0x1] =	stream.indirect.gather [hbm4b:s2+s9], $0x80, s18, s9, $0xb8;
	[tilespmem:$0x1D000] =	vst v63  }
0xd9: {  	_ =	swait.ge [sflag:s15], $0x3E80  }
0xda: {  	[sflag:s15] =	ssyncset.done $0x0  }
0xdb: {  	s19 =	simm.s32 $0xA80;
	[sflag:s15] =	ssyncadd.s32 $0xFFFFC180  }
0xdc: {  	[spmem:s3] =	stream.indirect.scatter.add.f32 [tilespmem:s12], [sflag:$0x3], $0x80, s19, s9, $0xb8;
	[tilespmem:$0x1D000] =	vst v63  }
0xdd: {  	_ =	swait.ge [sflag:s6], $0x3E80  }
0xde: {  	[sflag:s6] =	ssyncset.done $0x0  }
0xdf: {  	s20 =	simm.s32 $0x380;
	[sflag:s6] =	ssyncadd.s32 $0xFFFFC180  }
0xe0: {  	[tilespmem:s12], [sflag:$0x2] =	stream.indirect.gather [hbm4b:s2+s9], $0x80, s20, s9, $0xb8;
	[tilespmem:$0x1D000] =	vst v63  }
0xe1: {  	_ =	swait.ge [sflag:s13], $0x3E80  }
0xe2: {  	[sflag:s13] =	ssyncset.done $0x0  }
0xe3: {  	s21 =	simm.s32 $0xB00;
	[sflag:s13] =	ssyncadd.s32 $0xFFFFC180  }
0xe4: {  	[spmem:s3] =	stream.indirect.scatter.add.f32 [tilespmem:s10], [sflag:$0x3], $0x80, s21, s9, $0xb8;
	[tilespmem:$0x1D000] =	vst v63  }
0xe5: {  	_ =	swait.ge [sflag:s6], $0x3E80  }
0xe6: {  	[sflag:s6] =	ssyncset.done $0x0  }
0xe7: {  	s22 =	simm.s32 $0x400;
	[sflag:s6] =	ssyncadd.s32 $0xFFFFC180  }
0xe8: {  	[tilespmem:s10], [sflag:$0x1] =	stream.indirect.gather [hbm4b:s2+s9], $0x80, s22, s9, $0xb8;
	[tilespmem:$0x1D000] =	vst v63  }
0xe9: {  	_ =	swait.ge [sflag:s15], $0x3E80  }
0xea: {  	[sflag:s15] =	ssyncset.done $0x0  }
0xeb: {  	s24 =	simm.s32 $0xB80;
	[sflag:s15] =	ssyncadd.s32 $0xFFFFC180  }
0xec: {  	[spmem:s3] =	stream.indirect.scatter.add.f32 [tilespmem:s12], [sflag:$0x3], $0x80, s24, s9, $0xb8;
	[tilespmem:$0x1D000] =	vst v63  }
0xed: {  	_ =	swait.ge [sflag:s6], $0x3E80  }
0xee: {  	[sflag:s6] =	ssyncset.done $0x0  }
0xef: {  	s25 =	simm.s32 $0x480;
	[sflag:s6] =	ssyncadd.s32 $0xFFFFC180  }
0xf0: {  	[tilespmem:s12], [sflag:$0x2] =	stream.indirect.gather [hbm4b:s2+s9], $0x80, s25, s9, $0xb8;
	[tilespmem:$0x1D000] =	vst v63  }
0xf1: {  	_ =	swait.ge [sflag:s13], $0x3E80  }
0xf2: {  	[sflag:s13] =	ssyncset.done $0x0  }
0xf3: {  	s26 =	simm.s32 $0xC00;
	[sflag:s13] =	ssyncadd.s32 $0xFFFFC180  }
0xf4: {  	[spmem:s3] =	stream.indirect.scatter.add.f32 [tilespmem:s10], [sflag:$0x3], $0x80, s26, s9, $0xb8;
	[tilespmem:$0x1D000] =	vst v63  }
0xf5: {  	_ =	swait.ge [sflag:s6], $0x3E80  }
0xf6: {  	[sflag:s6] =	ssyncset.done $0x0  }
0xf7: {  	s28 =	simm.s32 $0x500;
	[sflag:s6] =	ssyncadd.s32 $0xFFFFC180  }
0xf8: {  	[tilespmem:s10], [sflag:$0x1] =	stream.indirect.gather [hbm4b:s2+s9], $0x80, s28, s9, $0xb8;
	[tilespmem:$0x1D000] =	vst v63  }
0xf9: {  	_ =	swait.ge [sflag:s15], $0x3E80  }
0xfa: {  	[sflag:s15] =	ssyncset.done $0x0  }
0xfb: {  	s29 =	simm.s32 $0xC80;
	[sflag:s15] =	ssyncadd.s32 $0xFFFFC180  }
0xfc: {  	[spmem:s3] =	stream.indirect.scatter.add.f32 [tilespmem:s12], [sflag:$0x3], $0x80, s29, s9, $0xb8;
	[tilespmem:$0x1D000] =	vst v63  }
0xfd: {  	_ =	swait.ge [sflag:s6], $0x3E80  }
0xfe: {  	[sflag:s6] =	ssyncset.done $0x0  }
0xff: {  	s30 =	simm.s32 $0x580;
	[sflag:s6] =	ssyncadd.s32 $0xFFFFC180  }
0x100: {  	[tilespmem:s12], [sflag:$0x2] =	stream.indirect.gather [hbm4b:s2+s9], $0x80, s30, s9, $0xb8;
	[tilespmem:$0x1D000] =	vst v63  }
0x101: {  	_ =	swait.ge [sflag:s13], $0x3E80  }
0x102: {  	[sflag:s13] =	ssyncset.done $0x0  }
0x103: {  	s31 =	simm.s32 $0xD00;
	[sflag:s13] =	ssyncadd.s32 $0xFFFFC180  }
0x104: {  	[spmem:s3] =	stream.indirect.scatter.add.f32 [tilespmem:s10], [sflag:$0x3], $0x80, s31, s9, $0xb8;
	[tilespmem:$0x1D000] =	vst v63  }
0x105: {  	_ =	swait.ge [sflag:s6], $0x3E80  }
0x106: {  	[sflag:s6] =	ssyncset.done $0x0  }
0x107: {  	s23 =	simm.s32 $0x600;
	[sflag:s6] =	ssyncadd.s32 $0xFFFFC180  }
0x108: {  	[tilespmem:s10], [sflag:$0x1] =	stream.indirect.gather [hbm4b:s2+s9], $0x80, s23, s9, $0xb8;
	[tilespmem:$0x1D000] =	vst v63  }
0x109: {  	_ =	swait.ge [sflag:s15], $0x3E80  }
0x10a: {  	[sflag:s15] =	ssyncset.done $0x0  }
0x10b: {  	s23 =	simm.s32 $0xD80;
	[sflag:s15] =	ssyncadd.s32 $0xFFFFC180  }
0x10c: {  	[spmem:s3] =	stream.indirect.scatter.add.f32 [tilespmem:s12], [sflag:$0x3], $0x80, s23, s9, $0xb8;
	[tilespmem:$0x1D000] =	vst v63  }
0x10d: {  	_ =	swait.ge [sflag:s6], $0x3E80  }
0x10e: {  	[sflag:s6] =	ssyncset.done $0x0  }
0x10f: {  	s23 =	simm.s32 $0x680;
	[sflag:s6] =	ssyncadd.s32 $0xFFFFC180  }
0x110: {  	[tilespmem:s12], [sflag:$0x2] =	stream.indirect.gather [hbm4b:s2+s9], $0x80, s23, s9, $0xb8;
	[tilespmem:$0x1D000] =	vst v63  }
0x111: {  	_ =	swait.ge [sflag:s13], $0x3E80  }
0x112: {  	[sflag:s13] =	ssyncset.done $0x0  }
0x113: {  	s23 =	simm.s32 $0xE00;
	[sflag:s13] =	ssyncadd.s32 $0xFFFFC180  }
0x114: {  	[spmem:s3] =	stream.indirect.scatter.add.f32 [tilespmem:s10], [sflag:$0x3], $0x80, s23, s9, $0xb8;
	[tilespmem:$0x1D000] =	vst v63  }
0x115: {  	_ =	swait.ge [sflag:s6], $0x3E80  }
0x116: {  	[sflag:s6] =	ssyncset.done $0x0  }
0x117: {  	s23 =	simm.s32 $0x700;
	[sflag:s6] =	ssyncadd.s32 $0xFFFFC180  }
0x118: {  	[tilespmem:s10], [sflag:$0x1] =	stream.indirect.gather [hbm4b:s2+s9], $0x80, s23, s9, $0xb8;
	[tilespmem:$0x1D000] =	vst v63  }
0x119: {  	_ =	swait.ge [sflag:s15], $0x3E80  }
0x11a: {  	[sflag:s15] =	ssyncset.done $0x0  }
0x11b: {  	s23 =	simm.s32 $0xE80;
	[sflag:s15] =	ssyncadd.s32 $0xFFFFC180  }
0x11c: {  	[spmem:s3] =	stream.indirect.scatter.add.f32 [tilespmem:s12], [sflag:$0x3], $0x80, s23, s9, $0xb8;
	[tilespmem:$0x1D000] =	vst v63  }
0x11d: {  	_ =	swait.ge [sflag:s6], $0x3E80  }
0x11e: {  	[sflag:s6] =	ssyncset.done $0x0  }
0x11f: {  	s23 =	simm.s32 $0x780;
	[sflag:s6] =	ssyncadd.s32 $0xFFFFC180  }
0x120: {  	[tilespmem:s12], [sflag:$0x2] =	stream.indirect.gather [hbm4b:s2+s9], $0x80, s23, s9, $0xb8;
	[tilespmem:$0x1D000] =	vst v63  }
0x121: {  	_ =	swait.ge [sflag:s13], $0x3E80  }
0x122: {  	[sflag:s13] =	ssyncset.done $0x0  }
0x123: {  	s23 =	simm.s32 $0xF00;
	[sflag:s13] =	ssyncadd.s32 $0xFFFFC180  }
0x124: {  	[spmem:s3] =	stream.indirect.scatter.add.f32 [tilespmem:s10], [sflag:$0x3], $0x80, s23, s9, $0xb8;
	[tilespmem:$0x1D000] =	vst v63  }
0x125: {  	_ =	swait.ge [sflag:s6], $0x3E80  }
0x126: {  	[sflag:s6] =	ssyncset.done $0x0  }
0x127: {  	[sflag:s6] =	ssyncadd.s32 $0xFFFFC180  }
0x128: {  	_ =	swait.ge [sflag:s15], $0x3E80  }
0x129: {  	[sflag:s15] =	ssyncset.done $0x0  }
0x12a: {  	s23 =	simm.s32 $0xF80;
	[sflag:s15] =	ssyncadd.s32 $0xFFFFC180  }
0x12b: {  	[spmem:s3] =	stream.indirect.scatter.add.f32 [tilespmem:s12], [sflag:$0x3], $0x80, s23, s9, $0xb8;
	[tilespmem:$0x1D000] =	vst v63  }
0x12c: {  	_ =	swait.ge [sflag:s6], $0x3E80  }
0x12d: {  	[sflag:s6] =	ssyncset.done $0x0  }
0x12e: {  	s23 =	rddreg [dreg:$0x9];
	[sflag:s6] =	ssyncadd.s32 $0xFFFFC180  }
0x12f: {  	[tilespmem:s16], [sflag:$0x3] =	stream.linear.gather [hbm4b:s23+s16], $0x800, $0x38;
	[tilespmem:$0x1D000] =	vst v63  }
0x130: {  	_ =	swait.ge [sflag:s6], $0x800  }
0x131: {  	[sflag:s6] =	ssyncset.done $0x0  }
0x132: {  	s0 =	simm.s32 $0x800;
	s23 =	rddreg [dreg:$0xa];
	[sflag:s6] =	ssyncadd.s32 $0xFFFFF800  }
0x133: {  	[tilespmem:s0], [sflag:$0x3] =	stream.linear.gather [hbm4b:s23+s16], $0x800, $0x38;
	[tilespmem:$0x1D000] =	vst v63  }
0x134: {  	_ =	swait.ge [sflag:s6], $0x800  }
0x135: {  	[sflag:s6] =	ssyncset.done $0x0  }
0x136: {  	[sflag:s6] =	ssyncadd.s32 $0xFFFFF800  }
0x137: {  	[tilespmem:s10], [sflag:$0x1] =	stream.indirect.gather [hbm4b:s2+s9], $0x80, s16, s9, $0xb8;
	[tilespmem:$0x1D000] =	vst v63  }
0x138: {  	s23 =	simm.s32 $0x80  }
0x139: {  	[tilespmem:s12], [sflag:$0x2] =	stream.indirect.gather [hbm4b:s2+s9], $0x80, s23, s9, $0xb8;
	[tilespmem:$0x1D000] =	vst v63  }
0x13a: {  	_ =	swait.ge [sflag:s13], $0x3E80  }
0x13b: {  	[sflag:s13] =	ssyncset.done $0x0  }
0x13c: {  	[sflag:s13] =	ssyncadd.s32 $0xFFFFC180  }
0x13d: {  	[spmem:s3] =	stream.indirect.scatter.add.f32 [tilespmem:s10], [sflag:$0x3], $0x80, s0, s9, $0xb8;
	[tilespmem:$0x1D000] =	vst v63  }
0x13e: {  	_ =	swait.ge [sflag:s6], $0x3E80  }
0x13f: {  	[sflag:s6] =	ssyncset.done $0x0  }
0x140: {  	[sflag:s6] =	ssyncadd.s32 $0xFFFFC180  }
0x141: {  	[tilespmem:s10], [sflag:$0x1] =	stream.indirect.gather [hbm4b:s2+s9], $0x80, s1, s9, $0xb8;
	[tilespmem:$0x1D000] =	vst v63  }
0x142: {  	_ =	swait.ge [sflag:s15], $0x3E80  }
0x143: {  	[sflag:s15] =	ssyncset.done $0x0  }
0x144: {  	[sflag:s15] =	ssyncadd.s32 $0xFFFFC180  }
0x145: {  	[spmem:s3] =	stream.indirect.scatter.add.f32 [tilespmem:s12], [sflag:$0x3], $0x80, s4, s9, $0xb8;
	[tilespmem:$0x1D000] =	vst v63  }
0x146: {  	_ =	swait.ge [sflag:s6], $0x3E80  }
0x147: {  	[sflag:s6] =	ssyncset.done $0x0  }
0x148: {  	[sflag:s6] =	ssyncadd.s32 $0xFFFFC180  }
0x149: {  	[tilespmem:s12], [sflag:$0x2] =	stream.indirect.gather [hbm4b:s2+s9], $0x80, s5, s9, $0xb8;
	[tilespmem:$0x1D000] =	vst v63  }
0x14a: {  	_ =	swait.ge [sflag:s13], $0x3E80  }
0x14b: {  	[sflag:s13] =	ssyncset.done $0x0  }
0x14c: {  	[sflag:s13] =	ssyncadd.s32 $0xFFFFC180  }
0x14d: {  	[spmem:s3] =	stream.indirect.scatter.add.f32 [tilespmem:s10], [sflag:$0x3], $0x80, s7, s9, $0xb8;
	[tilespmem:$0x1D000] =	vst v63  }
0x14e: {  	_ =	swait.ge [sflag:s6], $0x3E80  }
0x14f: {  	[sflag:s6] =	ssyncset.done $0x0  }
0x150: {  	[sflag:s6] =	ssyncadd.s32 $0xFFFFC180  }
0x151: {  	[tilespmem:s10], [sflag:$0x1] =	stream.indirect.gather [hbm4b:s2+s9], $0x80, s8, s9, $0xb8;
	[tilespmem:$0x1D000] =	vst v63  }
0x152: {  	_ =	swait.ge [sflag:s15], $0x3E80  }
0x153: {  	[sflag:s15] =	ssyncset.done $0x0  }
0x154: {  	[sflag:s15] =	ssyncadd.s32 $0xFFFFC180  }
0x155: {  	[spmem:s3] =	stream.indirect.scatter.add.f32 [tilespmem:s12], [sflag:$0x3], $0x80, s11, s9, $0xb8;
	[tilespmem:$0x1D000] =	vst v63  }
0x156: {  	_ =	swait.ge [sflag:s6], $0x3E80  }
0x157: {  	[sflag:s6] =	ssyncset.done $0x0  }
0x158: {  	[sflag:s6] =	ssyncadd.s32 $0xFFFFC180  }
0x159: {  	[tilespmem:s12], [sflag:$0x2] =	stream.indirect.gather [hbm4b:s2+s9], $0x80, s14, s9, $0xb8;
	[tilespmem:$0x1D000] =	vst v63  }
0x15a: {  	_ =	swait.ge [sflag:s13], $0x3E80  }
0x15b: {  	[sflag:s13] =	ssyncset.done $0x0  }
0x15c: {  	[sflag:s13] =	ssyncadd.s32 $0xFFFFC180  }
0x15d: {  	[spmem:s3] =	stream.indirect.scatter.add.f32 [tilespmem:s10], [sflag:$0x3], $0x80, s17, s9, $0xb8;
	[tilespmem:$0x1D000] =	vst v63  }
0x15e: {  	_ =	swait.ge [sflag:s6], $0x3E80  }
0x15f: {  	[sflag:s6] =	ssyncset.done $0x0  }
0x160: {  	[sflag:s6] =	ssyncadd.s32 $0xFFFFC180  }
0x161: {  	[tilespmem:s10], [sflag:$0x1] =	stream.indirect.gather [hbm4b:s2+s9], $0x80, s18, s9, $0xb8;
	[tilespmem:$0x1D000] =	vst v63  }
0x162: {  	_ =	swait.ge [sflag:s15], $0x3E80  }
0x163: {  	[sflag:s15] =	ssyncset.done $0x0  }
0x164: {  	[sflag:s15] =	ssyncadd.s32 $0xFFFFC180  }
0x165: {  	[spmem:s3] =	stream.indirect.scatter.add.f32 [tilespmem:s12], [sflag:$0x3], $0x80, s19, s9, $0xb8;
	[tilespmem:$0x1D000] =	vst v63  }
0x166: {  	_ =	swait.ge [sflag:s6], $0x3E80  }
0x167: {  	[sflag:s6] =	ssyncset.done $0x0  }
0x168: {  	[sflag:s6] =	ssyncadd.s32 $0xFFFFC180  }
0x169: {  	[tilespmem:s12], [sflag:$0x2] =	stream.indirect.gather [hbm4b:s2+s9], $0x80, s20, s9, $0xb8;
	[tilespmem:$0x1D000] =	vst v63  }
0x16a: {  	_ =	swait.ge [sflag:s13], $0x3E80  }
0x16b: {  	[sflag:s13] =	ssyncset.done $0x0  }
0x16c: {  	[sflag:s13] =	ssyncadd.s32 $0xFFFFC180  }
0x16d: {  	[spmem:s3] =	stream.indirect.scatter.add.f32 [tilespmem:s10], [sflag:$0x3], $0x80, s21, s9, $0xb8;
	[tilespmem:$0x1D000] =	vst v63  }
0x16e: {  	_ =	swait.ge [sflag:s6], $0x3E80  }
0x16f: {  	[sflag:s6] =	ssyncset.done $0x0  }
0x170: {  	[sflag:s6] =	ssyncadd.s32 $0xFFFFC180  }
0x171: {  	[tilespmem:s10], [sflag:$0x1] =	stream.indirect.gather [hbm4b:s2+s9], $0x80, s22, s9, $0xb8;
	[tilespmem:$0x1D000] =	vst v63  }
0x172: {  	_ =	swait.ge [sflag:s15], $0x3E80  }
0x173: {  	[sflag:s15] =	ssyncset.done $0x0  }
0x174: {  	[sflag:s15] =	ssyncadd.s32 $0xFFFFC180  }
0x175: {  	[spmem:s3] =	stream.indirect.scatter.add.f32 [tilespmem:s12], [sflag:$0x3], $0x80, s24, s9, $0xb8;
	[tilespmem:$0x1D000] =	vst v63  }
0x176: {  	_ =	swait.ge [sflag:s6], $0x3E80  }
0x177: {  	[sflag:s6] =	ssyncset.done $0x0  }
0x178: {  	[sflag:s6] =	ssyncadd.s32 $0xFFFFC180  }
0x179: {  	[tilespmem:s12], [sflag:$0x2] =	stream.indirect.gather [hbm4b:s2+s9], $0x80, s25, s9, $0xb8;
	[tilespmem:$0x1D000] =	vst v63  }
0x17a: {  	_ =	swait.ge [sflag:s13], $0x3E80  }
0x17b: {  	[sflag:s13] =	ssyncset.done $0x0  }
0x17c: {  	[sflag:s13] =	ssyncadd.s32 $0xFFFFC180  }
0x17d: {  	[spmem:s3] =	stream.indirect.scatter.add.f32 [tilespmem:s10], [sflag:$0x3], $0x80, s26, s9, $0xb8;
	[tilespmem:$0x1D000] =	vst v63  }
0x17e: {  	_ =	swait.ge [sflag:s6], $0x3E80  }
0x17f: {  	[sflag:s6] =	ssyncset.done $0x0  }
0x180: {  	[sflag:s6] =	ssyncadd.s32 $0xFFFFC180  }
0x181: {  	[tilespmem:s10], [sflag:$0x1] =	stream.indirect.gather [hbm4b:s2+s9], $0x80, s28, s9, $0xb8;
	[tilespmem:$0x1D000] =	vst v63  }
0x182: {  	_ =	swait.ge [sflag:s15], $0x3E80  }
0x183: {  	[sflag:s15] =	ssyncset.done $0x0  }
0x184: {  	[sflag:s15] =	ssyncadd.s32 $0xFFFFC180  }
0x185: {  	[spmem:s3] =	stream.indirect.scatter.add.f32 [tilespmem:s12], [sflag:$0x3], $0x80, s29, s9, $0xb8;
	[tilespmem:$0x1D000] =	vst v63  }
0x186: {  	_ =	swait.ge [sflag:s6], $0x3E80  }
0x187: {  	[sflag:s6] =	ssyncset.done $0x0  }
0x188: {  	[sflag:s6] =	ssyncadd.s32 $0xFFFFC180  }
0x189: {  	[tilespmem:s12], [sflag:$0x2] =	stream.indirect.gather [hbm4b:s2+s9], $0x80, s30, s9, $0xb8;
	[tilespmem:$0x1D000] =	vst v63  }
0x18a: {  	_ =	swait.ge [sflag:s13], $0x3E80  }
0x18b: {  	[sflag:s13] =	ssyncset.done $0x0  }
0x18c: {  	[sflag:s13] =	ssyncadd.s32 $0xFFFFC180  }
0x18d: {  	[spmem:s3] =	stream.indirect.scatter.add.f32 [tilespmem:s10], [sflag:$0x3], $0x80, s31, s9, $0xb8;
	[tilespmem:$0x1D000] =	vst v63  }
0x18e: {  	_ =	swait.ge [sflag:s6], $0x3E80  }
0x18f: {  	[sflag:s6] =	ssyncset.done $0x0  }
0x190: {  	s23 =	simm.s32 $0x600;
	[sflag:s6] =	ssyncadd.s32 $0xFFFFC180  }
0x191: {  	[tilespmem:s10], [sflag:$0x1] =	stream.indirect.gather [hbm4b:s2+s9], $0x80, s23, s9, $0xb8;
	[tilespmem:$0x1D000] =	vst v63  }
0x192: {  	_ =	swait.ge [sflag:s15], $0x3E80  }
0x193: {  	[sflag:s15] =	ssyncset.done $0x0  }
0x194: {  	s24 =	simm.s32 $0xD80;
	[sflag:s15] =	ssyncadd.s32 $0xFFFFC180  }
0x195: {  	[spmem:s3] =	stream.indirect.scatter.add.f32 [tilespmem:s12], [sflag:$0x3], $0x80, s24, s9, $0xb8;
	[tilespmem:$0x1D000] =	vst v63  }
0x196: {  	_ =	swait.ge [sflag:s6], $0x3E80  }
0x197: {  	[sflag:s6] =	ssyncset.done $0x0  }
0x198: {  	s25 =	simm.s32 $0x680;
	[sflag:s6] =	ssyncadd.s32 $0xFFFFC180  }
0x199: {  	[tilespmem:s12], [sflag:$0x2] =	stream.indirect.gather [hbm4b:s2+s9], $0x80, s25, s9, $0xb8;
	[tilespmem:$0x1D000] =	vst v63  }
0x19a: {  	_ =	swait.ge [sflag:s13], $0x3E80  }
0x19b: {  	[sflag:s13] =	ssyncset.done $0x0  }
0x19c: {  	s26 =	simm.s32 $0xE00;
	[sflag:s13] =	ssyncadd.s32 $0xFFFFC180  }
0x19d: {  	[spmem:s3] =	stream.indirect.scatter.add.f32 [tilespmem:s10], [sflag:$0x3], $0x80, s26, s9, $0xb8;
	[tilespmem:$0x1D000] =	vst v63  }
0x19e: {  	_ =	swait.ge [sflag:s6], $0x3E80  }
0x19f: {  	[sflag:s6] =	ssyncset.done $0x0  }
0x1a0: {  	s28 =	simm.s32 $0x700;
	[sflag:s6] =	ssyncadd.s32 $0xFFFFC180  }
0x1a1: {  	[tilespmem:s10], [sflag:$0x1] =	stream.indirect.gather [hbm4b:s2+s9], $0x80, s28, s9, $0xb8;
	[tilespmem:$0x1D000] =	vst v63  }
0x1a2: {  	_ =	swait.ge [sflag:s15], $0x3E80  }
0x1a3: {  	[sflag:s15] =	ssyncset.done $0x0  }
0x1a4: {  	s29 =	simm.s32 $0xE80;
	[sflag:s15] =	ssyncadd.s32 $0xFFFFC180  }
0x1a5: {  	[spmem:s3] =	stream.indirect.scatter.add.f32 [tilespmem:s12], [sflag:$0x3], $0x80, s29, s9, $0xb8;
	[tilespmem:$0x1D000] =	vst v63  }
0x1a6: {  	_ =	swait.ge [sflag:s6], $0x3E80  }
0x1a7: {  	[sflag:s6] =	ssyncset.done $0x0  }
0x1a8: {  	s30 =	simm.s32 $0x780;
	[sflag:s6] =	ssyncadd.s32 $0xFFFFC180  }
0x1a9: {  	[tilespmem:s12], [sflag:$0x2] =	stream.indirect.gather [hbm4b:s2+s9], $0x80, s30, s9, $0xb8;
	[tilespmem:$0x1D000] =	vst v63  }
0x1aa: {  	_ =	swait.ge [sflag:s13], $0x3E80  }
0x1ab: {  	[sflag:s13] =	ssyncset.done $0x0  }
0x1ac: {  	s31 =	simm.s32 $0xF00;
	[sflag:s13] =	ssyncadd.s32 $0xFFFFC180  }
0x1ad: {  	[spmem:s3] =	stream.indirect.scatter.add.f32 [tilespmem:s10], [sflag:$0x3], $0x80, s31, s9, $0xb8;
	[tilespmem:$0x1D000] =	vst v63  }
0x1ae: {  	_ =	swait.ge [sflag:s6], $0x3E80  }
0x1af: {  	[sflag:s6] =	ssyncset.done $0x0  }
0x1b0: {  	[sflag:s6] =	ssyncadd.s32 $0xFFFFC180  }
0x1b1: {  	_ =	swait.ge [sflag:s15], $0x3E80  }
0x1b2: {  	[sflag:s15] =	ssyncset.done $0x0  }
0x1b3: {  	s1 =	simm.s32 $0xF80;
	[sflag:s15] =	ssyncadd.s32 $0xFFFFC180  }
0x1b4: {  	[spmem:s3] =	stream.indirect.scatter.add.f32 [tilespmem:s12], [sflag:$0x3], $0x80, s1, s9, $0xb8;
	[tilespmem:$0x1D000] =	vst v63  }
0x1b5: {  	_ =	swait.ge [sflag:s6], $0x3E80  }
0x1b6: {  	[sflag:s6] =	ssyncset.done $0x0  }
0x1b7: {  	s4 =	rddreg [dreg:$0xb];
	[sflag:s6] =	ssyncadd.s32 $0xFFFFC180  }
0x1b8: {  	[tilespmem:s16], [sflag:$0x3] =	stream.linear.gather [hbm4b:s4+s16], $0x800, $0x38;
	[tilespmem:$0x1D000] =	vst v63  }
0x1b9: {  	_ =	swait.ge [sflag:s6], $0x800  }
0x1ba: {  	[sflag:s6] =	ssyncset.done $0x0  }
0x1bb: {  	s7 =	simm.s32 $0x800;
	s5 =	rddreg [dreg:$0xc];
	[sflag:s6] =	ssyncadd.s32 $0xFFFFF800  }
0x1bc: {  	[tilespmem:s7], [sflag:$0x3] =	stream.linear.gather [hbm4b:s5+s16], $0x800, $0x38;
	[tilespmem:$0x1D000] =	vst v63  }
0x1bd: {  	_ =	swait.ge [sflag:s6], $0x800  }
0x1be: {  	[sflag:s6] =	ssyncset.done $0x0  }
0x1bf: {  	[sflag:s6] =	ssyncadd.s32 $0xFFFFF800  }
0x1c0: {  	[tilespmem:s10], [sflag:$0x1] =	stream.indirect.gather [hbm4b:s2+s9], $0x80, s16, s9, $0xb8;
	[tilespmem:$0x1D000] =	vst v63  }
0x1c1: {  	s8 =	simm.s32 $0x80  }
0x1c2: {  	[tilespmem:s12], [sflag:$0x2] =	stream.indirect.gather [hbm4b:s2+s9], $0x80, s8, s9, $0xb8;
	[tilespmem:$0x1D000] =	vst v63  }
0x1c3: {  	_ =	swait.ge [sflag:s13], $0x3E80  }
0x1c4: {  	[sflag:s13] =	ssyncset.done $0x0  }
0x1c5: {  	[sflag:s13] =	ssyncadd.s32 $0xFFFFC180  }
0x1c6: {  	[spmem:s3] =	stream.indirect.scatter.add.f32 [tilespmem:s10], [sflag:$0x3], $0x80, s7, s9, $0xb8;
	[tilespmem:$0x1D000] =	vst v63  }
0x1c7: {  	_ =	swait.ge [sflag:s6], $0x3E80  }
0x1c8: {  	[sflag:s6] =	ssyncset.done $0x0  }
0x1c9: {  	s1 =	simm.s32 $0x100;
	[sflag:s6] =	ssyncadd.s32 $0xFFFFC180  }
0x1ca: {  	[tilespmem:s10], [sflag:$0x1] =	stream.indirect.gather [hbm4b:s2+s9], $0x80, s1, s9, $0xb8;
	[tilespmem:$0x1D000] =	vst v63  }
0x1cb: {  	_ =	swait.ge [sflag:s15], $0x3E80  }
0x1cc: {  	[sflag:s15] =	ssyncset.done $0x0  }
0x1cd: {  	s11 =	simm.s32 $0x880;
	[sflag:s15] =	ssyncadd.s32 $0xFFFFC180  }
0x1ce: {  	[spmem:s3] =	stream.indirect.scatter.add.f32 [tilespmem:s12], [sflag:$0x3], $0x80, s11, s9, $0xb8;
	[tilespmem:$0x1D000] =	vst v63  }
0x1cf: {  	_ =	swait.ge [sflag:s6], $0x3E80  }
0x1d0: {  	[sflag:s6] =	ssyncset.done $0x0  }
0x1d1: {  	s4 =	simm.s32 $0x180;
	[sflag:s6] =	ssyncadd.s32 $0xFFFFC180  }
0x1d2: {  	[tilespmem:s12], [sflag:$0x2] =	stream.indirect.gather [hbm4b:s2+s9], $0x80, s4, s9, $0xb8;
	[tilespmem:$0x1D000] =	vst v63  }
0x1d3: {  	_ =	swait.ge [sflag:s13], $0x3E80  }
0x1d4: {  	[sflag:s13] =	ssyncset.done $0x0  }
0x1d5: {  	s14 =	simm.s32 $0x900;
	[sflag:s13] =	ssyncadd.s32 $0xFFFFC180  }
0x1d6: {  	[spmem:s3] =	stream.indirect.scatter.add.f32 [tilespmem:s10], [sflag:$0x3], $0x80, s14, s9, $0xb8;
	[tilespmem:$0x1D000] =	vst v63  }
0x1d7: {  	_ =	swait.ge [sflag:s6], $0x3E80  }
0x1d8: {  	[sflag:s6] =	ssyncset.done $0x0  }
0x1d9: {  	s5 =	simm.s32 $0x200;
	[sflag:s6] =	ssyncadd.s32 $0xFFFFC180  }
0x1da: {  	[tilespmem:s10], [sflag:$0x1] =	stream.indirect.gather [hbm4b:s2+s9], $0x80, s5, s9, $0xb8;
	[tilespmem:$0x1D000] =	vst v63  }
0x1db: {  	_ =	swait.ge [sflag:s15], $0x3E80  }
0x1dc: {  	[sflag:s15] =	ssyncset.done $0x0  }
0x1dd: {  	s18 =	simm.s32 $0x980;
	[sflag:s15] =	ssyncadd.s32 $0xFFFFC180  }
0x1de: {  	[spmem:s3] =	stream.indirect.scatter.add.f32 [tilespmem:s12], [sflag:$0x3], $0x80, s18, s9, $0xb8;
	[tilespmem:$0x1D000] =	vst v63  }
0x1df: {  	_ =	swait.ge [sflag:s6], $0x3E80  }
0x1e0: {  	[sflag:s6] =	ssyncset.done $0x0  }
0x1e1: {  	s7 =	simm.s32 $0x280;
	[sflag:s6] =	ssyncadd.s32 $0xFFFFC180  }
0x1e2: {  	[tilespmem:s12], [sflag:$0x2] =	stream.indirect.gather [hbm4b:s2+s9], $0x80, s7, s9, $0xb8;
	[tilespmem:$0x1D000] =	vst v63  }
0x1e3: {  	_ =	swait.ge [sflag:s13], $0x3E80  }
0x1e4: {  	[sflag:s13] =	ssyncset.done $0x0  }
0x1e5: {  	s20 =	simm.s32 $0xA00;
	[sflag:s13] =	ssyncadd.s32 $0xFFFFC180  }
0x1e6: {  	[spmem:s3] =	stream.indirect.scatter.add.f32 [tilespmem:s10], [sflag:$0x3], $0x80, s20, s9, $0xb8;
	[tilespmem:$0x1D000] =	vst v63  }
0x1e7: {  	_ =	swait.ge [sflag:s6], $0x3E80  }
0x1e8: {  	[sflag:s6] =	ssyncset.done $0x0  }
0x1e9: {  	s8 =	simm.s32 $0x300;
	[sflag:s6] =	ssyncadd.s32 $0xFFFFC180  }
0x1ea: {  	[tilespmem:s10], [sflag:$0x1] =	stream.indirect.gather [hbm4b:s2+s9], $0x80, s8, s9, $0xb8;
	[tilespmem:$0x1D000] =	vst v63  }
0x1eb: {  	_ =	swait.ge [sflag:s15], $0x3E80  }
0x1ec: {  	[sflag:s15] =	ssyncset.done $0x0  }
0x1ed: {  	s22 =	simm.s32 $0xA80;
	[sflag:s15] =	ssyncadd.s32 $0xFFFFC180  }
0x1ee: {  	[spmem:s3] =	stream.indirect.scatter.add.f32 [tilespmem:s12], [sflag:$0x3], $0x80, s22, s9, $0xb8;
	[tilespmem:$0x1D000] =	vst v63  }
0x1ef: {  	_ =	swait.ge [sflag:s6], $0x3E80  }
0x1f0: {  	[sflag:s6] =	ssyncset.done $0x0  }
0x1f1: {  	s11 =	simm.s32 $0x380;
	[sflag:s6] =	ssyncadd.s32 $0xFFFFC180  }
0x1f2: {  	[tilespmem:s12], [sflag:$0x2] =	stream.indirect.gather [hbm4b:s2+s9], $0x80, s11, s9, $0xb8;
	[tilespmem:$0x1D000] =	vst v63  }
0x1f3: {  	_ =	swait.ge [sflag:s13], $0x3E80  }
0x1f4: {  	[sflag:s13] =	ssyncset.done $0x0  }
0x1f5: {  	s23 =	simm.s32 $0xB00;
	[sflag:s13] =	ssyncadd.s32 $0xFFFFC180  }
0x1f6: {  	[spmem:s3] =	stream.indirect.scatter.add.f32 [tilespmem:s10], [sflag:$0x3], $0x80, s23, s9, $0xb8;
	[tilespmem:$0x1D000] =	vst v63  }
0x1f7: {  	_ =	swait.ge [sflag:s6], $0x3E80  }
0x1f8: {  	[sflag:s6] =	ssyncset.done $0x0  }
0x1f9: {  	s14 =	simm.s32 $0x400;
	[sflag:s6] =	ssyncadd.s32 $0xFFFFC180  }
0x1fa: {  	[tilespmem:s10], [sflag:$0x1] =	stream.indirect.gather [hbm4b:s2+s9], $0x80, s14, s9, $0xb8;
	[tilespmem:$0x1D000] =	vst v63  }
0x1fb: {  	_ =	swait.ge [sflag:s15], $0x3E80  }
0x1fc: {  	[sflag:s15] =	ssyncset.done $0x0  }
0x1fd: {  	s25 =	simm.s32 $0xB80;
	[sflag:s15] =	ssyncadd.s32 $0xFFFFC180  }
0x1fe: {  	[spmem:s3] =	stream.indirect.scatter.add.f32 [tilespmem:s12], [sflag:$0x3], $0x80, s25, s9, $0xb8;
	[tilespmem:$0x1D000] =	vst v63  }
0x1ff: {  	_ =	swait.ge [sflag:s6], $0x3E80  }
0x200: {  	[sflag:s6] =	ssyncset.done $0x0  }
0x201: {  	s26 =	simm.s32 $0x480;
	[sflag:s6] =	ssyncadd.s32 $0xFFFFC180  }
0x202: {  	[tilespmem:s12], [sflag:$0x2] =	stream.indirect.gather [hbm4b:s2+s9], $0x80, s26, s9, $0xb8;
	[tilespmem:$0x1D000] =	vst v63  }
0x203: {  	_ =	swait.ge [sflag:s13], $0x3E80  }
0x204: {  	[sflag:s13] =	ssyncset.done $0x0  }
0x205: {  	s28 =	simm.s32 $0xC00;
	[sflag:s13] =	ssyncadd.s32 $0xFFFFC180  }
0x206: {  	[spmem:s3] =	stream.indirect.scatter.add.f32 [tilespmem:s10], [sflag:$0x3], $0x80, s28, s9, $0xb8;
	[tilespmem:$0x1D000] =	vst v63  }
0x207: {  	_ =	swait.ge [sflag:s6], $0x3E80  }
0x208: {  	[sflag:s6] =	ssyncset.done $0x0  }
0x209: {  	s29 =	simm.s32 $0x500;
	[sflag:s6] =	ssyncadd.s32 $0xFFFFC180  }
0x20a: {  	[tilespmem:s10], [sflag:$0x1] =	stream.indirect.gather [hbm4b:s2+s9], $0x80, s29, s9, $0xb8;
	[tilespmem:$0x1D000] =	vst v63  }
0x20b: {  	_ =	swait.ge [sflag:s15], $0x3E80  }
0x20c: {  	[sflag:s15] =	ssyncset.done $0x0  }
0x20d: {  	s30 =	simm.s32 $0xC80;
	[sflag:s15] =	ssyncadd.s32 $0xFFFFC180  }
0x20e: {  	[spmem:s3] =	stream.indirect.scatter.add.f32 [tilespmem:s12], [sflag:$0x3], $0x80, s30, s9, $0xb8;
	[tilespmem:$0x1D000] =	vst v63  }
0x20f: {  	_ =	swait.ge [sflag:s6], $0x3E80  }
0x210: {  	[sflag:s6] =	ssyncset.done $0x0  }
0x211: {  	s31 =	simm.s32 $0x580;
	[sflag:s6] =	ssyncadd.s32 $0xFFFFC180  }
0x212: {  	[tilespmem:s12], [sflag:$0x2] =	stream.indirect.gather [hbm4b:s2+s9], $0x80, s31, s9, $0xb8;
	[tilespmem:$0x1D000] =	vst v63  }
0x213: {  	_ =	swait.ge [sflag:s13], $0x3E80  }
0x214: {  	[sflag:s13] =	ssyncset.done $0x0  }
0x215: {  	s23 =	simm.s32 $0xD00;
	[sflag:s13] =	ssyncadd.s32 $0xFFFFC180  }
0x216: {  	[spmem:s3] =	stream.indirect.scatter.add.f32 [tilespmem:s10], [sflag:$0x3], $0x80, s23, s9, $0xb8;
	[tilespmem:$0x1D000] =	vst v63  }
0x217: {  	_ =	swait.ge [sflag:s6], $0x3E80  }
0x218: {  	[sflag:s6] =	ssyncset.done $0x0  }
0x219: {  	s23 =	simm.s32 $0x600;
	[sflag:s6] =	ssyncadd.s32 $0xFFFFC180  }
0x21a: {  	[tilespmem:s10], [sflag:$0x1] =	stream.indirect.gather [hbm4b:s2+s9], $0x80, s23, s9, $0xb8;
	[tilespmem:$0x1D000] =	vst v63  }
0x21b: {  	_ =	swait.ge [sflag:s15], $0x3E80  }
0x21c: {  	[sflag:s15] =	ssyncset.done $0x0  }
0x21d: {  	s23 =	simm.s32 $0xD80;
	[sflag:s15] =	ssyncadd.s32 $0xFFFFC180  }
0x21e: {  	[spmem:s3] =	stream.indirect.scatter.add.f32 [tilespmem:s12], [sflag:$0x3], $0x80, s23, s9, $0xb8;
	[tilespmem:$0x1D000] =	vst v63  }
0x21f: {  	_ =	swait.ge [sflag:s6], $0x3E80  }
0x220: {  	[sflag:s6] =	ssyncset.done $0x0  }
0x221: {  	s23 =	simm.s32 $0x680;
	[sflag:s6] =	ssyncadd.s32 $0xFFFFC180  }
0x222: {  	[tilespmem:s12], [sflag:$0x2] =	stream.indirect.gather [hbm4b:s2+s9], $0x80, s23, s9, $0xb8;
	[tilespmem:$0x1D000] =	vst v63  }
0x223: {  	_ =	swait.ge [sflag:s13], $0x3E80  }
0x224: {  	[sflag:s13] =	ssyncset.done $0x0  }
0x225: {  	s23 =	simm.s32 $0xE00;
	[sflag:s13] =	ssyncadd.s32 $0xFFFFC180  }
0x226: {  	[spmem:s3] =	stream.indirect.scatter.add.f32 [tilespmem:s10], [sflag:$0x3], $0x80, s23, s9, $0xb8;
	[tilespmem:$0x1D000] =	vst v63  }
0x227: {  	_ =	swait.ge [sflag:s6], $0x3E80  }
0x228: {  	[sflag:s6] =	ssyncset.done $0x0  }
0x229: {  	s23 =	simm.s32 $0x700;
	[sflag:s6] =	ssyncadd.s32 $0xFFFFC180  }
0x22a: {  	[tilespmem:s10], [sflag:$0x1] =	stream.indirect.gather [hbm4b:s2+s9], $0x80, s23, s9, $0xb8;
	[tilespmem:$0x1D000] =	vst v63  }
0x22b: {  	_ =	swait.ge [sflag:s15], $0x3E80  }
0x22c: {  	[sflag:s15] =	ssyncset.done $0x0  }
0x22d: {  	s23 =	simm.s32 $0xE80;
	[sflag:s15] =	ssyncadd.s32 $0xFFFFC180  }
0x22e: {  	[spmem:s3] =	stream.indirect.scatter.add.f32 [tilespmem:s12], [sflag:$0x3], $0x80, s23, s9, $0xb8;
	[tilespmem:$0x1D000] =	vst v63  }
0x22f: {  	_ =	swait.ge [sflag:s6], $0x3E80  }
0x230: {  	[sflag:s6] =	ssyncset.done $0x0  }
0x231: {  	s23 =	simm.s32 $0x780;
	[sflag:s6] =	ssyncadd.s32 $0xFFFFC180  }
0x232: {  	[tilespmem:s12], [sflag:$0x2] =	stream.indirect.gather [hbm4b:s2+s9], $0x80, s23, s9, $0xb8;
	[tilespmem:$0x1D000] =	vst v63  }
0x233: {  	_ =	swait.ge [sflag:s13], $0x3E80  }
0x234: {  	[sflag:s13] =	ssyncset.done $0x0  }
0x235: {  	s23 =	simm.s32 $0xF00;
	[sflag:s13] =	ssyncadd.s32 $0xFFFFC180  }
0x236: {  	[spmem:s3] =	stream.indirect.scatter.add.f32 [tilespmem:s10], [sflag:$0x3], $0x80, s23, s9, $0xb8;
	[tilespmem:$0x1D000] =	vst v63  }
0x237: {  	_ =	swait.ge [sflag:s6], $0x3E80  }
0x238: {  	[sflag:s6] =	ssyncset.done $0x0  }
0x239: {  	[sflag:s6] =	ssyncadd.s32 $0xFFFFC180  }
0x23a: {  	_ =	swait.ge [sflag:s15], $0x3E80  }
0x23b: {  	[sflag:s15] =	ssyncset.done $0x0  }
0x23c: {  	s23 =	simm.s32 $0xF80;
	[sflag:s15] =	ssyncadd.s32 $0xFFFFC180  }
0x23d: {  	[spmem:s3] =	stream.indirect.scatter.add.f32 [tilespmem:s12], [sflag:$0x3], $0x80, s23, s9, $0xb8;
	[tilespmem:$0x1D000] =	vst v63  }
0x23e: {  	_ =	swait.ge [sflag:s6], $0x3E80  }
0x23f: {  	[sflag:s6] =	ssyncset.done $0x0  }
0x240: {  	s23 =	rddreg [dreg:$0xd];
	[sflag:s6] =	ssyncadd.s32 $0xFFFFC180  }
0x241: {  	[tilespmem:s16], [sflag:$0x3] =	stream.linear.gather [hbm4b:s23+s16], $0x800, $0x38;
	[tilespmem:$0x1D000] =	vst v63  }
0x242: {  	_ =	swait.ge [sflag:s6], $0x800  }
0x243: {  	[sflag:s6] =	ssyncset.done $0x0  }
0x244: {  	s0 =	simm.s32 $0x800;
	s23 =	rddreg [dreg:$0xe];
	[sflag:s6] =	ssyncadd.s32 $0xFFFFF800  }
0x245: {  	[tilespmem:s0], [sflag:$0x3] =	stream.linear.gather [hbm4b:s23+s16], $0x800, $0x38;
	[tilespmem:$0x1D000] =	vst v63  }
0x246: {  	_ =	swait.ge [sflag:s6], $0x800  }
0x247: {  	[sflag:s6] =	ssyncset.done $0x0  }
0x248: {  	[sflag:s6] =	ssyncadd.s32 $0xFFFFF800  }
0x249: {  	[tilespmem:s10], [sflag:$0x1] =	stream.indirect.gather [hbm4b:s2+s9], $0x80, s16, s9, $0xb8;
	[tilespmem:$0x1D000] =	vst v63  }
0x24a: {  	s17 =	simm.s32 $0x80  }
0x24b: {  	[tilespmem:s12], [sflag:$0x2] =	stream.indirect.gather [hbm4b:s2+s9], $0x80, s17, s9, $0xb8;
	[tilespmem:$0x1D000] =	vst v63  }
0x24c: {  	_ =	swait.ge [sflag:s13], $0x3E80  }
0x24d: {  	[sflag:s13] =	ssyncset.done $0x0  }
0x24e: {  	[sflag:s13] =	ssyncadd.s32 $0xFFFFC180  }
0x24f: {  	[spmem:s3] =	stream.indirect.scatter.add.f32 [tilespmem:s10], [sflag:$0x3], $0x80, s0, s9, $0xb8;
	[tilespmem:$0x1D000] =	vst v63  }
0x250: {  	_ =	swait.ge [sflag:s6], $0x3E80  }
0x251: {  	[sflag:s6] =	ssyncset.done $0x0  }
0x252: {  	[sflag:s6] =	ssyncadd.s32 $0xFFFFC180  }
0x253: {  	[tilespmem:s10], [sflag:$0x1] =	stream.indirect.gather [hbm4b:s2+s9], $0x80, s1, s9, $0xb8;
	[tilespmem:$0x1D000] =	vst v63  }
0x254: {  	_ =	swait.ge [sflag:s15], $0x3E80  }
0x255: {  	[sflag:s15] =	ssyncset.done $0x0  }
0x256: {  	s21 =	simm.s32 $0x880;
	[sflag:s15] =	ssyncadd.s32 $0xFFFFC180  }
0x257: {  	[spmem:s3] =	stream.indirect.scatter.add.f32 [tilespmem:s12], [sflag:$0x3], $0x80, s21, s9, $0xb8;
	[tilespmem:$0x1D000] =	vst v63  }
0x258: {  	_ =	swait.ge [sflag:s6], $0x3E80  }
0x259: {  	[sflag:s6] =	ssyncset.done $0x0  }
0x25a: {  	[sflag:s6] =	ssyncadd.s32 $0xFFFFC180  }
0x25b: {  	[tilespmem:s12], [sflag:$0x2] =	stream.indirect.gather [hbm4b:s2+s9], $0x80, s4, s9, $0xb8;
	[tilespmem:$0x1D000] =	vst v63  }
0x25c: {  	_ =	swait.ge [sflag:s13], $0x3E80  }
0x25d: {  	[sflag:s13] =	ssyncset.done $0x0  }
0x25e: {  	s19 =	simm.s32 $0x900;
	[sflag:s13] =	ssyncadd.s32 $0xFFFFC180  }
0x25f: {  	[spmem:s3] =	stream.indirect.scatter.add.f32 [tilespmem:s10], [sflag:$0x3], $0x80, s19, s9, $0xb8;
	[tilespmem:$0x1D000] =	vst v63  }
0x260: {  	_ =	swait.ge [sflag:s6], $0x3E80  }
0x261: {  	[sflag:s6] =	ssyncset.done $0x0  }
0x262: {  	[sflag:s6] =	ssyncadd.s32 $0xFFFFC180  }
0x263: {  	[tilespmem:s10], [sflag:$0x1] =	stream.indirect.gather [hbm4b:s2+s9], $0x80, s5, s9, $0xb8;
	[tilespmem:$0x1D000] =	vst v63  }
0x264: {  	_ =	swait.ge [sflag:s15], $0x3E80  }
0x265: {  	[sflag:s15] =	ssyncset.done $0x0  }
0x266: {  	s24 =	simm.s32 $0x980;
	[sflag:s15] =	ssyncadd.s32 $0xFFFFC180  }
0x267: {  	[spmem:s3] =	stream.indirect.scatter.add.f32 [tilespmem:s12], [sflag:$0x3], $0x80, s24, s9, $0xb8;
	[tilespmem:$0x1D000] =	vst v63  }
0x268: {  	_ =	swait.ge [sflag:s6], $0x3E80  }
0x269: {  	[sflag:s6] =	ssyncset.done $0x0  }
0x26a: {  	[sflag:s6] =	ssyncadd.s32 $0xFFFFC180  }
0x26b: {  	[tilespmem:s12], [sflag:$0x2] =	stream.indirect.gather [hbm4b:s2+s9], $0x80, s7, s9, $0xb8;
	[tilespmem:$0x1D000] =	vst v63  }
0x26c: {  	_ =	swait.ge [sflag:s13], $0x3E80  }
0x26d: {  	[sflag:s13] =	ssyncset.done $0x0  }
0x26e: {  	s18 =	simm.s32 $0xA00;
	[sflag:s13] =	ssyncadd.s32 $0xFFFFC180  }
0x26f: {  	[spmem:s3] =	stream.indirect.scatter.add.f32 [tilespmem:s10], [sflag:$0x3], $0x80, s18, s9, $0xb8;
	[tilespmem:$0x1D000] =	vst v63  }
0x270: {  	_ =	swait.ge [sflag:s6], $0x3E80  }
0x271: {  	[sflag:s6] =	ssyncset.done $0x0  }
0x272: {  	[sflag:s6] =	ssyncadd.s32 $0xFFFFC180  }
0x273: {  	[tilespmem:s10], [sflag:$0x1] =	stream.indirect.gather [hbm4b:s2+s9], $0x80, s8, s9, $0xb8;
	[tilespmem:$0x1D000] =	vst v63  }
0x274: {  	_ =	swait.ge [sflag:s15], $0x3E80  }
0x275: {  	[sflag:s15] =	ssyncset.done $0x0  }
0x276: {  	s20 =	simm.s32 $0xA80;
	[sflag:s15] =	ssyncadd.s32 $0xFFFFC180  }
0x277: {  	[spmem:s3] =	stream.indirect.scatter.add.f32 [tilespmem:s12], [sflag:$0x3], $0x80, s20, s9, $0xb8;
	[tilespmem:$0x1D000] =	vst v63  }
0x278: {  	_ =	swait.ge [sflag:s6], $0x3E80  }
0x279: {  	[sflag:s6] =	ssyncset.done $0x0  }
0x27a: {  	[sflag:s6] =	ssyncadd.s32 $0xFFFFC180  }
0x27b: {  	[tilespmem:s12], [sflag:$0x2] =	stream.indirect.gather [hbm4b:s2+s9], $0x80, s11, s9, $0xb8;
	[tilespmem:$0x1D000] =	vst v63  }
0x27c: {  	_ =	swait.ge [sflag:s13], $0x3E80  }
0x27d: {  	[sflag:s13] =	ssyncset.done $0x0  }
0x27e: {  	s22 =	simm.s32 $0xB00;
	[sflag:s13] =	ssyncadd.s32 $0xFFFFC180  }
0x27f: {  	[spmem:s3] =	stream.indirect.scatter.add.f32 [tilespmem:s10], [sflag:$0x3], $0x80, s22, s9, $0xb8;
	[tilespmem:$0x1D000] =	vst v63  }
0x280: {  	_ =	swait.ge [sflag:s6], $0x3E80  }
0x281: {  	[sflag:s6] =	ssyncset.done $0x0  }
0x282: {  	[sflag:s6] =	ssyncadd.s32 $0xFFFFC180  }
0x283: {  	[tilespmem:s10], [sflag:$0x1] =	stream.indirect.gather [hbm4b:s2+s9], $0x80, s14, s9, $0xb8;
	[tilespmem:$0x1D000] =	vst v63  }
0x284: {  	_ =	swait.ge [sflag:s15], $0x3E80  }
0x285: {  	[sflag:s15] =	ssyncset.done $0x0  }
0x286: {  	s25 =	simm.s32 $0xB80;
	[sflag:s15] =	ssyncadd.s32 $0xFFFFC180  }
0x287: {  	[spmem:s3] =	stream.indirect.scatter.add.f32 [tilespmem:s12], [sflag:$0x3], $0x80, s25, s9, $0xb8;
	[tilespmem:$0x1D000] =	vst v63  }
0x288: {  	_ =	swait.ge [sflag:s6], $0x3E80  }
0x289: {  	[sflag:s6] =	ssyncset.done $0x0  }
0x28a: {  	s26 =	simm.s32 $0x480;
	[sflag:s6] =	ssyncadd.s32 $0xFFFFC180  }
0x28b: {  	[tilespmem:s12], [sflag:$0x2] =	stream.indirect.gather [hbm4b:s2+s9], $0x80, s26, s9, $0xb8;
	[tilespmem:$0x1D000] =	vst v63  }
0x28c: {  	_ =	swait.ge [sflag:s13], $0x3E80  }
0x28d: {  	[sflag:s13] =	ssyncset.done $0x0  }
0x28e: {  	s28 =	simm.s32 $0xC00;
	[sflag:s13] =	ssyncadd.s32 $0xFFFFC180  }
0x28f: {  	[spmem:s3] =	stream.indirect.scatter.add.f32 [tilespmem:s10], [sflag:$0x3], $0x80, s28, s9, $0xb8;
	[tilespmem:$0x1D000] =	vst v63  }
0x290: {  	_ =	swait.ge [sflag:s6], $0x3E80  }
0x291: {  	[sflag:s6] =	ssyncset.done $0x0  }
0x292: {  	s29 =	simm.s32 $0x500;
	[sflag:s6] =	ssyncadd.s32 $0xFFFFC180  }
0x293: {  	[tilespmem:s10], [sflag:$0x1] =	stream.indirect.gather [hbm4b:s2+s9], $0x80, s29, s9, $0xb8;
	[tilespmem:$0x1D000] =	vst v63  }
0x294: {  	_ =	swait.ge [sflag:s15], $0x3E80  }
0x295: {  	[sflag:s15] =	ssyncset.done $0x0  }
0x296: {  	s30 =	simm.s32 $0xC80;
	[sflag:s15] =	ssyncadd.s32 $0xFFFFC180  }
0x297: {  	[spmem:s3] =	stream.indirect.scatter.add.f32 [tilespmem:s12], [sflag:$0x3], $0x80, s30, s9, $0xb8;
	[tilespmem:$0x1D000] =	vst v63  }
0x298: {  	_ =	swait.ge [sflag:s6], $0x3E80  }
0x299: {  	[sflag:s6] =	ssyncset.done $0x0  }
0x29a: {  	s31 =	simm.s32 $0x580;
	[sflag:s6] =	ssyncadd.s32 $0xFFFFC180  }
0x29b: {  	[tilespmem:s12], [sflag:$0x2] =	stream.indirect.gather [hbm4b:s2+s9], $0x80, s31, s9, $0xb8;
	[tilespmem:$0x1D000] =	vst v63  }
0x29c: {  	_ =	swait.ge [sflag:s13], $0x3E80  }
0x29d: {  	[sflag:s13] =	ssyncset.done $0x0  }
0x29e: {  	s14 =	simm.s32 $0xD00;
	[sflag:s13] =	ssyncadd.s32 $0xFFFFC180  }
0x29f: {  	[spmem:s3] =	stream.indirect.scatter.add.f32 [tilespmem:s10], [sflag:$0x3], $0x80, s14, s9, $0xb8;
	[tilespmem:$0x1D000] =	vst v63  }
0x2a0: {  	_ =	swait.ge [sflag:s6], $0x3E80  }
0x2a1: {  	[sflag:s6] =	ssyncset.done $0x0  }
0x2a2: {  	s17 =	simm.s32 $0x600;
	[sflag:s6] =	ssyncadd.s32 $0xFFFFC180  }
0x2a3: {  	[tilespmem:s10], [sflag:$0x1] =	stream.indirect.gather [hbm4b:s2+s9], $0x80, s17, s9, $0xb8;
	[tilespmem:$0x1D000] =	vst v63  }
0x2a4: {  	_ =	swait.ge [sflag:s15], $0x3E80  }
0x2a5: {  	[sflag:s15] =	ssyncset.done $0x0  }
0x2a6: {  	s18 =	simm.s32 $0xD80;
	[sflag:s15] =	ssyncadd.s32 $0xFFFFC180  }
0x2a7: {  	[spmem:s3] =	stream.indirect.scatter.add.f32 [tilespmem:s12], [sflag:$0x3], $0x80, s18, s9, $0xb8;
	[tilespmem:$0x1D000] =	vst v63  }
0x2a8: {  	_ =	swait.ge [sflag:s6], $0x3E80  }
0x2a9: {  	[sflag:s6] =	ssyncset.done $0x0  }
0x2aa: {  	s19 =	simm.s32 $0x680;
	[sflag:s6] =	ssyncadd.s32 $0xFFFFC180  }
0x2ab: {  	[tilespmem:s12], [sflag:$0x2] =	stream.indirect.gather [hbm4b:s2+s9], $0x80, s19, s9, $0xb8;
	[tilespmem:$0x1D000] =	vst v63  }
0x2ac: {  	_ =	swait.ge [sflag:s13], $0x3E80  }
0x2ad: {  	[sflag:s13] =	ssyncset.done $0x0  }
0x2ae: {  	s20 =	simm.s32 $0xE00;
	[sflag:s13] =	ssyncadd.s32 $0xFFFFC180  }
0x2af: {  	[spmem:s3] =	stream.indirect.scatter.add.f32 [tilespmem:s10], [sflag:$0x3], $0x80, s20, s9, $0xb8;
	[tilespmem:$0x1D000] =	vst v63  }
0x2b0: {  	_ =	swait.ge [sflag:s6], $0x3E80  }
0x2b1: {  	[sflag:s6] =	ssyncset.done $0x0  }
0x2b2: {  	s21 =	simm.s32 $0x700;
	[sflag:s6] =	ssyncadd.s32 $0xFFFFC180  }
0x2b3: {  	[tilespmem:s10], [sflag:$0x1] =	stream.indirect.gather [hbm4b:s2+s9], $0x80, s21, s9, $0xb8;
	[tilespmem:$0x1D000] =	vst v63  }
0x2b4: {  	_ =	swait.ge [sflag:s15], $0x3E80  }
0x2b5: {  	[sflag:s15] =	ssyncset.done $0x0  }
0x2b6: {  	s22 =	simm.s32 $0xE80;
	[sflag:s15] =	ssyncadd.s32 $0xFFFFC180  }
0x2b7: {  	[spmem:s3] =	stream.indirect.scatter.add.f32 [tilespmem:s12], [sflag:$0x3], $0x80, s22, s9, $0xb8;
	[tilespmem:$0x1D000] =	vst v63  }
0x2b8: {  	_ =	swait.ge [sflag:s6], $0x3E80  }
0x2b9: {  	[sflag:s6] =	ssyncset.done $0x0  }
0x2ba: {  	s23 =	simm.s32 $0x780;
	[sflag:s6] =	ssyncadd.s32 $0xFFFFC180  }
0x2bb: {  	[tilespmem:s12], [sflag:$0x2] =	stream.indirect.gather [hbm4b:s2+s9], $0x80, s23, s9, $0xb8;
	[tilespmem:$0x1D000] =	vst v63  }
0x2bc: {  	_ =	swait.ge [sflag:s13], $0x3E80  }
0x2bd: {  	[sflag:s13] =	ssyncset.done $0x0  }
0x2be: {  	s24 =	simm.s32 $0xF00;
	[sflag:s13] =	ssyncadd.s32 $0xFFFFC180  }
0x2bf: {  	[spmem:s3] =	stream.indirect.scatter.add.f32 [tilespmem:s10], [sflag:$0x3], $0x80, s24, s9, $0xb8;
	[tilespmem:$0x1D000] =	vst v63  }
0x2c0: {  	_ =	swait.ge [sflag:s6], $0x3E80  }
0x2c1: {  	[sflag:s6] =	ssyncset.done $0x0  }
0x2c2: {  	[sflag:s6] =	ssyncadd.s32 $0xFFFFC180  }
0x2c3: {  	_ =	swait.ge [sflag:s15], $0x3E80  }
0x2c4: {  	[sflag:s15] =	ssyncset.done $0x0  }
0x2c5: {  	s25 =	simm.s32 $0xF80;
	[sflag:s15] =	ssyncadd.s32 $0xFFFFC180  }
0x2c6: {  	[spmem:s3] =	stream.indirect.scatter.add.f32 [tilespmem:s12], [sflag:$0x3], $0x80, s25, s9, $0xb8;
	[tilespmem:$0x1D000] =	vst v63  }
0x2c7: {  	_ =	swait.ge [sflag:s6], $0x3E80  }
0x2c8: {  	[sflag:s6] =	ssyncset.done $0x0  }
0x2c9: {  	[sflag:s6] =	ssyncadd.s32 $0xFFFFC180  }
0x2ca: {  	[bflag:$0x0] =	sbarrier.arrive $0xFFFF  }
0x2cb: {  	s26 =	rddreg [dreg:$0x12]  }
0x2cc: {  	s0 =	ssub.s32 $0x2, s26  }
0x2cd: {  	s29 =	sshrl.u32 s0, $0x1  }
0x2ce: {  	s23 =	ssub.s32 s0, s29  }
0x2cf: {  	s23 =	smax.u32 s23, $0x1  }
0x2d0: {  	p0 =	sne.s32 s23, $0x1  }
.Ltmp0:
0x2d1: {  	s28 =	rddreg [dreg:$0xf];
	(pc) =	sbr.rel @!p0 .LBB2_2-.Ltmp0, $4  }
0x2d2: {  	s30 =	rddreg [dreg:$0x10]  }
0x2d3: {  	s31 =	rddreg [dreg:$0x11]  }
0x2d4: {  	[hbm:s28], [sflag:s30] =	dma.local [spmem:s31], $0x2800  }
0x2d5: {  	_ =	swait.ge [sflag:s6], $0x2800;
	s23 =	sadd.s32 $0xFFFFFFFF, s23  }
.LBB2_1:
0x2d6: {  	s24 =	rddreg [dreg:$0x4]  }
0x2d7: {  	[sflag:s6] =	ssyncset.done $0x0;
	s0 =	rddreg [dreg:$0x10]  }
0x2d8: {  	s1 =	rddreg [dreg:$0x11];
	[sflag:s6] =	ssyncadd.s32 $0xFFFFD800  }
0x2d9: {  	[spmem:s1], [sflag:s0] =	dma.local [hbm:s24], $0x2800  }
0x2da: {  	_ =	swait.ge [sflag:s6], $0x2800  }
0x2db: {  	[sflag:s6] =	ssyncset.done $0x0  }
0x2dc: {  	[sflag:s6] =	ssyncadd.s32 $0xFFFFD800  }
0x2dd: {  	[bflag:$0x0] =	sbarrier.arrive $0xFFFF  }
0x2de: {  	s29 =	rddreg [dreg:$0x5]  }
0x2df: {  	[tilespmem:s16], [sflag:$0x3] =	stream.linear.gather [hbm4b:s29+s16], $0x800, $0x38;
	[tilespmem:$0x1D000] =	vst v63  }
0x2e0: {  	_ =	swait.ge [sflag:s6], $0x800  }
0x2e1: {  	[sflag:s6] =	ssyncset.done $0x0  }
0x2e2: {  	s0 =	simm.s32 $0x800;
	s30 =	rddreg [dreg:$0x6];
	[sflag:s6] =	ssyncadd.s32 $0xFFFFF800  }
0x2e3: {  	[tilespmem:s0], [sflag:$0x3] =	stream.linear.gather [hbm4b:s30+s16], $0x800, $0x38;
	[tilespmem:$0x1D000] =	vst v63  }
0x2e4: {  	_ =	swait.ge [sflag:s6], $0x800  }
0x2e5: {  	[sflag:s6] =	ssyncset.done $0x0  }
0x2e6: {  	[sflag:s6] =	ssyncadd.s32 $0xFFFFF800  }
0x2e7: {  	[tilespmem:s10], [sflag:$0x1] =	stream.indirect.gather [hbm4b:s2+s9], $0x80, s16, s9, $0xb8;
	[tilespmem:$0x1D000] =	vst v63  }
0x2e8: {  	s31 =	simm.s32 $0x80  }
0x2e9: {  	[tilespmem:s12], [sflag:$0x2] =	stream.indirect.gather [hbm4b:s2+s9], $0x80, s31, s9, $0xb8;
	[tilespmem:$0x1D000] =	vst v63  }
0x2ea: {  	_ =	swait.ge [sflag:s13], $0x3E80  }
0x2eb: {  	[sflag:s13] =	ssyncset.done $0x0  }
0x2ec: {  	[sflag:s13] =	ssyncadd.s32 $0xFFFFC180  }
0x2ed: {  	[spmem:s3] =	stream.indirect.scatter.add.f32 [tilespmem:s10], [sflag:$0x3], $0x80, s0, s9, $0xb8;
	[tilespmem:$0x1D000] =	vst v63  }
0x2ee: {  	_ =	swait.ge [sflag:s6], $0x3E80  }
0x2ef: {  	[sflag:s6] =	ssyncset.done $0x0  }
0x2f0: {  	s4 =	simm.s32 $0x100;
	[sflag:s6] =	ssyncadd.s32 $0xFFFFC180  }
0x2f1: {  	[tilespmem:s10], [sflag:$0x1] =	stream.indirect.gather [hbm4b:s2+s9], $0x80, s4, s9, $0xb8;
	[tilespmem:$0x1D000] =	vst v63  }
0x2f2: {  	_ =	swait.ge [sflag:s15], $0x3E80  }
0x2f3: {  	[sflag:s15] =	ssyncset.done $0x0  }
0x2f4: {  	s5 =	simm.s32 $0x880;
	[sflag:s15] =	ssyncadd.s32 $0xFFFFC180  }
0x2f5: {  	[spmem:s3] =	stream.indirect.scatter.add.f32 [tilespmem:s12], [sflag:$0x3], $0x80, s5, s9, $0xb8;
	[tilespmem:$0x1D000] =	vst v63  }
0x2f6: {  	_ =	swait.ge [sflag:s6], $0x3E80  }
0x2f7: {  	[sflag:s6] =	ssyncset.done $0x0  }
0x2f8: {  	s8 =	simm.s32 $0x180;
	[sflag:s6] =	ssyncadd.s32 $0xFFFFC180  }
0x2f9: {  	[tilespmem:s12], [sflag:$0x2] =	stream.indirect.gather [hbm4b:s2+s9], $0x80, s8, s9, $0xb8;
	[tilespmem:$0x1D000] =	vst v63  }
0x2fa: {  	_ =	swait.ge [sflag:s13], $0x3E80  }
0x2fb: {  	[sflag:s13] =	ssyncset.done $0x0  }
0x2fc: {  	s17 =	simm.s32 $0x900;
	[sflag:s13] =	ssyncadd.s32 $0xFFFFC180  }
0x2fd: {  	[spmem:s3] =	stream.indirect.scatter.add.f32 [tilespmem:s10], [sflag:$0x3], $0x80, s17, s9, $0xb8;
	[tilespmem:$0x1D000] =	vst v63  }
0x2fe: {  	_ =	swait.ge [sflag:s6], $0x3E80  }
0x2ff: {  	[sflag:s6] =	ssyncset.done $0x0  }
0x300: {  	s5 =	simm.s32 $0x200;
	[sflag:s6] =	ssyncadd.s32 $0xFFFFC180  }
0x301: {  	[tilespmem:s10], [sflag:$0x1] =	stream.indirect.gather [hbm4b:s2+s9], $0x80, s5, s9, $0xb8;
	[tilespmem:$0x1D000] =	vst v63  }
0x302: {  	_ =	swait.ge [sflag:s15], $0x3E80  }
0x303: {  	[sflag:s15] =	ssyncset.done $0x0  }
0x304: {  	s18 =	simm.s32 $0x980;
	[sflag:s15] =	ssyncadd.s32 $0xFFFFC180  }
0x305: {  	[spmem:s3] =	stream.indirect.scatter.add.f32 [tilespmem:s12], [sflag:$0x3], $0x80, s18, s9, $0xb8;
	[tilespmem:$0x1D000] =	vst v63  }
0x306: {  	_ =	swait.ge [sflag:s6], $0x3E80  }
0x307: {  	[sflag:s6] =	ssyncset.done $0x0  }
0x308: {  	s19 =	simm.s32 $0x280;
	[sflag:s6] =	ssyncadd.s32 $0xFFFFC180  }
0x309: {  	[tilespmem:s12], [sflag:$0x2] =	stream.indirect.gather [hbm4b:s2+s9], $0x80, s19, s9, $0xb8;
	[tilespmem:$0x1D000] =	vst v63  }
0x30a: {  	_ =	swait.ge [sflag:s13], $0x3E80  }
0x30b: {  	[sflag:s13] =	ssyncset.done $0x0  }
0x30c: {  	s20 =	simm.s32 $0xA00;
	[sflag:s13] =	ssyncadd.s32 $0xFFFFC180  }
0x30d: {  	[spmem:s3] =	stream.indirect.scatter.add.f32 [tilespmem:s10], [sflag:$0x3], $0x80, s20, s9, $0xb8;
	[tilespmem:$0x1D000] =	vst v63  }
0x30e: {  	_ =	swait.ge [sflag:s6], $0x3E80  }
0x30f: {  	[sflag:s6] =	ssyncset.done $0x0  }
0x310: {  	s22 =	simm.s32 $0x300;
	[sflag:s6] =	ssyncadd.s32 $0xFFFFC180  }
0x311: {  	[tilespmem:s10], [sflag:$0x1] =	stream.indirect.gather [hbm4b:s2+s9], $0x80, s22, s9, $0xb8;
	[tilespmem:$0x1D000] =	vst v63  }
0x312: {  	_ =	swait.ge [sflag:s15], $0x3E80  }
0x313: {  	[sflag:s15] =	ssyncset.done $0x0  }
0x314: {  	s24 =	simm.s32 $0xA80;
	[sflag:s15] =	ssyncadd.s32 $0xFFFFC180  }
0x315: {  	[spmem:s3] =	stream.indirect.scatter.add.f32 [tilespmem:s12], [sflag:$0x3], $0x80, s24, s9, $0xb8;
	[tilespmem:$0x1D000] =	vst v63  }
0x316: {  	_ =	swait.ge [sflag:s6], $0x3E80  }
0x317: {  	[sflag:s6] =	ssyncset.done $0x0  }
0x318: {  	s26 =	simm.s32 $0x380;
	[sflag:s6] =	ssyncadd.s32 $0xFFFFC180  }
0x319: {  	[tilespmem:s12], [sflag:$0x2] =	stream.indirect.gather [hbm4b:s2+s9], $0x80, s26, s9, $0xb8;
	[tilespmem:$0x1D000] =	vst v63  }
0x31a: {  	_ =	swait.ge [sflag:s13], $0x3E80  }
0x31b: {  	[sflag:s13] =	ssyncset.done $0x0  }
0x31c: {  	s28 =	simm.s32 $0xB00;
	[sflag:s13] =	ssyncadd.s32 $0xFFFFC180  }
0x31d: {  	[spmem:s3] =	stream.indirect.scatter.add.f32 [tilespmem:s10], [sflag:$0x3], $0x80, s28, s9, $0xb8;
	[tilespmem:$0x1D000] =	vst v63  }
0x31e: {  	_ =	swait.ge [sflag:s6], $0x3E80  }
0x31f: {  	[sflag:s6] =	ssyncset.done $0x0  }
0x320: {  	s29 =	simm.s32 $0x400;
	[sflag:s6] =	ssyncadd.s32 $0xFFFFC180  }
0x321: {  	[tilespmem:s10], [sflag:$0x1] =	stream.indirect.gather [hbm4b:s2+s9], $0x80, s29, s9, $0xb8;
	[tilespmem:$0x1D000] =	vst v63  }
0x322: {  	_ =	swait.ge [sflag:s15], $0x3E80  }
0x323: {  	[sflag:s15] =	ssyncset.done $0x0  }
0x324: {  	s30 =	simm.s32 $0xB80;
	[sflag:s15] =	ssyncadd.s32 $0xFFFFC180  }
0x325: {  	[spmem:s3] =	stream.indirect.scatter.add.f32 [tilespmem:s12], [sflag:$0x3], $0x80, s30, s9, $0xb8;
	[tilespmem:$0x1D000] =	vst v63  }
0x326: {  	_ =	swait.ge [sflag:s6], $0x3E80  }
0x327: {  	[sflag:s6] =	ssyncset.done $0x0  }
0x328: {  	s4 =	simm.s32 $0x480;
	[sflag:s6] =	ssyncadd.s32 $0xFFFFC180  }
0x329: {  	[tilespmem:s12], [sflag:$0x2] =	stream.indirect.gather [hbm4b:s2+s9], $0x80, s4, s9, $0xb8;
	[tilespmem:$0x1D000] =	vst v63  }
0x32a: {  	_ =	swait.ge [sflag:s13], $0x3E80  }
0x32b: {  	[sflag:s13] =	ssyncset.done $0x0  }
0x32c: {  	s31 =	simm.s32 $0xC00;
	[sflag:s13] =	ssyncadd.s32 $0xFFFFC180  }
0x32d: {  	[spmem:s3] =	stream.indirect.scatter.add.f32 [tilespmem:s10], [sflag:$0x3], $0x80, s31, s9, $0xb8;
	[tilespmem:$0x1D000] =	vst v63  }
0x32e: {  	_ =	swait.ge [sflag:s6], $0x3E80  }
0x32f: {  	[sflag:s6] =	ssyncset.done $0x0  }
0x330: {  	s4 =	simm.s32 $0x500;
	[sflag:s6] =	ssyncadd.s32 $0xFFFFC180  }
0x331: {  	[tilespmem:s10], [sflag:$0x1] =	stream.indirect.gather [hbm4b:s2+s9], $0x80, s4, s9, $0xb8;
	[tilespmem:$0x1D000] =	vst v63  }
0x332: {  	_ =	swait.ge [sflag:s15], $0x3E80  }
0x333: {  	[sflag:s15] =	ssyncset.done $0x0  }
0x334: {  	s5 =	simm.s32 $0xC80;
	[sflag:s15] =	ssyncadd.s32 $0xFFFFC180  }
0x335: {  	[spmem:s3] =	stream.indirect.scatter.add.f32 [tilespmem:s12], [sflag:$0x3], $0x80, s5, s9, $0xb8;
	[tilespmem:$0x1D000] =	vst v63  }
0x336: {  	_ =	swait.ge [sflag:s6], $0x3E80  }
0x337: {  	[sflag:s6] =	ssyncset.done $0x0  }
0x338: {  	s8 =	simm.s32 $0x580;
	[sflag:s6] =	ssyncadd.s32 $0xFFFFC180  }
0x339: {  	[tilespmem:s12], [sflag:$0x2] =	stream.indirect.gather [hbm4b:s2+s9], $0x80, s8, s9, $0xb8;
	[tilespmem:$0x1D000] =	vst v63  }
0x33a: {  	_ =	swait.ge [sflag:s13], $0x3E80  }
0x33b: {  	[sflag:s13] =	ssyncset.done $0x0  }
0x33c: {  	s17 =	simm.s32 $0xD00;
	[sflag:s13] =	ssyncadd.s32 $0xFFFFC180  }
0x33d: {  	[spmem:s3] =	stream.indirect.scatter.add.f32 [tilespmem:s10], [sflag:$0x3], $0x80, s17, s9, $0xb8;
	[tilespmem:$0x1D000] =	vst v63  }
0x33e: {  	_ =	swait.ge [sflag:s6], $0x3E80  }
0x33f: {  	[sflag:s6] =	ssyncset.done $0x0  }
0x340: {  	s18 =	simm.s32 $0x600;
	[sflag:s6] =	ssyncadd.s32 $0xFFFFC180  }
0x341: {  	[tilespmem:s10], [sflag:$0x1] =	stream.indirect.gather [hbm4b:s2+s9], $0x80, s18, s9, $0xb8;
	[tilespmem:$0x1D000] =	vst v63  }
0x342: {  	_ =	swait.ge [sflag:s15], $0x3E80  }
0x343: {  	[sflag:s15] =	ssyncset.done $0x0  }
0x344: {  	s19 =	simm.s32 $0xD80;
	[sflag:s15] =	ssyncadd.s32 $0xFFFFC180  }
0x345: {  	[spmem:s3] =	stream.indirect.scatter.add.f32 [tilespmem:s12], [sflag:$0x3], $0x80, s19, s9, $0xb8;
	[tilespmem:$0x1D000] =	vst v63  }
0x346: {  	_ =	swait.ge [sflag:s6], $0x3E80  }
0x347: {  	[sflag:s6] =	ssyncset.done $0x0  }
0x348: {  	s20 =	simm.s32 $0x680;
	[sflag:s6] =	ssyncadd.s32 $0xFFFFC180  }
0x349: {  	[tilespmem:s12], [sflag:$0x2] =	stream.indirect.gather [hbm4b:s2+s9], $0x80, s20, s9, $0xb8;
	[tilespmem:$0x1D000] =	vst v63  }
0x34a: {  	_ =	swait.ge [sflag:s13], $0x3E80  }
0x34b: {  	[sflag:s13] =	ssyncset.done $0x0  }
0x34c: {  	s22 =	simm.s32 $0xE00;
	[sflag:s13] =	ssyncadd.s32 $0xFFFFC180  }
0x34d: {  	[spmem:s3] =	stream.indirect.scatter.add.f32 [tilespmem:s10], [sflag:$0x3], $0x80, s22, s9, $0xb8;
	[tilespmem:$0x1D000] =	vst v63  }
0x34e: {  	_ =	swait.ge [sflag:s6], $0x3E80  }
0x34f: {  	[sflag:s6] =	ssyncset.done $0x0  }
0x350: {  	s26 =	simm.s32 $0x700;
	[sflag:s6] =	ssyncadd.s32 $0xFFFFC180  }
0x351: {  	[tilespmem:s10], [sflag:$0x1] =	stream.indirect.gather [hbm4b:s2+s9], $0x80, s26, s9, $0xb8;
	[tilespmem:$0x1D000] =	vst v63  }
0x352: {  	_ =	swait.ge [sflag:s15], $0x3E80  }
0x353: {  	[sflag:s15] =	ssyncset.done $0x0  }
0x354: {  	s28 =	simm.s32 $0xE80;
	[sflag:s15] =	ssyncadd.s32 $0xFFFFC180  }
0x355: {  	[spmem:s3] =	stream.indirect.scatter.add.f32 [tilespmem:s12], [sflag:$0x3], $0x80, s28, s9, $0xb8;
	[tilespmem:$0x1D000] =	vst v63  }
0x356: {  	_ =	swait.ge [sflag:s6], $0x3E80  }
0x357: {  	[sflag:s6] =	ssyncset.done $0x0  }
0x358: {  	s29 =	simm.s32 $0x780;
	[sflag:s6] =	ssyncadd.s32 $0xFFFFC180  }
0x359: {  	[tilespmem:s12], [sflag:$0x2] =	stream.indirect.gather [hbm4b:s2+s9], $0x80, s29, s9, $0xb8;
	[tilespmem:$0x1D000] =	vst v63  }
0x35a: {  	_ =	swait.ge [sflag:s13], $0x3E80  }
0x35b: {  	[sflag:s13] =	ssyncset.done $0x0  }
0x35c: {  	s30 =	simm.s32 $0xF00;
	[sflag:s13] =	ssyncadd.s32 $0xFFFFC180  }
0x35d: {  	[spmem:s3] =	stream.indirect.scatter.add.f32 [tilespmem:s10], [sflag:$0x3], $0x80, s30, s9, $0xb8;
	[tilespmem:$0x1D000] =	vst v63  }
0x35e: {  	_ =	swait.ge [sflag:s6], $0x3E80  }
0x35f: {  	[sflag:s6] =	ssyncset.done $0x0  }
0x360: {  	[sflag:s6] =	ssyncadd.s32 $0xFFFFC180  }
0x361: {  	_ =	swait.ge [sflag:s15], $0x3E80  }
0x362: {  	[sflag:s15] =	ssyncset.done $0x0  }
0x363: {  	s31 =	simm.s32 $0xF80;
	[sflag:s15] =	ssyncadd.s32 $0xFFFFC180  }
0x364: {  	[spmem:s3] =	stream.indirect.scatter.add.f32 [tilespmem:s12], [sflag:$0x3], $0x80, s31, s9, $0xb8;
	[tilespmem:$0x1D000] =	vst v63  }
0x365: {  	_ =	swait.ge [sflag:s6], $0x3E80  }
0x366: {  	[sflag:s6] =	ssyncset.done $0x0  }
0x367: {  	s4 =	rddreg [dreg:$0x7];
	[sflag:s6] =	ssyncadd.s32 $0xFFFFC180  }
0x368: {  	[tilespmem:s16], [sflag:$0x3] =	stream.linear.gather [hbm4b:s4+s16], $0x800, $0x38;
	[tilespmem:$0x1D000] =	vst v63  }
0x369: {  	_ =	swait.ge [sflag:s6], $0x800  }
0x36a: {  	[sflag:s6] =	ssyncset.done $0x0  }
0x36b: {  	s22 =	rddreg [dreg:$0x8];
	[sflag:s6] =	ssyncadd.s32 $0xFFFFF800  }
0x36c: {  	[tilespmem:s0], [sflag:$0x3] =	stream.linear.gather [hbm4b:s22+s16], $0x800, $0x38;
	[tilespmem:$0x1D000] =	vst v63  }
0x36d: {  	_ =	swait.ge [sflag:s6], $0x800  }
0x36e: {  	[sflag:s6] =	ssyncset.done $0x0  }
0x36f: {  	[sflag:s6] =	ssyncadd.s32 $0xFFFFF800  }
0x370: {  	[tilespmem:s10], [sflag:$0x1] =	stream.indirect.gather [hbm4b:s2+s9], $0x80, s16, s9, $0xb8;
	[tilespmem:$0x1D000] =	vst v63  }
0x371: {  	s7 =	simm.s32 $0x80  }
0x372: {  	[tilespmem:s12], [sflag:$0x2] =	stream.indirect.gather [hbm4b:s2+s9], $0x80, s7, s9, $0xb8;
	[tilespmem:$0x1D000] =	vst v63  }
0x373: {  	_ =	swait.ge [sflag:s13], $0x3E80  }
0x374: {  	[sflag:s13] =	ssyncset.done $0x0  }
0x375: {  	[sflag:s13] =	ssyncadd.s32 $0xFFFFC180  }
0x376: {  	[spmem:s3] =	stream.indirect.scatter.add.f32 [tilespmem:s10], [sflag:$0x3], $0x80, s0, s9, $0xb8;
	[tilespmem:$0x1D000] =	vst v63  }
0x377: {  	_ =	swait.ge [sflag:s6], $0x3E80  }
0x378: {  	[sflag:s6] =	ssyncset.done $0x0  }
0x379: {  	s11 =	simm.s32 $0x100;
	[sflag:s6] =	ssyncadd.s32 $0xFFFFC180  }
0x37a: {  	[tilespmem:s10], [sflag:$0x1] =	stream.indirect.gather [hbm4b:s2+s9], $0x80, s11, s9, $0xb8;
	[tilespmem:$0x1D000] =	vst v63  }
0x37b: {  	_ =	swait.ge [sflag:s15], $0x3E80  }
0x37c: {  	[sflag:s15] =	ssyncset.done $0x0  }
0x37d: {  	s14 =	simm.s32 $0x880;
	[sflag:s15] =	ssyncadd.s32 $0xFFFFC180  }
0x37e: {  	[spmem:s3] =	stream.indirect.scatter.add.f32 [tilespmem:s12], [sflag:$0x3], $0x80, s14, s9, $0xb8;
	[tilespmem:$0x1D000] =	vst v63  }
0x37f: {  	_ =	swait.ge [sflag:s6], $0x3E80  }
0x380: {  	[sflag:s6] =	ssyncset.done $0x0  }
0x381: {  	s21 =	simm.s32 $0x180;
	[sflag:s6] =	ssyncadd.s32 $0xFFFFC180  }
0x382: {  	[tilespmem:s12], [sflag:$0x2] =	stream.indirect.gather [hbm4b:s2+s9], $0x80, s21, s9, $0xb8;
	[tilespmem:$0x1D000] =	vst v63  }
0x383: {  	_ =	swait.ge [sflag:s13], $0x3E80  }
0x384: {  	[sflag:s13] =	ssyncset.done $0x0  }
0x385: {  	s4 =	simm.s32 $0x900;
	[sflag:s13] =	ssyncadd.s32 $0xFFFFC180  }
0x386: {  	[spmem:s3] =	stream.indirect.scatter.add.f32 [tilespmem:s10], [sflag:$0x3], $0x80, s4, s9, $0xb8;
	[tilespmem:$0x1D000] =	vst v63  }
0x387: {  	_ =	swait.ge [sflag:s6], $0x3E80  }
0x388: {  	[sflag:s6] =	ssyncset.done $0x0  }
0x389: {  	s1 =	simm.s32 $0x200;
	[sflag:s6] =	ssyncadd.s32 $0xFFFFC180  }
0x38a: {  	[tilespmem:s10], [sflag:$0x1] =	stream.indirect.gather [hbm4b:s2+s9], $0x80, s1, s9, $0xb8;
	[tilespmem:$0x1D000] =	vst v63  }
0x38b: {  	_ =	swait.ge [sflag:s15], $0x3E80  }
0x38c: {  	[sflag:s15] =	ssyncset.done $0x0  }
0x38d: {  	s21 =	simm.s32 $0x980;
	[sflag:s15] =	ssyncadd.s32 $0xFFFFC180  }
0x38e: {  	[spmem:s3] =	stream.indirect.scatter.add.f32 [tilespmem:s12], [sflag:$0x3], $0x80, s21, s9, $0xb8;
	[tilespmem:$0x1D000] =	vst v63  }
0x38f: {  	_ =	swait.ge [sflag:s6], $0x3E80  }
0x390: {  	[sflag:s6] =	ssyncset.done $0x0  }
0x391: {  	s22 =	simm.s32 $0x280;
	[sflag:s6] =	ssyncadd.s32 $0xFFFFC180  }
0x392: {  	[tilespmem:s12], [sflag:$0x2] =	stream.indirect.gather [hbm4b:s2+s9], $0x80, s22, s9, $0xb8;
	[tilespmem:$0x1D000] =	vst v63  }
0x393: {  	_ =	swait.ge [sflag:s13], $0x3E80  }
0x394: {  	[sflag:s13] =	ssyncset.done $0x0  }
0x395: {  	s25 =	simm.s32 $0xA00;
	[sflag:s13] =	ssyncadd.s32 $0xFFFFC180  }
0x396: {  	[spmem:s3] =	stream.indirect.scatter.add.f32 [tilespmem:s10], [sflag:$0x3], $0x80, s25, s9, $0xb8;
	[tilespmem:$0x1D000] =	vst v63  }
0x397: {  	_ =	swait.ge [sflag:s6], $0x3E80  }
0x398: {  	[sflag:s6] =	ssyncset.done $0x0  }
0x399: {  	s1 =	simm.s32 $0x300;
	[sflag:s6] =	ssyncadd.s32 $0xFFFFC180  }
0x39a: {  	[tilespmem:s10], [sflag:$0x1] =	stream.indirect.gather [hbm4b:s2+s9], $0x80, s1, s9, $0xb8;
	[tilespmem:$0x1D000] =	vst v63  }
0x39b: {  	_ =	swait.ge [sflag:s15], $0x3E80  }
0x39c: {  	[sflag:s15] =	ssyncset.done $0x0  }
0x39d: {  	s26 =	simm.s32 $0xA80;
	[sflag:s15] =	ssyncadd.s32 $0xFFFFC180  }
0x39e: {  	[spmem:s3] =	stream.indirect.scatter.add.f32 [tilespmem:s12], [sflag:$0x3], $0x80, s26, s9, $0xb8;
	[tilespmem:$0x1D000] =	vst v63  }
0x39f: {  	_ =	swait.ge [sflag:s6], $0x3E80  }
0x3a0: {  	[sflag:s6] =	ssyncset.done $0x0  }
0x3a1: {  	s28 =	simm.s32 $0x380;
	[sflag:s6] =	ssyncadd.s32 $0xFFFFC180  }
0x3a2: {  	[tilespmem:s12], [sflag:$0x2] =	stream.indirect.gather [hbm4b:s2+s9], $0x80, s28, s9, $0xb8;
	[tilespmem:$0x1D000] =	vst v63  }
0x3a3: {  	_ =	swait.ge [sflag:s13], $0x3E80  }
0x3a4: {  	[sflag:s13] =	ssyncset.done $0x0  }
0x3a5: {  	s29 =	simm.s32 $0xB00;
	[sflag:s13] =	ssyncadd.s32 $0xFFFFC180  }
0x3a6: {  	[spmem:s3] =	stream.indirect.scatter.add.f32 [tilespmem:s10], [sflag:$0x3], $0x80, s29, s9, $0xb8;
	[tilespmem:$0x1D000] =	vst v63  }
0x3a7: {  	_ =	swait.ge [sflag:s6], $0x3E80  }
0x3a8: {  	[sflag:s6] =	ssyncset.done $0x0  }
0x3a9: {  	s30 =	simm.s32 $0x400;
	[sflag:s6] =	ssyncadd.s32 $0xFFFFC180  }
0x3aa: {  	[tilespmem:s10], [sflag:$0x1] =	stream.indirect.gather [hbm4b:s2+s9], $0x80, s30, s9, $0xb8;
	[tilespmem:$0x1D000] =	vst v63  }
0x3ab: {  	_ =	swait.ge [sflag:s15], $0x3E80  }
0x3ac: {  	[sflag:s15] =	ssyncset.done $0x0  }
0x3ad: {  	s31 =	simm.s32 $0xB80;
	[sflag:s15] =	ssyncadd.s32 $0xFFFFC180  }
0x3ae: {  	[spmem:s3] =	stream.indirect.scatter.add.f32 [tilespmem:s12], [sflag:$0x3], $0x80, s31, s9, $0xb8;
	[tilespmem:$0x1D000] =	vst v63  }
0x3af: {  	_ =	swait.ge [sflag:s6], $0x3E80  }
0x3b0: {  	[sflag:s6] =	ssyncset.done $0x0  }
0x3b1: {  	s7 =	simm.s32 $0x480;
	[sflag:s6] =	ssyncadd.s32 $0xFFFFC180  }
0x3b2: {  	[tilespmem:s12], [sflag:$0x2] =	stream.indirect.gather [hbm4b:s2+s9], $0x80, s7, s9, $0xb8;
	[tilespmem:$0x1D000] =	vst v63  }
0x3b3: {  	_ =	swait.ge [sflag:s13], $0x3E80  }
0x3b4: {  	[sflag:s13] =	ssyncset.done $0x0  }
0x3b5: {  	s11 =	simm.s32 $0xC00;
	[sflag:s13] =	ssyncadd.s32 $0xFFFFC180  }
0x3b6: {  	[spmem:s3] =	stream.indirect.scatter.add.f32 [tilespmem:s10], [sflag:$0x3], $0x80, s11, s9, $0xb8;
	[tilespmem:$0x1D000] =	vst v63  }
0x3b7: {  	_ =	swait.ge [sflag:s6], $0x3E80  }
0x3b8: {  	[sflag:s6] =	ssyncset.done $0x0  }
0x3b9: {  	s25 =	simm.s32 $0x500;
	[sflag:s6] =	ssyncadd.s32 $0xFFFFC180  }
0x3ba: {  	[tilespmem:s10], [sflag:$0x1] =	stream.indirect.gather [hbm4b:s2+s9], $0x80, s25, s9, $0xb8;
	[tilespmem:$0x1D000] =	vst v63  }
0x3bb: {  	_ =	swait.ge [sflag:s15], $0x3E80  }
0x3bc: {  	[sflag:s15] =	ssyncset.done $0x0  }
0x3bd: {  	s14 =	simm.s32 $0xC80;
	[sflag:s15] =	ssyncadd.s32 $0xFFFFC180  }
0x3be: {  	[spmem:s3] =	stream.indirect.scatter.add.f32 [tilespmem:s12], [sflag:$0x3], $0x80, s14, s9, $0xb8;
	[tilespmem:$0x1D000] =	vst v63  }
0x3bf: {  	_ =	swait.ge [sflag:s6], $0x3E80  }
0x3c0: {  	[sflag:s6] =	ssyncset.done $0x0  }
0x3c1: {  	s24 =	simm.s32 $0x580;
	[sflag:s6] =	ssyncadd.s32 $0xFFFFC180  }
0x3c2: {  	[tilespmem:s12], [sflag:$0x2] =	stream.indirect.gather [hbm4b:s2+s9], $0x80, s24, s9, $0xb8;
	[tilespmem:$0x1D000] =	vst v63  }
0x3c3: {  	_ =	swait.ge [sflag:s13], $0x3E80  }
0x3c4: {  	[sflag:s13] =	ssyncset.done $0x0  }
0x3c5: {  	s5 =	simm.s32 $0xD00;
	[sflag:s13] =	ssyncadd.s32 $0xFFFFC180  }
0x3c6: {  	[spmem:s3] =	stream.indirect.scatter.add.f32 [tilespmem:s10], [sflag:$0x3], $0x80, s5, s9, $0xb8;
	[tilespmem:$0x1D000] =	vst v63  }
0x3c7: {  	_ =	swait.ge [sflag:s6], $0x3E80  }
0x3c8: {  	[sflag:s6] =	ssyncset.done $0x0  }
0x3c9: {  	s24 =	simm.s32 $0x600;
	[sflag:s6] =	ssyncadd.s32 $0xFFFFC180  }
0x3ca: {  	[tilespmem:s10], [sflag:$0x1] =	stream.indirect.gather [hbm4b:s2+s9], $0x80, s24, s9, $0xb8;
	[tilespmem:$0x1D000] =	vst v63  }
0x3cb: {  	_ =	swait.ge [sflag:s15], $0x3E80  }
0x3cc: {  	[sflag:s15] =	ssyncset.done $0x0  }
0x3cd: {  	s8 =	simm.s32 $0xD80;
	[sflag:s15] =	ssyncadd.s32 $0xFFFFC180  }
0x3ce: {  	[spmem:s3] =	stream.indirect.scatter.add.f32 [tilespmem:s12], [sflag:$0x3], $0x80, s8, s9, $0xb8;
	[tilespmem:$0x1D000] =	vst v63  }
0x3cf: {  	_ =	swait.ge [sflag:s6], $0x3E80  }
0x3d0: {  	[sflag:s6] =	ssyncset.done $0x0  }
0x3d1: {  	s24 =	simm.s32 $0x680;
	[sflag:s6] =	ssyncadd.s32 $0xFFFFC180  }
0x3d2: {  	[tilespmem:s12], [sflag:$0x2] =	stream.indirect.gather [hbm4b:s2+s9], $0x80, s24, s9, $0xb8;
	[tilespmem:$0x1D000] =	vst v63  }
0x3d3: {  	_ =	swait.ge [sflag:s13], $0x3E80  }
0x3d4: {  	[sflag:s13] =	ssyncset.done $0x0  }
0x3d5: {  	s24 =	simm.s32 $0xE00;
	[sflag:s13] =	ssyncadd.s32 $0xFFFFC180  }
0x3d6: {  	[spmem:s3] =	stream.indirect.scatter.add.f32 [tilespmem:s10], [sflag:$0x3], $0x80, s24, s9, $0xb8;
	[tilespmem:$0x1D000] =	vst v63  }
0x3d7: {  	_ =	swait.ge [sflag:s6], $0x3E80  }
0x3d8: {  	[sflag:s6] =	ssyncset.done $0x0  }
0x3d9: {  	s24 =	simm.s32 $0x700;
	[sflag:s6] =	ssyncadd.s32 $0xFFFFC180  }
0x3da: {  	[tilespmem:s10], [sflag:$0x1] =	stream.indirect.gather [hbm4b:s2+s9], $0x80, s24, s9, $0xb8;
	[tilespmem:$0x1D000] =	vst v63  }
0x3db: {  	_ =	swait.ge [sflag:s15], $0x3E80  }
0x3dc: {  	[sflag:s15] =	ssyncset.done $0x0  }
0x3dd: {  	s17 =	simm.s32 $0xE80;
	[sflag:s15] =	ssyncadd.s32 $0xFFFFC180  }
0x3de: {  	[spmem:s3] =	stream.indirect.scatter.add.f32 [tilespmem:s12], [sflag:$0x3], $0x80, s17, s9, $0xb8;
	[tilespmem:$0x1D000] =	vst v63  }
0x3df: {  	_ =	swait.ge [sflag:s6], $0x3E80  }
0x3e0: {  	[sflag:s6] =	ssyncset.done $0x0  }
0x3e1: {  	s18 =	simm.s32 $0x780;
	[sflag:s6] =	ssyncadd.s32 $0xFFFFC180  }
0x3e2: {  	[tilespmem:s12], [sflag:$0x2] =	stream.indirect.gather [hbm4b:s2+s9], $0x80, s18, s9, $0xb8;
	[tilespmem:$0x1D000] =	vst v63  }
0x3e3: {  	_ =	swait.ge [sflag:s13], $0x3E80  }
0x3e4: {  	[sflag:s13] =	ssyncset.done $0x0  }
0x3e5: {  	s19 =	simm.s32 $0xF00;
	[sflag:s13] =	ssyncadd.s32 $0xFFFFC180  }
0x3e6: {  	[spmem:s3] =	stream.indirect.scatter.add.f32 [tilespmem:s10], [sflag:$0x3], $0x80, s19, s9, $0xb8;
	[tilespmem:$0x1D000] =	vst v63  }
0x3e7: {  	_ =	swait.ge [sflag:s6], $0x3E80  }
0x3e8: {  	[sflag:s6] =	ssyncset.done $0x0  }
0x3e9: {  	[sflag:s6] =	ssyncadd.s32 $0xFFFFC180  }
0x3ea: {  	_ =	swait.ge [sflag:s15], $0x3E80  }
0x3eb: {  	[sflag:s15] =	ssyncset.done $0x0  }
0x3ec: {  	s20 =	simm.s32 $0xF80;
	[sflag:s15] =	ssyncadd.s32 $0xFFFFC180  }
0x3ed: {  	[spmem:s3] =	stream.indirect.scatter.add.f32 [tilespmem:s12], [sflag:$0x3], $0x80, s20, s9, $0xb8;
	[tilespmem:$0x1D000] =	vst v63  }
0x3ee: {  	_ =	swait.ge [sflag:s6], $0x3E80  }
0x3ef: {  	[sflag:s6] =	ssyncset.done $0x0  }
0x3f0: {  	s24 =	rddreg [dreg:$0x9];
	[sflag:s6] =	ssyncadd.s32 $0xFFFFC180  }
0x3f1: {  	[tilespmem:s16], [sflag:$0x3] =	stream.linear.gather [hbm4b:s24+s16], $0x800, $0x38;
	[tilespmem:$0x1D000] =	vst v63  }
0x3f2: {  	_ =	swait.ge [sflag:s6], $0x800  }
0x3f3: {  	[sflag:s6] =	ssyncset.done $0x0  }
0x3f4: {  	s24 =	rddreg [dreg:$0xa];
	[sflag:s6] =	ssyncadd.s32 $0xFFFFF800  }
0x3f5: {  	[tilespmem:s0], [sflag:$0x3] =	stream.linear.gather [hbm4b:s24+s16], $0x800, $0x38;
	[tilespmem:$0x1D000] =	vst v63  }
0x3f6: {  	_ =	swait.ge [sflag:s6], $0x800  }
0x3f7: {  	[sflag:s6] =	ssyncset.done $0x0  }
0x3f8: {  	[sflag:s6] =	ssyncadd.s32 $0xFFFFF800  }
0x3f9: {  	[tilespmem:s10], [sflag:$0x1] =	stream.indirect.gather [hbm4b:s2+s9], $0x80, s16, s9, $0xb8;
	[tilespmem:$0x1D000] =	vst v63  }
0x3fa: {  	s24 =	simm.s32 $0x80  }
0x3fb: {  	[tilespmem:s12], [sflag:$0x2] =	stream.indirect.gather [hbm4b:s2+s9], $0x80, s24, s9, $0xb8;
	[tilespmem:$0x1D000] =	vst v63  }
0x3fc: {  	_ =	swait.ge [sflag:s13], $0x3E80  }
0x3fd: {  	[sflag:s13] =	ssyncset.done $0x0  }
0x3fe: {  	[sflag:s13] =	ssyncadd.s32 $0xFFFFC180  }
0x3ff: {  	[spmem:s3] =	stream.indirect.scatter.add.f32 [tilespmem:s10], [sflag:$0x3], $0x80, s0, s9, $0xb8;
	[tilespmem:$0x1D000] =	vst v63  }
0x400: {  	_ =	swait.ge [sflag:s6], $0x3E80  }
0x401: {  	[sflag:s6] =	ssyncset.done $0x0  }
0x402: {  	s24 =	simm.s32 $0x100;
	[sflag:s6] =	ssyncadd.s32 $0xFFFFC180  }
0x403: {  	[tilespmem:s10], [sflag:$0x1] =	stream.indirect.gather [hbm4b:s2+s9], $0x80, s24, s9, $0xb8;
	[tilespmem:$0x1D000] =	vst v63  }
0x404: {  	_ =	swait.ge [sflag:s15], $0x3E80  }
0x405: {  	[sflag:s15] =	ssyncset.done $0x0  }
0x406: {  	s24 =	simm.s32 $0x880;
	[sflag:s15] =	ssyncadd.s32 $0xFFFFC180  }
0x407: {  	[spmem:s3] =	stream.indirect.scatter.add.f32 [tilespmem:s12], [sflag:$0x3], $0x80, s24, s9, $0xb8;
	[tilespmem:$0x1D000] =	vst v63  }
0x408: {  	_ =	swait.ge [sflag:s6], $0x3E80  }
0x409: {  	[sflag:s6] =	ssyncset.done $0x0  }
0x40a: {  	s24 =	simm.s32 $0x180;
	[sflag:s6] =	ssyncadd.s32 $0xFFFFC180  }
0x40b: {  	[tilespmem:s12], [sflag:$0x2] =	stream.indirect.gather [hbm4b:s2+s9], $0x80, s24, s9, $0xb8;
	[tilespmem:$0x1D000] =	vst v63  }
0x40c: {  	_ =	swait.ge [sflag:s13], $0x3E80  }
0x40d: {  	[sflag:s13] =	ssyncset.done $0x0  }
0x40e: {  	[sflag:s13] =	ssyncadd.s32 $0xFFFFC180  }
0x40f: {  	[spmem:s3] =	stream.indirect.scatter.add.f32 [tilespmem:s10], [sflag:$0x3], $0x80, s4, s9, $0xb8;
	[tilespmem:$0x1D000] =	vst v63  }
0x410: {  	_ =	swait.ge [sflag:s6], $0x3E80  }
0x411: {  	[sflag:s6] =	ssyncset.done $0x0  }
0x412: {  	s24 =	simm.s32 $0x200;
	[sflag:s6] =	ssyncadd.s32 $0xFFFFC180  }
0x413: {  	[tilespmem:s10], [sflag:$0x1] =	stream.indirect.gather [hbm4b:s2+s9], $0x80, s24, s9, $0xb8;
	[tilespmem:$0x1D000] =	vst v63  }
0x414: {  	_ =	swait.ge [sflag:s15], $0x3E80  }
0x415: {  	[sflag:s15] =	ssyncset.done $0x0  }
0x416: {  	[sflag:s15] =	ssyncadd.s32 $0xFFFFC180  }
0x417: {  	[spmem:s3] =	stream.indirect.scatter.add.f32 [tilespmem:s12], [sflag:$0x3], $0x80, s21, s9, $0xb8;
	[tilespmem:$0x1D000] =	vst v63  }
0x418: {  	_ =	swait.ge [sflag:s6], $0x3E80  }
0x419: {  	[sflag:s6] =	ssyncset.done $0x0  }
0x41a: {  	[sflag:s6] =	ssyncadd.s32 $0xFFFFC180  }
0x41b: {  	[tilespmem:s12], [sflag:$0x2] =	stream.indirect.gather [hbm4b:s2+s9], $0x80, s22, s9, $0xb8;
	[tilespmem:$0x1D000] =	vst v63  }
0x41c: {  	_ =	swait.ge [sflag:s13], $0x3E80  }
0x41d: {  	[sflag:s13] =	ssyncset.done $0x0  }
0x41e: {  	s24 =	simm.s32 $0xA00;
	[sflag:s13] =	ssyncadd.s32 $0xFFFFC180  }
0x41f: {  	[spmem:s3] =	stream.indirect.scatter.add.f32 [tilespmem:s10], [sflag:$0x3], $0x80, s24, s9, $0xb8;
	[tilespmem:$0x1D000] =	vst v63  }
0x420: {  	_ =	swait.ge [sflag:s6], $0x3E80  }
0x421: {  	[sflag:s6] =	ssyncset.done $0x0  }
0x422: {  	[sflag:s6] =	ssyncadd.s32 $0xFFFFC180  }
0x423: {  	[tilespmem:s10], [sflag:$0x1] =	stream.indirect.gather [hbm4b:s2+s9], $0x80, s1, s9, $0xb8;
	[tilespmem:$0x1D000] =	vst v63  }
0x424: {  	_ =	swait.ge [sflag:s15], $0x3E80  }
0x425: {  	[sflag:s15] =	ssyncset.done $0x0  }
0x426: {  	[sflag:s15] =	ssyncadd.s32 $0xFFFFC180  }
0x427: {  	[spmem:s3] =	stream.indirect.scatter.add.f32 [tilespmem:s12], [sflag:$0x3], $0x80, s26, s9, $0xb8;
	[tilespmem:$0x1D000] =	vst v63  }
0x428: {  	_ =	swait.ge [sflag:s6], $0x3E80  }
0x429: {  	[sflag:s6] =	ssyncset.done $0x0  }
0x42a: {  	[sflag:s6] =	ssyncadd.s32 $0xFFFFC180  }
0x42b: {  	[tilespmem:s12], [sflag:$0x2] =	stream.indirect.gather [hbm4b:s2+s9], $0x80, s28, s9, $0xb8;
	[tilespmem:$0x1D000] =	vst v63  }
0x42c: {  	_ =	swait.ge [sflag:s13], $0x3E80  }
0x42d: {  	[sflag:s13] =	ssyncset.done $0x0  }
0x42e: {  	[sflag:s13] =	ssyncadd.s32 $0xFFFFC180  }
0x42f: {  	[spmem:s3] =	stream.indirect.scatter.add.f32 [tilespmem:s10], [sflag:$0x3], $0x80, s29, s9, $0xb8;
	[tilespmem:$0x1D000] =	vst v63  }
0x430: {  	_ =	swait.ge [sflag:s6], $0x3E80  }
0x431: {  	[sflag:s6] =	ssyncset.done $0x0  }
0x432: {  	[sflag:s6] =	ssyncadd.s32 $0xFFFFC180  }
0x433: {  	[tilespmem:s10], [sflag:$0x1] =	stream.indirect.gather [hbm4b:s2+s9], $0x80, s30, s9, $0xb8;
	[tilespmem:$0x1D000] =	vst v63  }
0x434: {  	_ =	swait.ge [sflag:s15], $0x3E80  }
0x435: {  	[sflag:s15] =	ssyncset.done $0x0  }
0x436: {  	[sflag:s15] =	ssyncadd.s32 $0xFFFFC180  }
0x437: {  	[spmem:s3] =	stream.indirect.scatter.add.f32 [tilespmem:s12], [sflag:$0x3], $0x80, s31, s9, $0xb8;
	[tilespmem:$0x1D000] =	vst v63  }
0x438: {  	_ =	swait.ge [sflag:s6], $0x3E80  }
0x439: {  	[sflag:s6] =	ssyncset.done $0x0  }
0x43a: {  	[sflag:s6] =	ssyncadd.s32 $0xFFFFC180  }
0x43b: {  	[tilespmem:s12], [sflag:$0x2] =	stream.indirect.gather [hbm4b:s2+s9], $0x80, s7, s9, $0xb8;
	[tilespmem:$0x1D000] =	vst v63  }
0x43c: {  	_ =	swait.ge [sflag:s13], $0x3E80  }
0x43d: {  	[sflag:s13] =	ssyncset.done $0x0  }
0x43e: {  	[sflag:s13] =	ssyncadd.s32 $0xFFFFC180  }
0x43f: {  	[spmem:s3] =	stream.indirect.scatter.add.f32 [tilespmem:s10], [sflag:$0x3], $0x80, s11, s9, $0xb8;
	[tilespmem:$0x1D000] =	vst v63  }
0x440: {  	_ =	swait.ge [sflag:s6], $0x3E80  }
0x441: {  	[sflag:s6] =	ssyncset.done $0x0  }
0x442: {  	[sflag:s6] =	ssyncadd.s32 $0xFFFFC180  }
0x443: {  	[tilespmem:s10], [sflag:$0x1] =	stream.indirect.gather [hbm4b:s2+s9], $0x80, s25, s9, $0xb8;
	[tilespmem:$0x1D000] =	vst v63  }
0x444: {  	_ =	swait.ge [sflag:s15], $0x3E80  }
0x445: {  	[sflag:s15] =	ssyncset.done $0x0  }
0x446: {  	[sflag:s15] =	ssyncadd.s32 $0xFFFFC180  }
0x447: {  	[spmem:s3] =	stream.indirect.scatter.add.f32 [tilespmem:s12], [sflag:$0x3], $0x80, s14, s9, $0xb8;
	[tilespmem:$0x1D000] =	vst v63  }
0x448: {  	_ =	swait.ge [sflag:s6], $0x3E80  }
0x449: {  	[sflag:s6] =	ssyncset.done $0x0  }
0x44a: {  	s25 =	simm.s32 $0x580;
	[sflag:s6] =	ssyncadd.s32 $0xFFFFC180  }
0x44b: {  	[tilespmem:s12], [sflag:$0x2] =	stream.indirect.gather [hbm4b:s2+s9], $0x80, s25, s9, $0xb8;
	[tilespmem:$0x1D000] =	vst v63  }
0x44c: {  	_ =	swait.ge [sflag:s13], $0x3E80  }
0x44d: {  	[sflag:s13] =	ssyncset.done $0x0  }
0x44e: {  	s5 =	simm.s32 $0xD00;
	[sflag:s13] =	ssyncadd.s32 $0xFFFFC180  }
0x44f: {  	[spmem:s3] =	stream.indirect.scatter.add.f32 [tilespmem:s10], [sflag:$0x3], $0x80, s5, s9, $0xb8;
	[tilespmem:$0x1D000] =	vst v63  }
0x450: {  	_ =	swait.ge [sflag:s6], $0x3E80  }
0x451: {  	[sflag:s6] =	ssyncset.done $0x0  }
0x452: {  	s7 =	simm.s32 $0x600;
	[sflag:s6] =	ssyncadd.s32 $0xFFFFC180  }
0x453: {  	[tilespmem:s10], [sflag:$0x1] =	stream.indirect.gather [hbm4b:s2+s9], $0x80, s7, s9, $0xb8;
	[tilespmem:$0x1D000] =	vst v63  }
0x454: {  	_ =	swait.ge [sflag:s15], $0x3E80  }
0x455: {  	[sflag:s15] =	ssyncset.done $0x0  }
0x456: {  	s8 =	simm.s32 $0xD80;
	[sflag:s15] =	ssyncadd.s32 $0xFFFFC180  }
0x457: {  	[spmem:s3] =	stream.indirect.scatter.add.f32 [tilespmem:s12], [sflag:$0x3], $0x80, s8, s9, $0xb8;
	[tilespmem:$0x1D000] =	vst v63  }
0x458: {  	_ =	swait.ge [sflag:s6], $0x3E80  }
0x459: {  	[sflag:s6] =	ssyncset.done $0x0  }
0x45a: {  	s8 =	simm.s32 $0x680;
	[sflag:s6] =	ssyncadd.s32 $0xFFFFC180  }
0x45b: {  	[tilespmem:s12], [sflag:$0x2] =	stream.indirect.gather [hbm4b:s2+s9], $0x80, s8, s9, $0xb8;
	[tilespmem:$0x1D000] =	vst v63  }
0x45c: {  	_ =	swait.ge [sflag:s13], $0x3E80  }
0x45d: {  	[sflag:s13] =	ssyncset.done $0x0  }
0x45e: {  	s24 =	simm.s32 $0xE00;
	[sflag:s13] =	ssyncadd.s32 $0xFFFFC180  }
0x45f: {  	[spmem:s3] =	stream.indirect.scatter.add.f32 [tilespmem:s10], [sflag:$0x3], $0x80, s24, s9, $0xb8;
	[tilespmem:$0x1D000] =	vst v63  }
0x460: {  	_ =	swait.ge [sflag:s6], $0x3E80  }
0x461: {  	[sflag:s6] =	ssyncset.done $0x0  }
0x462: {  	s7 =	simm.s32 $0x700;
	[sflag:s6] =	ssyncadd.s32 $0xFFFFC180  }
0x463: {  	[tilespmem:s10], [sflag:$0x1] =	stream.indirect.gather [hbm4b:s2+s9], $0x80, s7, s9, $0xb8;
	[tilespmem:$0x1D000] =	vst v63  }
0x464: {  	_ =	swait.ge [sflag:s15], $0x3E80  }
0x465: {  	[sflag:s15] =	ssyncset.done $0x0  }
0x466: {  	s17 =	simm.s32 $0xE80;
	[sflag:s15] =	ssyncadd.s32 $0xFFFFC180  }
0x467: {  	[spmem:s3] =	stream.indirect.scatter.add.f32 [tilespmem:s12], [sflag:$0x3], $0x80, s17, s9, $0xb8;
	[tilespmem:$0x1D000] =	vst v63  }
0x468: {  	_ =	swait.ge [sflag:s6], $0x3E80  }
0x469: {  	[sflag:s6] =	ssyncset.done $0x0  }
0x46a: {  	s18 =	simm.s32 $0x780;
	[sflag:s6] =	ssyncadd.s32 $0xFFFFC180  }
0x46b: {  	[tilespmem:s12], [sflag:$0x2] =	stream.indirect.gather [hbm4b:s2+s9], $0x80, s18, s9, $0xb8;
	[tilespmem:$0x1D000] =	vst v63  }
0x46c: {  	_ =	swait.ge [sflag:s13], $0x3E80  }
0x46d: {  	[sflag:s13] =	ssyncset.done $0x0  }
0x46e: {  	s19 =	simm.s32 $0xF00;
	[sflag:s13] =	ssyncadd.s32 $0xFFFFC180  }
0x46f: {  	[spmem:s3] =	stream.indirect.scatter.add.f32 [tilespmem:s10], [sflag:$0x3], $0x80, s19, s9, $0xb8;
	[tilespmem:$0x1D000] =	vst v63  }
0x470: {  	_ =	swait.ge [sflag:s6], $0x3E80  }
0x471: {  	[sflag:s6] =	ssyncset.done $0x0  }
0x472: {  	[sflag:s6] =	ssyncadd.s32 $0xFFFFC180  }
0x473: {  	_ =	swait.ge [sflag:s15], $0x3E80  }
0x474: {  	[sflag:s15] =	ssyncset.done $0x0  }
0x475: {  	s20 =	simm.s32 $0xF80;
	[sflag:s15] =	ssyncadd.s32 $0xFFFFC180  }
0x476: {  	[spmem:s3] =	stream.indirect.scatter.add.f32 [tilespmem:s12], [sflag:$0x3], $0x80, s20, s9, $0xb8;
	[tilespmem:$0x1D000] =	vst v63  }
0x477: {  	_ =	swait.ge [sflag:s6], $0x3E80  }
0x478: {  	[sflag:s6] =	ssyncset.done $0x0  }
0x479: {  	s8 =	rddreg [dreg:$0xb];
	[sflag:s6] =	ssyncadd.s32 $0xFFFFC180  }
0x47a: {  	[tilespmem:s16], [sflag:$0x3] =	stream.linear.gather [hbm4b:s8+s16], $0x800, $0x38;
	[tilespmem:$0x1D000] =	vst v63  }
0x47b: {  	_ =	swait.ge [sflag:s6], $0x800  }
0x47c: {  	[sflag:s6] =	ssyncset.done $0x0  }
0x47d: {  	s17 =	rddreg [dreg:$0xc];
	[sflag:s6] =	ssyncadd.s32 $0xFFFFF800  }
0x47e: {  	[tilespmem:s0], [sflag:$0x3] =	stream.linear.gather [hbm4b:s17+s16], $0x800, $0x38;
	[tilespmem:$0x1D000] =	vst v63  }
0x47f: {  	_ =	swait.ge [sflag:s6], $0x800  }
0x480: {  	[sflag:s6] =	ssyncset.done $0x0  }
0x481: {  	[sflag:s6] =	ssyncadd.s32 $0xFFFFF800  }
0x482: {  	[tilespmem:s10], [sflag:$0x1] =	stream.indirect.gather [hbm4b:s2+s9], $0x80, s16, s9, $0xb8;
	[tilespmem:$0x1D000] =	vst v63  }
0x483: {  	s18 =	simm.s32 $0x80  }
0x484: {  	[tilespmem:s12], [sflag:$0x2] =	stream.indirect.gather [hbm4b:s2+s9], $0x80, s18, s9, $0xb8;
	[tilespmem:$0x1D000] =	vst v63  }
0x485: {  	_ =	swait.ge [sflag:s13], $0x3E80  }
0x486: {  	[sflag:s13] =	ssyncset.done $0x0  }
0x487: {  	[sflag:s13] =	ssyncadd.s32 $0xFFFFC180  }
0x488: {  	[spmem:s3] =	stream.indirect.scatter.add.f32 [tilespmem:s10], [sflag:$0x3], $0x80, s0, s9, $0xb8;
	[tilespmem:$0x1D000] =	vst v63  }
0x489: {  	_ =	swait.ge [sflag:s6], $0x3E80  }
0x48a: {  	[sflag:s6] =	ssyncset.done $0x0  }
0x48b: {  	s19 =	simm.s32 $0x100;
	[sflag:s6] =	ssyncadd.s32 $0xFFFFC180  }
0x48c: {  	[tilespmem:s10], [sflag:$0x1] =	stream.indirect.gather [hbm4b:s2+s9], $0x80, s19, s9, $0xb8;
	[tilespmem:$0x1D000] =	vst v63  }
0x48d: {  	_ =	swait.ge [sflag:s15], $0x3E80  }
0x48e: {  	[sflag:s15] =	ssyncset.done $0x0  }
0x48f: {  	s20 =	simm.s32 $0x880;
	[sflag:s15] =	ssyncadd.s32 $0xFFFFC180  }
0x490: {  	[spmem:s3] =	stream.indirect.scatter.add.f32 [tilespmem:s12], [sflag:$0x3], $0x80, s20, s9, $0xb8;
	[tilespmem:$0x1D000] =	vst v63  }
0x491: {  	_ =	swait.ge [sflag:s6], $0x3E80  }
0x492: {  	[sflag:s6] =	ssyncset.done $0x0  }
0x493: {  	s24 =	simm.s32 $0x180;
	[sflag:s6] =	ssyncadd.s32 $0xFFFFC180  }
0x494: {  	[tilespmem:s12], [sflag:$0x2] =	stream.indirect.gather [hbm4b:s2+s9], $0x80, s24, s9, $0xb8;
	[tilespmem:$0x1D000] =	vst v63  }
0x495: {  	_ =	swait.ge [sflag:s13], $0x3E80  }
0x496: {  	[sflag:s13] =	ssyncset.done $0x0  }
0x497: {  	s4 =	simm.s32 $0x900;
	[sflag:s13] =	ssyncadd.s32 $0xFFFFC180  }
0x498: {  	[spmem:s3] =	stream.indirect.scatter.add.f32 [tilespmem:s10], [sflag:$0x3], $0x80, s4, s9, $0xb8;
	[tilespmem:$0x1D000] =	vst v63  }
0x499: {  	_ =	swait.ge [sflag:s6], $0x3E80  }
0x49a: {  	[sflag:s6] =	ssyncset.done $0x0  }
0x49b: {  	s7 =	simm.s32 $0x200;
	[sflag:s6] =	ssyncadd.s32 $0xFFFFC180  }
0x49c: {  	[tilespmem:s10], [sflag:$0x1] =	stream.indirect.gather [hbm4b:s2+s9], $0x80, s7, s9, $0xb8;
	[tilespmem:$0x1D000] =	vst v63  }
0x49d: {  	_ =	swait.ge [sflag:s15], $0x3E80  }
0x49e: {  	[sflag:s15] =	ssyncset.done $0x0  }
0x49f: {  	s21 =	simm.s32 $0x980;
	[sflag:s15] =	ssyncadd.s32 $0xFFFFC180  }
0x4a0: {  	[spmem:s3] =	stream.indirect.scatter.add.f32 [tilespmem:s12], [sflag:$0x3], $0x80, s21, s9, $0xb8;
	[tilespmem:$0x1D000] =	vst v63  }
0x4a1: {  	_ =	swait.ge [sflag:s6], $0x3E80  }
0x4a2: {  	[sflag:s6] =	ssyncset.done $0x0  }
0x4a3: {  	s22 =	simm.s32 $0x280;
	[sflag:s6] =	ssyncadd.s32 $0xFFFFC180  }
0x4a4: {  	[tilespmem:s12], [sflag:$0x2] =	stream.indirect.gather [hbm4b:s2+s9], $0x80, s22, s9, $0xb8;
	[tilespmem:$0x1D000] =	vst v63  }
0x4a5: {  	_ =	swait.ge [sflag:s13], $0x3E80  }
0x4a6: {  	[sflag:s13] =	ssyncset.done $0x0  }
0x4a7: {  	s8 =	simm.s32 $0xA00;
	[sflag:s13] =	ssyncadd.s32 $0xFFFFC180  }
0x4a8: {  	[spmem:s3] =	stream.indirect.scatter.add.f32 [tilespmem:s10], [sflag:$0x3], $0x80, s8, s9, $0xb8;
	[tilespmem:$0x1D000] =	vst v63  }
0x4a9: {  	_ =	swait.ge [sflag:s6], $0x3E80  }
0x4aa: {  	[sflag:s6] =	ssyncset.done $0x0  }
0x4ab: {  	s18 =	simm.s32 $0x300;
	[sflag:s6] =	ssyncadd.s32 $0xFFFFC180  }
0x4ac: {  	[tilespmem:s10], [sflag:$0x1] =	stream.indirect.gather [hbm4b:s2+s9], $0x80, s18, s9, $0xb8;
	[tilespmem:$0x1D000] =	vst v63  }
0x4ad: {  	_ =	swait.ge [sflag:s15], $0x3E80  }
0x4ae: {  	[sflag:s15] =	ssyncset.done $0x0  }
0x4af: {  	s26 =	simm.s32 $0xA80;
	[sflag:s15] =	ssyncadd.s32 $0xFFFFC180  }
0x4b0: {  	[spmem:s3] =	stream.indirect.scatter.add.f32 [tilespmem:s12], [sflag:$0x3], $0x80, s26, s9, $0xb8;
	[tilespmem:$0x1D000] =	vst v63  }
0x4b1: {  	_ =	swait.ge [sflag:s6], $0x3E80  }
0x4b2: {  	[sflag:s6] =	ssyncset.done $0x0  }
0x4b3: {  	s28 =	simm.s32 $0x380;
	[sflag:s6] =	ssyncadd.s32 $0xFFFFC180  }
0x4b4: {  	[tilespmem:s12], [sflag:$0x2] =	stream.indirect.gather [hbm4b:s2+s9], $0x80, s28, s9, $0xb8;
	[tilespmem:$0x1D000] =	vst v63  }
0x4b5: {  	_ =	swait.ge [sflag:s13], $0x3E80  }
0x4b6: {  	[sflag:s13] =	ssyncset.done $0x0  }
0x4b7: {  	s29 =	simm.s32 $0xB00;
	[sflag:s13] =	ssyncadd.s32 $0xFFFFC180  }
0x4b8: {  	[spmem:s3] =	stream.indirect.scatter.add.f32 [tilespmem:s10], [sflag:$0x3], $0x80, s29, s9, $0xb8;
	[tilespmem:$0x1D000] =	vst v63  }
0x4b9: {  	_ =	swait.ge [sflag:s6], $0x3E80  }
0x4ba: {  	[sflag:s6] =	ssyncset.done $0x0  }
0x4bb: {  	s30 =	simm.s32 $0x400;
	[sflag:s6] =	ssyncadd.s32 $0xFFFFC180  }
0x4bc: {  	[tilespmem:s10], [sflag:$0x1] =	stream.indirect.gather [hbm4b:s2+s9], $0x80, s30, s9, $0xb8;
	[tilespmem:$0x1D000] =	vst v63  }
0x4bd: {  	_ =	swait.ge [sflag:s15], $0x3E80  }
0x4be: {  	[sflag:s15] =	ssyncset.done $0x0  }
0x4bf: {  	s31 =	simm.s32 $0xB80;
	[sflag:s15] =	ssyncadd.s32 $0xFFFFC180  }
0x4c0: {  	[spmem:s3] =	stream.indirect.scatter.add.f32 [tilespmem:s12], [sflag:$0x3], $0x80, s31, s9, $0xb8;
	[tilespmem:$0x1D000] =	vst v63  }
0x4c1: {  	_ =	swait.ge [sflag:s6], $0x3E80  }
0x4c2: {  	[sflag:s6] =	ssyncset.done $0x0  }
0x4c3: {  	s19 =	simm.s32 $0x480;
	[sflag:s6] =	ssyncadd.s32 $0xFFFFC180  }
0x4c4: {  	[tilespmem:s12], [sflag:$0x2] =	stream.indirect.gather [hbm4b:s2+s9], $0x80, s19, s9, $0xb8;
	[tilespmem:$0x1D000] =	vst v63  }
0x4c5: {  	_ =	swait.ge [sflag:s13], $0x3E80  }
0x4c6: {  	[sflag:s13] =	ssyncset.done $0x0  }
0x4c7: {  	s11 =	simm.s32 $0xC00;
	[sflag:s13] =	ssyncadd.s32 $0xFFFFC180  }
0x4c8: {  	[spmem:s3] =	stream.indirect.scatter.add.f32 [tilespmem:s10], [sflag:$0x3], $0x80, s11, s9, $0xb8;
	[tilespmem:$0x1D000] =	vst v63  }
0x4c9: {  	_ =	swait.ge [sflag:s6], $0x3E80  }
0x4ca: {  	[sflag:s6] =	ssyncset.done $0x0  }
0x4cb: {  	s1 =	simm.s32 $0x500;
	[sflag:s6] =	ssyncadd.s32 $0xFFFFC180  }
0x4cc: {  	[tilespmem:s10], [sflag:$0x1] =	stream.indirect.gather [hbm4b:s2+s9], $0x80, s1, s9, $0xb8;
	[tilespmem:$0x1D000] =	vst v63  }
0x4cd: {  	_ =	swait.ge [sflag:s15], $0x3E80  }
0x4ce: {  	[sflag:s15] =	ssyncset.done $0x0  }
0x4cf: {  	s14 =	simm.s32 $0xC80;
	[sflag:s15] =	ssyncadd.s32 $0xFFFFC180  }
0x4d0: {  	[spmem:s3] =	stream.indirect.scatter.add.f32 [tilespmem:s12], [sflag:$0x3], $0x80, s14, s9, $0xb8;
	[tilespmem:$0x1D000] =	vst v63  }
0x4d1: {  	_ =	swait.ge [sflag:s6], $0x3E80  }
0x4d2: {  	[sflag:s6] =	ssyncset.done $0x0  }
0x4d3: {  	s24 =	simm.s32 $0x580;
	[sflag:s6] =	ssyncadd.s32 $0xFFFFC180  }
0x4d4: {  	[tilespmem:s12], [sflag:$0x2] =	stream.indirect.gather [hbm4b:s2+s9], $0x80, s24, s9, $0xb8;
	[tilespmem:$0x1D000] =	vst v63  }
0x4d5: {  	_ =	swait.ge [sflag:s13], $0x3E80  }
0x4d6: {  	[sflag:s13] =	ssyncset.done $0x0  }
0x4d7: {  	s25 =	simm.s32 $0xD00;
	[sflag:s13] =	ssyncadd.s32 $0xFFFFC180  }
0x4d8: {  	[spmem:s3] =	stream.indirect.scatter.add.f32 [tilespmem:s10], [sflag:$0x3], $0x80, s25, s9, $0xb8;
	[tilespmem:$0x1D000] =	vst v63  }
0x4d9: {  	_ =	swait.ge [sflag:s6], $0x3E80  }
0x4da: {  	[sflag:s6] =	ssyncset.done $0x0  }
0x4db: {  	s25 =	simm.s32 $0x600;
	[sflag:s6] =	ssyncadd.s32 $0xFFFFC180  }
0x4dc: {  	[tilespmem:s10], [sflag:$0x1] =	stream.indirect.gather [hbm4b:s2+s9], $0x80, s25, s9, $0xb8;
	[tilespmem:$0x1D000] =	vst v63  }
0x4dd: {  	_ =	swait.ge [sflag:s15], $0x3E80  }
0x4de: {  	[sflag:s15] =	ssyncset.done $0x0  }
0x4df: {  	s18 =	simm.s32 $0xD80;
	[sflag:s15] =	ssyncadd.s32 $0xFFFFC180  }
0x4e0: {  	[spmem:s3] =	stream.indirect.scatter.add.f32 [tilespmem:s12], [sflag:$0x3], $0x80, s18, s9, $0xb8;
	[tilespmem:$0x1D000] =	vst v63  }
0x4e1: {  	_ =	swait.ge [sflag:s6], $0x3E80  }
0x4e2: {  	[sflag:s6] =	ssyncset.done $0x0  }
0x4e3: {  	s19 =	simm.s32 $0x680;
	[sflag:s6] =	ssyncadd.s32 $0xFFFFC180  }
0x4e4: {  	[tilespmem:s12], [sflag:$0x2] =	stream.indirect.gather [hbm4b:s2+s9], $0x80, s19, s9, $0xb8;
	[tilespmem:$0x1D000] =	vst v63  }
0x4e5: {  	_ =	swait.ge [sflag:s13], $0x3E80  }
0x4e6: {  	[sflag:s13] =	ssyncset.done $0x0  }
0x4e7: {  	s24 =	simm.s32 $0xE00;
	[sflag:s13] =	ssyncadd.s32 $0xFFFFC180  }
0x4e8: {  	[spmem:s3] =	stream.indirect.scatter.add.f32 [tilespmem:s10], [sflag:$0x3], $0x80, s24, s9, $0xb8;
	[tilespmem:$0x1D000] =	vst v63  }
0x4e9: {  	_ =	swait.ge [sflag:s6], $0x3E80  }
0x4ea: {  	[sflag:s6] =	ssyncset.done $0x0  }
0x4eb: {  	s24 =	simm.s32 $0x700;
	[sflag:s6] =	ssyncadd.s32 $0xFFFFC180  }
0x4ec: {  	[tilespmem:s10], [sflag:$0x1] =	stream.indirect.gather [hbm4b:s2+s9], $0x80, s24, s9, $0xb8;
	[tilespmem:$0x1D000] =	vst v63  }
0x4ed: {  	_ =	swait.ge [sflag:s15], $0x3E80  }
0x4ee: {  	[sflag:s15] =	ssyncset.done $0x0  }
0x4ef: {  	s24 =	simm.s32 $0xE80;
	[sflag:s15] =	ssyncadd.s32 $0xFFFFC180  }
0x4f0: {  	[spmem:s3] =	stream.indirect.scatter.add.f32 [tilespmem:s12], [sflag:$0x3], $0x80, s24, s9, $0xb8;
	[tilespmem:$0x1D000] =	vst v63  }
0x4f1: {  	_ =	swait.ge [sflag:s6], $0x3E80  }
0x4f2: {  	[sflag:s6] =	ssyncset.done $0x0  }
0x4f3: {  	s24 =	simm.s32 $0x780;
	[sflag:s6] =	ssyncadd.s32 $0xFFFFC180  }
0x4f4: {  	[tilespmem:s12], [sflag:$0x2] =	stream.indirect.gather [hbm4b:s2+s9], $0x80, s24, s9, $0xb8;
	[tilespmem:$0x1D000] =	vst v63  }
0x4f5: {  	_ =	swait.ge [sflag:s13], $0x3E80  }
0x4f6: {  	[sflag:s13] =	ssyncset.done $0x0  }
0x4f7: {  	s24 =	simm.s32 $0xF00;
	[sflag:s13] =	ssyncadd.s32 $0xFFFFC180  }
0x4f8: {  	[spmem:s3] =	stream.indirect.scatter.add.f32 [tilespmem:s10], [sflag:$0x3], $0x80, s24, s9, $0xb8;
	[tilespmem:$0x1D000] =	vst v63  }
0x4f9: {  	_ =	swait.ge [sflag:s6], $0x3E80  }
0x4fa: {  	[sflag:s6] =	ssyncset.done $0x0  }
0x4fb: {  	[sflag:s6] =	ssyncadd.s32 $0xFFFFC180  }
0x4fc: {  	_ =	swait.ge [sflag:s15], $0x3E80  }
0x4fd: {  	[sflag:s15] =	ssyncset.done $0x0  }
0x4fe: {  	s24 =	simm.s32 $0xF80;
	[sflag:s15] =	ssyncadd.s32 $0xFFFFC180  }
0x4ff: {  	[spmem:s3] =	stream.indirect.scatter.add.f32 [tilespmem:s12], [sflag:$0x3], $0x80, s24, s9, $0xb8;
	[tilespmem:$0x1D000] =	vst v63  }
0x500: {  	_ =	swait.ge [sflag:s6], $0x3E80  }
0x501: {  	[sflag:s6] =	ssyncset.done $0x0  }
0x502: {  	s24 =	rddreg [dreg:$0xd];
	[sflag:s6] =	ssyncadd.s32 $0xFFFFC180  }
0x503: {  	[tilespmem:s16], [sflag:$0x3] =	stream.linear.gather [hbm4b:s24+s16], $0x800, $0x38;
	[tilespmem:$0x1D000] =	vst v63  }
0x504: {  	_ =	swait.ge [sflag:s6], $0x800  }
0x505: {  	[sflag:s6] =	ssyncset.done $0x0  }
0x506: {  	s24 =	rddreg [dreg:$0xe];
	[sflag:s6] =	ssyncadd.s32 $0xFFFFF800  }
0x507: {  	[tilespmem:s0], [sflag:$0x3] =	stream.linear.gather [hbm4b:s24+s16], $0x800, $0x38;
	[tilespmem:$0x1D000] =	vst v63  }
0x508: {  	_ =	swait.ge [sflag:s6], $0x800  }
0x509: {  	[sflag:s6] =	ssyncset.done $0x0  }
0x50a: {  	[sflag:s6] =	ssyncadd.s32 $0xFFFFF800  }
0x50b: {  	[tilespmem:s10], [sflag:$0x1] =	stream.indirect.gather [hbm4b:s2+s9], $0x80, s16, s9, $0xb8;
	[tilespmem:$0x1D000] =	vst v63  }
0x50c: {  	s24 =	simm.s32 $0x80  }
0x50d: {  	[tilespmem:s12], [sflag:$0x2] =	stream.indirect.gather [hbm4b:s2+s9], $0x80, s24, s9, $0xb8;
	[tilespmem:$0x1D000] =	vst v63  }
0x50e: {  	_ =	swait.ge [sflag:s13], $0x3E80  }
0x50f: {  	[sflag:s13] =	ssyncset.done $0x0  }
0x510: {  	[sflag:s13] =	ssyncadd.s32 $0xFFFFC180  }
0x511: {  	[spmem:s3] =	stream.indirect.scatter.add.f32 [tilespmem:s10], [sflag:$0x3], $0x80, s0, s9, $0xb8;
	[tilespmem:$0x1D000] =	vst v63  }
0x512: {  	_ =	swait.ge [sflag:s6], $0x3E80  }
0x513: {  	[sflag:s6] =	ssyncset.done $0x0  }
0x514: {  	s24 =	simm.s32 $0x100;
	[sflag:s6] =	ssyncadd.s32 $0xFFFFC180  }
0x515: {  	[tilespmem:s10], [sflag:$0x1] =	stream.indirect.gather [hbm4b:s2+s9], $0x80, s24, s9, $0xb8;
	[tilespmem:$0x1D000] =	vst v63  }
0x516: {  	_ =	swait.ge [sflag:s15], $0x3E80  }
0x517: {  	[sflag:s15] =	ssyncset.done $0x0  }
0x518: {  	s24 =	simm.s32 $0x880;
	[sflag:s15] =	ssyncadd.s32 $0xFFFFC180  }
0x519: {  	[spmem:s3] =	stream.indirect.scatter.add.f32 [tilespmem:s12], [sflag:$0x3], $0x80, s24, s9, $0xb8;
	[tilespmem:$0x1D000] =	vst v63  }
0x51a: {  	_ =	swait.ge [sflag:s6], $0x3E80  }
0x51b: {  	[sflag:s6] =	ssyncset.done $0x0  }
0x51c: {  	s24 =	simm.s32 $0x180;
	[sflag:s6] =	ssyncadd.s32 $0xFFFFC180  }
0x51d: {  	[tilespmem:s12], [sflag:$0x2] =	stream.indirect.gather [hbm4b:s2+s9], $0x80, s24, s9, $0xb8;
	[tilespmem:$0x1D000] =	vst v63  }
0x51e: {  	_ =	swait.ge [sflag:s13], $0x3E80  }
0x51f: {  	[sflag:s13] =	ssyncset.done $0x0  }
0x520: {  	s20 =	simm.s32 $0x900;
	[sflag:s13] =	ssyncadd.s32 $0xFFFFC180  }
0x521: {  	[spmem:s3] =	stream.indirect.scatter.add.f32 [tilespmem:s10], [sflag:$0x3], $0x80, s20, s9, $0xb8;
	[tilespmem:$0x1D000] =	vst v63  }
0x522: {  	_ =	swait.ge [sflag:s6], $0x3E80  }
0x523: {  	[sflag:s6] =	ssyncset.done $0x0  }
0x524: {  	s17 =	simm.s32 $0x200;
	[sflag:s6] =	ssyncadd.s32 $0xFFFFC180  }
0x525: {  	[tilespmem:s10], [sflag:$0x1] =	stream.indirect.gather [hbm4b:s2+s9], $0x80, s17, s9, $0xb8;
	[tilespmem:$0x1D000] =	vst v63  }
0x526: {  	_ =	swait.ge [sflag:s15], $0x3E80  }
0x527: {  	[sflag:s15] =	ssyncset.done $0x0  }
0x528: {  	s4 =	simm.s32 $0x980;
	[sflag:s15] =	ssyncadd.s32 $0xFFFFC180  }
0x529: {  	[spmem:s3] =	stream.indirect.scatter.add.f32 [tilespmem:s12], [sflag:$0x3], $0x80, s4, s9, $0xb8;
	[tilespmem:$0x1D000] =	vst v63  }
0x52a: {  	_ =	swait.ge [sflag:s6], $0x3E80  }
0x52b: {  	[sflag:s6] =	ssyncset.done $0x0  }
0x52c: {  	s21 =	simm.s32 $0x280;
	[sflag:s6] =	ssyncadd.s32 $0xFFFFC180  }
0x52d: {  	[tilespmem:s12], [sflag:$0x2] =	stream.indirect.gather [hbm4b:s2+s9], $0x80, s21, s9, $0xb8;
	[tilespmem:$0x1D000] =	vst v63  }
0x52e: {  	_ =	swait.ge [sflag:s13], $0x3E80  }
0x52f: {  	[sflag:s13] =	ssyncset.done $0x0  }
0x530: {  	s20 =	simm.s32 $0xA00;
	[sflag:s13] =	ssyncadd.s32 $0xFFFFC180  }
0x531: {  	[spmem:s3] =	stream.indirect.scatter.add.f32 [tilespmem:s10], [sflag:$0x3], $0x80, s20, s9, $0xb8;
	[tilespmem:$0x1D000] =	vst v63  }
0x532: {  	_ =	swait.ge [sflag:s6], $0x3E80  }
0x533: {  	[sflag:s6] =	ssyncset.done $0x0  }
0x534: {  	s5 =	simm.s32 $0x300;
	[sflag:s6] =	ssyncadd.s32 $0xFFFFC180  }
0x535: {  	[tilespmem:s10], [sflag:$0x1] =	stream.indirect.gather [hbm4b:s2+s9], $0x80, s5, s9, $0xb8;
	[tilespmem:$0x1D000] =	vst v63  }
0x536: {  	_ =	swait.ge [sflag:s15], $0x3E80  }
0x537: {  	[sflag:s15] =	ssyncset.done $0x0  }
0x538: {  	s7 =	simm.s32 $0xA80;
	[sflag:s15] =	ssyncadd.s32 $0xFFFFC180  }
0x539: {  	[spmem:s3] =	stream.indirect.scatter.add.f32 [tilespmem:s12], [sflag:$0x3], $0x80, s7, s9, $0xb8;
	[tilespmem:$0x1D000] =	vst v63  }
0x53a: {  	_ =	swait.ge [sflag:s6], $0x3E80  }
0x53b: {  	[sflag:s6] =	ssyncset.done $0x0  }
0x53c: {  	s26 =	simm.s32 $0x380;
	[sflag:s6] =	ssyncadd.s32 $0xFFFFC180  }
0x53d: {  	[tilespmem:s12], [sflag:$0x2] =	stream.indirect.gather [hbm4b:s2+s9], $0x80, s26, s9, $0xb8;
	[tilespmem:$0x1D000] =	vst v63  }
0x53e: {  	_ =	swait.ge [sflag:s13], $0x3E80  }
0x53f: {  	[sflag:s13] =	ssyncset.done $0x0  }
0x540: {  	s28 =	simm.s32 $0xB00;
	[sflag:s13] =	ssyncadd.s32 $0xFFFFC180  }
0x541: {  	[spmem:s3] =	stream.indirect.scatter.add.f32 [tilespmem:s10], [sflag:$0x3], $0x80, s28, s9, $0xb8;
	[tilespmem:$0x1D000] =	vst v63  }
0x542: {  	_ =	swait.ge [sflag:s6], $0x3E80  }
0x543: {  	[sflag:s6] =	ssyncset.done $0x0  }
0x544: {  	s29 =	simm.s32 $0x400;
	[sflag:s6] =	ssyncadd.s32 $0xFFFFC180  }
0x545: {  	[tilespmem:s10], [sflag:$0x1] =	stream.indirect.gather [hbm4b:s2+s9], $0x80, s29, s9, $0xb8;
	[tilespmem:$0x1D000] =	vst v63  }
0x546: {  	_ =	swait.ge [sflag:s15], $0x3E80  }
0x547: {  	[sflag:s15] =	ssyncset.done $0x0  }
0x548: {  	s30 =	simm.s32 $0xB80;
	[sflag:s15] =	ssyncadd.s32 $0xFFFFC180  }
0x549: {  	[spmem:s3] =	stream.indirect.scatter.add.f32 [tilespmem:s12], [sflag:$0x3], $0x80, s30, s9, $0xb8;
	[tilespmem:$0x1D000] =	vst v63  }
0x54a: {  	_ =	swait.ge [sflag:s6], $0x3E80  }
0x54b: {  	[sflag:s6] =	ssyncset.done $0x0  }
0x54c: {  	s31 =	simm.s32 $0x480;
	[sflag:s6] =	ssyncadd.s32 $0xFFFFC180  }
0x54d: {  	[tilespmem:s12], [sflag:$0x2] =	stream.indirect.gather [hbm4b:s2+s9], $0x80, s31, s9, $0xb8;
	[tilespmem:$0x1D000] =	vst v63  }
0x54e: {  	_ =	swait.ge [sflag:s13], $0x3E80  }
0x54f: {  	[sflag:s13] =	ssyncset.done $0x0  }
0x550: {  	s8 =	simm.s32 $0xC00;
	[sflag:s13] =	ssyncadd.s32 $0xFFFFC180  }
0x551: {  	[spmem:s3] =	stream.indirect.scatter.add.f32 [tilespmem:s10], [sflag:$0x3], $0x80, s8, s9, $0xb8;
	[tilespmem:$0x1D000] =	vst v63  }
0x552: {  	_ =	swait.ge [sflag:s6], $0x3E80  }
0x553: {  	[sflag:s6] =	ssyncset.done $0x0  }
0x554: {  	s22 =	simm.s32 $0x500;
	[sflag:s6] =	ssyncadd.s32 $0xFFFFC180  }
0x555: {  	[tilespmem:s10], [sflag:$0x1] =	stream.indirect.gather [hbm4b:s2+s9], $0x80, s22, s9, $0xb8;
	[tilespmem:$0x1D000] =	vst v63  }
0x556: {  	_ =	swait.ge [sflag:s15], $0x3E80  }
0x557: {  	[sflag:s15] =	ssyncset.done $0x0  }
0x558: {  	s1 =	simm.s32 $0xC80;
	[sflag:s15] =	ssyncadd.s32 $0xFFFFC180  }
0x559: {  	[spmem:s3] =	stream.indirect.scatter.add.f32 [tilespmem:s12], [sflag:$0x3], $0x80, s1, s9, $0xb8;
	[tilespmem:$0x1D000] =	vst v63  }
0x55a: {  	_ =	swait.ge [sflag:s6], $0x3E80  }
0x55b: {  	[sflag:s6] =	ssyncset.done $0x0  }
0x55c: {  	s21 =	simm.s32 $0x580;
	[sflag:s6] =	ssyncadd.s32 $0xFFFFC180  }
0x55d: {  	[tilespmem:s12], [sflag:$0x2] =	stream.indirect.gather [hbm4b:s2+s9], $0x80, s21, s9, $0xb8;
	[tilespmem:$0x1D000] =	vst v63  }
0x55e: {  	_ =	swait.ge [sflag:s13], $0x3E80  }
0x55f: {  	[sflag:s13] =	ssyncset.done $0x0  }
0x560: {  	s11 =	simm.s32 $0xD00;
	[sflag:s13] =	ssyncadd.s32 $0xFFFFC180  }
0x561: {  	[spmem:s3] =	stream.indirect.scatter.add.f32 [tilespmem:s10], [sflag:$0x3], $0x80, s11, s9, $0xb8;
	[tilespmem:$0x1D000] =	vst v63  }
0x562: {  	_ =	swait.ge [sflag:s6], $0x3E80  }
0x563: {  	[sflag:s6] =	ssyncset.done $0x0  }
0x564: {  	s14 =	simm.s32 $0x600;
	[sflag:s6] =	ssyncadd.s32 $0xFFFFC180  }
0x565: {  	[tilespmem:s10], [sflag:$0x1] =	stream.indirect.gather [hbm4b:s2+s9], $0x80, s14, s9, $0xb8;
	[tilespmem:$0x1D000] =	vst v63  }
0x566: {  	_ =	swait.ge [sflag:s15], $0x3E80  }
0x567: {  	[sflag:s15] =	ssyncset.done $0x0  }
0x568: {  	s25 =	simm.s32 $0xD80;
	[sflag:s15] =	ssyncadd.s32 $0xFFFFC180  }
0x569: {  	[spmem:s3] =	stream.indirect.scatter.add.f32 [tilespmem:s12], [sflag:$0x3], $0x80, s25, s9, $0xb8;
	[tilespmem:$0x1D000] =	vst v63  }
0x56a: {  	_ =	swait.ge [sflag:s6], $0x3E80  }
0x56b: {  	[sflag:s6] =	ssyncset.done $0x0  }
0x56c: {  	s18 =	simm.s32 $0x680;
	[sflag:s6] =	ssyncadd.s32 $0xFFFFC180  }
0x56d: {  	[tilespmem:s12], [sflag:$0x2] =	stream.indirect.gather [hbm4b:s2+s9], $0x80, s18, s9, $0xb8;
	[tilespmem:$0x1D000] =	vst v63  }
0x56e: {  	_ =	swait.ge [sflag:s13], $0x3E80  }
0x56f: {  	[sflag:s13] =	ssyncset.done $0x0  }
0x570: {  	s19 =	simm.s32 $0xE00;
	[sflag:s13] =	ssyncadd.s32 $0xFFFFC180  }
0x571: {  	[spmem:s3] =	stream.indirect.scatter.add.f32 [tilespmem:s10], [sflag:$0x3], $0x80, s19, s9, $0xb8;
	[tilespmem:$0x1D000] =	vst v63  }
0x572: {  	_ =	swait.ge [sflag:s6], $0x3E80  }
0x573: {  	[sflag:s6] =	ssyncset.done $0x0  }
0x574: {  	s22 =	simm.s32 $0x700;
	[sflag:s6] =	ssyncadd.s32 $0xFFFFC180  }
0x575: {  	[tilespmem:s10], [sflag:$0x1] =	stream.indirect.gather [hbm4b:s2+s9], $0x80, s22, s9, $0xb8;
	[tilespmem:$0x1D000] =	vst v63  }
0x576: {  	_ =	swait.ge [sflag:s15], $0x3E80  }
0x577: {  	[sflag:s15] =	ssyncset.done $0x0  }
0x578: {  	s24 =	simm.s32 $0xE80;
	[sflag:s15] =	ssyncadd.s32 $0xFFFFC180  }
0x579: {  	[spmem:s3] =	stream.indirect.scatter.add.f32 [tilespmem:s12], [sflag:$0x3], $0x80, s24, s9, $0xb8;
	[tilespmem:$0x1D000] =	vst v63  }
0x57a: {  	_ =	swait.ge [sflag:s6], $0x3E80  }
0x57b: {  	[sflag:s6] =	ssyncset.done $0x0  }
0x57c: {  	s25 =	simm.s32 $0x780;
	[sflag:s6] =	ssyncadd.s32 $0xFFFFC180  }
0x57d: {  	[tilespmem:s12], [sflag:$0x2] =	stream.indirect.gather [hbm4b:s2+s9], $0x80, s25, s9, $0xb8;
	[tilespmem:$0x1D000] =	vst v63  }
0x57e: {  	_ =	swait.ge [sflag:s13], $0x3E80  }
0x57f: {  	[sflag:s13] =	ssyncset.done $0x0  }
0x580: {  	s26 =	simm.s32 $0xF00;
	[sflag:s13] =	ssyncadd.s32 $0xFFFFC180  }
0x581: {  	[spmem:s3] =	stream.indirect.scatter.add.f32 [tilespmem:s10], [sflag:$0x3], $0x80, s26, s9, $0xb8;
	[tilespmem:$0x1D000] =	vst v63  }
0x582: {  	_ =	swait.ge [sflag:s6], $0x3E80  }
0x583: {  	[sflag:s6] =	ssyncset.done $0x0  }
0x584: {  	[sflag:s6] =	ssyncadd.s32 $0xFFFFC180  }
0x585: {  	_ =	swait.ge [sflag:s15], $0x3E80  }
0x586: {  	[sflag:s15] =	ssyncset.done $0x0  }
0x587: {  	s28 =	simm.s32 $0xF80;
	[sflag:s15] =	ssyncadd.s32 $0xFFFFC180  }
0x588: {  	[spmem:s3] =	stream.indirect.scatter.add.f32 [tilespmem:s12], [sflag:$0x3], $0x80, s28, s9, $0xb8;
	[tilespmem:$0x1D000] =	vst v63  }
0x589: {  	_ =	swait.ge [sflag:s6], $0x3E80  }
0x58a: {  	[sflag:s6] =	ssyncset.done $0x0  }
0x58b: {  	[sflag:s6] =	ssyncadd.s32 $0xFFFFC180  }
0x58c: {  	p0 =	sne.s32 s23, $0x1;
	[bflag:$0x0] =	sbarrier.arrive $0xFFFF  }
.Ltmp1:
0x58d: {  	s29 =	rddreg [dreg:$0xf];
	(pc) =	sbr.rel @p0 .LBB2_1-.Ltmp1, $4  }
0x58e: {  	s30 =	rddreg [dreg:$0x11]  }
0x58f: {  	s31 =	rddreg [dreg:$0x10]  }
0x590: {  	[hbm:s29], [sflag:s31] =	dma.local [spmem:s30], $0x2800  }
0x591: {  	s23 =	sadd.s32 $0xFFFFFFFF, s23;
	_ =	swait.ge [sflag:s6], $0x2800  }
.LBB2_2:
0x592: {  	[sflag:s6] =	ssyncset.done $0x0  }
0x593: {  	[sflag:s6] =	ssyncadd.s32 $0xFFFFD800  }
0x594: {  	_ =	sfence.sel $0x180000  }
0x595: {  	[bflag:$0x0] =	sbarrier.arrive $0xFFFF  }
0x596: {  	_ =	strace $0x9000004A  }
0x597: {  	s0 =	stileid.u32;
	[bflag:$0x2] =	sbarrier.arrive $0xFFFF  }
0x598: {  	p0 =	sne.s32 s0, $0x0;
	s0 =	rddreg [dreg:$0x3]  }
0x599: {  	s0 =	sadd.s32 @!p0 $0x100000, s0  }
0x59a: {  	[sflag:s0] =	ssyncadd.tile.s32 @!p0 $0x1;
	_ =	shalt  }
.Lfunc_end2:
_tile_overlayer_lowered:
.L_overlay_start_2:
0x59b: {  	(tag) =	ssettag $0x2  }
0x59c: {  	s0 =	rddreg [dreg:$0x0];
	s2 =	stileid.u32  }
0x59d: {  	s1 =	rddreg [dreg:$0x1];
	p0 =	sne.s32 s2, $0x0  }
0x59e: {  	s3 =	rddreg [dreg:$0x2];
	[bflag:$0x3] =	sbarrier.arrive $0xFFFF;
	s2 =	simm.s32 @!p0 $0x1C03  }
0x59f: {  	[timem:s3], [sflag:s2] =	dma.local @!p0 [hbm:s0], s1  }
0x5a0: {  	s0 =	simm.s32 @!p0 $0x3  }
0x5a1: {  	_ =	swait.ge @!p0 [sflag:s0], s1  }
0x5a2: {  	s1 =	ssub.s32 @!p0 $0x0, s1;
	[sflag:s0] =	ssyncset.done @!p0 $0x0  }
0x5a3: {  	[sflag:s0] =	ssyncadd.s32 @!p0 s1  }
0x5a4: {  	[bflag:$0x3] =	sbarrier.arrive $0xFFFF  }
0x5a5: {  	_ =	shalt  }

// kernel: kernel.14.cloned.1.call-start
scs
__scs_entry_jumppad:
0x0: {  	(pc) =	sbr.rel $0x88, $3  }
0x1: {  	(tag) =	ssettag $0x0;
	lr =	simm.s32 $0x1  }
0x2: {  	[smem:$0x3F99] =	sst lr;
	_ =	strace $0xD0000000  }
0x3: {  	_ = 	snop  }
0x4: {  	_ = 	snop  }
0x5: {  	_ = 	snop  }
0x6: {  	_ = 	snop  }
0x7: {  	_ = 	snop  }
__scs_overlays_trampoline_lowered:
0x8: {  	[smem:$0x3FA8] =	sst s0  }
0x9: {  	[smem:$0x3FA9] =	sst s1  }
0xa: {  	[smem:$0x3FAA] =	sst s2  }
0xb: {  	[smem:$0x3FAB] =	sst s3  }
0xc: {  	[smem:$0x3FAC] =	sst s4  }
0xd: {  	[smem:$0x3FAD] =	sst s5  }
0xe: {  	[smem:$0x3FAE] =	sst s6  }
0xf: {  	[smem:$0x3FAF] =	sst s7  }
0x10: {  	[smem:$0x3FB0] =	sst s8  }
0x11: {  	[smem:$0x3FB1] =	sst s9;
	s0 =	simm.s32 @!p0 $0x0  }
0x12: {  	s1 =	sld [smem:$0x3F97];
	s0 =	simm.s32 @p0 $0x1  }
0x13: {  	[smem:$0x3FB2] =	sst s0;
	s0 =	simm.s32 @!p1 $0x0  }
0x14: {  	s2 =	sld [smem:$0x3F96];
	s0 =	simm.s32 @p1 $0x1  }
0x15: {  	[smem:$0x3FB3] =	sst s0;
	s0 =	simm.s32 @!p2 $0x0  }
0x16: {  	s3 =	sld [smem:$0x3FDB];
	s0 =	simm.s32 @p2 $0x1  }
0x17: {  	s4 =	simm.s32 $0x1BF5;
	[smem:$0x3FB5] =	sst s0  }
0x18: {  	s0 =	sld [smem:$0x3F98];
	_ =	swait.ge [sflag:s4], $0x0  }
0x19: {  	s7 =	sld [smem:$0x3F99]  }
0x1a: {  	s8 =	sadd.s32 $0xFFFFE003, lr  }
0x1b: {  	s9 =	sadd.s32 $0xFFFFFEF7, lr;
	s5 =	simm.s32 $0xFFFFFFFF;
	p2 =	slt.u32 s8, $0xFFFFF086  }
0x1c: {  	p1 =	slt.u32 s9, $0xF7A;
	s5 =	simm.s32 @!p2 $0x0  }
0x1d: {  	s5 =	simm.s32 @p1 $0x1;
	p0 =	seq.s32 s7, s2  }
0x1e: {  	s7 =	smul.u32 @!p0 $0xF7A, s2;
	p2 =	seq.s32 @!p0 s5, $0x0  }
0x1f: {  	s9 =	smul.u32 $0xF7A, s1;
	s8 =	simm.s32 @!p0 $0x1BF5;
	p2 =	por !p2, p0  }
0x20: {  	[sflag:s8] =	ssyncset.s32 @!p0 $0xFFFFF086;
	s6 =	sadd.s32 @!p0 s3, s7;
	s7 =	simm.s32 @!p0 $0x108  }
0x21: {  	s3 =	sadd.s32 s3, s9;
	s6 =	sadd.s32 @!p0 $0x88, s6;
	s7 =	simm.s32 @p2 $0x1082  }
0x22: {  	[simem:s7], [sflag:s8] =	dma.local @!p0 [hbm:s6], $0xF7A  }
0x23: {  	s9 =	sor.u32 $0xD0000000, s2;
	s6 =	simm.s32 $0x108;
	_ =	swait.ge @!p0 [sflag:s8], $0x0  }
0x24: {  	s3 =	sadd.s32 $0x88, s3;
	s6 =	simm.s32 @!p1 $0x1082;
	[sflag:s4] =	ssyncset.s32 $0xFFFFF086  }
0x25: {  	[simem:s6], [sflag:s4] =	dma.local [hbm:s3], $0xF7A  }
0x26: {  	[smem:$0x3F99] =	sst s1;
	(tag) =	ssettag s2;
	_ =	strace s9  }
0x27: {  	s1 =	sld [smem:$0x3FA9]  }
0x28: {  	s2 =	sld [smem:$0x3FAA]  }
0x29: {  	s4 =	sld [smem:$0x3FAC]  }
0x2a: {  	p0 =	seq.s32 s5, $0x0;
	s5 =	sld [smem:$0x3FAD]  }
0x2b: {  	s6 =	sld [smem:$0x3FAE]  }
0x2c: {  	s7 =	sld [smem:$0x3FAF]  }
0x2d: {  	s3 =	simm.s32 $0x108;
	s8 =	sld [smem:$0x3FB0]  }
0x2e: {  	s3 =	simm.s32 @!p0 $0x1082;
	s9 =	sld [smem:$0x3FB1]  }
0x2f: {  	lr =	sadd.s32 s0, s3;
	s0 =	sld [smem:$0x3FA8]  }
0x30: {  	s3 =	sld [smem:$0x3FAB]  }
0x31: {  	[smem:$0x3FB4] =	sst s10  }
0x32: {  	s10 =	sld [smem:$0x3FB2];
	_ =	sdelay $0x3  }
0x33: {  	p0 =	seq.s32 s10, $0x1;
	s10 =	sld [smem:$0x3FB4];
	_ =	sdelay $0x3  }
0x34: {  	[smem:$0x3FB4] =	sst s10  }
0x35: {  	s10 =	sld [smem:$0x3FB3];
	_ =	sdelay $0x3  }
0x36: {  	p1 =	seq.s32 s10, $0x1;
	s10 =	sld [smem:$0x3FB4];
	_ =	sdelay $0x3  }
0x37: {  	[smem:$0x3FB4] =	sst s10  }
0x38: {  	s10 =	sld [smem:$0x3FB5]  }
0x39: {  	_ = 	snop;
	(pc) =	sbr.ind lr, $3  }
0x3a: {  	_ = 	snop  }
0x3b: {  	_ = 	snop  }
0x3c: {  	p2 =	seq.s32 s10, $0x1;
	s10 =	sld [smem:$0x3FB4]  }
0x3d: {  	_ =	shalt  }
0x3e: {  	_ =	shalt  }
0x3f: {  	_ =	shalt  }
0x40: {  	_ =	shalt  }
0x41: {  	_ =	shalt  }
0x42: {  	_ =	shalt  }
0x43: {  	_ =	shalt  }
0x44: {  	_ =	shalt  }
0x45: {  	_ =	shalt  }
0x46: {  	_ =	shalt  }
0x47: {  	_ =	shalt  }
0x48: {  	_ =	shalt  }
0x49: {  	_ =	shalt  }
0x4a: {  	_ =	shalt  }
0x4b: {  	_ =	shalt  }
0x4c: {  	_ =	shalt  }
0x4d: {  	_ =	shalt  }
0x4e: {  	_ =	shalt  }
0x4f: {  	_ =	shalt  }
0x50: {  	_ =	shalt  }
0x51: {  	_ =	shalt  }
0x52: {  	_ =	shalt  }
0x53: {  	_ =	shalt  }
0x54: {  	_ =	shalt  }
0x55: {  	_ =	shalt  }
0x56: {  	_ =	shalt  }
0x57: {  	_ =	shalt  }
0x58: {  	_ =	shalt  }
0x59: {  	_ =	shalt  }
0x5a: {  	_ =	shalt  }
0x5b: {  	_ =	shalt  }
0x5c: {  	_ =	shalt  }
0x5d: {  	_ =	shalt  }
0x5e: {  	_ =	shalt  }
0x5f: {  	_ =	shalt  }
0x60: {  	_ =	shalt  }
0x61: {  	_ =	shalt  }
0x62: {  	_ =	shalt  }
0x63: {  	_ =	shalt  }
0x64: {  	_ =	shalt  }
0x65: {  	_ =	shalt  }
0x66: {  	_ =	shalt  }
0x67: {  	_ =	shalt  }
0x68: {  	_ =	shalt  }
0x69: {  	_ =	shalt  }
0x6a: {  	_ =	shalt  }
0x6b: {  	_ =	shalt  }
0x6c: {  	_ =	shalt  }
0x6d: {  	_ =	shalt  }
0x6e: {  	_ =	shalt  }
0x6f: {  	_ =	shalt  }
0x70: {  	_ =	shalt  }
0x71: {  	_ =	shalt  }
0x72: {  	_ =	shalt  }
0x73: {  	_ =	shalt  }
0x74: {  	_ =	shalt  }
0x75: {  	_ =	shalt  }
0x76: {  	_ =	shalt  }
0x77: {  	_ =	shalt  }
0x78: {  	_ =	shalt  }
0x79: {  	_ =	shalt  }
0x7a: {  	_ =	shalt  }
0x7b: {  	_ =	shalt  }
0x7c: {  	_ =	shalt  }
0x7d: {  	_ =	shalt  }
0x7e: {  	_ =	shalt  }
0x7f: {  	_ =	shalt  }
0x80: {  	_ =	shalt  }
0x81: {  	_ =	shalt  }
0x82: {  	_ =	shalt  }
0x83: {  	_ =	shalt  }
0x84: {  	_ =	shalt  }
0x85: {  	_ =	shalt  }
0x86: {  	_ =	shalt  }
0x87: {  	_ =	shalt  }
.Lfunc_end0:
.L_simem_size_0:
called_computation.2_lowered:
.L_overlay_start_0:
0x88: {  	s2 =	sld [smem:$0x3FD9]  }
0x89: {  	s3 =	sld [smem:$0x3FFE];
	_ =	sdelay $0x1  }
0x8a: {  	s1 =	srdreg.scid  }
0x8b: {  	s0 =	sand.u32 $0x1, s1  }
0x8c: {  	s17 =	sshll.u32 s0, $0xA;
	s2 =	sadd.s32 s3, s2  }
0x8d: {  	s2 =	sadd.s32 s2, s17  }
0x8e: {  	[smem:$0x3FC0] =	sst s2  }
0x8f: {  	_ = 	snop  }
0x90: {  	s2 =	sld [smem:$0x3FD0];
	(tm) =	ssettm $0x1  }
0x91: {  	s18 =	sld [smem:$0x3FFB];
	_ =	sdelay $0x3  }
0x92: {  	_ =	strace s18  }
0x93: {  	s3 =	sld [smem:$0x3FFC];
	_ =	sdelay $0x3  }
0x94: {  	_ =	strace s3  }
0x95: {  	s3 =	sld [smem:$0x3FFD];
	_ =	sdelay $0x3  }
0x96: {  	_ =	strace s3  }
0x97: {  	_ =	strace $0x8FFFFFFF  }
0x98: {  	s19 =	sld [smem:$0x3FDB];
	_ =	sdelay $0x1  }
0x99: {  	s4 =	simm.s32 $_scs_section_size  }
0x9a: {  	s5 =	simm.s32 $_size__tile_overlayer_lowered;
	s6 =	simm.s32 $_tile_overlayer_lowered  }
0x9b: {  	s22 =	simm.s32 $0x1BFF;
	s21 =	sshll.u32 s6, $0x1;
	s3 =	sadd.s32 s4, s19  }
0x9c: {  	s7 =	simm.s32 $0x0;
	s20 =	sshll.u32 s5, $0x1;
	s5 =	sadd.s32 s21, s3  }
0x9d: {  	[timem:s7], [sflag:s22] =	dma.local [hbm:s5], s20  }
0x9e: {  	_ =	swait.ge [sflag:s22], s20  }
0x9f: {  	s4 =	ssub.s32 $0x0, s20;
	[sflag:s22] =	ssyncset.done $0x0  }
0xa0: {  	[sflag:s22] =	ssyncadd.s32 s4;
	_ =	sdelay $0x1  }
0xa1: {  	s23 =	simm.s32 $0x1B8B  }
0xa2: {  	_ =	swait.ge [sflag:s23], $0x1  }
0xa3: {  	[sflag:s23] =	ssyncset.done $0x0  }
0xa4: {  	s25 =	simm.s32 $0x1B8E;
	s24 =	sld [smem:$0x3FFE];
	[sflag:s23] =	ssyncadd.s32 $0xFFFFFFFF  }
0xa5: {  	s26 =	simm.s32 $execute0_lowered;
	[smem:$0x3FD2] =	sst s25  }
0xa6: {  	s5 =	sshll.u32 s26, $0x1;
	_ =	strace $0x8000004C;
	[dreg:$0x1] =	wrdreg $0xFFFFFFFF  }
0xa7: {  	s28 =	simm.s32 $_size_execute0_lowered;
	s3 =	sadd.s32 s3, s5;
	[dreg:$0x0] =	wrdreg $0x0  }
0xa8: {  	s5 =	sshll.u32 s28, $0x1;
	[dreg:$0x2] =	wrdreg s3  }
0xa9: {  	[dreg:$0x3] =	wrdreg s5  }
0xaa: {  	[dreg:$0x4] =	wrdreg $0xC0  }
0xab: {  	_ =	task [dreg:s7], $0x5FFFF  }
0xac: {  	[dreg:$0x1] =	wrdreg $0xFFFFFFFF  }
0xad: {  	[dreg:$0x0] =	wrdreg $0x60  }
0xae: {  	[dreg:$0x2] =	wrdreg s2  }
0xaf: {  	[dreg:$0x3] =	wrdreg s24  }
0xb0: {  	[dreg:$0x4] =	wrdreg $0x90000  }
0xb1: {  	[dreg:$0x5] =	wrdreg $0x9  }
0xb2: {  	_ =	task.clear_ibuf [dreg:s7], $0x6FFFF;
	_ =	strace $0x9000004C  }
0xb3: {  	s29 =	simm.s32 $0x9;
	_ =	strace $0x8000004E  }
0xb4: {  	_ =	swait.ge [sflag:s29], $0x1  }
0xb5: {  	[sflag:s29] =	ssyncadd.s32 $0xFFFFFFFF  }
0xb6: {  	_ =	strace $0x9000004E  }
0xb7: {  	_ =	sfence  }
0xb8: {  	s30 =	sld [smem:$0x0];
	_ =	sdelay $0x2  }
0xb9: {  	s31 =	sshll.u32 s1, $0xD;
	s1 =	sshrl.u32 s1, $0x2  }
0xba: {  	s3 =	sand.u32 $0x4000, s31;
	s1 =	sadd.s32 s1, s30  }
0xbb: {  	s0 =	sor.u32 s3, s0;
	s1 =	sshll.u32 s1, $0x11  }
0xbc: {  	s0 =	sor.u32 s1, s0  }
0xbd: {  	s0 =	sadd.s32 $0x8F2B, s0  }
0xbe: {  	[sflag:s0] =	ssyncadd.remote.s32 $0x1  }
0xbf: {  	_ =	sfence.sel $0xFFFF  }
0xc0: {  	[dreg:$0x0] =	wrdreg $0xFFFFFFFF;
	(pc) =	sbr.abs _section_cstart, $3  }
0xc1: {  	[dreg:$0x1] =	wrdreg $0xFFFFFFFF  }
0xc2: {  	_ =	task.clear_ibuf [dreg:s7], $0x2FFFF;
	_ =	strace $0x9FFFFFFF  }
0xc3: {  	(tm) =	ssettm $0x7FFFFFFF  }
tec
execute0_lowered:
.L_overlay_start_1:
0x0: {  	(tag) =	ssettag $0x1  }
0x1: {  	s2 =	rddreg [dreg:$0x0]  }
0x2: {  	s0 =	rddreg [dreg:$0x1]  }
0x3: {  	s1 =	srdreg.scid;
	s7 =	stileid.u32  }
0x4: {  	s3 =	rddreg [dreg:$0x2];
	s16 =	simm.s32 $0x0;
	s8 =	sand.u32 $0x1, s1  }
0x5: {  	s30 =	sshll.u32 s7, $0x1;
	[smem:$0x7FF] =	sst s16;
	s19 =	smul.u32 $0x50000, s7  }
0x6: {  	s5 =	sadd.s32 $0xD000, s0;
	s4 =	sadd.s32 $0x17000, s0;
	s1 =	sor.u32 s8, s30  }
0x7: {  	[dreg:$0x12] =	wrdreg s8;
	s1 =	smul.u32 $0x2800, s1;
	s22 =	sshrl.u32 s19, $0x2  }
0x8: {  	_ =	strace $0x8000004D;
	[dreg:$0x4] =	wrdreg s4;
	s23 =	sadd.s32 s22, s3  }
0x9: {  	s25 =	rddreg [dreg:$0x4];
	s1 =	sshrl.u32 s1, $0x3;
	s26 =	sshrl.u32 s23, $0x3  }
0xa: {  	s6 =	sadd.s32 $0x3000, s0;
	s9 =	sadd.s32 s5, s1;
	[dreg:$0x11] =	wrdreg s26  }
0xb: {  	s11 =	sadd.s32 s6, s1;
	s10 =	sadd.s32 $0x100, s1;
	[dreg:$0x5] =	wrdreg s9  }
0xc: {  	s31 =	smul.u32 $0x14000, s7;
	[dreg:$0x6] =	wrdreg s11;
	s12 =	sadd.s32 s5, s10  }
0xd: {  	s14 =	sadd.s32 $0x200, s1;
	s13 =	sadd.s32 s6, s10;
	[dreg:$0x7] =	wrdreg s12  }
0xe: {  	s8 =	smul.u32 $0x140000, s8;
	s15 =	sadd.s32 s5, s14;
	[dreg:$0x8] =	wrdreg s13  }
0xf: {  	s18 =	sadd.s32 $0x300, s1;
	s17 =	sadd.s32 s6, s14;
	[dreg:$0x9] =	wrdreg s15  }
0x10: {  	s4 =	sadd.s32 s31, s8;
	s20 =	sadd.s32 s5, s18;
	[dreg:$0xa] =	wrdreg s17  }
0x11: {  	s1 =	sadd.s32 $0x400, s1;
	s21 =	sadd.s32 s6, s18;
	[dreg:$0xb] =	wrdreg s20  }
0x12: {  	s4 =	sshrl.u32 s4, $0x3;
	s5 =	sadd.s32 s5, s1;
	[dreg:$0xc] =	wrdreg s21  }
0x13: {  	s0 =	sadd.s32 s4, s0;
	s1 =	sadd.s32 s6, s1;
	[dreg:$0xd] =	wrdreg s5  }
0x14: {  	s24 =	sshll.u32 s7, $0x6;
	s0 =	sadd.s32 $0x19800, s0;
	[dreg:$0xe] =	wrdreg s1  }
0x15: {  	s5 =	sor.u32 $0x1C03, s24;
	[dreg:$0xf] =	wrdreg s0  }
0x16: {  	s6 =	simm.s32 $0x3;
	[dreg:$0x10] =	wrdreg s5  }
0x17: {  	[spmem:s26], [sflag:s5] =	dma.local [hbm:s25], $0x2800  }
0x18: {  	_ =	swait.ge [sflag:s6], $0x2800  }
0x19: {  	[sflag:s6] =	ssyncset.done $0x0  }
0x1a: {  	[sflag:s6] =	ssyncadd.s32 $0xFFFFD800  }
0x1b: {  	[bflag:$0x0] =	sbarrier.arrive $0xFFFF  }
0x1c: {  	s28 =	rddreg [dreg:$0x5]  }
0x1d: {  	[tilespmem:s16], [sflag:$0x3] =	stream.linear.gather [hbm4b:s28+s16], $0x800, $0x38;
	[tilespmem:$0x1D000] =	vst v63  }
0x1e: {  	_ =	swait.ge [sflag:s6], $0x800  }
0x1f: {  	[sflag:s6] =	ssyncset.done $0x0  }
0x20: {  	s30 =	simm.s32 $0x800;
	s29 =	rddreg [dreg:$0x6];
	[sflag:s6] =	ssyncadd.s32 $0xFFFFF800  }
0x21: {  	[tilespmem:s30], [sflag:$0x3] =	stream.linear.gather [hbm4b:s29+s16], $0x800, $0x38;
	[tilespmem:$0x1D000] =	vst v63  }
0x22: {  	_ =	swait.ge [sflag:s6], $0x800  }
0x23: {  	[sflag:s6] =	ssyncset.done $0x0  }
0x24: {  	s9 =	simm.s32 $0x7D;
	s10 =	simm.s32 $0x1000;
	[sflag:s6] =	ssyncadd.s32 $0xFFFFF800  }
0x25: {  	[tilespmem:s10], [sflag:$0x1] =	stream.indirect.gather [hbm4b:s2+s9], $0x80, s16, s9, $0xb8;
	[tilespmem:$0x1D000] =	vst v63  }
0x26: {  	s4 =	simm.s32 $0x80;
	s12 =	simm.s32 $0x5000;
	s13 =	simm.s32 $0x1  }
0x27: {  	[tilespmem:s12], [sflag:$0x2] =	stream.indirect.gather [hbm4b:s2+s9], $0x80, s4, s9, $0xb8;
	[tilespmem:$0x1D000] =	vst v63  }
0x28: {  	_ =	swait.ge [sflag:s13], $0x3E80  }
0x29: {  	[sflag:s13] =	ssyncset.done $0x0  }
0x2a: {  	s31 =	simm.s32 $0x800;
	[sflag:s13] =	ssyncadd.s32 $0xFFFFC180  }
0x2b: {  	[spmem:s3] =	stream.indirect.scatter.add.f32 [tilespmem:s10], [sflag:$0x3], $0x80, s31, s9, $0xb8;
	[tilespmem:$0x1D000] =	vst v63  }
0x2c: {  	_ =	swait.ge [sflag:s6], $0x3E80  }
0x2d: {  	[sflag:s6] =	ssyncset.done $0x0  }
0x2e: {  	s15 =	simm.s32 $0x2;
	s5 =	simm.s32 $0x100;
	[sflag:s6] =	ssyncadd.s32 $0xFFFFC180  }
0x2f: {  	[tilespmem:s10], [sflag:$0x1] =	stream.indirect.gather [hbm4b:s2+s9], $0x80, s5, s9, $0xb8;
	[tilespmem:$0x1D000] =	vst v63  }
0x30: {  	_ =	swait.ge [sflag:s15], $0x3E80  }
0x31: {  	[sflag:s15] =	ssyncset.done $0x0  }
0x32: {  	s7 =	simm.s32 $0x880;
	[sflag:s15] =	ssyncadd.s32 $0xFFFFC180  }
0x33: {  	[spmem:s3] =	stream.indirect.scatter.add.f32 [tilespmem:s12], [sflag:$0x3], $0x80, s7, s9, $0xb8;
	[tilespmem:$0x1D000] =	vst v63  }
0x34: {  	_ =	swait.ge [sflag:s6], $0x3E80  }
0x35: {  	[sflag:s6] =	ssyncset.done $0x0  }
0x36: {  	s8 =	simm.s32 $0x180;
	[sflag:s6] =	ssyncadd.s32 $0xFFFFC180  }
0x37: {  	[tilespmem:s12], [sflag:$0x2] =	stream.indirect.gather [hbm4b:s2+s9], $0x80, s8, s9, $0xb8;
	[tilespmem:$0x1D000] =	vst v63  }
0x38: {  	_ =	swait.ge [sflag:s13], $0x3E80  }
0x39: {  	[sflag:s13] =	ssyncset.done $0x0  }
0x3a: {  	s11 =	simm.s32 $0x900;
	[sflag:s13] =	ssyncadd.s32 $0xFFFFC180  }
0x3b: {  	[spmem:s3] =	stream.indirect.scatter.add.f32 [tilespmem:s10], [sflag:$0x3], $0x80, s11, s9, $0xb8;
	[tilespmem:$0x1D000] =	vst v63  }
0x3c: {  	_ =	swait.ge [sflag:s6], $0x3E80  }
0x3d: {  	[sflag:s6] =	ssyncset.done $0x0  }
0x3e: {  	s14 =	simm.s32 $0x200;
	[sflag:s6] =	ssyncadd.s32 $0xFFFFC180  }
0x3f: {  	[tilespmem:s10], [sflag:$0x1] =	stream.indirect.gather [hbm4b:s2+s9], $0x80, s14, s9, $0xb8;
	[tilespmem:$0x1D000] =	vst v63  }
0x40: {  	_ =	swait.ge [sflag:s15], $0x3E80  }
0x41: {  	[sflag:s15] =	ssyncset.done $0x0  }
0x42: {  	s17 =	simm.s32 $0x980;
	[sflag:s15] =	ssyncadd.s32 $0xFFFFC180  }
0x43: {  	[spmem:s3] =	stream.indirect.scatter.add.f32 [tilespmem:s12], [sflag:$0x3], $0x80, s17, s9, $0xb8;
	[tilespmem:$0x1D000] =	vst v63  }
0x44: {  	_ =	swait.ge [sflag:s6], $0x3E80  }
0x45: {  	[sflag:s6] =	ssyncset.done $0x0  }
0x46: {  	s18 =	simm.s32 $0x280;
	[sflag:s6] =	ssyncadd.s32 $0xFFFFC180  }
0x47: {  	[tilespmem:s12], [sflag:$0x2] =	stream.indirect.gather [hbm4b:s2+s9], $0x80, s18, s9, $0xb8;
	[tilespmem:$0x1D000] =	vst v63  }
0x48: {  	_ =	swait.ge [sflag:s13], $0x3E80  }
0x49: {  	[sflag:s13] =	ssyncset.done $0x0  }
0x4a: {  	s19 =	simm.s32 $0xA00;
	[sflag:s13] =	ssyncadd.s32 $0xFFFFC180  }
0x4b: {  	[spmem:s3] =	stream.indirect.scatter.add.f32 [tilespmem:s10], [sflag:$0x3], $0x80, s19, s9, $0xb8;
	[tilespmem:$0x1D000] =	vst v63  }
0x4c: {  	_ =	swait.ge [sflag:s6], $0x3E80  }
0x4d: {  	[sflag:s6] =	ssyncset.done $0x0  }
0x4e: {  	s20 =	simm.s32 $0x300;
	[sflag:s6] =	ssyncadd.s32 $0xFFFFC180  }
0x4f: {  	[tilespmem:s10], [sflag:$0x1] =	stream.indirect.gather [hbm4b:s2+s9], $0x80, s20, s9, $0xb8;
	[tilespmem:$0x1D000] =	vst v63  }
0x50: {  	_ =	swait.ge [sflag:s15], $0x3E80  }
0x51: {  	[sflag:s15] =	ssyncset.done $0x0  }
0x52: {  	s21 =	simm.s32 $0xA80;
	[sflag:s15] =	ssyncadd.s32 $0xFFFFC180  }
0x53: {  	[spmem:s3] =	stream.indirect.scatter.add.f32 [tilespmem:s12], [sflag:$0x3], $0x80, s21, s9, $0xb8;
	[tilespmem:$0x1D000] =	vst v63  }
0x54: {  	_ =	swait.ge [sflag:s6], $0x3E80  }
0x55: {  	[sflag:s6] =	ssyncset.done $0x0  }
0x56: {  	s22 =	simm.s32 $0x380;
	[sflag:s6] =	ssyncadd.s32 $0xFFFFC180  }
0x57: {  	[tilespmem:s12], [sflag:$0x2] =	stream.indirect.gather [hbm4b:s2+s9], $0x80, s22, s9, $0xb8;
	[tilespmem:$0x1D000] =	vst v63  }
0x58: {  	_ =	swait.ge [sflag:s13], $0x3E80  }
0x59: {  	[sflag:s13] =	ssyncset.done $0x0  }
0x5a: {  	s23 =	simm.s32 $0xB00;
	[sflag:s13] =	ssyncadd.s32 $0xFFFFC180  }
0x5b: {  	[spmem:s3] =	stream.indirect.scatter.add.f32 [tilespmem:s10], [sflag:$0x3], $0x80, s23, s9, $0xb8;
	[tilespmem:$0x1D000] =	vst v63  }
0x5c: {  	_ =	swait.ge [sflag:s6], $0x3E80  }
0x5d: {  	[sflag:s6] =	ssyncset.done $0x0  }
0x5e: {  	s24 =	simm.s32 $0x400;
	[sflag:s6] =	ssyncadd.s32 $0xFFFFC180  }
0x5f: {  	[tilespmem:s10], [sflag:$0x1] =	stream.indirect.gather [hbm4b:s2+s9], $0x80, s24, s9, $0xb8;
	[tilespmem:$0x1D000] =	vst v63  }
0x60: {  	_ =	swait.ge [sflag:s15], $0x3E80  }
0x61: {  	[sflag:s15] =	ssyncset.done $0x0  }
0x62: {  	s25 =	simm.s32 $0xB80;
	[sflag:s15] =	ssyncadd.s32 $0xFFFFC180  }
0x63: {  	[spmem:s3] =	stream.indirect.scatter.add.f32 [tilespmem:s12], [sflag:$0x3], $0x80, s25, s9, $0xb8;
	[tilespmem:$0x1D000] =	vst v63  }
0x64: {  	_ =	swait.ge [sflag:s6], $0x3E80  }
0x65: {  	[sflag:s6] =	ssyncset.done $0x0  }
0x66: {  	s26 =	simm.s32 $0x480;
	[sflag:s6] =	ssyncadd.s32 $0xFFFFC180  }
0x67: {  	[tilespmem:s12], [sflag:$0x2] =	stream.indirect.gather [hbm4b:s2+s9], $0x80, s26, s9, $0xb8;
	[tilespmem:$0x1D000] =	vst v63  }
0x68: {  	_ =	swait.ge [sflag:s13], $0x3E80  }
0x69: {  	[sflag:s13] =	ssyncset.done $0x0  }
0x6a: {  	s28 =	simm.s32 $0xC00;
	[sflag:s13] =	ssyncadd.s32 $0xFFFFC180  }
0x6b: {  	[spmem:s3] =	stream.indirect.scatter.add.f32 [tilespmem:s10], [sflag:$0x3], $0x80, s28, s9, $0xb8;
	[tilespmem:$0x1D000] =	vst v63  }
0x6c: {  	_ =	swait.ge [sflag:s6], $0x3E80  }
0x6d: {  	[sflag:s6] =	ssyncset.done $0x0  }
0x6e: {  	s29 =	simm.s32 $0x500;
	[sflag:s6] =	ssyncadd.s32 $0xFFFFC180  }
0x6f: {  	[tilespmem:s10], [sflag:$0x1] =	stream.indirect.gather [hbm4b:s2+s9], $0x80, s29, s9, $0xb8;
	[tilespmem:$0x1D000] =	vst v63  }
0x70: {  	_ =	swait.ge [sflag:s15], $0x3E80  }
0x71: {  	[sflag:s15] =	ssyncset.done $0x0  }
0x72: {  	s30 =	simm.s32 $0xC80;
	[sflag:s15] =	ssyncadd.s32 $0xFFFFC180  }
0x73: {  	[spmem:s3] =	stream.indirect.scatter.add.f32 [tilespmem:s12], [sflag:$0x3], $0x80, s30, s9, $0xb8;
	[tilespmem:$0x1D000] =	vst v63  }
0x74: {  	_ =	swait.ge [sflag:s6], $0x3E80  }
0x75: {  	[sflag:s6] =	ssyncset.done $0x0  }
0x76: {  	s31 =	simm.s32 $0x580;
	[sflag:s6] =	ssyncadd.s32 $0xFFFFC180  }
0x77: {  	[tilespmem:s12], [sflag:$0x2] =	stream.indirect.gather [hbm4b:s2+s9], $0x80, s31, s9, $0xb8;
	[tilespmem:$0x1D000] =	vst v63  }
0x78: {  	_ =	swait.ge [sflag:s13], $0x3E80  }
0x79: {  	[sflag:s13] =	ssyncset.done $0x0  }
0x7a: {  	s1 =	simm.s32 $0xD00;
	[sflag:s13] =	ssyncadd.s32 $0xFFFFC180  }
0x7b: {  	[spmem:s3] =	stream.indirect.scatter.add.f32 [tilespmem:s10], [sflag:$0x3], $0x80, s1, s9, $0xb8;
	[tilespmem:$0x1D000] =	vst v63  }
0x7c: {  	_ =	swait.ge [sflag:s6], $0x3E80  }
0x7d: {  	[sflag:s6] =	ssyncset.done $0x0  }
0x7e: {  	s4 =	simm.s32 $0x600;
	[sflag:s6] =	ssyncadd.s32 $0xFFFFC180  }
0x7f: {  	[tilespmem:s10], [sflag:$0x1] =	stream.indirect.gather [hbm4b:s2+s9], $0x80, s4, s9, $0xb8;
	[tilespmem:$0x1D000] =	vst v63  }
0x80: {  	_ =	swait.ge [sflag:s15], $0x3E80  }
0x81: {  	[sflag:s15] =	ssyncset.done $0x0  }
0x82: {  	s5 =	simm.s32 $0xD80;
	[sflag:s15] =	ssyncadd.s32 $0xFFFFC180  }
0x83: {  	[spmem:s3] =	stream.indirect.scatter.add.f32 [tilespmem:s12], [sflag:$0x3], $0x80, s5, s9, $0xb8;
	[tilespmem:$0x1D000] =	vst v63  }
0x84: {  	_ =	swait.ge [sflag:s6], $0x3E80  }
0x85: {  	[sflag:s6] =	ssyncset.done $0x0  }
0x86: {  	s7 =	simm.s32 $0x680;
	[sflag:s6] =	ssyncadd.s32 $0xFFFFC180  }
0x87: {  	[tilespmem:s12], [sflag:$0x2] =	stream.indirect.gather [hbm4b:s2+s9], $0x80, s7, s9, $0xb8;
	[tilespmem:$0x1D000] =	vst v63  }
0x88: {  	_ =	swait.ge [sflag:s13], $0x3E80  }
0x89: {  	[sflag:s13] =	ssyncset.done $0x0  }
0x8a: {  	s8 =	simm.s32 $0xE00;
	[sflag:s13] =	ssyncadd.s32 $0xFFFFC180  }
0x8b: {  	[spmem:s3] =	stream.indirect.scatter.add.f32 [tilespmem:s10], [sflag:$0x3], $0x80, s8, s9, $0xb8;
	[tilespmem:$0x1D000] =	vst v63  }
0x8c: {  	_ =	swait.ge [sflag:s6], $0x3E80  }
0x8d: {  	[sflag:s6] =	ssyncset.done $0x0  }
0x8e: {  	s11 =	simm.s32 $0x700;
	[sflag:s6] =	ssyncadd.s32 $0xFFFFC180  }
0x8f: {  	[tilespmem:s10], [sflag:$0x1] =	stream.indirect.gather [hbm4b:s2+s9], $0x80, s11, s9, $0xb8;
	[tilespmem:$0x1D000] =	vst v63  }
0x90: {  	_ =	swait.ge [sflag:s15], $0x3E80  }
0x91: {  	[sflag:s15] =	ssyncset.done $0x0  }
0x92: {  	s14 =	simm.s32 $0xE80;
	[sflag:s15] =	ssyncadd.s32 $0xFFFFC180  }
0x93: {  	[spmem:s3] =	stream.indirect.scatter.add.f32 [tilespmem:s12], [sflag:$0x3], $0x80, s14, s9, $0xb8;
	[tilespmem:$0x1D000] =	vst v63  }
0x94: {  	_ =	swait.ge [sflag:s6], $0x3E80  }
0x95: {  	[sflag:s6] =	ssyncset.done $0x0  }
0x96: {  	s17 =	simm.s32 $0x780;
	[sflag:s6] =	ssyncadd.s32 $0xFFFFC180  }
0x97: {  	[tilespmem:s12], [sflag:$0x2] =	stream.indirect.gather [hbm4b:s2+s9], $0x80, s17, s9, $0xb8;
	[tilespmem:$0x1D000] =	vst v63  }
0x98: {  	_ =	swait.ge [sflag:s13], $0x3E80  }
0x99: {  	[sflag:s13] =	ssyncset.done $0x0  }
0x9a: {  	s18 =	simm.s32 $0xF00;
	[sflag:s13] =	ssyncadd.s32 $0xFFFFC180  }
0x9b: {  	[spmem:s3] =	stream.indirect.scatter.add.f32 [tilespmem:s10], [sflag:$0x3], $0x80, s18, s9, $0xb8;
	[tilespmem:$0x1D000] =	vst v63  }
0x9c: {  	_ =	swait.ge [sflag:s6], $0x3E80  }
0x9d: {  	[sflag:s6] =	ssyncset.done $0x0  }
0x9e: {  	[sflag:s6] =	ssyncadd.s32 $0xFFFFC180  }
0x9f: {  	_ =	swait.ge [sflag:s15], $0x3E80  }
0xa0: {  	[sflag:s15] =	ssyncset.done $0x0  }
0xa1: {  	s19 =	simm.s32 $0xF80;
	[sflag:s15] =	ssyncadd.s32 $0xFFFFC180  }
0xa2: {  	[spmem:s3] =	stream.indirect.scatter.add.f32 [tilespmem:s12], [sflag:$0x3], $0x80, s19, s9, $0xb8;
	[tilespmem:$0x1D000] =	vst v63  }
0xa3: {  	_ =	swait.ge [sflag:s6], $0x3E80  }
0xa4: {  	[sflag:s6] =	ssyncset.done $0x0  }
0xa5: {  	s23 =	rddreg [dreg:$0x7];
	[sflag:s6] =	ssyncadd.s32 $0xFFFFC180  }
0xa6: {  	[tilespmem:s16], [sflag:$0x3] =	stream.linear.gather [hbm4b:s23+s16], $0x800, $0x38;
	[tilespmem:$0x1D000] =	vst v63  }
0xa7: {  	_ =	swait.ge [sflag:s6], $0x800  }
0xa8: {  	[sflag:s6] =	ssyncset.done $0x0  }
0xa9: {  	s21 =	simm.s32 $0x800;
	s20 =	rddreg [dreg:$0x8];
	[sflag:s6] =	ssyncadd.s32 $0xFFFFF800  }
0xaa: {  	[tilespmem:s21], [sflag:$0x3] =	stream.linear.gather [hbm4b:s20+s16], $0x800, $0x38;
	[tilespmem:$0x1D000] =	vst v63  }
0xab: {  	_ =	swait.ge [sflag:s6], $0x800  }
0xac: {  	[sflag:s6] =	ssyncset.done $0x0  }
0xad: {  	[sflag:s6] =	ssyncadd.s32 $0xFFFFF800  }
0xae: {  	[tilespmem:s10], [sflag:$0x1] =	stream.indirect.gather [hbm4b:s2+s9], $0x80, s16, s9, $0xb8;
	[tilespmem:$0x1D000] =	vst v63  }
0xaf: {  	s22 =	simm.s32 $0x80  }
0xb0: {  	[tilespmem:s12], [sflag:$0x2] =	stream.indirect.gather [hbm4b:s2+s9], $0x80, s22, s9, $0xb8;
	[tilespmem:$0x1D000] =	vst v63  }
0xb1: {  	_ =	swait.ge [sflag:s13], $0x3E80  }
0xb2: {  	[sflag:s13] =	ssyncset.done $0x0  }
0xb3: {  	[sflag:s13] =	ssyncadd.s32 $0xFFFFC180  }
0xb4: {  	[spmem:s3] =	stream.indirect.scatter.add.f32 [tilespmem:s10], [sflag:$0x3], $0x80, s21, s9, $0xb8;
	[tilespmem:$0x1D000] =	vst v63  }
0xb5: {  	_ =	swait.ge [sflag:s6], $0x3E80  }
0xb6: {  	[sflag:s6] =	ssyncset.done $0x0  }
0xb7: {  	s1 =	simm.s32 $0x100;
	[sflag:s6] =	ssyncadd.s32 $0xFFFFC180  }
0xb8: {  	[tilespmem:s10], [sflag:$0x1] =	stream.indirect.gather [hbm4b:s2+s9], $0x80, s1, s9, $0xb8;
	[tilespmem:$0x1D000] =	vst v63  }
0xb9: {  	_ =	swait.ge [sflag:s15], $0x3E80  }
0xba: {  	[sflag:s15] =	ssyncset.done $0x0  }
0xbb: {  	s4 =	simm.s32 $0x880;
	[sflag:s15] =	ssyncadd.s32 $0xFFFFC180  }
0xbc: {  	[spmem:s3] =	stream.indirect.scatter.add.f32 [tilespmem:s12], [sflag:$0x3], $0x80, s4, s9, $0xb8;
	[tilespmem:$0x1D000] =	vst v63  }
0xbd: {  	_ =	swait.ge [sflag:s6], $0x3E80  }
0xbe: {  	[sflag:s6] =	ssyncset.done $0x0  }
0xbf: {  	s5 =	simm.s32 $0x180;
	[sflag:s6] =	ssyncadd.s32 $0xFFFFC180  }
0xc0: {  	[tilespmem:s12], [sflag:$0x2] =	stream.indirect.gather [hbm4b:s2+s9], $0x80, s5, s9, $0xb8;
	[tilespmem:$0x1D000] =	vst v63  }
0xc1: {  	_ =	swait.ge [sflag:s13], $0x3E80  }
0xc2: {  	[sflag:s13] =	ssyncset.done $0x0  }
0xc3: {  	s7 =	simm.s32 $0x900;
	[sflag:s13] =	ssyncadd.s32 $0xFFFFC180  }
0xc4: {  	[spmem:s3] =	stream.indirect.scatter.add.f32 [tilespmem:s10], [sflag:$0x3], $0x80, s7, s9, $0xb8;
	[tilespmem:$0x1D000] =	vst v63  }
0xc5: {  	_ =	swait.ge [sflag:s6], $0x3E80  }
0xc6: {  	[sflag:s6] =	ssyncset.done $0x0  }
0xc7: {  	s8 =	simm.s32 $0x200;
	[sflag:s6] =	ssyncadd.s32 $0xFFFFC180  }
0xc8: {  	[tilespmem:s10], [sflag:$0x1] =	stream.indirect.gather [hbm4b:s2+s9], $0x80, s8, s9, $0xb8;
	[tilespmem:$0x1D000] =	vst v63  }
0xc9: {  	_ =	swait.ge [sflag:s15], $0x3E80  }
0xca: {  	[sflag:s15] =	ssyncset.done $0x0  }
0xcb: {  	s11 =	simm.s32 $0x980;
	[sflag:s15] =	ssyncadd.s32 $0xFFFFC180  }
0xcc: {  	[spmem:s3] =	stream.indirect.scatter.add.f32 [tilespmem:s12], [sflag:$0x3], $0x80, s11, s9, $0xb8;
	[tilespmem:$0x1D000] =	vst v63  }
0xcd: {  	_ =	swait.ge [sflag:s6], $0x3E80  }
0xce: {  	[sflag:s6] =	ssyncset.done $0x0  }
0xcf: {  	s14 =	simm.s32 $0x280;
	[sflag:s6] =	ssyncadd.s32 $0xFFFFC180  }
0xd0: {  	[tilespmem:s12], [sflag:$0x2] =	stream.indirect.gather [hbm4b:s2+s9], $0x80, s14, s9, $0xb8;
	[tilespmem:$0x1D000] =	vst v63  }
0xd1: {  	_ =	swait.ge [sflag:s13], $0x3E80  }
0xd2: {  	[sflag:s13] =	ssyncset.done $0x0  }
0xd3: {  	s17 =	simm.s32 $0xA00;
	[sflag:s13] =	ssyncadd.s32 $0xFFFFC180  }
0xd4: {  	[spmem:s3] =	stream.indirect.scatter.add.f32 [tilespmem:s10], [sflag:$0x3], $0x80, s17, s9, $0xb8;
	[tilespmem:$0x1D000] =	vst v63  }
0xd5: {  	_ =	swait.ge [sflag:s6], $0x3E80  }
0xd6: {  	[sflag:s6] =	ssyncset.done $0x0  }
0xd7: {  	s18 =	simm.s32 $0x300;
	[sflag:s6] =	ssyncadd.s32 $0xFFFFC180  }
0xd8: {  	[tilespmem:s10], [sflag:$0x1] =	stream.indirect.gather [hbm4b:s2+s9], $0x80, s18, s9, $0xb8;
	[tilespmem:$0x1D000] =	vst v63  }
0xd9: {  	_ =	swait.ge [sflag:s15], $0x3E80  }
0xda: {  	[sflag:s15] =	ssyncset.done $0x0  }
0xdb: {  	s19 =	simm.s32 $0xA80;
	[sflag:s15] =	ssyncadd.s32 $0xFFFFC180  }
0xdc: {  	[spmem:s3] =	stream.indirect.scatter.add.f32 [tilespmem:s12], [sflag:$0x3], $0x80, s19, s9, $0xb8;
	[tilespmem:$0x1D000] =	vst v63  }
0xdd: {  	_ =	swait.ge [sflag:s6], $0x3E80  }
0xde: {  	[sflag:s6] =	ssyncset.done $0x0  }
0xdf: {  	s20 =	simm.s32 $0x380;
	[sflag:s6] =	ssyncadd.s32 $0xFFFFC180  }
0xe0: {  	[tilespmem:s12], [sflag:$0x2] =	stream.indirect.gather [hbm4b:s2+s9], $0x80, s20, s9, $0xb8;
	[tilespmem:$0x1D000] =	vst v63  }
0xe1: {  	_ =	swait.ge [sflag:s13], $0x3E80  }
0xe2: {  	[sflag:s13] =	ssyncset.done $0x0  }
0xe3: {  	s21 =	simm.s32 $0xB00;
	[sflag:s13] =	ssyncadd.s32 $0xFFFFC180  }
0xe4: {  	[spmem:s3] =	stream.indirect.scatter.add.f32 [tilespmem:s10], [sflag:$0x3], $0x80, s21, s9, $0xb8;
	[tilespmem:$0x1D000] =	vst v63  }
0xe5: {  	_ =	swait.ge [sflag:s6], $0x3E80  }
0xe6: {  	[sflag:s6] =	ssyncset.done $0x0  }
0xe7: {  	s22 =	simm.s32 $0x400;
	[sflag:s6] =	ssyncadd.s32 $0xFFFFC180  }
0xe8: {  	[tilespmem:s10], [sflag:$0x1] =	stream.indirect.gather [hbm4b:s2+s9], $0x80, s22, s9, $0xb8;
	[tilespmem:$0x1D000] =	vst v63  }
0xe9: {  	_ =	swait.ge [sflag:s15], $0x3E80  }
0xea: {  	[sflag:s15] =	ssyncset.done $0x0  }
0xeb: {  	s24 =	simm.s32 $0xB80;
	[sflag:s15] =	ssyncadd.s32 $0xFFFFC180  }
0xec: {  	[spmem:s3] =	stream.indirect.scatter.add.f32 [tilespmem:s12], [sflag:$0x3], $0x80, s24, s9, $0xb8;
	[tilespmem:$0x1D000] =	vst v63  }
0xed: {  	_ =	swait.ge [sflag:s6], $0x3E80  }
0xee: {  	[sflag:s6] =	ssyncset.done $0x0  }
0xef: {  	s25 =	simm.s32 $0x480;
	[sflag:s6] =	ssyncadd.s32 $0xFFFFC180  }
0xf0: {  	[tilespmem:s12], [sflag:$0x2] =	stream.indirect.gather [hbm4b:s2+s9], $0x80, s25, s9, $0xb8;
	[tilespmem:$0x1D000] =	vst v63  }
0xf1: {  	_ =	swait.ge [sflag:s13], $0x3E80  }
0xf2: {  	[sflag:s13] =	ssyncset.done $0x0  }
0xf3: {  	s26 =	simm.s32 $0xC00;
	[sflag:s13] =	ssyncadd.s32 $0xFFFFC180  }
0xf4: {  	[spmem:s3] =	stream.indirect.scatter.add.f32 [tilespmem:s10], [sflag:$0x3], $0x80, s26, s9, $0xb8;
	[tilespmem:$0x1D000] =	vst v63  }
0xf5: {  	_ =	swait.ge [sflag:s6], $0x3E80  }
0xf6: {  	[sflag:s6] =	ssyncset.done $0x0  }
0xf7: {  	s28 =	simm.s32 $0x500;
	[sflag:s6] =	ssyncadd.s32 $0xFFFFC180  }
0xf8: {  	[tilespmem:s10], [sflag:$0x1] =	stream.indirect.gather [hbm4b:s2+s9], $0x80, s28, s9, $0xb8;
	[tilespmem:$0x1D000] =	vst v63  }
0xf9: {  	_ =	swait.ge [sflag:s15], $0x3E80  }
0xfa: {  	[sflag:s15] =	ssyncset.done $0x0  }
0xfb: {  	s29 =	simm.s32 $0xC80;
	[sflag:s15] =	ssyncadd.s32 $0xFFFFC180  }
0xfc: {  	[spmem:s3] =	stream.indirect.scatter.add.f32 [tilespmem:s12], [sflag:$0x3], $0x80, s29, s9, $0xb8;
	[tilespmem:$0x1D000] =	vst v63  }
0xfd: {  	_ =	swait.ge [sflag:s6], $0x3E80  }
0xfe: {  	[sflag:s6] =	ssyncset.done $0x0  }
0xff: {  	s30 =	simm.s32 $0x580;
	[sflag:s6] =	ssyncadd.s32 $0xFFFFC180  }
0x100: {  	[tilespmem:s12], [sflag:$0x2] =	stream.indirect.gather [hbm4b:s2+s9], $0x80, s30, s9, $0xb8;
	[tilespmem:$0x1D000] =	vst v63  }
0x101: {  	_ =	swait.ge [sflag:s13], $0x3E80  }
0x102: {  	[sflag:s13] =	ssyncset.done $0x0  }
0x103: {  	s31 =	simm.s32 $0xD00;
	[sflag:s13] =	ssyncadd.s32 $0xFFFFC180  }
0x104: {  	[spmem:s3] =	stream.indirect.scatter.add.f32 [tilespmem:s10], [sflag:$0x3], $0x80, s31, s9, $0xb8;
	[tilespmem:$0x1D000] =	vst v63  }
0x105: {  	_ =	swait.ge [sflag:s6], $0x3E80  }
0x106: {  	[sflag:s6] =	ssyncset.done $0x0  }
0x107: {  	s23 =	simm.s32 $0x600;
	[sflag:s6] =	ssyncadd.s32 $0xFFFFC180  }
0x108: {  	[tilespmem:s10], [sflag:$0x1] =	stream.indirect.gather [hbm4b:s2+s9], $0x80, s23, s9, $0xb8;
	[tilespmem:$0x1D000] =	vst v63  }
0x109: {  	_ =	swait.ge [sflag:s15], $0x3E80  }
0x10a: {  	[sflag:s15] =	ssyncset.done $0x0  }
0x10b: {  	s23 =	simm.s32 $0xD80;
	[sflag:s15] =	ssyncadd.s32 $0xFFFFC180  }
0x10c: {  	[spmem:s3] =	stream.indirect.scatter.add.f32 [tilespmem:s12], [sflag:$0x3], $0x80, s23, s9, $0xb8;
	[tilespmem:$0x1D000] =	vst v63  }
0x10d: {  	_ =	swait.ge [sflag:s6], $0x3E80  }
0x10e: {  	[sflag:s6] =	ssyncset.done $0x0  }
0x10f: {  	s23 =	simm.s32 $0x680;
	[sflag:s6] =	ssyncadd.s32 $0xFFFFC180  }
0x110: {  	[tilespmem:s12], [sflag:$0x2] =	stream.indirect.gather [hbm4b:s2+s9], $0x80, s23, s9, $0xb8;
	[tilespmem:$0x1D000] =	vst v63  }
0x111: {  	_ =	swait.ge [sflag:s13], $0x3E80  }
0x112: {  	[sflag:s13] =	ssyncset.done $0x0  }
0x113: {  	s23 =	simm.s32 $0xE00;
	[sflag:s13] =	ssyncadd.s32 $0xFFFFC180  }
0x114: {  	[spmem:s3] =	stream.indirect.scatter.add.f32 [tilespmem:s10], [sflag:$0x3], $0x80, s23, s9, $0xb8;
	[tilespmem:$0x1D000] =	vst v63  }
0x115: {  	_ =	swait.ge [sflag:s6], $0x3E80  }
0x116: {  	[sflag:s6] =	ssyncset.done $0x0  }
0x117: {  	s23 =	simm.s32 $0x700;
	[sflag:s6] =	ssyncadd.s32 $0xFFFFC180  }
0x118: {  	[tilespmem:s10], [sflag:$0x1] =	stream.indirect.gather [hbm4b:s2+s9], $0x80, s23, s9, $0xb8;
	[tilespmem:$0x1D000] =	vst v63  }
0x119: {  	_ =	swait.ge [sflag:s15], $0x3E80  }
0x11a: {  	[sflag:s15] =	ssyncset.done $0x0  }
0x11b: {  	s23 =	simm.s32 $0xE80;
	[sflag:s15] =	ssyncadd.s32 $0xFFFFC180  }
0x11c: {  	[spmem:s3] =	stream.indirect.scatter.add.f32 [tilespmem:s12], [sflag:$0x3], $0x80, s23, s9, $0xb8;
	[tilespmem:$0x1D000] =	vst v63  }
0x11d: {  	_ =	swait.ge [sflag:s6], $0x3E80  }
0x11e: {  	[sflag:s6] =	ssyncset.done $0x0  }
0x11f: {  	s23 =	simm.s32 $0x780;
	[sflag:s6] =	ssyncadd.s32 $0xFFFFC180  }
0x120: {  	[tilespmem:s12], [sflag:$0x2] =	stream.indirect.gather [hbm4b:s2+s9], $0x80, s23, s9, $0xb8;
	[tilespmem:$0x1D000] =	vst v63  }
0x121: {  	_ =	swait.ge [sflag:s13], $0x3E80  }
0x122: {  	[sflag:s13] =	ssyncset.done $0x0  }
0x123: {  	s23 =	simm.s32 $0xF00;
	[sflag:s13] =	ssyncadd.s32 $0xFFFFC180  }
0x124: {  	[spmem:s3] =	stream.indirect.scatter.add.f32 [tilespmem:s10], [sflag:$0x3], $0x80, s23, s9, $0xb8;
	[tilespmem:$0x1D000] =	vst v63  }
0x125: {  	_ =	swait.ge [sflag:s6], $0x3E80  }
0x126: {  	[sflag:s6] =	ssyncset.done $0x0  }
0x127: {  	[sflag:s6] =	ssyncadd.s32 $0xFFFFC180  }
0x128: {  	_ =	swait.ge [sflag:s15], $0x3E80  }
0x129: {  	[sflag:s15] =	ssyncset.done $0x0  }
0x12a: {  	s23 =	simm.s32 $0xF80;
	[sflag:s15] =	ssyncadd.s32 $0xFFFFC180  }
0x12b: {  	[spmem:s3] =	stream.indirect.scatter.add.f32 [tilespmem:s12], [sflag:$0x3], $0x80, s23, s9, $0xb8;
	[tilespmem:$0x1D000] =	vst v63  }
0x12c: {  	_ =	swait.ge [sflag:s6], $0x3E80  }
0x12d: {  	[sflag:s6] =	ssyncset.done $0x0  }
0x12e: {  	s23 =	rddreg [dreg:$0x9];
	[sflag:s6] =	ssyncadd.s32 $0xFFFFC180  }
0x12f: {  	[tilespmem:s16], [sflag:$0x3] =	stream.linear.gather [hbm4b:s23+s16], $0x800, $0x38;
	[tilespmem:$0x1D000] =	vst v63  }
0x130: {  	_ =	swait.ge [sflag:s6], $0x800  }
0x131: {  	[sflag:s6] =	ssyncset.done $0x0  }
0x132: {  	s0 =	simm.s32 $0x800;
	s23 =	rddreg [dreg:$0xa];
	[sflag:s6] =	ssyncadd.s32 $0xFFFFF800  }
0x133: {  	[tilespmem:s0], [sflag:$0x3] =	stream.linear.gather [hbm4b:s23+s16], $0x800, $0x38;
	[tilespmem:$0x1D000] =	vst v63  }
0x134: {  	_ =	swait.ge [sflag:s6], $0x800  }
0x135: {  	[sflag:s6] =	ssyncset.done $0x0  }
0x136: {  	[sflag:s6] =	ssyncadd.s32 $0xFFFFF800  }
0x137: {  	[tilespmem:s10], [sflag:$0x1] =	stream.indirect.gather [hbm4b:s2+s9], $0x80, s16, s9, $0xb8;
	[tilespmem:$0x1D000] =	vst v63  }
0x138: {  	s23 =	simm.s32 $0x80  }
0x139: {  	[tilespmem:s12], [sflag:$0x2] =	stream.indirect.gather [hbm4b:s2+s9], $0x80, s23, s9, $0xb8;
	[tilespmem:$0x1D000] =	vst v63  }
0x13a: {  	_ =	swait.ge [sflag:s13], $0x3E80  }
0x13b: {  	[sflag:s13] =	ssyncset.done $0x0  }
0x13c: {  	[sflag:s13] =	ssyncadd.s32 $0xFFFFC180  }
0x13d: {  	[spmem:s3] =	stream.indirect.scatter.add.f32 [tilespmem:s10], [sflag:$0x3], $0x80, s0, s9, $0xb8;
	[tilespmem:$0x1D000] =	vst v63  }
0x13e: {  	_ =	swait.ge [sflag:s6], $0x3E80  }
0x13f: {  	[sflag:s6] =	ssyncset.done $0x0  }
0x140: {  	[sflag:s6] =	ssyncadd.s32 $0xFFFFC180  }
0x141: {  	[tilespmem:s10], [sflag:$0x1] =	stream.indirect.gather [hbm4b:s2+s9], $0x80, s1, s9, $0xb8;
	[tilespmem:$0x1D000] =	vst v63  }
0x142: {  	_ =	swait.ge [sflag:s15], $0x3E80  }
0x143: {  	[sflag:s15] =	ssyncset.done $0x0  }
0x144: {  	[sflag:s15] =	ssyncadd.s32 $0xFFFFC180  }
0x145: {  	[spmem:s3] =	stream.indirect.scatter.add.f32 [tilespmem:s12], [sflag:$0x3], $0x80, s4, s9, $0xb8;
	[tilespmem:$0x1D000] =	vst v63  }
0x146: {  	_ =	swait.ge [sflag:s6], $0x3E80  }
0x147: {  	[sflag:s6] =	ssyncset.done $0x0  }
0x148: {  	[sflag:s6] =	ssyncadd.s32 $0xFFFFC180  }
0x149: {  	[tilespmem:s12], [sflag:$0x2] =	stream.indirect.gather [hbm4b:s2+s9], $0x80, s5, s9, $0xb8;
	[tilespmem:$0x1D000] =	vst v63  }
0x14a: {  	_ =	swait.ge [sflag:s13], $0x3E80  }
0x14b: {  	[sflag:s13] =	ssyncset.done $0x0  }
0x14c: {  	[sflag:s13] =	ssyncadd.s32 $0xFFFFC180  }
0x14d: {  	[spmem:s3] =	stream.indirect.scatter.add.f32 [tilespmem:s10], [sflag:$0x3], $0x80, s7, s9, $0xb8;
	[tilespmem:$0x1D000] =	vst v63  }
0x14e: {  	_ =	swait.ge [sflag:s6], $0x3E80  }
0x14f: {  	[sflag:s6] =	ssyncset.done $0x0  }
0x150: {  	[sflag:s6] =	ssyncadd.s32 $0xFFFFC180  }
0x151: {  	[tilespmem:s10], [sflag:$0x1] =	stream.indirect.gather [hbm4b:s2+s9], $0x80, s8, s9, $0xb8;
	[tilespmem:$0x1D000] =	vst v63  }
0x152: {  	_ =	swait.ge [sflag:s15], $0x3E80  }
0x153: {  	[sflag:s15] =	ssyncset.done $0x0  }
0x154: {  	[sflag:s15] =	ssyncadd.s32 $0xFFFFC180  }
0x155: {  	[spmem:s3] =	stream.indirect.scatter.add.f32 [tilespmem:s12], [sflag:$0x3], $0x80, s11, s9, $0xb8;
	[tilespmem:$0x1D000] =	vst v63  }
0x156: {  	_ =	swait.ge [sflag:s6], $0x3E80  }
0x157: {  	[sflag:s6] =	ssyncset.done $0x0  }
0x158: {  	[sflag:s6] =	ssyncadd.s32 $0xFFFFC180  }
0x159: {  	[tilespmem:s12], [sflag:$0x2] =	stream.indirect.gather [hbm4b:s2+s9], $0x80, s14, s9, $0xb8;
	[tilespmem:$0x1D000] =	vst v63  }
0x15a: {  	_ =	swait.ge [sflag:s13], $0x3E80  }
0x15b: {  	[sflag:s13] =	ssyncset.done $0x0  }
0x15c: {  	[sflag:s13] =	ssyncadd.s32 $0xFFFFC180  }
0x15d: {  	[spmem:s3] =	stream.indirect.scatter.add.f32 [tilespmem:s10], [sflag:$0x3], $0x80, s17, s9, $0xb8;
	[tilespmem:$0x1D000] =	vst v63  }
0x15e: {  	_ =	swait.ge [sflag:s6], $0x3E80  }
0x15f: {  	[sflag:s6] =	ssyncset.done $0x0  }
0x160: {  	[sflag:s6] =	ssyncadd.s32 $0xFFFFC180  }
0x161: {  	[tilespmem:s10], [sflag:$0x1] =	stream.indirect.gather [hbm4b:s2+s9], $0x80, s18, s9, $0xb8;
	[tilespmem:$0x1D000] =	vst v63  }
0x162: {  	_ =	swait.ge [sflag:s15], $0x3E80  }
0x163: {  	[sflag:s15] =	ssyncset.done $0x0  }
0x164: {  	[sflag:s15] =	ssyncadd.s32 $0xFFFFC180  }
0x165: {  	[spmem:s3] =	stream.indirect.scatter.add.f32 [tilespmem:s12], [sflag:$0x3], $0x80, s19, s9, $0xb8;
	[tilespmem:$0x1D000] =	vst v63  }
0x166: {  	_ =	swait.ge [sflag:s6], $0x3E80  }
0x167: {  	[sflag:s6] =	ssyncset.done $0x0  }
0x168: {  	[sflag:s6] =	ssyncadd.s32 $0xFFFFC180  }
0x169: {  	[tilespmem:s12], [sflag:$0x2] =	stream.indirect.gather [hbm4b:s2+s9], $0x80, s20, s9, $0xb8;
	[tilespmem:$0x1D000] =	vst v63  }
0x16a: {  	_ =	swait.ge [sflag:s13], $0x3E80  }
0x16b: {  	[sflag:s13] =	ssyncset.done $0x0  }
0x16c: {  	[sflag:s13] =	ssyncadd.s32 $0xFFFFC180  }
0x16d: {  	[spmem:s3] =	stream.indirect.scatter.add.f32 [tilespmem:s10], [sflag:$0x3], $0x80, s21, s9, $0xb8;
	[tilespmem:$0x1D000] =	vst v63  }
0x16e: {  	_ =	swait.ge [sflag:s6], $0x3E80  }
0x16f: {  	[sflag:s6] =	ssyncset.done $0x0  }
0x170: {  	[sflag:s6] =	ssyncadd.s32 $0xFFFFC180  }
0x171: {  	[tilespmem:s10], [sflag:$0x1] =	stream.indirect.gather [hbm4b:s2+s9], $0x80, s22, s9, $0xb8;
	[tilespmem:$0x1D000] =	vst v63  }
0x172: {  	_ =	swait.ge [sflag:s15], $0x3E80  }
0x173: {  	[sflag:s15] =	ssyncset.done $0x0  }
0x174: {  	[sflag:s15] =	ssyncadd.s32 $0xFFFFC180  }
0x175: {  	[spmem:s3] =	stream.indirect.scatter.add.f32 [tilespmem:s12], [sflag:$0x3], $0x80, s24, s9, $0xb8;
	[tilespmem:$0x1D000] =	vst v63  }
0x176: {  	_ =	swait.ge [sflag:s6], $0x3E80  }
0x177: {  	[sflag:s6] =	ssyncset.done $0x0  }
0x178: {  	[sflag:s6] =	ssyncadd.s32 $0xFFFFC180  }
0x179: {  	[tilespmem:s12], [sflag:$0x2] =	stream.indirect.gather [hbm4b:s2+s9], $0x80, s25, s9, $0xb8;
	[tilespmem:$0x1D000] =	vst v63  }
0x17a: {  	_ =	swait.ge [sflag:s13], $0x3E80  }
0x17b: {  	[sflag:s13] =	ssyncset.done $0x0  }
0x17c: {  	[sflag:s13] =	ssyncadd.s32 $0xFFFFC180  }
0x17d: {  	[spmem:s3] =	stream.indirect.scatter.add.f32 [tilespmem:s10], [sflag:$0x3], $0x80, s26, s9, $0xb8;
	[tilespmem:$0x1D000] =	vst v63  }
0x17e: {  	_ =	swait.ge [sflag:s6], $0x3E80  }
0x17f: {  	[sflag:s6] =	ssyncset.done $0x0  }
0x180: {  	[sflag:s6] =	ssyncadd.s32 $0xFFFFC180  }
0x181: {  	[tilespmem:s10], [sflag:$0x1] =	stream.indirect.gather [hbm4b:s2+s9], $0x80, s28, s9, $0xb8;
	[tilespmem:$0x1D000] =	vst v63  }
0x182: {  	_ =	swait.ge [sflag:s15], $0x3E80  }
0x183: {  	[sflag:s15] =	ssyncset.done $0x0  }
0x184: {  	[sflag:s15] =	ssyncadd.s32 $0xFFFFC180  }
0x185: {  	[spmem:s3] =	stream.indirect.scatter.add.f32 [tilespmem:s12], [sflag:$0x3], $0x80, s29, s9, $0xb8;
	[tilespmem:$0x1D000] =	vst v63  }
0x186: {  	_ =	swait.ge [sflag:s6], $0x3E80  }
0x187: {  	[sflag:s6] =	ssyncset.done $0x0  }
0x188: {  	[sflag:s6] =	ssyncadd.s32 $0xFFFFC180  }
0x189: {  	[tilespmem:s12], [sflag:$0x2] =	stream.indirect.gather [hbm4b:s2+s9], $0x80, s30, s9, $0xb8;
	[tilespmem:$0x1D000] =	vst v63  }
0x18a: {  	_ =	swait.ge [sflag:s13], $0x3E80  }
0x18b: {  	[sflag:s13] =	ssyncset.done $0x0  }
0x18c: {  	[sflag:s13] =	ssyncadd.s32 $0xFFFFC180  }
0x18d: {  	[spmem:s3] =	stream.indirect.scatter.add.f32 [tilespmem:s10], [sflag:$0x3], $0x80, s31, s9, $0xb8;
	[tilespmem:$0x1D000] =	vst v63  }
0x18e: {  	_ =	swait.ge [sflag:s6], $0x3E80  }
0x18f: {  	[sflag:s6] =	ssyncset.done $0x0  }
0x190: {  	s23 =	simm.s32 $0x600;
	[sflag:s6] =	ssyncadd.s32 $0xFFFFC180  }
0x191: {  	[tilespmem:s10], [sflag:$0x1] =	stream.indirect.gather [hbm4b:s2+s9], $0x80, s23, s9, $0xb8;
	[tilespmem:$0x1D000] =	vst v63  }
0x192: {  	_ =	swait.ge [sflag:s15], $0x3E80  }
0x193: {  	[sflag:s15] =	ssyncset.done $0x0  }
0x194: {  	s24 =	simm.s32 $0xD80;
	[sflag:s15] =	ssyncadd.s32 $0xFFFFC180  }
0x195: {  	[spmem:s3] =	stream.indirect.scatter.add.f32 [tilespmem:s12], [sflag:$0x3], $0x80, s24, s9, $0xb8;
	[tilespmem:$0x1D000] =	vst v63  }
0x196: {  	_ =	swait.ge [sflag:s6], $0x3E80  }
0x197: {  	[sflag:s6] =	ssyncset.done $0x0  }
0x198: {  	s25 =	simm.s32 $0x680;
	[sflag:s6] =	ssyncadd.s32 $0xFFFFC180  }
0x199: {  	[tilespmem:s12], [sflag:$0x2] =	stream.indirect.gather [hbm4b:s2+s9], $0x80, s25, s9, $0xb8;
	[tilespmem:$0x1D000] =	vst v63  }
0x19a: {  	_ =	swait.ge [sflag:s13], $0x3E80  }
0x19b: {  	[sflag:s13] =	ssyncset.done $0x0  }
0x19c: {  	s26 =	simm.s32 $0xE00;
	[sflag:s13] =	ssyncadd.s32 $0xFFFFC180  }
0x19d: {  	[spmem:s3] =	stream.indirect.scatter.add.f32 [tilespmem:s10], [sflag:$0x3], $0x80, s26, s9, $0xb8;
	[tilespmem:$0x1D000] =	vst v63  }
0x19e: {  	_ =	swait.ge [sflag:s6], $0x3E80  }
0x19f: {  	[sflag:s6] =	ssyncset.done $0x0  }
0x1a0: {  	s28 =	simm.s32 $0x700;
	[sflag:s6] =	ssyncadd.s32 $0xFFFFC180  }
0x1a1: {  	[tilespmem:s10], [sflag:$0x1] =	stream.indirect.gather [hbm4b:s2+s9], $0x80, s28, s9, $0xb8;
	[tilespmem:$0x1D000] =	vst v63  }
0x1a2: {  	_ =	swait.ge [sflag:s15], $0x3E80  }
0x1a3: {  	[sflag:s15] =	ssyncset.done $0x0  }
0x1a4: {  	s29 =	simm.s32 $0xE80;
	[sflag:s15] =	ssyncadd.s32 $0xFFFFC180  }
0x1a5: {  	[spmem:s3] =	stream.indirect.scatter.add.f32 [tilespmem:s12], [sflag:$0x3], $0x80, s29, s9, $0xb8;
	[tilespmem:$0x1D000] =	vst v63  }
0x1a6: {  	_ =	swait.ge [sflag:s6], $0x3E80  }
0x1a7: {  	[sflag:s6] =	ssyncset.done $0x0  }
0x1a8: {  	s30 =	simm.s32 $0x780;
	[sflag:s6] =	ssyncadd.s32 $0xFFFFC180  }
0x1a9: {  	[tilespmem:s12], [sflag:$0x2] =	stream.indirect.gather [hbm4b:s2+s9], $0x80, s30, s9, $0xb8;
	[tilespmem:$0x1D000] =	vst v63  }
0x1aa: {  	_ =	swait.ge [sflag:s13], $0x3E80  }
0x1ab: {  	[sflag:s13] =	ssyncset.done $0x0  }
0x1ac: {  	s31 =	simm.s32 $0xF00;
	[sflag:s13] =	ssyncadd.s32 $0xFFFFC180  }
0x1ad: {  	[spmem:s3] =	stream.indirect.scatter.add.f32 [tilespmem:s10], [sflag:$0x3], $0x80, s31, s9, $0xb8;
	[tilespmem:$0x1D000] =	vst v63  }
0x1ae: {  	_ =	swait.ge [sflag:s6], $0x3E80  }
0x1af: {  	[sflag:s6] =	ssyncset.done $0x0  }
0x1b0: {  	[sflag:s6] =	ssyncadd.s32 $0xFFFFC180  }
0x1b1: {  	_ =	swait.ge [sflag:s15], $0x3E80  }
0x1b2: {  	[sflag:s15] =	ssyncset.done $0x0  }
0x1b3: {  	s1 =	simm.s32 $0xF80;
	[sflag:s15] =	ssyncadd.s32 $0xFFFFC180  }
0x1b4: {  	[spmem:s3] =	stream.indirect.scatter.add.f32 [tilespmem:s12], [sflag:$0x3], $0x80, s1, s9, $0xb8;
	[tilespmem:$0x1D000] =	vst v63  }
0x1b5: {  	_ =	swait.ge [sflag:s6], $0x3E80  }
0x1b6: {  	[sflag:s6] =	ssyncset.done $0x0  }
0x1b7: {  	s4 =	rddreg [dreg:$0xb];
	[sflag:s6] =	ssyncadd.s32 $0xFFFFC180  }
0x1b8: {  	[tilespmem:s16], [sflag:$0x3] =	stream.linear.gather [hbm4b:s4+s16], $0x800, $0x38;
	[tilespmem:$0x1D000] =	vst v63  }
0x1b9: {  	_ =	swait.ge [sflag:s6], $0x800  }
0x1ba: {  	[sflag:s6] =	ssyncset.done $0x0  }
0x1bb: {  	s7 =	simm.s32 $0x800;
	s5 =	rddreg [dreg:$0xc];
	[sflag:s6] =	ssyncadd.s32 $0xFFFFF800  }
0x1bc: {  	[tilespmem:s7], [sflag:$0x3] =	stream.linear.gather [hbm4b:s5+s16], $0x800, $0x38;
	[tilespmem:$0x1D000] =	vst v63  }
0x1bd: {  	_ =	swait.ge [sflag:s6], $0x800  }
0x1be: {  	[sflag:s6] =	ssyncset.done $0x0  }
0x1bf: {  	[sflag:s6] =	ssyncadd.s32 $0xFFFFF800  }
0x1c0: {  	[tilespmem:s10], [sflag:$0x1] =	stream.indirect.gather [hbm4b:s2+s9], $0x80, s16, s9, $0xb8;
	[tilespmem:$0x1D000] =	vst v63  }
0x1c1: {  	s8 =	simm.s32 $0x80  }
0x1c2: {  	[tilespmem:s12], [sflag:$0x2] =	stream.indirect.gather [hbm4b:s2+s9], $0x80, s8, s9, $0xb8;
	[tilespmem:$0x1D000] =	vst v63  }
0x1c3: {  	_ =	swait.ge [sflag:s13], $0x3E80  }
0x1c4: {  	[sflag:s13] =	ssyncset.done $0x0  }
0x1c5: {  	[sflag:s13] =	ssyncadd.s32 $0xFFFFC180  }
0x1c6: {  	[spmem:s3] =	stream.indirect.scatter.add.f32 [tilespmem:s10], [sflag:$0x3], $0x80, s7, s9, $0xb8;
	[tilespmem:$0x1D000] =	vst v63  }
0x1c7: {  	_ =	swait.ge [sflag:s6], $0x3E80  }
0x1c8: {  	[sflag:s6] =	ssyncset.done $0x0  }
0x1c9: {  	s1 =	simm.s32 $0x100;
	[sflag:s6] =	ssyncadd.s32 $0xFFFFC180  }
0x1ca: {  	[tilespmem:s10], [sflag:$0x1] =	stream.indirect.gather [hbm4b:s2+s9], $0x80, s1, s9, $0xb8;
	[tilespmem:$0x1D000] =	vst v63  }
0x1cb: {  	_ =	swait.ge [sflag:s15], $0x3E80  }
0x1cc: {  	[sflag:s15] =	ssyncset.done $0x0  }
0x1cd: {  	s11 =	simm.s32 $0x880;
	[sflag:s15] =	ssyncadd.s32 $0xFFFFC180  }
0x1ce: {  	[spmem:s3] =	stream.indirect.scatter.add.f32 [tilespmem:s12], [sflag:$0x3], $0x80, s11, s9, $0xb8;
	[tilespmem:$0x1D000] =	vst v63  }
0x1cf: {  	_ =	swait.ge [sflag:s6], $0x3E80  }
0x1d0: {  	[sflag:s6] =	ssyncset.done $0x0  }
0x1d1: {  	s4 =	simm.s32 $0x180;
	[sflag:s6] =	ssyncadd.s32 $0xFFFFC180  }
0x1d2: {  	[tilespmem:s12], [sflag:$0x2] =	stream.indirect.gather [hbm4b:s2+s9], $0x80, s4, s9, $0xb8;
	[tilespmem:$0x1D000] =	vst v63  }
0x1d3: {  	_ =	swait.ge [sflag:s13], $0x3E80  }
0x1d4: {  	[sflag:s13] =	ssyncset.done $0x0  }
0x1d5: {  	s14 =	simm.s32 $0x900;
	[sflag:s13] =	ssyncadd.s32 $0xFFFFC180  }
0x1d6: {  	[spmem:s3] =	stream.indirect.scatter.add.f32 [tilespmem:s10], [sflag:$0x3], $0x80, s14, s9, $0xb8;
	[tilespmem:$0x1D000] =	vst v63  }
0x1d7: {  	_ =	swait.ge [sflag:s6], $0x3E80  }
0x1d8: {  	[sflag:s6] =	ssyncset.done $0x0  }
0x1d9: {  	s5 =	simm.s32 $0x200;
	[sflag:s6] =	ssyncadd.s32 $0xFFFFC180  }
0x1da: {  	[tilespmem:s10], [sflag:$0x1] =	stream.indirect.gather [hbm4b:s2+s9], $0x80, s5, s9, $0xb8;
	[tilespmem:$0x1D000] =	vst v63  }
0x1db: {  	_ =	swait.ge [sflag:s15], $0x3E80  }
0x1dc: {  	[sflag:s15] =	ssyncset.done $0x0  }
0x1dd: {  	s18 =	simm.s32 $0x980;
	[sflag:s15] =	ssyncadd.s32 $0xFFFFC180  }
0x1de: {  	[spmem:s3] =	stream.indirect.scatter.add.f32 [tilespmem:s12], [sflag:$0x3], $0x80, s18, s9, $0xb8;
	[tilespmem:$0x1D000] =	vst v63  }
0x1df: {  	_ =	swait.ge [sflag:s6], $0x3E80  }
0x1e0: {  	[sflag:s6] =	ssyncset.done $0x0  }
0x1e1: {  	s7 =	simm.s32 $0x280;
	[sflag:s6] =	ssyncadd.s32 $0xFFFFC180  }
0x1e2: {  	[tilespmem:s12], [sflag:$0x2] =	stream.indirect.gather [hbm4b:s2+s9], $0x80, s7, s9, $0xb8;
	[tilespmem:$0x1D000] =	vst v63  }
0x1e3: {  	_ =	swait.ge [sflag:s13], $0x3E80  }
0x1e4: {  	[sflag:s13] =	ssyncset.done $0x0  }
0x1e5: {  	s20 =	simm.s32 $0xA00;
	[sflag:s13] =	ssyncadd.s32 $0xFFFFC180  }
0x1e6: {  	[spmem:s3] =	stream.indirect.scatter.add.f32 [tilespmem:s10], [sflag:$0x3], $0x80, s20, s9, $0xb8;
	[tilespmem:$0x1D000] =	vst v63  }
0x1e7: {  	_ =	swait.ge [sflag:s6], $0x3E80  }
0x1e8: {  	[sflag:s6] =	ssyncset.done $0x0  }
0x1e9: {  	s8 =	simm.s32 $0x300;
	[sflag:s6] =	ssyncadd.s32 $0xFFFFC180  }
0x1ea: {  	[tilespmem:s10], [sflag:$0x1] =	stream.indirect.gather [hbm4b:s2+s9], $0x80, s8, s9, $0xb8;
	[tilespmem:$0x1D000] =	vst v63  }
0x1eb: {  	_ =	swait.ge [sflag:s15], $0x3E80  }
0x1ec: {  	[sflag:s15] =	ssyncset.done $0x0  }
0x1ed: {  	s22 =	simm.s32 $0xA80;
	[sflag:s15] =	ssyncadd.s32 $0xFFFFC180  }
0x1ee: {  	[spmem:s3] =	stream.indirect.scatter.add.f32 [tilespmem:s12], [sflag:$0x3], $0x80, s22, s9, $0xb8;
	[tilespmem:$0x1D000] =	vst v63  }
0x1ef: {  	_ =	swait.ge [sflag:s6], $0x3E80  }
0x1f0: {  	[sflag:s6] =	ssyncset.done $0x0  }
0x1f1: {  	s11 =	simm.s32 $0x380;
	[sflag:s6] =	ssyncadd.s32 $0xFFFFC180  }
0x1f2: {  	[tilespmem:s12], [sflag:$0x2] =	stream.indirect.gather [hbm4b:s2+s9], $0x80, s11, s9, $0xb8;
	[tilespmem:$0x1D000] =	vst v63  }
0x1f3: {  	_ =	swait.ge [sflag:s13], $0x3E80  }
0x1f4: {  	[sflag:s13] =	ssyncset.done $0x0  }
0x1f5: {  	s23 =	simm.s32 $0xB00;
	[sflag:s13] =	ssyncadd.s32 $0xFFFFC180  }
0x1f6: {  	[spmem:s3] =	stream.indirect.scatter.add.f32 [tilespmem:s10], [sflag:$0x3], $0x80, s23, s9, $0xb8;
	[tilespmem:$0x1D000] =	vst v63  }
0x1f7: {  	_ =	swait.ge [sflag:s6], $0x3E80  }
0x1f8: {  	[sflag:s6] =	ssyncset.done $0x0  }
0x1f9: {  	s14 =	simm.s32 $0x400;
	[sflag:s6] =	ssyncadd.s32 $0xFFFFC180  }
0x1fa: {  	[tilespmem:s10], [sflag:$0x1] =	stream.indirect.gather [hbm4b:s2+s9], $0x80, s14, s9, $0xb8;
	[tilespmem:$0x1D000] =	vst v63  }
0x1fb: {  	_ =	swait.ge [sflag:s15], $0x3E80  }
0x1fc: {  	[sflag:s15] =	ssyncset.done $0x0  }
0x1fd: {  	s25 =	simm.s32 $0xB80;
	[sflag:s15] =	ssyncadd.s32 $0xFFFFC180  }
0x1fe: {  	[spmem:s3] =	stream.indirect.scatter.add.f32 [tilespmem:s12], [sflag:$0x3], $0x80, s25, s9, $0xb8;
	[tilespmem:$0x1D000] =	vst v63  }
0x1ff: {  	_ =	swait.ge [sflag:s6], $0x3E80  }
0x200: {  	[sflag:s6] =	ssyncset.done $0x0  }
0x201: {  	s26 =	simm.s32 $0x480;
	[sflag:s6] =	ssyncadd.s32 $0xFFFFC180  }
0x202: {  	[tilespmem:s12], [sflag:$0x2] =	stream.indirect.gather [hbm4b:s2+s9], $0x80, s26, s9, $0xb8;
	[tilespmem:$0x1D000] =	vst v63  }
0x203: {  	_ =	swait.ge [sflag:s13], $0x3E80  }
0x204: {  	[sflag:s13] =	ssyncset.done $0x0  }
0x205: {  	s28 =	simm.s32 $0xC00;
	[sflag:s13] =	ssyncadd.s32 $0xFFFFC180  }
0x206: {  	[spmem:s3] =	stream.indirect.scatter.add.f32 [tilespmem:s10], [sflag:$0x3], $0x80, s28, s9, $0xb8;
	[tilespmem:$0x1D000] =	vst v63  }
0x207: {  	_ =	swait.ge [sflag:s6], $0x3E80  }
0x208: {  	[sflag:s6] =	ssyncset.done $0x0  }
0x209: {  	s29 =	simm.s32 $0x500;
	[sflag:s6] =	ssyncadd.s32 $0xFFFFC180  }
0x20a: {  	[tilespmem:s10], [sflag:$0x1] =	stream.indirect.gather [hbm4b:s2+s9], $0x80, s29, s9, $0xb8;
	[tilespmem:$0x1D000] =	vst v63  }
0x20b: {  	_ =	swait.ge [sflag:s15], $0x3E80  }
0x20c: {  	[sflag:s15] =	ssyncset.done $0x0  }
0x20d: {  	s30 =	simm.s32 $0xC80;
	[sflag:s15] =	ssyncadd.s32 $0xFFFFC180  }
0x20e: {  	[spmem:s3] =	stream.indirect.scatter.add.f32 [tilespmem:s12], [sflag:$0x3], $0x80, s30, s9, $0xb8;
	[tilespmem:$0x1D000] =	vst v63  }
0x20f: {  	_ =	swait.ge [sflag:s6], $0x3E80  }
0x210: {  	[sflag:s6] =	ssyncset.done $0x0  }
0x211: {  	s31 =	simm.s32 $0x580;
	[sflag:s6] =	ssyncadd.s32 $0xFFFFC180  }
0x212: {  	[tilespmem:s12], [sflag:$0x2] =	stream.indirect.gather [hbm4b:s2+s9], $0x80, s31, s9, $0xb8;
	[tilespmem:$0x1D000] =	vst v63  }
0x213: {  	_ =	swait.ge [sflag:s13], $0x3E80  }
0x214: {  	[sflag:s13] =	ssyncset.done $0x0  }
0x215: {  	s23 =	simm.s32 $0xD00;
	[sflag:s13] =	ssyncadd.s32 $0xFFFFC180  }
0x216: {  	[spmem:s3] =	stream.indirect.scatter.add.f32 [tilespmem:s10], [sflag:$0x3], $0x80, s23, s9, $0xb8;
	[tilespmem:$0x1D000] =	vst v63  }
0x217: {  	_ =	swait.ge [sflag:s6], $0x3E80  }
0x218: {  	[sflag:s6] =	ssyncset.done $0x0  }
0x219: {  	s23 =	simm.s32 $0x600;
	[sflag:s6] =	ssyncadd.s32 $0xFFFFC180  }
0x21a: {  	[tilespmem:s10], [sflag:$0x1] =	stream.indirect.gather [hbm4b:s2+s9], $0x80, s23, s9, $0xb8;
	[tilespmem:$0x1D000] =	vst v63  }
0x21b: {  	_ =	swait.ge [sflag:s15], $0x3E80  }
0x21c: {  	[sflag:s15] =	ssyncset.done $0x0  }
0x21d: {  	s23 =	simm.s32 $0xD80;
	[sflag:s15] =	ssyncadd.s32 $0xFFFFC180  }
0x21e: {  	[spmem:s3] =	stream.indirect.scatter.add.f32 [tilespmem:s12], [sflag:$0x3], $0x80, s23, s9, $0xb8;
	[tilespmem:$0x1D000] =	vst v63  }
0x21f: {  	_ =	swait.ge [sflag:s6], $0x3E80  }
0x220: {  	[sflag:s6] =	ssyncset.done $0x0  }
0x221: {  	s23 =	simm.s32 $0x680;
	[sflag:s6] =	ssyncadd.s32 $0xFFFFC180  }
0x222: {  	[tilespmem:s12], [sflag:$0x2] =	stream.indirect.gather [hbm4b:s2+s9], $0x80, s23, s9, $0xb8;
	[tilespmem:$0x1D000] =	vst v63  }
0x223: {  	_ =	swait.ge [sflag:s13], $0x3E80  }
0x224: {  	[sflag:s13] =	ssyncset.done $0x0  }
0x225: {  	s23 =	simm.s32 $0xE00;
	[sflag:s13] =	ssyncadd.s32 $0xFFFFC180  }
0x226: {  	[spmem:s3] =	stream.indirect.scatter.add.f32 [tilespmem:s10], [sflag:$0x3], $0x80, s23, s9, $0xb8;
	[tilespmem:$0x1D000] =	vst v63  }
0x227: {  	_ =	swait.ge [sflag:s6], $0x3E80  }
0x228: {  	[sflag:s6] =	ssyncset.done $0x0  }
0x229: {  	s23 =	simm.s32 $0x700;
	[sflag:s6] =	ssyncadd.s32 $0xFFFFC180  }
0x22a: {  	[tilespmem:s10], [sflag:$0x1] =	stream.indirect.gather [hbm4b:s2+s9], $0x80, s23, s9, $0xb8;
	[tilespmem:$0x1D000] =	vst v63  }
0x22b: {  	_ =	swait.ge [sflag:s15], $0x3E80  }
0x22c: {  	[sflag:s15] =	ssyncset.done $0x0  }
0x22d: {  	s23 =	simm.s32 $0xE80;
	[sflag:s15] =	ssyncadd.s32 $0xFFFFC180  }
0x22e: {  	[spmem:s3] =	stream.indirect.scatter.add.f32 [tilespmem:s12], [sflag:$0x3], $0x80, s23, s9, $0xb8;
	[tilespmem:$0x1D000] =	vst v63  }
0x22f: {  	_ =	swait.ge [sflag:s6], $0x3E80  }
0x230: {  	[sflag:s6] =	ssyncset.done $0x0  }
0x231: {  	s23 =	simm.s32 $0x780;
	[sflag:s6] =	ssyncadd.s32 $0xFFFFC180  }
0x232: {  	[tilespmem:s12], [sflag:$0x2] =	stream.indirect.gather [hbm4b:s2+s9], $0x80, s23, s9, $0xb8;
	[tilespmem:$0x1D000] =	vst v63  }
0x233: {  	_ =	swait.ge [sflag:s13], $0x3E80  }
0x234: {  	[sflag:s13] =	ssyncset.done $0x0  }
0x235: {  	s23 =	simm.s32 $0xF00;
	[sflag:s13] =	ssyncadd.s32 $0xFFFFC180  }
0x236: {  	[spmem:s3] =	stream.indirect.scatter.add.f32 [tilespmem:s10], [sflag:$0x3], $0x80, s23, s9, $0xb8;
	[tilespmem:$0x1D000] =	vst v63  }
0x237: {  	_ =	swait.ge [sflag:s6], $0x3E80  }
0x238: {  	[sflag:s6] =	ssyncset.done $0x0  }
0x239: {  	[sflag:s6] =	ssyncadd.s32 $0xFFFFC180  }
0x23a: {  	_ =	swait.ge [sflag:s15], $0x3E80  }
0x23b: {  	[sflag:s15] =	ssyncset.done $0x0  }
0x23c: {  	s23 =	simm.s32 $0xF80;
	[sflag:s15] =	ssyncadd.s32 $0xFFFFC180  }
0x23d: {  	[spmem:s3] =	stream.indirect.scatter.add.f32 [tilespmem:s12], [sflag:$0x3], $0x80, s23, s9, $0xb8;
	[tilespmem:$0x1D000] =	vst v63  }
0x23e: {  	_ =	swait.ge [sflag:s6], $0x3E80  }
0x23f: {  	[sflag:s6] =	ssyncset.done $0x0  }
0x240: {  	s23 =	rddreg [dreg:$0xd];
	[sflag:s6] =	ssyncadd.s32 $0xFFFFC180  }
0x241: {  	[tilespmem:s16], [sflag:$0x3] =	stream.linear.gather [hbm4b:s23+s16], $0x800, $0x38;
	[tilespmem:$0x1D000] =	vst v63  }
0x242: {  	_ =	swait.ge [sflag:s6], $0x800  }
0x243: {  	[sflag:s6] =	ssyncset.done $0x0  }
0x244: {  	s0 =	simm.s32 $0x800;
	s23 =	rddreg [dreg:$0xe];
	[sflag:s6] =	ssyncadd.s32 $0xFFFFF800  }
0x245: {  	[tilespmem:s0], [sflag:$0x3] =	stream.linear.gather [hbm4b:s23+s16], $0x800, $0x38;
	[tilespmem:$0x1D000] =	vst v63  }
0x246: {  	_ =	swait.ge [sflag:s6], $0x800  }
0x247: {  	[sflag:s6] =	ssyncset.done $0x0  }
0x248: {  	[sflag:s6] =	ssyncadd.s32 $0xFFFFF800  }
0x249: {  	[tilespmem:s10], [sflag:$0x1] =	stream.indirect.gather [hbm4b:s2+s9], $0x80, s16, s9, $0xb8;
	[tilespmem:$0x1D000] =	vst v63  }
0x24a: {  	s17 =	simm.s32 $0x80  }
0x24b: {  	[tilespmem:s12], [sflag:$0x2] =	stream.indirect.gather [hbm4b:s2+s9], $0x80, s17, s9, $0xb8;
	[tilespmem:$0x1D000] =	vst v63  }
0x24c: {  	_ =	swait.ge [sflag:s13], $0x3E80  }
0x24d: {  	[sflag:s13] =	ssyncset.done $0x0  }
0x24e: {  	[sflag:s13] =	ssyncadd.s32 $0xFFFFC180  }
0x24f: {  	[spmem:s3] =	stream.indirect.scatter.add.f32 [tilespmem:s10], [sflag:$0x3], $0x80, s0, s9, $0xb8;
	[tilespmem:$0x1D000] =	vst v63  }
0x250: {  	_ =	swait.ge [sflag:s6], $0x3E80  }
0x251: {  	[sflag:s6] =	ssyncset.done $0x0  }
0x252: {  	[sflag:s6] =	ssyncadd.s32 $0xFFFFC180  }
0x253: {  	[tilespmem:s10], [sflag:$0x1] =	stream.indirect.gather [hbm4b:s2+s9], $0x80, s1, s9, $0xb8;
	[tilespmem:$0x1D000] =	vst v63  }
0x254: {  	_ =	swait.ge [sflag:s15], $0x3E80  }
0x255: {  	[sflag:s15] =	ssyncset.done $0x0  }
0x256: {  	s21 =	simm.s32 $0x880;
	[sflag:s15] =	ssyncadd.s32 $0xFFFFC180  }
0x257: {  	[spmem:s3] =	stream.indirect.scatter.add.f32 [tilespmem:s12], [sflag:$0x3], $0x80, s21, s9, $0xb8;
	[tilespmem:$0x1D000] =	vst v63  }
0x258: {  	_ =	swait.ge [sflag:s6], $0x3E80  }
0x259: {  	[sflag:s6] =	ssyncset.done $0x0  }
0x25a: {  	[sflag:s6] =	ssyncadd.s32 $0xFFFFC180  }
0x25b: {  	[tilespmem:s12], [sflag:$0x2] =	stream.indirect.gather [hbm4b:s2+s9], $0x80, s4, s9, $0xb8;
	[tilespmem:$0x1D000] =	vst v63  }
0x25c: {  	_ =	swait.ge [sflag:s13], $0x3E80  }
0x25d: {  	[sflag:s13] =	ssyncset.done $0x0  }
0x25e: {  	s19 =	simm.s32 $0x900;
	[sflag:s13] =	ssyncadd.s32 $0xFFFFC180  }
0x25f: {  	[spmem:s3] =	stream.indirect.scatter.add.f32 [tilespmem:s10], [sflag:$0x3], $0x80, s19, s9, $0xb8;
	[tilespmem:$0x1D000] =	vst v63  }
0x260: {  	_ =	swait.ge [sflag:s6], $0x3E80  }
0x261: {  	[sflag:s6] =	ssyncset.done $0x0  }
0x262: {  	[sflag:s6] =	ssyncadd.s32 $0xFFFFC180  }
0x263: {  	[tilespmem:s10], [sflag:$0x1] =	stream.indirect.gather [hbm4b:s2+s9], $0x80, s5, s9, $0xb8;
	[tilespmem:$0x1D000] =	vst v63  }
0x264: {  	_ =	swait.ge [sflag:s15], $0x3E80  }
0x265: {  	[sflag:s15] =	ssyncset.done $0x0  }
0x266: {  	s24 =	simm.s32 $0x980;
	[sflag:s15] =	ssyncadd.s32 $0xFFFFC180  }
0x267: {  	[spmem:s3] =	stream.indirect.scatter.add.f32 [tilespmem:s12], [sflag:$0x3], $0x80, s24, s9, $0xb8;
	[tilespmem:$0x1D000] =	vst v63  }
0x268: {  	_ =	swait.ge [sflag:s6], $0x3E80  }
0x269: {  	[sflag:s6] =	ssyncset.done $0x0  }
0x26a: {  	[sflag:s6] =	ssyncadd.s32 $0xFFFFC180  }
0x26b: {  	[tilespmem:s12], [sflag:$0x2] =	stream.indirect.gather [hbm4b:s2+s9], $0x80, s7, s9, $0xb8;
	[tilespmem:$0x1D000] =	vst v63  }
0x26c: {  	_ =	swait.ge [sflag:s13], $0x3E80  }
0x26d: {  	[sflag:s13] =	ssyncset.done $0x0  }
0x26e: {  	s18 =	simm.s32 $0xA00;
	[sflag:s13] =	ssyncadd.s32 $0xFFFFC180  }
0x26f: {  	[spmem:s3] =	stream.indirect.scatter.add.f32 [tilespmem:s10], [sflag:$0x3], $0x80, s18, s9, $0xb8;
	[tilespmem:$0x1D000] =	vst v63  }
0x270: {  	_ =	swait.ge [sflag:s6], $0x3E80  }
0x271: {  	[sflag:s6] =	ssyncset.done $0x0  }
0x272: {  	[sflag:s6] =	ssyncadd.s32 $0xFFFFC180  }
0x273: {  	[tilespmem:s10], [sflag:$0x1] =	stream.indirect.gather [hbm4b:s2+s9], $0x80, s8, s9, $0xb8;
	[tilespmem:$0x1D000] =	vst v63  }
0x274: {  	_ =	swait.ge [sflag:s15], $0x3E80  }
0x275: {  	[sflag:s15] =	ssyncset.done $0x0  }
0x276: {  	s20 =	simm.s32 $0xA80;
	[sflag:s15] =	ssyncadd.s32 $0xFFFFC180  }
0x277: {  	[spmem:s3] =	stream.indirect.scatter.add.f32 [tilespmem:s12], [sflag:$0x3], $0x80, s20, s9, $0xb8;
	[tilespmem:$0x1D000] =	vst v63  }
0x278: {  	_ =	swait.ge [sflag:s6], $0x3E80  }
0x279: {  	[sflag:s6] =	ssyncset.done $0x0  }
0x27a: {  	[sflag:s6] =	ssyncadd.s32 $0xFFFFC180  }
0x27b: {  	[tilespmem:s12], [sflag:$0x2] =	stream.indirect.gather [hbm4b:s2+s9], $0x80, s11, s9, $0xb8;
	[tilespmem:$0x1D000] =	vst v63  }
0x27c: {  	_ =	swait.ge [sflag:s13], $0x3E80  }
0x27d: {  	[sflag:s13] =	ssyncset.done $0x0  }
0x27e: {  	s22 =	simm.s32 $0xB00;
	[sflag:s13] =	ssyncadd.s32 $0xFFFFC180  }
0x27f: {  	[spmem:s3] =	stream.indirect.scatter.add.f32 [tilespmem:s10], [sflag:$0x3], $0x80, s22, s9, $0xb8;
	[tilespmem:$0x1D000] =	vst v63  }
0x280: {  	_ =	swait.ge [sflag:s6], $0x3E80  }
0x281: {  	[sflag:s6] =	ssyncset.done $0x0  }
0x282: {  	[sflag:s6] =	ssyncadd.s32 $0xFFFFC180  }
0x283: {  	[tilespmem:s10], [sflag:$0x1] =	stream.indirect.gather [hbm4b:s2+s9], $0x80, s14, s9, $0xb8;
	[tilespmem:$0x1D000] =	vst v63  }
0x284: {  	_ =	swait.ge [sflag:s15], $0x3E80  }
0x285: {  	[sflag:s15] =	ssyncset.done $0x0  }
0x286: {  	s25 =	simm.s32 $0xB80;
	[sflag:s15] =	ssyncadd.s32 $0xFFFFC180  }
0x287: {  	[spmem:s3] =	stream.indirect.scatter.add.f32 [tilespmem:s12], [sflag:$0x3], $0x80, s25, s9, $0xb8;
	[tilespmem:$0x1D000] =	vst v63  }
0x288: {  	_ =	swait.ge [sflag:s6], $0x3E80  }
0x289: {  	[sflag:s6] =	ssyncset.done $0x0  }
0x28a: {  	s26 =	simm.s32 $0x480;
	[sflag:s6] =	ssyncadd.s32 $0xFFFFC180  }
0x28b: {  	[tilespmem:s12], [sflag:$0x2] =	stream.indirect.gather [hbm4b:s2+s9], $0x80, s26, s9, $0xb8;
	[tilespmem:$0x1D000] =	vst v63  }
0x28c: {  	_ =	swait.ge [sflag:s13], $0x3E80  }
0x28d: {  	[sflag:s13] =	ssyncset.done $0x0  }
0x28e: {  	s28 =	simm.s32 $0xC00;
	[sflag:s13] =	ssyncadd.s32 $0xFFFFC180  }
0x28f: {  	[spmem:s3] =	stream.indirect.scatter.add.f32 [tilespmem:s10], [sflag:$0x3], $0x80, s28, s9, $0xb8;
	[tilespmem:$0x1D000] =	vst v63  }
0x290: {  	_ =	swait.ge [sflag:s6], $0x3E80  }
0x291: {  	[sflag:s6] =	ssyncset.done $0x0  }
0x292: {  	s29 =	simm.s32 $0x500;
	[sflag:s6] =	ssyncadd.s32 $0xFFFFC180  }
0x293: {  	[tilespmem:s10], [sflag:$0x1] =	stream.indirect.gather [hbm4b:s2+s9], $0x80, s29, s9, $0xb8;
	[tilespmem:$0x1D000] =	vst v63  }
0x294: {  	_ =	swait.ge [sflag:s15], $0x3E80  }
0x295: {  	[sflag:s15] =	ssyncset.done $0x0  }
0x296: {  	s30 =	simm.s32 $0xC80;
	[sflag:s15] =	ssyncadd.s32 $0xFFFFC180  }
0x297: {  	[spmem:s3] =	stream.indirect.scatter.add.f32 [tilespmem:s12], [sflag:$0x3], $0x80, s30, s9, $0xb8;
	[tilespmem:$0x1D000] =	vst v63  }
0x298: {  	_ =	swait.ge [sflag:s6], $0x3E80  }
0x299: {  	[sflag:s6] =	ssyncset.done $0x0  }
0x29a: {  	s31 =	simm.s32 $0x580;
	[sflag:s6] =	ssyncadd.s32 $0xFFFFC180  }
0x29b: {  	[tilespmem:s12], [sflag:$0x2] =	stream.indirect.gather [hbm4b:s2+s9], $0x80, s31, s9, $0xb8;
	[tilespmem:$0x1D000] =	vst v63  }
0x29c: {  	_ =	swait.ge [sflag:s13], $0x3E80  }
0x29d: {  	[sflag:s13] =	ssyncset.done $0x0  }
0x29e: {  	s14 =	simm.s32 $0xD00;
	[sflag:s13] =	ssyncadd.s32 $0xFFFFC180  }
0x29f: {  	[spmem:s3] =	stream.indirect.scatter.add.f32 [tilespmem:s10], [sflag:$0x3], $0x80, s14, s9, $0xb8;
	[tilespmem:$0x1D000] =	vst v63  }
0x2a0: {  	_ =	swait.ge [sflag:s6], $0x3E80  }
0x2a1: {  	[sflag:s6] =	ssyncset.done $0x0  }
0x2a2: {  	s17 =	simm.s32 $0x600;
	[sflag:s6] =	ssyncadd.s32 $0xFFFFC180  }
0x2a3: {  	[tilespmem:s10], [sflag:$0x1] =	stream.indirect.gather [hbm4b:s2+s9], $0x80, s17, s9, $0xb8;
	[tilespmem:$0x1D000] =	vst v63  }
0x2a4: {  	_ =	swait.ge [sflag:s15], $0x3E80  }
0x2a5: {  	[sflag:s15] =	ssyncset.done $0x0  }
0x2a6: {  	s18 =	simm.s32 $0xD80;
	[sflag:s15] =	ssyncadd.s32 $0xFFFFC180  }
0x2a7: {  	[spmem:s3] =	stream.indirect.scatter.add.f32 [tilespmem:s12], [sflag:$0x3], $0x80, s18, s9, $0xb8;
	[tilespmem:$0x1D000] =	vst v63  }
0x2a8: {  	_ =	swait.ge [sflag:s6], $0x3E80  }
0x2a9: {  	[sflag:s6] =	ssyncset.done $0x0  }
0x2aa: {  	s19 =	simm.s32 $0x680;
	[sflag:s6] =	ssyncadd.s32 $0xFFFFC180  }
0x2ab: {  	[tilespmem:s12], [sflag:$0x2] =	stream.indirect.gather [hbm4b:s2+s9], $0x80, s19, s9, $0xb8;
	[tilespmem:$0x1D000] =	vst v63  }
0x2ac: {  	_ =	swait.ge [sflag:s13], $0x3E80  }
0x2ad: {  	[sflag:s13] =	ssyncset.done $0x0  }
0x2ae: {  	s20 =	simm.s32 $0xE00;
	[sflag:s13] =	ssyncadd.s32 $0xFFFFC180  }
0x2af: {  	[spmem:s3] =	stream.indirect.scatter.add.f32 [tilespmem:s10], [sflag:$0x3], $0x80, s20, s9, $0xb8;
	[tilespmem:$0x1D000] =	vst v63  }
0x2b0: {  	_ =	swait.ge [sflag:s6], $0x3E80  }
0x2b1: {  	[sflag:s6] =	ssyncset.done $0x0  }
0x2b2: {  	s21 =	simm.s32 $0x700;
	[sflag:s6] =	ssyncadd.s32 $0xFFFFC180  }
0x2b3: {  	[tilespmem:s10], [sflag:$0x1] =	stream.indirect.gather [hbm4b:s2+s9], $0x80, s21, s9, $0xb8;
	[tilespmem:$0x1D000] =	vst v63  }
0x2b4: {  	_ =	swait.ge [sflag:s15], $0x3E80  }
0x2b5: {  	[sflag:s15] =	ssyncset.done $0x0  }
0x2b6: {  	s22 =	simm.s32 $0xE80;
	[sflag:s15] =	ssyncadd.s32 $0xFFFFC180  }
0x2b7: {  	[spmem:s3] =	stream.indirect.scatter.add.f32 [tilespmem:s12], [sflag:$0x3], $0x80, s22, s9, $0xb8;
	[tilespmem:$0x1D000] =	vst v63  }
0x2b8: {  	_ =	swait.ge [sflag:s6], $0x3E80  }
0x2b9: {  	[sflag:s6] =	ssyncset.done $0x0  }
0x2ba: {  	s23 =	simm.s32 $0x780;
	[sflag:s6] =	ssyncadd.s32 $0xFFFFC180  }
0x2bb: {  	[tilespmem:s12], [sflag:$0x2] =	stream.indirect.gather [hbm4b:s2+s9], $0x80, s23, s9, $0xb8;
	[tilespmem:$0x1D000] =	vst v63  }
0x2bc: {  	_ =	swait.ge [sflag:s13], $0x3E80  }
0x2bd: {  	[sflag:s13] =	ssyncset.done $0x0  }
0x2be: {  	s24 =	simm.s32 $0xF00;
	[sflag:s13] =	ssyncadd.s32 $0xFFFFC180  }
0x2bf: {  	[spmem:s3] =	stream.indirect.scatter.add.f32 [tilespmem:s10], [sflag:$0x3], $0x80, s24, s9, $0xb8;
	[tilespmem:$0x1D000] =	vst v63  }
0x2c0: {  	_ =	swait.ge [sflag:s6], $0x3E80  }
0x2c1: {  	[sflag:s6] =	ssyncset.done $0x0  }
0x2c2: {  	[sflag:s6] =	ssyncadd.s32 $0xFFFFC180  }
0x2c3: {  	_ =	swait.ge [sflag:s15], $0x3E80  }
0x2c4: {  	[sflag:s15] =	ssyncset.done $0x0  }
0x2c5: {  	s25 =	simm.s32 $0xF80;
	[sflag:s15] =	ssyncadd.s32 $0xFFFFC180  }
0x2c6: {  	[spmem:s3] =	stream.indirect.scatter.add.f32 [tilespmem:s12], [sflag:$0x3], $0x80, s25, s9, $0xb8;
	[tilespmem:$0x1D000] =	vst v63  }
0x2c7: {  	_ =	swait.ge [sflag:s6], $0x3E80  }
0x2c8: {  	[sflag:s6] =	ssyncset.done $0x0  }
0x2c9: {  	[sflag:s6] =	ssyncadd.s32 $0xFFFFC180  }
0x2ca: {  	[bflag:$0x0] =	sbarrier.arrive $0xFFFF  }
0x2cb: {  	s26 =	rddreg [dreg:$0x12]  }
0x2cc: {  	s0 =	ssub.s32 $0x2, s26  }
0x2cd: {  	s29 =	sshrl.u32 s0, $0x1  }
0x2ce: {  	s23 =	ssub.s32 s0, s29  }
0x2cf: {  	s23 =	smax.u32 s23, $0x1  }
0x2d0: {  	p0 =	sne.s32 s23, $0x1  }
.Ltmp0:
0x2d1: {  	s28 =	rddreg [dreg:$0xf];
	(pc) =	sbr.rel @!p0 .LBB2_2-.Ltmp0, $4  }
0x2d2: {  	s30 =	rddreg [dreg:$0x10]  }
0x2d3: {  	s31 =	rddreg [dreg:$0x11]  }
0x2d4: {  	[hbm:s28], [sflag:s30] =	dma.local [spmem:s31], $0x2800  }
0x2d5: {  	_ =	swait.ge [sflag:s6], $0x2800;
	s23 =	sadd.s32 $0xFFFFFFFF, s23  }
.LBB2_1:
0x2d6: {  	s24 =	rddreg [dreg:$0x4]  }
0x2d7: {  	[sflag:s6] =	ssyncset.done $0x0;
	s0 =	rddreg [dreg:$0x10]  }
0x2d8: {  	s1 =	rddreg [dreg:$0x11];
	[sflag:s6] =	ssyncadd.s32 $0xFFFFD800  }
0x2d9: {  	[spmem:s1], [sflag:s0] =	dma.local [hbm:s24], $0x2800  }
0x2da: {  	_ =	swait.ge [sflag:s6], $0x2800  }
0x2db: {  	[sflag:s6] =	ssyncset.done $0x0  }
0x2dc: {  	[sflag:s6] =	ssyncadd.s32 $0xFFFFD800  }
0x2dd: {  	[bflag:$0x0] =	sbarrier.arrive $0xFFFF  }
0x2de: {  	s29 =	rddreg [dreg:$0x5]  }
0x2df: {  	[tilespmem:s16], [sflag:$0x3] =	stream.linear.gather [hbm4b:s29+s16], $0x800, $0x38;
	[tilespmem:$0x1D000] =	vst v63  }
0x2e0: {  	_ =	swait.ge [sflag:s6], $0x800  }
0x2e1: {  	[sflag:s6] =	ssyncset.done $0x0  }
0x2e2: {  	s0 =	simm.s32 $0x800;
	s30 =	rddreg [dreg:$0x6];
	[sflag:s6] =	ssyncadd.s32 $0xFFFFF800  }
0x2e3: {  	[tilespmem:s0], [sflag:$0x3] =	stream.linear.gather [hbm4b:s30+s16], $0x800, $0x38;
	[tilespmem:$0x1D000] =	vst v63  }
0x2e4: {  	_ =	swait.ge [sflag:s6], $0x800  }
0x2e5: {  	[sflag:s6] =	ssyncset.done $0x0  }
0x2e6: {  	[sflag:s6] =	ssyncadd.s32 $0xFFFFF800  }
0x2e7: {  	[tilespmem:s10], [sflag:$0x1] =	stream.indirect.gather [hbm4b:s2+s9], $0x80, s16, s9, $0xb8;
	[tilespmem:$0x1D000] =	vst v63  }
0x2e8: {  	s31 =	simm.s32 $0x80  }
0x2e9: {  	[tilespmem:s12], [sflag:$0x2] =	stream.indirect.gather [hbm4b:s2+s9], $0x80, s31, s9, $0xb8;
	[tilespmem:$0x1D000] =	vst v63  }
0x2ea: {  	_ =	swait.ge [sflag:s13], $0x3E80  }
0x2eb: {  	[sflag:s13] =	ssyncset.done $0x0  }
0x2ec: {  	[sflag:s13] =	ssyncadd.s32 $0xFFFFC180  }
0x2ed: {  	[spmem:s3] =	stream.indirect.scatter.add.f32 [tilespmem:s10], [sflag:$0x3], $0x80, s0, s9, $0xb8;
	[tilespmem:$0x1D000] =	vst v63  }
0x2ee: {  	_ =	swait.ge [sflag:s6], $0x3E80  }
0x2ef: {  	[sflag:s6] =	ssyncset.done $0x0  }
0x2f0: {  	s4 =	simm.s32 $0x100;
	[sflag:s6] =	ssyncadd.s32 $0xFFFFC180  }
0x2f1: {  	[tilespmem:s10], [sflag:$0x1] =	stream.indirect.gather [hbm4b:s2+s9], $0x80, s4, s9, $0xb8;
	[tilespmem:$0x1D000] =	vst v63  }
0x2f2: {  	_ =	swait.ge [sflag:s15], $0x3E80  }
0x2f3: {  	[sflag:s15] =	ssyncset.done $0x0  }
0x2f4: {  	s5 =	simm.s32 $0x880;
	[sflag:s15] =	ssyncadd.s32 $0xFFFFC180  }
0x2f5: {  	[spmem:s3] =	stream.indirect.scatter.add.f32 [tilespmem:s12], [sflag:$0x3], $0x80, s5, s9, $0xb8;
	[tilespmem:$0x1D000] =	vst v63  }
0x2f6: {  	_ =	swait.ge [sflag:s6], $0x3E80  }
0x2f7: {  	[sflag:s6] =	ssyncset.done $0x0  }
0x2f8: {  	s8 =	simm.s32 $0x180;
	[sflag:s6] =	ssyncadd.s32 $0xFFFFC180  }
0x2f9: {  	[tilespmem:s12], [sflag:$0x2] =	stream.indirect.gather [hbm4b:s2+s9], $0x80, s8, s9, $0xb8;
	[tilespmem:$0x1D000] =	vst v63  }
0x2fa: {  	_ =	swait.ge [sflag:s13], $0x3E80  }
0x2fb: {  	[sflag:s13] =	ssyncset.done $0x0  }
0x2fc: {  	s17 =	simm.s32 $0x900;
	[sflag:s13] =	ssyncadd.s32 $0xFFFFC180  }
0x2fd: {  	[spmem:s3] =	stream.indirect.scatter.add.f32 [tilespmem:s10], [sflag:$0x3], $0x80, s17, s9, $0xb8;
	[tilespmem:$0x1D000] =	vst v63  }
0x2fe: {  	_ =	swait.ge [sflag:s6], $0x3E80  }
0x2ff: {  	[sflag:s6] =	ssyncset.done $0x0  }
0x300: {  	s5 =	simm.s32 $0x200;
	[sflag:s6] =	ssyncadd.s32 $0xFFFFC180  }
0x301: {  	[tilespmem:s10], [sflag:$0x1] =	stream.indirect.gather [hbm4b:s2+s9], $0x80, s5, s9, $0xb8;
	[tilespmem:$0x1D000] =	vst v63  }
0x302: {  	_ =	swait.ge [sflag:s15], $0x3E80  }
0x303: {  	[sflag:s15] =	ssyncset.done $0x0  }
0x304: {  	s18 =	simm.s32 $0x980;
	[sflag:s15] =	ssyncadd.s32 $0xFFFFC180  }
0x305: {  	[spmem:s3] =	stream.indirect.scatter.add.f32 [tilespmem:s12], [sflag:$0x3], $0x80, s18, s9, $0xb8;
	[tilespmem:$0x1D000] =	vst v63  }
0x306: {  	_ =	swait.ge [sflag:s6], $0x3E80  }
0x307: {  	[sflag:s6] =	ssyncset.done $0x0  }
0x308: {  	s19 =	simm.s32 $0x280;
	[sflag:s6] =	ssyncadd.s32 $0xFFFFC180  }
0x309: {  	[tilespmem:s12], [sflag:$0x2] =	stream.indirect.gather [hbm4b:s2+s9], $0x80, s19, s9, $0xb8;
	[tilespmem:$0x1D000] =	vst v63  }
0x30a: {  	_ =	swait.ge [sflag:s13], $0x3E80  }
0x30b: {  	[sflag:s13] =	ssyncset.done $0x0  }
0x30c: {  	s20 =	simm.s32 $0xA00;
	[sflag:s13] =	ssyncadd.s32 $0xFFFFC180  }
0x30d: {  	[spmem:s3] =	stream.indirect.scatter.add.f32 [tilespmem:s10], [sflag:$0x3], $0x80, s20, s9, $0xb8;
	[tilespmem:$0x1D000] =	vst v63  }
0x30e: {  	_ =	swait.ge [sflag:s6], $0x3E80  }
0x30f: {  	[sflag:s6] =	ssyncset.done $0x0  }
0x310: {  	s22 =	simm.s32 $0x300;
	[sflag:s6] =	ssyncadd.s32 $0xFFFFC180  }
0x311: {  	[tilespmem:s10], [sflag:$0x1] =	stream.indirect.gather [hbm4b:s2+s9], $0x80, s22, s9, $0xb8;
	[tilespmem:$0x1D000] =	vst v63  }
0x312: {  	_ =	swait.ge [sflag:s15], $0x3E80  }
0x313: {  	[sflag:s15] =	ssyncset.done $0x0  }
0x314: {  	s24 =	simm.s32 $0xA80;
	[sflag:s15] =	ssyncadd.s32 $0xFFFFC180  }
0x315: {  	[spmem:s3] =	stream.indirect.scatter.add.f32 [tilespmem:s12], [sflag:$0x3], $0x80, s24, s9, $0xb8;
	[tilespmem:$0x1D000] =	vst v63  }
0x316: {  	_ =	swait.ge [sflag:s6], $0x3E80  }
0x317: {  	[sflag:s6] =	ssyncset.done $0x0  }
0x318: {  	s26 =	simm.s32 $0x380;
	[sflag:s6] =	ssyncadd.s32 $0xFFFFC180  }
0x319: {  	[tilespmem:s12], [sflag:$0x2] =	stream.indirect.gather [hbm4b:s2+s9], $0x80, s26, s9, $0xb8;
	[tilespmem:$0x1D000] =	vst v63  }
0x31a: {  	_ =	swait.ge [sflag:s13], $0x3E80  }
0x31b: {  	[sflag:s13] =	ssyncset.done $0x0  }
0x31c: {  	s28 =	simm.s32 $0xB00;
	[sflag:s13] =	ssyncadd.s32 $0xFFFFC180  }
0x31d: {  	[spmem:s3] =	stream.indirect.scatter.add.f32 [tilespmem:s10], [sflag:$0x3], $0x80, s28, s9, $0xb8;
	[tilespmem:$0x1D000] =	vst v63  }
0x31e: {  	_ =	swait.ge [sflag:s6], $0x3E80  }
0x31f: {  	[sflag:s6] =	ssyncset.done $0x0  }
0x320: {  	s29 =	simm.s32 $0x400;
	[sflag:s6] =	ssyncadd.s32 $0xFFFFC180  }
0x321: {  	[tilespmem:s10], [sflag:$0x1] =	stream.indirect.gather [hbm4b:s2+s9], $0x80, s29, s9, $0xb8;
	[tilespmem:$0x1D000] =	vst v63  }
0x322: {  	_ =	swait.ge [sflag:s15], $0x3E80  }
0x323: {  	[sflag:s15] =	ssyncset.done $0x0  }
0x324: {  	s30 =	simm.s32 $0xB80;
	[sflag:s15] =	ssyncadd.s32 $0xFFFFC180  }
0x325: {  	[spmem:s3] =	stream.indirect.scatter.add.f32 [tilespmem:s12], [sflag:$0x3], $0x80, s30, s9, $0xb8;
	[tilespmem:$0x1D000] =	vst v63  }
0x326: {  	_ =	swait.ge [sflag:s6], $0x3E80  }
0x327: {  	[sflag:s6] =	ssyncset.done $0x0  }
0x328: {  	s4 =	simm.s32 $0x480;
	[sflag:s6] =	ssyncadd.s32 $0xFFFFC180  }
0x329: {  	[tilespmem:s12], [sflag:$0x2] =	stream.indirect.gather [hbm4b:s2+s9], $0x80, s4, s9, $0xb8;
	[tilespmem:$0x1D000] =	vst v63  }
0x32a: {  	_ =	swait.ge [sflag:s13], $0x3E80  }
0x32b: {  	[sflag:s13] =	ssyncset.done $0x0  }
0x32c: {  	s31 =	simm.s32 $0xC00;
	[sflag:s13] =	ssyncadd.s32 $0xFFFFC180  }
0x32d: {  	[spmem:s3] =	stream.indirect.scatter.add.f32 [tilespmem:s10], [sflag:$0x3], $0x80, s31, s9, $0xb8;
	[tilespmem:$0x1D000] =	vst v63  }
0x32e: {  	_ =	swait.ge [sflag:s6], $0x3E80  }
0x32f: {  	[sflag:s6] =	ssyncset.done $0x0  }
0x330: {  	s4 =	simm.s32 $0x500;
	[sflag:s6] =	ssyncadd.s32 $0xFFFFC180  }
0x331: {  	[tilespmem:s10], [sflag:$0x1] =	stream.indirect.gather [hbm4b:s2+s9], $0x80, s4, s9, $0xb8;
	[tilespmem:$0x1D000] =	vst v63  }
0x332: {  	_ =	swait.ge [sflag:s15], $0x3E80  }
0x333: {  	[sflag:s15] =	ssyncset.done $0x0  }
0x334: {  	s5 =	simm.s32 $0xC80;
	[sflag:s15] =	ssyncadd.s32 $0xFFFFC180  }
0x335: {  	[spmem:s3] =	stream.indirect.scatter.add.f32 [tilespmem:s12], [sflag:$0x3], $0x80, s5, s9, $0xb8;
	[tilespmem:$0x1D000] =	vst v63  }
0x336: {  	_ =	swait.ge [sflag:s6], $0x3E80  }
0x337: {  	[sflag:s6] =	ssyncset.done $0x0  }
0x338: {  	s8 =	simm.s32 $0x580;
	[sflag:s6] =	ssyncadd.s32 $0xFFFFC180  }
0x339: {  	[tilespmem:s12], [sflag:$0x2] =	stream.indirect.gather [hbm4b:s2+s9], $0x80, s8, s9, $0xb8;
	[tilespmem:$0x1D000] =	vst v63  }
0x33a: {  	_ =	swait.ge [sflag:s13], $0x3E80  }
0x33b: {  	[sflag:s13] =	ssyncset.done $0x0  }
0x33c: {  	s17 =	simm.s32 $0xD00;
	[sflag:s13] =	ssyncadd.s32 $0xFFFFC180  }
0x33d: {  	[spmem:s3] =	stream.indirect.scatter.add.f32 [tilespmem:s10], [sflag:$0x3], $0x80, s17, s9, $0xb8;
	[tilespmem:$0x1D000] =	vst v63  }
0x33e: {  	_ =	swait.ge [sflag:s6], $0x3E80  }
0x33f: {  	[sflag:s6] =	ssyncset.done $0x0  }
0x340: {  	s18 =	simm.s32 $0x600;
	[sflag:s6] =	ssyncadd.s32 $0xFFFFC180  }
0x341: {  	[tilespmem:s10], [sflag:$0x1] =	stream.indirect.gather [hbm4b:s2+s9], $0x80, s18, s9, $0xb8;
	[tilespmem:$0x1D000] =	vst v63  }
0x342: {  	_ =	swait.ge [sflag:s15], $0x3E80  }
0x343: {  	[sflag:s15] =	ssyncset.done $0x0  }
0x344: {  	s19 =	simm.s32 $0xD80;
	[sflag:s15] =	ssyncadd.s32 $0xFFFFC180  }
0x345: {  	[spmem:s3] =	stream.indirect.scatter.add.f32 [tilespmem:s12], [sflag:$0x3], $0x80, s19, s9, $0xb8;
	[tilespmem:$0x1D000] =	vst v63  }
0x346: {  	_ =	swait.ge [sflag:s6], $0x3E80  }
0x347: {  	[sflag:s6] =	ssyncset.done $0x0  }
0x348: {  	s20 =	simm.s32 $0x680;
	[sflag:s6] =	ssyncadd.s32 $0xFFFFC180  }
0x349: {  	[tilespmem:s12], [sflag:$0x2] =	stream.indirect.gather [hbm4b:s2+s9], $0x80, s20, s9, $0xb8;
	[tilespmem:$0x1D000] =	vst v63  }
0x34a: {  	_ =	swait.ge [sflag:s13], $0x3E80  }
0x34b: {  	[sflag:s13] =	ssyncset.done $0x0  }
0x34c: {  	s22 =	simm.s32 $0xE00;
	[sflag:s13] =	ssyncadd.s32 $0xFFFFC180  }
0x34d: {  	[spmem:s3] =	stream.indirect.scatter.add.f32 [tilespmem:s10], [sflag:$0x3], $0x80, s22, s9, $0xb8;
	[tilespmem:$0x1D000] =	vst v63  }
0x34e: {  	_ =	swait.ge [sflag:s6], $0x3E80  }
0x34f: {  	[sflag:s6] =	ssyncset.done $0x0  }
0x350: {  	s26 =	simm.s32 $0x700;
	[sflag:s6] =	ssyncadd.s32 $0xFFFFC180  }
0x351: {  	[tilespmem:s10], [sflag:$0x1] =	stream.indirect.gather [hbm4b:s2+s9], $0x80, s26, s9, $0xb8;
	[tilespmem:$0x1D000] =	vst v63  }
0x352: {  	_ =	swait.ge [sflag:s15], $0x3E80  }
0x353: {  	[sflag:s15] =	ssyncset.done $0x0  }
0x354: {  	s28 =	simm.s32 $0xE80;
	[sflag:s15] =	ssyncadd.s32 $0xFFFFC180  }
0x355: {  	[spmem:s3] =	stream.indirect.scatter.add.f32 [tilespmem:s12], [sflag:$0x3], $0x80, s28, s9, $0xb8;
	[tilespmem:$0x1D000] =	vst v63  }
0x356: {  	_ =	swait.ge [sflag:s6], $0x3E80  }
0x357: {  	[sflag:s6] =	ssyncset.done $0x0  }
0x358: {  	s29 =	simm.s32 $0x780;
	[sflag:s6] =	ssyncadd.s32 $0xFFFFC180  }
0x359: {  	[tilespmem:s12], [sflag:$0x2] =	stream.indirect.gather [hbm4b:s2+s9], $0x80, s29, s9, $0xb8;
	[tilespmem:$0x1D000] =	vst v63  }
0x35a: {  	_ =	swait.ge [sflag:s13], $0x3E80  }
0x35b: {  	[sflag:s13] =	ssyncset.done $0x0  }
0x35c: {  	s30 =	simm.s32 $0xF00;
	[sflag:s13] =	ssyncadd.s32 $0xFFFFC180  }
0x35d: {  	[spmem:s3] =	stream.indirect.scatter.add.f32 [tilespmem:s10], [sflag:$0x3], $0x80, s30, s9, $0xb8;
	[tilespmem:$0x1D000] =	vst v63  }
0x35e: {  	_ =	swait.ge [sflag:s6], $0x3E80  }
0x35f: {  	[sflag:s6] =	ssyncset.done $0x0  }
0x360: {  	[sflag:s6] =	ssyncadd.s32 $0xFFFFC180  }
0x361: {  	_ =	swait.ge [sflag:s15], $0x3E80  }
0x362: {  	[sflag:s15] =	ssyncset.done $0x0  }
0x363: {  	s31 =	simm.s32 $0xF80;
	[sflag:s15] =	ssyncadd.s32 $0xFFFFC180  }
0x364: {  	[spmem:s3] =	stream.indirect.scatter.add.f32 [tilespmem:s12], [sflag:$0x3], $0x80, s31, s9, $0xb8;
	[tilespmem:$0x1D000] =	vst v63  }
0x365: {  	_ =	swait.ge [sflag:s6], $0x3E80  }
0x366: {  	[sflag:s6] =	ssyncset.done $0x0  }
0x367: {  	s4 =	rddreg [dreg:$0x7];
	[sflag:s6] =	ssyncadd.s32 $0xFFFFC180  }
0x368: {  	[tilespmem:s16], [sflag:$0x3] =	stream.linear.gather [hbm4b:s4+s16], $0x800, $0x38;
	[tilespmem:$0x1D000] =	vst v63  }
0x369: {  	_ =	swait.ge [sflag:s6], $0x800  }
0x36a: {  	[sflag:s6] =	ssyncset.done $0x0  }
0x36b: {  	s22 =	rddreg [dreg:$0x8];
	[sflag:s6] =	ssyncadd.s32 $0xFFFFF800  }
0x36c: {  	[tilespmem:s0], [sflag:$0x3] =	stream.linear.gather [hbm4b:s22+s16], $0x800, $0x38;
	[tilespmem:$0x1D000] =	vst v63  }
0x36d: {  	_ =	swait.ge [sflag:s6], $0x800  }
0x36e: {  	[sflag:s6] =	ssyncset.done $0x0  }
0x36f: {  	[sflag:s6] =	ssyncadd.s32 $0xFFFFF800  }
0x370: {  	[tilespmem:s10], [sflag:$0x1] =	stream.indirect.gather [hbm4b:s2+s9], $0x80, s16, s9, $0xb8;
	[tilespmem:$0x1D000] =	vst v63  }
0x371: {  	s7 =	simm.s32 $0x80  }
0x372: {  	[tilespmem:s12], [sflag:$0x2] =	stream.indirect.gather [hbm4b:s2+s9], $0x80, s7, s9, $0xb8;
	[tilespmem:$0x1D000] =	vst v63  }
0x373: {  	_ =	swait.ge [sflag:s13], $0x3E80  }
0x374: {  	[sflag:s13] =	ssyncset.done $0x0  }
0x375: {  	[sflag:s13] =	ssyncadd.s32 $0xFFFFC180  }
0x376: {  	[spmem:s3] =	stream.indirect.scatter.add.f32 [tilespmem:s10], [sflag:$0x3], $0x80, s0, s9, $0xb8;
	[tilespmem:$0x1D000] =	vst v63  }
0x377: {  	_ =	swait.ge [sflag:s6], $0x3E80  }
0x378: {  	[sflag:s6] =	ssyncset.done $0x0  }
0x379: {  	s11 =	simm.s32 $0x100;
	[sflag:s6] =	ssyncadd.s32 $0xFFFFC180  }
0x37a: {  	[tilespmem:s10], [sflag:$0x1] =	stream.indirect.gather [hbm4b:s2+s9], $0x80, s11, s9, $0xb8;
	[tilespmem:$0x1D000] =	vst v63  }
0x37b: {  	_ =	swait.ge [sflag:s15], $0x3E80  }
0x37c: {  	[sflag:s15] =	ssyncset.done $0x0  }
0x37d: {  	s14 =	simm.s32 $0x880;
	[sflag:s15] =	ssyncadd.s32 $0xFFFFC180  }
0x37e: {  	[spmem:s3] =	stream.indirect.scatter.add.f32 [tilespmem:s12], [sflag:$0x3], $0x80, s14, s9, $0xb8;
	[tilespmem:$0x1D000] =	vst v63  }
0x37f: {  	_ =	swait.ge [sflag:s6], $0x3E80  }
0x380: {  	[sflag:s6] =	ssyncset.done $0x0  }
0x381: {  	s21 =	simm.s32 $0x180;
	[sflag:s6] =	ssyncadd.s32 $0xFFFFC180  }
0x382: {  	[tilespmem:s12], [sflag:$0x2] =	stream.indirect.gather [hbm4b:s2+s9], $0x80, s21, s9, $0xb8;
	[tilespmem:$0x1D000] =	vst v63  }
0x383: {  	_ =	swait.ge [sflag:s13], $0x3E80  }
0x384: {  	[sflag:s13] =	ssyncset.done $0x0  }
0x385: {  	s4 =	simm.s32 $0x900;
	[sflag:s13] =	ssyncadd.s32 $0xFFFFC180  }
0x386: {  	[spmem:s3] =	stream.indirect.scatter.add.f32 [tilespmem:s10], [sflag:$0x3], $0x80, s4, s9, $0xb8;
	[tilespmem:$0x1D000] =	vst v63  }
0x387: {  	_ =	swait.ge [sflag:s6], $0x3E80  }
0x388: {  	[sflag:s6] =	ssyncset.done $0x0  }
0x389: {  	s1 =	simm.s32 $0x200;
	[sflag:s6] =	ssyncadd.s32 $0xFFFFC180  }
0x38a: {  	[tilespmem:s10], [sflag:$0x1] =	stream.indirect.gather [hbm4b:s2+s9], $0x80, s1, s9, $0xb8;
	[tilespmem:$0x1D000] =	vst v63  }
0x38b: {  	_ =	swait.ge [sflag:s15], $0x3E80  }
0x38c: {  	[sflag:s15] =	ssyncset.done $0x0  }
0x38d: {  	s21 =	simm.s32 $0x980;
	[sflag:s15] =	ssyncadd.s32 $0xFFFFC180  }
0x38e: {  	[spmem:s3] =	stream.indirect.scatter.add.f32 [tilespmem:s12], [sflag:$0x3], $0x80, s21, s9, $0xb8;
	[tilespmem:$0x1D000] =	vst v63  }
0x38f: {  	_ =	swait.ge [sflag:s6], $0x3E80  }
0x390: {  	[sflag:s6] =	ssyncset.done $0x0  }
0x391: {  	s22 =	simm.s32 $0x280;
	[sflag:s6] =	ssyncadd.s32 $0xFFFFC180  }
0x392: {  	[tilespmem:s12], [sflag:$0x2] =	stream.indirect.gather [hbm4b:s2+s9], $0x80, s22, s9, $0xb8;
	[tilespmem:$0x1D000] =	vst v63  }
0x393: {  	_ =	swait.ge [sflag:s13], $0x3E80  }
0x394: {  	[sflag:s13] =	ssyncset.done $0x0  }
0x395: {  	s25 =	simm.s32 $0xA00;
	[sflag:s13] =	ssyncadd.s32 $0xFFFFC180  }
0x396: {  	[spmem:s3] =	stream.indirect.scatter.add.f32 [tilespmem:s10], [sflag:$0x3], $0x80, s25, s9, $0xb8;
	[tilespmem:$0x1D000] =	vst v63  }
0x397: {  	_ =	swait.ge [sflag:s6], $0x3E80  }
0x398: {  	[sflag:s6] =	ssyncset.done $0x0  }
0x399: {  	s1 =	simm.s32 $0x300;
	[sflag:s6] =	ssyncadd.s32 $0xFFFFC180  }
0x39a: {  	[tilespmem:s10], [sflag:$0x1] =	stream.indirect.gather [hbm4b:s2+s9], $0x80, s1, s9, $0xb8;
	[tilespmem:$0x1D000] =	vst v63  }
0x39b: {  	_ =	swait.ge [sflag:s15], $0x3E80  }
0x39c: {  	[sflag:s15] =	ssyncset.done $0x0  }
0x39d: {  	s26 =	simm.s32 $0xA80;
	[sflag:s15] =	ssyncadd.s32 $0xFFFFC180  }
0x39e: {  	[spmem:s3] =	stream.indirect.scatter.add.f32 [tilespmem:s12], [sflag:$0x3], $0x80, s26, s9, $0xb8;
	[tilespmem:$0x1D000] =	vst v63  }
0x39f: {  	_ =	swait.ge [sflag:s6], $0x3E80  }
0x3a0: {  	[sflag:s6] =	ssyncset.done $0x0  }
0x3a1: {  	s28 =	simm.s32 $0x380;
	[sflag:s6] =	ssyncadd.s32 $0xFFFFC180  }
0x3a2: {  	[tilespmem:s12], [sflag:$0x2] =	stream.indirect.gather [hbm4b:s2+s9], $0x80, s28, s9, $0xb8;
	[tilespmem:$0x1D000] =	vst v63  }
0x3a3: {  	_ =	swait.ge [sflag:s13], $0x3E80  }
0x3a4: {  	[sflag:s13] =	ssyncset.done $0x0  }
0x3a5: {  	s29 =	simm.s32 $0xB00;
	[sflag:s13] =	ssyncadd.s32 $0xFFFFC180  }
0x3a6: {  	[spmem:s3] =	stream.indirect.scatter.add.f32 [tilespmem:s10], [sflag:$0x3], $0x80, s29, s9, $0xb8;
	[tilespmem:$0x1D000] =	vst v63  }
0x3a7: {  	_ =	swait.ge [sflag:s6], $0x3E80  }
0x3a8: {  	[sflag:s6] =	ssyncset.done $0x0  }
0x3a9: {  	s30 =	simm.s32 $0x400;
	[sflag:s6] =	ssyncadd.s32 $0xFFFFC180  }
0x3aa: {  	[tilespmem:s10], [sflag:$0x1] =	stream.indirect.gather [hbm4b:s2+s9], $0x80, s30, s9, $0xb8;
	[tilespmem:$0x1D000] =	vst v63  }
0x3ab: {  	_ =	swait.ge [sflag:s15], $0x3E80  }
0x3ac: {  	[sflag:s15] =	ssyncset.done $0x0  }
0x3ad: {  	s31 =	simm.s32 $0xB80;
	[sflag:s15] =	ssyncadd.s32 $0xFFFFC180  }
0x3ae: {  	[spmem:s3] =	stream.indirect.scatter.add.f32 [tilespmem:s12], [sflag:$0x3], $0x80, s31, s9, $0xb8;
	[tilespmem:$0x1D000] =	vst v63  }
0x3af: {  	_ =	swait.ge [sflag:s6], $0x3E80  }
0x3b0: {  	[sflag:s6] =	ssyncset.done $0x0  }
0x3b1: {  	s7 =	simm.s32 $0x480;
	[sflag:s6] =	ssyncadd.s32 $0xFFFFC180  }
0x3b2: {  	[tilespmem:s12], [sflag:$0x2] =	stream.indirect.gather [hbm4b:s2+s9], $0x80, s7, s9, $0xb8;
	[tilespmem:$0x1D000] =	vst v63  }
0x3b3: {  	_ =	swait.ge [sflag:s13], $0x3E80  }
0x3b4: {  	[sflag:s13] =	ssyncset.done $0x0  }
0x3b5: {  	s11 =	simm.s32 $0xC00;
	[sflag:s13] =	ssyncadd.s32 $0xFFFFC180  }
0x3b6: {  	[spmem:s3] =	stream.indirect.scatter.add.f32 [tilespmem:s10], [sflag:$0x3], $0x80, s11, s9, $0xb8;
	[tilespmem:$0x1D000] =	vst v63  }
0x3b7: {  	_ =	swait.ge [sflag:s6], $0x3E80  }
0x3b8: {  	[sflag:s6] =	ssyncset.done $0x0  }
0x3b9: {  	s25 =	simm.s32 $0x500;
	[sflag:s6] =	ssyncadd.s32 $0xFFFFC180  }
0x3ba: {  	[tilespmem:s10], [sflag:$0x1] =	stream.indirect.gather [hbm4b:s2+s9], $0x80, s25, s9, $0xb8;
	[tilespmem:$0x1D000] =	vst v63  }
0x3bb: {  	_ =	swait.ge [sflag:s15], $0x3E80  }
0x3bc: {  	[sflag:s15] =	ssyncset.done $0x0  }
0x3bd: {  	s14 =	simm.s32 $0xC80;
	[sflag:s15] =	ssyncadd.s32 $0xFFFFC180  }
0x3be: {  	[spmem:s3] =	stream.indirect.scatter.add.f32 [tilespmem:s12], [sflag:$0x3], $0x80, s14, s9, $0xb8;
	[tilespmem:$0x1D000] =	vst v63  }
0x3bf: {  	_ =	swait.ge [sflag:s6], $0x3E80  }
0x3c0: {  	[sflag:s6] =	ssyncset.done $0x0  }
0x3c1: {  	s24 =	simm.s32 $0x580;
	[sflag:s6] =	ssyncadd.s32 $0xFFFFC180  }
0x3c2: {  	[tilespmem:s12], [sflag:$0x2] =	stream.indirect.gather [hbm4b:s2+s9], $0x80, s24, s9, $0xb8;
	[tilespmem:$0x1D000] =	vst v63  }
0x3c3: {  	_ =	swait.ge [sflag:s13], $0x3E80  }
0x3c4: {  	[sflag:s13] =	ssyncset.done $0x0  }
0x3c5: {  	s5 =	simm.s32 $0xD00;
	[sflag:s13] =	ssyncadd.s32 $0xFFFFC180  }
0x3c6: {  	[spmem:s3] =	stream.indirect.scatter.add.f32 [tilespmem:s10], [sflag:$0x3], $0x80, s5, s9, $0xb8;
	[tilespmem:$0x1D000] =	vst v63  }
0x3c7: {  	_ =	swait.ge [sflag:s6], $0x3E80  }
0x3c8: {  	[sflag:s6] =	ssyncset.done $0x0  }
0x3c9: {  	s24 =	simm.s32 $0x600;
	[sflag:s6] =	ssyncadd.s32 $0xFFFFC180  }
0x3ca: {  	[tilespmem:s10], [sflag:$0x1] =	stream.indirect.gather [hbm4b:s2+s9], $0x80, s24, s9, $0xb8;
	[tilespmem:$0x1D000] =	vst v63  }
0x3cb: {  	_ =	swait.ge [sflag:s15], $0x3E80  }
0x3cc: {  	[sflag:s15] =	ssyncset.done $0x0  }
0x3cd: {  	s8 =	simm.s32 $0xD80;
	[sflag:s15] =	ssyncadd.s32 $0xFFFFC180  }
0x3ce: {  	[spmem:s3] =	stream.indirect.scatter.add.f32 [tilespmem:s12], [sflag:$0x3], $0x80, s8, s9, $0xb8;
	[tilespmem:$0x1D000] =	vst v63  }
0x3cf: {  	_ =	swait.ge [sflag:s6], $0x3E80  }
0x3d0: {  	[sflag:s6] =	ssyncset.done $0x0  }
0x3d1: {  	s24 =	simm.s32 $0x680;
	[sflag:s6] =	ssyncadd.s32 $0xFFFFC180  }
0x3d2: {  	[tilespmem:s12], [sflag:$0x2] =	stream.indirect.gather [hbm4b:s2+s9], $0x80, s24, s9, $0xb8;
	[tilespmem:$0x1D000] =	vst v63  }
0x3d3: {  	_ =	swait.ge [sflag:s13], $0x3E80  }
0x3d4: {  	[sflag:s13] =	ssyncset.done $0x0  }
0x3d5: {  	s24 =	simm.s32 $0xE00;
	[sflag:s13] =	ssyncadd.s32 $0xFFFFC180  }
0x3d6: {  	[spmem:s3] =	stream.indirect.scatter.add.f32 [tilespmem:s10], [sflag:$0x3], $0x80, s24, s9, $0xb8;
	[tilespmem:$0x1D000] =	vst v63  }
0x3d7: {  	_ =	swait.ge [sflag:s6], $0x3E80  }
0x3d8: {  	[sflag:s6] =	ssyncset.done $0x0  }
0x3d9: {  	s24 =	simm.s32 $0x700;
	[sflag:s6] =	ssyncadd.s32 $0xFFFFC180  }
0x3da: {  	[tilespmem:s10], [sflag:$0x1] =	stream.indirect.gather [hbm4b:s2+s9], $0x80, s24, s9, $0xb8;
	[tilespmem:$0x1D000] =	vst v63  }
0x3db: {  	_ =	swait.ge [sflag:s15], $0x3E80  }
0x3dc: {  	[sflag:s15] =	ssyncset.done $0x0  }
0x3dd: {  	s17 =	simm.s32 $0xE80;
	[sflag:s15] =	ssyncadd.s32 $0xFFFFC180  }
0x3de: {  	[spmem:s3] =	stream.indirect.scatter.add.f32 [tilespmem:s12], [sflag:$0x3], $0x80, s17, s9, $0xb8;
	[tilespmem:$0x1D000] =	vst v63  }
0x3df: {  	_ =	swait.ge [sflag:s6], $0x3E80  }
0x3e0: {  	[sflag:s6] =	ssyncset.done $0x0  }
0x3e1: {  	s18 =	simm.s32 $0x780;
	[sflag:s6] =	ssyncadd.s32 $0xFFFFC180  }
0x3e2: {  	[tilespmem:s12], [sflag:$0x2] =	stream.indirect.gather [hbm4b:s2+s9], $0x80, s18, s9, $0xb8;
	[tilespmem:$0x1D000] =	vst v63  }
0x3e3: {  	_ =	swait.ge [sflag:s13], $0x3E80  }
0x3e4: {  	[sflag:s13] =	ssyncset.done $0x0  }
0x3e5: {  	s19 =	simm.s32 $0xF00;
	[sflag:s13] =	ssyncadd.s32 $0xFFFFC180  }
0x3e6: {  	[spmem:s3] =	stream.indirect.scatter.add.f32 [tilespmem:s10], [sflag:$0x3], $0x80, s19, s9, $0xb8;
	[tilespmem:$0x1D000] =	vst v63  }
0x3e7: {  	_ =	swait.ge [sflag:s6], $0x3E80  }
0x3e8: {  	[sflag:s6] =	ssyncset.done $0x0  }
0x3e9: {  	[sflag:s6] =	ssyncadd.s32 $0xFFFFC180  }
0x3ea: {  	_ =	swait.ge [sflag:s15], $0x3E80  }
0x3eb: {  	[sflag:s15] =	ssyncset.done $0x0  }
0x3ec: {  	s20 =	simm.s32 $0xF80;
	[sflag:s15] =	ssyncadd.s32 $0xFFFFC180  }
0x3ed: {  	[spmem:s3] =	stream.indirect.scatter.add.f32 [tilespmem:s12], [sflag:$0x3], $0x80, s20, s9, $0xb8;
	[tilespmem:$0x1D000] =	vst v63  }
0x3ee: {  	_ =	swait.ge [sflag:s6], $0x3E80  }
0x3ef: {  	[sflag:s6] =	ssyncset.done $0x0  }
0x3f0: {  	s24 =	rddreg [dreg:$0x9];
	[sflag:s6] =	ssyncadd.s32 $0xFFFFC180  }
0x3f1: {  	[tilespmem:s16], [sflag:$0x3] =	stream.linear.gather [hbm4b:s24+s16], $0x800, $0x38;
	[tilespmem:$0x1D000] =	vst v63  }
0x3f2: {  	_ =	swait.ge [sflag:s6], $0x800  }
0x3f3: {  	[sflag:s6] =	ssyncset.done $0x0  }
0x3f4: {  	s24 =	rddreg [dreg:$0xa];
	[sflag:s6] =	ssyncadd.s32 $0xFFFFF800  }
0x3f5: {  	[tilespmem:s0], [sflag:$0x3] =	stream.linear.gather [hbm4b:s24+s16], $0x800, $0x38;
	[tilespmem:$0x1D000] =	vst v63  }
0x3f6: {  	_ =	swait.ge [sflag:s6], $0x800  }
0x3f7: {  	[sflag:s6] =	ssyncset.done $0x0  }
0x3f8: {  	[sflag:s6] =	ssyncadd.s32 $0xFFFFF800  }
0x3f9: {  	[tilespmem:s10], [sflag:$0x1] =	stream.indirect.gather [hbm4b:s2+s9], $0x80, s16, s9, $0xb8;
	[tilespmem:$0x1D000] =	vst v63  }
0x3fa: {  	s24 =	simm.s32 $0x80  }
0x3fb: {  	[tilespmem:s12], [sflag:$0x2] =	stream.indirect.gather [hbm4b:s2+s9], $0x80, s24, s9, $0xb8;
	[tilespmem:$0x1D000] =	vst v63  }
0x3fc: {  	_ =	swait.ge [sflag:s13], $0x3E80  }
0x3fd: {  	[sflag:s13] =	ssyncset.done $0x0  }
0x3fe: {  	[sflag:s13] =	ssyncadd.s32 $0xFFFFC180  }
0x3ff: {  	[spmem:s3] =	stream.indirect.scatter.add.f32 [tilespmem:s10], [sflag:$0x3], $0x80, s0, s9, $0xb8;
	[tilespmem:$0x1D000] =	vst v63  }
0x400: {  	_ =	swait.ge [sflag:s6], $0x3E80  }
0x401: {  	[sflag:s6] =	ssyncset.done $0x0  }
0x402: {  	s24 =	simm.s32 $0x100;
	[sflag:s6] =	ssyncadd.s32 $0xFFFFC180  }
0x403: {  	[tilespmem:s10], [sflag:$0x1] =	stream.indirect.gather [hbm4b:s2+s9], $0x80, s24, s9, $0xb8;
	[tilespmem:$0x1D000] =	vst v63  }
0x404: {  	_ =	swait.ge [sflag:s15], $0x3E80  }
0x405: {  	[sflag:s15] =	ssyncset.done $0x0  }
0x406: {  	s24 =	simm.s32 $0x880;
	[sflag:s15] =	ssyncadd.s32 $0xFFFFC180  }
0x407: {  	[spmem:s3] =	stream.indirect.scatter.add.f32 [tilespmem:s12], [sflag:$0x3], $0x80, s24, s9, $0xb8;
	[tilespmem:$0x1D000] =	vst v63  }
0x408: {  	_ =	swait.ge [sflag:s6], $0x3E80  }
0x409: {  	[sflag:s6] =	ssyncset.done $0x0  }
0x40a: {  	s24 =	simm.s32 $0x180;
	[sflag:s6] =	ssyncadd.s32 $0xFFFFC180  }
0x40b: {  	[tilespmem:s12], [sflag:$0x2] =	stream.indirect.gather [hbm4b:s2+s9], $0x80, s24, s9, $0xb8;
	[tilespmem:$0x1D000] =	vst v63  }
0x40c: {  	_ =	swait.ge [sflag:s13], $0x3E80  }
0x40d: {  	[sflag:s13] =	ssyncset.done $0x0  }
0x40e: {  	[sflag:s13] =	ssyncadd.s32 $0xFFFFC180  }
0x40f: {  	[spmem:s3] =	stream.indirect.scatter.add.f32 [tilespmem:s10], [sflag:$0x3], $0x80, s4, s9, $0xb8;
	[tilespmem:$0x1D000] =	vst v63  }
0x410: {  	_ =	swait.ge [sflag:s6], $0x3E80  }
0x411: {  	[sflag:s6] =	ssyncset.done $0x0  }
0x412: {  	s24 =	simm.s32 $0x200;
	[sflag:s6] =	ssyncadd.s32 $0xFFFFC180  }
0x413: {  	[tilespmem:s10], [sflag:$0x1] =	stream.indirect.gather [hbm4b:s2+s9], $0x80, s24, s9, $0xb8;
	[tilespmem:$0x1D000] =	vst v63  }
0x414: {  	_ =	swait.ge [sflag:s15], $0x3E80  }
0x415: {  	[sflag:s15] =	ssyncset.done $0x0  }
0x416: {  	[sflag:s15] =	ssyncadd.s32 $0xFFFFC180  }
0x417: {  	[spmem:s3] =	stream.indirect.scatter.add.f32 [tilespmem:s12], [sflag:$0x3], $0x80, s21, s9, $0xb8;
	[tilespmem:$0x1D000] =	vst v63  }
0x418: {  	_ =	swait.ge [sflag:s6], $0x3E80  }
0x419: {  	[sflag:s6] =	ssyncset.done $0x0  }
0x41a: {  	[sflag:s6] =	ssyncadd.s32 $0xFFFFC180  }
0x41b: {  	[tilespmem:s12], [sflag:$0x2] =	stream.indirect.gather [hbm4b:s2+s9], $0x80, s22, s9, $0xb8;
	[tilespmem:$0x1D000] =	vst v63  }
0x41c: {  	_ =	swait.ge [sflag:s13], $0x3E80  }
0x41d: {  	[sflag:s13] =	ssyncset.done $0x0  }
0x41e: {  	s24 =	simm.s32 $0xA00;
	[sflag:s13] =	ssyncadd.s32 $0xFFFFC180  }
0x41f: {  	[spmem:s3] =	stream.indirect.scatter.add.f32 [tilespmem:s10], [sflag:$0x3], $0x80, s24, s9, $0xb8;
	[tilespmem:$0x1D000] =	vst v63  }
0x420: {  	_ =	swait.ge [sflag:s6], $0x3E80  }
0x421: {  	[sflag:s6] =	ssyncset.done $0x0  }
0x422: {  	[sflag:s6] =	ssyncadd.s32 $0xFFFFC180  }
0x423: {  	[tilespmem:s10], [sflag:$0x1] =	stream.indirect.gather [hbm4b:s2+s9], $0x80, s1, s9, $0xb8;
	[tilespmem:$0x1D000] =	vst v63  }
0x424: {  	_ =	swait.ge [sflag:s15], $0x3E80  }
0x425: {  	[sflag:s15] =	ssyncset.done $0x0  }
0x426: {  	[sflag:s15] =	ssyncadd.s32 $0xFFFFC180  }
0x427: {  	[spmem:s3] =	stream.indirect.scatter.add.f32 [tilespmem:s12], [sflag:$0x3], $0x80, s26, s9, $0xb8;
	[tilespmem:$0x1D000] =	vst v63  }
0x428: {  	_ =	swait.ge [sflag:s6], $0x3E80  }
0x429: {  	[sflag:s6] =	ssyncset.done $0x0  }
0x42a: {  	[sflag:s6] =	ssyncadd.s32 $0xFFFFC180  }
0x42b: {  	[tilespmem:s12], [sflag:$0x2] =	stream.indirect.gather [hbm4b:s2+s9], $0x80, s28, s9, $0xb8;
	[tilespmem:$0x1D000] =	vst v63  }
0x42c: {  	_ =	swait.ge [sflag:s13], $0x3E80  }
0x42d: {  	[sflag:s13] =	ssyncset.done $0x0  }
0x42e: {  	[sflag:s13] =	ssyncadd.s32 $0xFFFFC180  }
0x42f: {  	[spmem:s3] =	stream.indirect.scatter.add.f32 [tilespmem:s10], [sflag:$0x3], $0x80, s29, s9, $0xb8;
	[tilespmem:$0x1D000] =	vst v63  }
0x430: {  	_ =	swait.ge [sflag:s6], $0x3E80  }
0x431: {  	[sflag:s6] =	ssyncset.done $0x0  }
0x432: {  	[sflag:s6] =	ssyncadd.s32 $0xFFFFC180  }
0x433: {  	[tilespmem:s10], [sflag:$0x1] =	stream.indirect.gather [hbm4b:s2+s9], $0x80, s30, s9, $0xb8;
	[tilespmem:$0x1D000] =	vst v63  }
0x434: {  	_ =	swait.ge [sflag:s15], $0x3E80  }
0x435: {  	[sflag:s15] =	ssyncset.done $0x0  }
0x436: {  	[sflag:s15] =	ssyncadd.s32 $0xFFFFC180  }
0x437: {  	[spmem:s3] =	stream.indirect.scatter.add.f32 [tilespmem:s12], [sflag:$0x3], $0x80, s31, s9, $0xb8;
	[tilespmem:$0x1D000] =	vst v63  }
0x438: {  	_ =	swait.ge [sflag:s6], $0x3E80  }
0x439: {  	[sflag:s6] =	ssyncset.done $0x0  }
0x43a: {  	[sflag:s6] =	ssyncadd.s32 $0xFFFFC180  }
0x43b: {  	[tilespmem:s12], [sflag:$0x2] =	stream.indirect.gather [hbm4b:s2+s9], $0x80, s7, s9, $0xb8;
	[tilespmem:$0x1D000] =	vst v63  }
0x43c: {  	_ =	swait.ge [sflag:s13], $0x3E80  }
0x43d: {  	[sflag:s13] =	ssyncset.done $0x0  }
0x43e: {  	[sflag:s13] =	ssyncadd.s32 $0xFFFFC180  }
0x43f: {  	[spmem:s3] =	stream.indirect.scatter.add.f32 [tilespmem:s10], [sflag:$0x3], $0x80, s11, s9, $0xb8;
	[tilespmem:$0x1D000] =	vst v63  }
0x440: {  	_ =	swait.ge [sflag:s6], $0x3E80  }
0x441: {  	[sflag:s6] =	ssyncset.done $0x0  }
0x442: {  	[sflag:s6] =	ssyncadd.s32 $0xFFFFC180  }
0x443: {  	[tilespmem:s10], [sflag:$0x1] =	stream.indirect.gather [hbm4b:s2+s9], $0x80, s25, s9, $0xb8;
	[tilespmem:$0x1D000] =	vst v63  }
0x444: {  	_ =	swait.ge [sflag:s15], $0x3E80  }
0x445: {  	[sflag:s15] =	ssyncset.done $0x0  }
0x446: {  	[sflag:s15] =	ssyncadd.s32 $0xFFFFC180  }
0x447: {  	[spmem:s3] =	stream.indirect.scatter.add.f32 [tilespmem:s12], [sflag:$0x3], $0x80, s14, s9, $0xb8;
	[tilespmem:$0x1D000] =	vst v63  }
0x448: {  	_ =	swait.ge [sflag:s6], $0x3E80  }
0x449: {  	[sflag:s6] =	ssyncset.done $0x0  }
0x44a: {  	s25 =	simm.s32 $0x580;
	[sflag:s6] =	ssyncadd.s32 $0xFFFFC180  }
0x44b: {  	[tilespmem:s12], [sflag:$0x2] =	stream.indirect.gather [hbm4b:s2+s9], $0x80, s25, s9, $0xb8;
	[tilespmem:$0x1D000] =	vst v63  }
0x44c: {  	_ =	swait.ge [sflag:s13], $0x3E80  }
0x44d: {  	[sflag:s13] =	ssyncset.done $0x0  }
0x44e: {  	s5 =	simm.s32 $0xD00;
	[sflag:s13] =	ssyncadd.s32 $0xFFFFC180  }
0x44f: {  	[spmem:s3] =	stream.indirect.scatter.add.f32 [tilespmem:s10], [sflag:$0x3], $0x80, s5, s9, $0xb8;
	[tilespmem:$0x1D000] =	vst v63  }
0x450: {  	_ =	swait.ge [sflag:s6], $0x3E80  }
0x451: {  	[sflag:s6] =	ssyncset.done $0x0  }
0x452: {  	s7 =	simm.s32 $0x600;
	[sflag:s6] =	ssyncadd.s32 $0xFFFFC180  }
0x453: {  	[tilespmem:s10], [sflag:$0x1] =	stream.indirect.gather [hbm4b:s2+s9], $0x80, s7, s9, $0xb8;
	[tilespmem:$0x1D000] =	vst v63  }
0x454: {  	_ =	swait.ge [sflag:s15], $0x3E80  }
0x455: {  	[sflag:s15] =	ssyncset.done $0x0  }
0x456: {  	s8 =	simm.s32 $0xD80;
	[sflag:s15] =	ssyncadd.s32 $0xFFFFC180  }
0x457: {  	[spmem:s3] =	stream.indirect.scatter.add.f32 [tilespmem:s12], [sflag:$0x3], $0x80, s8, s9, $0xb8;
	[tilespmem:$0x1D000] =	vst v63  }
0x458: {  	_ =	swait.ge [sflag:s6], $0x3E80  }
0x459: {  	[sflag:s6] =	ssyncset.done $0x0  }
0x45a: {  	s8 =	simm.s32 $0x680;
	[sflag:s6] =	ssyncadd.s32 $0xFFFFC180  }
0x45b: {  	[tilespmem:s12], [sflag:$0x2] =	stream.indirect.gather [hbm4b:s2+s9], $0x80, s8, s9, $0xb8;
	[tilespmem:$0x1D000] =	vst v63  }
0x45c: {  	_ =	swait.ge [sflag:s13], $0x3E80  }
0x45d: {  	[sflag:s13] =	ssyncset.done $0x0  }
0x45e: {  	s24 =	simm.s32 $0xE00;
	[sflag:s13] =	ssyncadd.s32 $0xFFFFC180  }
0x45f: {  	[spmem:s3] =	stream.indirect.scatter.add.f32 [tilespmem:s10], [sflag:$0x3], $0x80, s24, s9, $0xb8;
	[tilespmem:$0x1D000] =	vst v63  }
0x460: {  	_ =	swait.ge [sflag:s6], $0x3E80  }
0x461: {  	[sflag:s6] =	ssyncset.done $0x0  }
0x462: {  	s7 =	simm.s32 $0x700;
	[sflag:s6] =	ssyncadd.s32 $0xFFFFC180  }
0x463: {  	[tilespmem:s10], [sflag:$0x1] =	stream.indirect.gather [hbm4b:s2+s9], $0x80, s7, s9, $0xb8;
	[tilespmem:$0x1D000] =	vst v63  }
0x464: {  	_ =	swait.ge [sflag:s15], $0x3E80  }
0x465: {  	[sflag:s15] =	ssyncset.done $0x0  }
0x466: {  	s17 =	simm.s32 $0xE80;
	[sflag:s15] =	ssyncadd.s32 $0xFFFFC180  }
0x467: {  	[spmem:s3] =	stream.indirect.scatter.add.f32 [tilespmem:s12], [sflag:$0x3], $0x80, s17, s9, $0xb8;
	[tilespmem:$0x1D000] =	vst v63  }
0x468: {  	_ =	swait.ge [sflag:s6], $0x3E80  }
0x469: {  	[sflag:s6] =	ssyncset.done $0x0  }
0x46a: {  	s18 =	simm.s32 $0x780;
	[sflag:s6] =	ssyncadd.s32 $0xFFFFC180  }
0x46b: {  	[tilespmem:s12], [sflag:$0x2] =	stream.indirect.gather [hbm4b:s2+s9], $0x80, s18, s9, $0xb8;
	[tilespmem:$0x1D000] =	vst v63  }
0x46c: {  	_ =	swait.ge [sflag:s13], $0x3E80  }
0x46d: {  	[sflag:s13] =	ssyncset.done $0x0  }
0x46e: {  	s19 =	simm.s32 $0xF00;
	[sflag:s13] =	ssyncadd.s32 $0xFFFFC180  }
0x46f: {  	[spmem:s3] =	stream.indirect.scatter.add.f32 [tilespmem:s10], [sflag:$0x3], $0x80, s19, s9, $0xb8;
	[tilespmem:$0x1D000] =	vst v63  }
0x470: {  	_ =	swait.ge [sflag:s6], $0x3E80  }
0x471: {  	[sflag:s6] =	ssyncset.done $0x0  }
0x472: {  	[sflag:s6] =	ssyncadd.s32 $0xFFFFC180  }
0x473: {  	_ =	swait.ge [sflag:s15], $0x3E80  }
0x474: {  	[sflag:s15] =	ssyncset.done $0x0  }
0x475: {  	s20 =	simm.s32 $0xF80;
	[sflag:s15] =	ssyncadd.s32 $0xFFFFC180  }
0x476: {  	[spmem:s3] =	stream.indirect.scatter.add.f32 [tilespmem:s12], [sflag:$0x3], $0x80, s20, s9, $0xb8;
	[tilespmem:$0x1D000] =	vst v63  }
0x477: {  	_ =	swait.ge [sflag:s6], $0x3E80  }
0x478: {  	[sflag:s6] =	ssyncset.done $0x0  }
0x479: {  	s8 =	rddreg [dreg:$0xb];
	[sflag:s6] =	ssyncadd.s32 $0xFFFFC180  }
0x47a: {  	[tilespmem:s16], [sflag:$0x3] =	stream.linear.gather [hbm4b:s8+s16], $0x800, $0x38;
	[tilespmem:$0x1D000] =	vst v63  }
0x47b: {  	_ =	swait.ge [sflag:s6], $0x800  }
0x47c: {  	[sflag:s6] =	ssyncset.done $0x0  }
0x47d: {  	s17 =	rddreg [dreg:$0xc];
	[sflag:s6] =	ssyncadd.s32 $0xFFFFF800  }
0x47e: {  	[tilespmem:s0], [sflag:$0x3] =	stream.linear.gather [hbm4b:s17+s16], $0x800, $0x38;
	[tilespmem:$0x1D000] =	vst v63  }
0x47f: {  	_ =	swait.ge [sflag:s6], $0x800  }
0x480: {  	[sflag:s6] =	ssyncset.done $0x0  }
0x481: {  	[sflag:s6] =	ssyncadd.s32 $0xFFFFF800  }
0x482: {  	[tilespmem:s10], [sflag:$0x1] =	stream.indirect.gather [hbm4b:s2+s9], $0x80, s16, s9, $0xb8;
	[tilespmem:$0x1D000] =	vst v63  }
0x483: {  	s18 =	simm.s32 $0x80  }
0x484: {  	[tilespmem:s12], [sflag:$0x2] =	stream.indirect.gather [hbm4b:s2+s9], $0x80, s18, s9, $0xb8;
	[tilespmem:$0x1D000] =	vst v63  }
0x485: {  	_ =	swait.ge [sflag:s13], $0x3E80  }
0x486: {  	[sflag:s13] =	ssyncset.done $0x0  }
0x487: {  	[sflag:s13] =	ssyncadd.s32 $0xFFFFC180  }
0x488: {  	[spmem:s3] =	stream.indirect.scatter.add.f32 [tilespmem:s10], [sflag:$0x3], $0x80, s0, s9, $0xb8;
	[tilespmem:$0x1D000] =	vst v63  }
0x489: {  	_ =	swait.ge [sflag:s6], $0x3E80  }
0x48a: {  	[sflag:s6] =	ssyncset.done $0x0  }
0x48b: {  	s19 =	simm.s32 $0x100;
	[sflag:s6] =	ssyncadd.s32 $0xFFFFC180  }
0x48c: {  	[tilespmem:s10], [sflag:$0x1] =	stream.indirect.gather [hbm4b:s2+s9], $0x80, s19, s9, $0xb8;
	[tilespmem:$0x1D000] =	vst v63  }
0x48d: {  	_ =	swait.ge [sflag:s15], $0x3E80  }
0x48e: {  	[sflag:s15] =	ssyncset.done $0x0  }
0x48f: {  	s20 =	simm.s32 $0x880;
	[sflag:s15] =	ssyncadd.s32 $0xFFFFC180  }
0x490: {  	[spmem:s3] =	stream.indirect.scatter.add.f32 [tilespmem:s12], [sflag:$0x3], $0x80, s20, s9, $0xb8;
	[tilespmem:$0x1D000] =	vst v63  }
0x491: {  	_ =	swait.ge [sflag:s6], $0x3E80  }
0x492: {  	[sflag:s6] =	ssyncset.done $0x0  }
0x493: {  	s24 =	simm.s32 $0x180;
	[sflag:s6] =	ssyncadd.s32 $0xFFFFC180  }
0x494: {  	[tilespmem:s12], [sflag:$0x2] =	stream.indirect.gather [hbm4b:s2+s9], $0x80, s24, s9, $0xb8;
	[tilespmem:$0x1D000] =	vst v63  }
0x495: {  	_ =	swait.ge [sflag:s13], $0x3E80  }
0x496: {  	[sflag:s13] =	ssyncset.done $0x0  }
0x497: {  	s4 =	simm.s32 $0x900;
	[sflag:s13] =	ssyncadd.s32 $0xFFFFC180  }
0x498: {  	[spmem:s3] =	stream.indirect.scatter.add.f32 [tilespmem:s10], [sflag:$0x3], $0x80, s4, s9, $0xb8;
	[tilespmem:$0x1D000] =	vst v63  }
0x499: {  	_ =	swait.ge [sflag:s6], $0x3E80  }
0x49a: {  	[sflag:s6] =	ssyncset.done $0x0  }
0x49b: {  	s7 =	simm.s32 $0x200;
	[sflag:s6] =	ssyncadd.s32 $0xFFFFC180  }
0x49c: {  	[tilespmem:s10], [sflag:$0x1] =	stream.indirect.gather [hbm4b:s2+s9], $0x80, s7, s9, $0xb8;
	[tilespmem:$0x1D000] =	vst v63  }
0x49d: {  	_ =	swait.ge [sflag:s15], $0x3E80  }
0x49e: {  	[sflag:s15] =	ssyncset.done $0x0  }
0x49f: {  	s21 =	simm.s32 $0x980;
	[sflag:s15] =	ssyncadd.s32 $0xFFFFC180  }
0x4a0: {  	[spmem:s3] =	stream.indirect.scatter.add.f32 [tilespmem:s12], [sflag:$0x3], $0x80, s21, s9, $0xb8;
	[tilespmem:$0x1D000] =	vst v63  }
0x4a1: {  	_ =	swait.ge [sflag:s6], $0x3E80  }
0x4a2: {  	[sflag:s6] =	ssyncset.done $0x0  }
0x4a3: {  	s22 =	simm.s32 $0x280;
	[sflag:s6] =	ssyncadd.s32 $0xFFFFC180  }
0x4a4: {  	[tilespmem:s12], [sflag:$0x2] =	stream.indirect.gather [hbm4b:s2+s9], $0x80, s22, s9, $0xb8;
	[tilespmem:$0x1D000] =	vst v63  }
0x4a5: {  	_ =	swait.ge [sflag:s13], $0x3E80  }
0x4a6: {  	[sflag:s13] =	ssyncset.done $0x0  }
0x4a7: {  	s8 =	simm.s32 $0xA00;
	[sflag:s13] =	ssyncadd.s32 $0xFFFFC180  }
0x4a8: {  	[spmem:s3] =	stream.indirect.scatter.add.f32 [tilespmem:s10], [sflag:$0x3], $0x80, s8, s9, $0xb8;
	[tilespmem:$0x1D000] =	vst v63  }
0x4a9: {  	_ =	swait.ge [sflag:s6], $0x3E80  }
0x4aa: {  	[sflag:s6] =	ssyncset.done $0x0  }
0x4ab: {  	s18 =	simm.s32 $0x300;
	[sflag:s6] =	ssyncadd.s32 $0xFFFFC180  }
0x4ac: {  	[tilespmem:s10], [sflag:$0x1] =	stream.indirect.gather [hbm4b:s2+s9], $0x80, s18, s9, $0xb8;
	[tilespmem:$0x1D000] =	vst v63  }
0x4ad: {  	_ =	swait.ge [sflag:s15], $0x3E80  }
0x4ae: {  	[sflag:s15] =	ssyncset.done $0x0  }
0x4af: {  	s26 =	simm.s32 $0xA80;
	[sflag:s15] =	ssyncadd.s32 $0xFFFFC180  }
0x4b0: {  	[spmem:s3] =	stream.indirect.scatter.add.f32 [tilespmem:s12], [sflag:$0x3], $0x80, s26, s9, $0xb8;
	[tilespmem:$0x1D000] =	vst v63  }
0x4b1: {  	_ =	swait.ge [sflag:s6], $0x3E80  }
0x4b2: {  	[sflag:s6] =	ssyncset.done $0x0  }
0x4b3: {  	s28 =	simm.s32 $0x380;
	[sflag:s6] =	ssyncadd.s32 $0xFFFFC180  }
0x4b4: {  	[tilespmem:s12], [sflag:$0x2] =	stream.indirect.gather [hbm4b:s2+s9], $0x80, s28, s9, $0xb8;
	[tilespmem:$0x1D000] =	vst v63  }
0x4b5: {  	_ =	swait.ge [sflag:s13], $0x3E80  }
0x4b6: {  	[sflag:s13] =	ssyncset.done $0x0  }
0x4b7: {  	s29 =	simm.s32 $0xB00;
	[sflag:s13] =	ssyncadd.s32 $0xFFFFC180  }
0x4b8: {  	[spmem:s3] =	stream.indirect.scatter.add.f32 [tilespmem:s10], [sflag:$0x3], $0x80, s29, s9, $0xb8;
	[tilespmem:$0x1D000] =	vst v63  }
0x4b9: {  	_ =	swait.ge [sflag:s6], $0x3E80  }
0x4ba: {  	[sflag:s6] =	ssyncset.done $0x0  }
0x4bb: {  	s30 =	simm.s32 $0x400;
	[sflag:s6] =	ssyncadd.s32 $0xFFFFC180  }
0x4bc: {  	[tilespmem:s10], [sflag:$0x1] =	stream.indirect.gather [hbm4b:s2+s9], $0x80, s30, s9, $0xb8;
	[tilespmem:$0x1D000] =	vst v63  }
0x4bd: {  	_ =	swait.ge [sflag:s15], $0x3E80  }
0x4be: {  	[sflag:s15] =	ssyncset.done $0x0  }
0x4bf: {  	s31 =	simm.s32 $0xB80;
	[sflag:s15] =	ssyncadd.s32 $0xFFFFC180  }
0x4c0: {  	[spmem:s3] =	stream.indirect.scatter.add.f32 [tilespmem:s12], [sflag:$0x3], $0x80, s31, s9, $0xb8;
	[tilespmem:$0x1D000] =	vst v63  }
0x4c1: {  	_ =	swait.ge [sflag:s6], $0x3E80  }
0x4c2: {  	[sflag:s6] =	ssyncset.done $0x0  }
0x4c3: {  	s19 =	simm.s32 $0x480;
	[sflag:s6] =	ssyncadd.s32 $0xFFFFC180  }
0x4c4: {  	[tilespmem:s12], [sflag:$0x2] =	stream.indirect.gather [hbm4b:s2+s9], $0x80, s19, s9, $0xb8;
	[tilespmem:$0x1D000] =	vst v63  }
0x4c5: {  	_ =	swait.ge [sflag:s13], $0x3E80  }
0x4c6: {  	[sflag:s13] =	ssyncset.done $0x0  }
0x4c7: {  	s11 =	simm.s32 $0xC00;
	[sflag:s13] =	ssyncadd.s32 $0xFFFFC180  }
0x4c8: {  	[spmem:s3] =	stream.indirect.scatter.add.f32 [tilespmem:s10], [sflag:$0x3], $0x80, s11, s9, $0xb8;
	[tilespmem:$0x1D000] =	vst v63  }
0x4c9: {  	_ =	swait.ge [sflag:s6], $0x3E80  }
0x4ca: {  	[sflag:s6] =	ssyncset.done $0x0  }
0x4cb: {  	s1 =	simm.s32 $0x500;
	[sflag:s6] =	ssyncadd.s32 $0xFFFFC180  }
0x4cc: {  	[tilespmem:s10], [sflag:$0x1] =	stream.indirect.gather [hbm4b:s2+s9], $0x80, s1, s9, $0xb8;
	[tilespmem:$0x1D000] =	vst v63  }
0x4cd: {  	_ =	swait.ge [sflag:s15], $0x3E80  }
0x4ce: {  	[sflag:s15] =	ssyncset.done $0x0  }
0x4cf: {  	s14 =	simm.s32 $0xC80;
	[sflag:s15] =	ssyncadd.s32 $0xFFFFC180  }
0x4d0: {  	[spmem:s3] =	stream.indirect.scatter.add.f32 [tilespmem:s12], [sflag:$0x3], $0x80, s14, s9, $0xb8;
	[tilespmem:$0x1D000] =	vst v63  }
0x4d1: {  	_ =	swait.ge [sflag:s6], $0x3E80  }
0x4d2: {  	[sflag:s6] =	ssyncset.done $0x0  }
0x4d3: {  	s24 =	simm.s32 $0x580;
	[sflag:s6] =	ssyncadd.s32 $0xFFFFC180  }
0x4d4: {  	[tilespmem:s12], [sflag:$0x2] =	stream.indirect.gather [hbm4b:s2+s9], $0x80, s24, s9, $0xb8;
	[tilespmem:$0x1D000] =	vst v63  }
0x4d5: {  	_ =	swait.ge [sflag:s13], $0x3E80  }
0x4d6: {  	[sflag:s13] =	ssyncset.done $0x0  }
0x4d7: {  	s25 =	simm.s32 $0xD00;
	[sflag:s13] =	ssyncadd.s32 $0xFFFFC180  }
0x4d8: {  	[spmem:s3] =	stream.indirect.scatter.add.f32 [tilespmem:s10], [sflag:$0x3], $0x80, s25, s9, $0xb8;
	[tilespmem:$0x1D000] =	vst v63  }
0x4d9: {  	_ =	swait.ge [sflag:s6], $0x3E80  }
0x4da: {  	[sflag:s6] =	ssyncset.done $0x0  }
0x4db: {  	s25 =	simm.s32 $0x600;
	[sflag:s6] =	ssyncadd.s32 $0xFFFFC180  }
0x4dc: {  	[tilespmem:s10], [sflag:$0x1] =	stream.indirect.gather [hbm4b:s2+s9], $0x80, s25, s9, $0xb8;
	[tilespmem:$0x1D000] =	vst v63  }
0x4dd: {  	_ =	swait.ge [sflag:s15], $0x3E80  }
0x4de: {  	[sflag:s15] =	ssyncset.done $0x0  }
0x4df: {  	s18 =	simm.s32 $0xD80;
	[sflag:s15] =	ssyncadd.s32 $0xFFFFC180  }
0x4e0: {  	[spmem:s3] =	stream.indirect.scatter.add.f32 [tilespmem:s12], [sflag:$0x3], $0x80, s18, s9, $0xb8;
	[tilespmem:$0x1D000] =	vst v63  }
0x4e1: {  	_ =	swait.ge [sflag:s6], $0x3E80  }
0x4e2: {  	[sflag:s6] =	ssyncset.done $0x0  }
0x4e3: {  	s19 =	simm.s32 $0x680;
	[sflag:s6] =	ssyncadd.s32 $0xFFFFC180  }
0x4e4: {  	[tilespmem:s12], [sflag:$0x2] =	stream.indirect.gather [hbm4b:s2+s9], $0x80, s19, s9, $0xb8;
	[tilespmem:$0x1D000] =	vst v63  }
0x4e5: {  	_ =	swait.ge [sflag:s13], $0x3E80  }
0x4e6: {  	[sflag:s13] =	ssyncset.done $0x0  }
0x4e7: {  	s24 =	simm.s32 $0xE00;
	[sflag:s13] =	ssyncadd.s32 $0xFFFFC180  }
0x4e8: {  	[spmem:s3] =	stream.indirect.scatter.add.f32 [tilespmem:s10], [sflag:$0x3], $0x80, s24, s9, $0xb8;
	[tilespmem:$0x1D000] =	vst v63  }
0x4e9: {  	_ =	swait.ge [sflag:s6], $0x3E80  }
0x4ea: {  	[sflag:s6] =	ssyncset.done $0x0  }
0x4eb: {  	s24 =	simm.s32 $0x700;
	[sflag:s6] =	ssyncadd.s32 $0xFFFFC180  }
0x4ec: {  	[tilespmem:s10], [sflag:$0x1] =	stream.indirect.gather [hbm4b:s2+s9], $0x80, s24, s9, $0xb8;
	[tilespmem:$0x1D000] =	vst v63  }
0x4ed: {  	_ =	swait.ge [sflag:s15], $0x3E80  }
0x4ee: {  	[sflag:s15] =	ssyncset.done $0x0  }
0x4ef: {  	s24 =	simm.s32 $0xE80;
	[sflag:s15] =	ssyncadd.s32 $0xFFFFC180  }
0x4f0: {  	[spmem:s3] =	stream.indirect.scatter.add.f32 [tilespmem:s12], [sflag:$0x3], $0x80, s24, s9, $0xb8;
	[tilespmem:$0x1D000] =	vst v63  }
0x4f1: {  	_ =	swait.ge [sflag:s6], $0x3E80  }
0x4f2: {  	[sflag:s6] =	ssyncset.done $0x0  }
0x4f3: {  	s24 =	simm.s32 $0x780;
	[sflag:s6] =	ssyncadd.s32 $0xFFFFC180  }
0x4f4: {  	[tilespmem:s12], [sflag:$0x2] =	stream.indirect.gather [hbm4b:s2+s9], $0x80, s24, s9, $0xb8;
	[tilespmem:$0x1D000] =	vst v63  }
0x4f5: {  	_ =	swait.ge [sflag:s13], $0x3E80  }
0x4f6: {  	[sflag:s13] =	ssyncset.done $0x0  }
0x4f7: {  	s24 =	simm.s32 $0xF00;
	[sflag:s13] =	ssyncadd.s32 $0xFFFFC180  }
0x4f8: {  	[spmem:s3] =	stream.indirect.scatter.add.f32 [tilespmem:s10], [sflag:$0x3], $0x80, s24, s9, $0xb8;
	[tilespmem:$0x1D000] =	vst v63  }
0x4f9: {  	_ =	swait.ge [sflag:s6], $0x3E80  }
0x4fa: {  	[sflag:s6] =	ssyncset.done $0x0  }
0x4fb: {  	[sflag:s6] =	ssyncadd.s32 $0xFFFFC180  }
0x4fc: {  	_ =	swait.ge [sflag:s15], $0x3E80  }
0x4fd: {  	[sflag:s15] =	ssyncset.done $0x0  }
0x4fe: {  	s24 =	simm.s32 $0xF80;
	[sflag:s15] =	ssyncadd.s32 $0xFFFFC180  }
0x4ff: {  	[spmem:s3] =	stream.indirect.scatter.add.f32 [tilespmem:s12], [sflag:$0x3], $0x80, s24, s9, $0xb8;
	[tilespmem:$0x1D000] =	vst v63  }
0x500: {  	_ =	swait.ge [sflag:s6], $0x3E80  }
0x501: {  	[sflag:s6] =	ssyncset.done $0x0  }
0x502: {  	s24 =	rddreg [dreg:$0xd];
	[sflag:s6] =	ssyncadd.s32 $0xFFFFC180  }
0x503: {  	[tilespmem:s16], [sflag:$0x3] =	stream.linear.gather [hbm4b:s24+s16], $0x800, $0x38;
	[tilespmem:$0x1D000] =	vst v63  }
0x504: {  	_ =	swait.ge [sflag:s6], $0x800  }
0x505: {  	[sflag:s6] =	ssyncset.done $0x0  }
0x506: {  	s24 =	rddreg [dreg:$0xe];
	[sflag:s6] =	ssyncadd.s32 $0xFFFFF800  }
0x507: {  	[tilespmem:s0], [sflag:$0x3] =	stream.linear.gather [hbm4b:s24+s16], $0x800, $0x38;
	[tilespmem:$0x1D000] =	vst v63  }
0x508: {  	_ =	swait.ge [sflag:s6], $0x800  }
0x509: {  	[sflag:s6] =	ssyncset.done $0x0  }
0x50a: {  	[sflag:s6] =	ssyncadd.s32 $0xFFFFF800  }
0x50b: {  	[tilespmem:s10], [sflag:$0x1] =	stream.indirect.gather [hbm4b:s2+s9], $0x80, s16, s9, $0xb8;
	[tilespmem:$0x1D000] =	vst v63  }
0x50c: {  	s24 =	simm.s32 $0x80  }
0x50d: {  	[tilespmem:s12], [sflag:$0x2] =	stream.indirect.gather [hbm4b:s2+s9], $0x80, s24, s9, $0xb8;
	[tilespmem:$0x1D000] =	vst v63  }
0x50e: {  	_ =	swait.ge [sflag:s13], $0x3E80  }
0x50f: {  	[sflag:s13] =	ssyncset.done $0x0  }
0x510: {  	[sflag:s13] =	ssyncadd.s32 $0xFFFFC180  }
0x511: {  	[spmem:s3] =	stream.indirect.scatter.add.f32 [tilespmem:s10], [sflag:$0x3], $0x80, s0, s9, $0xb8;
	[tilespmem:$0x1D000] =	vst v63  }
0x512: {  	_ =	swait.ge [sflag:s6], $0x3E80  }
0x513: {  	[sflag:s6] =	ssyncset.done $0x0  }
0x514: {  	s24 =	simm.s32 $0x100;
	[sflag:s6] =	ssyncadd.s32 $0xFFFFC180  }
0x515: {  	[tilespmem:s10], [sflag:$0x1] =	stream.indirect.gather [hbm4b:s2+s9], $0x80, s24, s9, $0xb8;
	[tilespmem:$0x1D000] =	vst v63  }
0x516: {  	_ =	swait.ge [sflag:s15], $0x3E80  }
0x517: {  	[sflag:s15] =	ssyncset.done $0x0  }
0x518: {  	s24 =	simm.s32 $0x880;
	[sflag:s15] =	ssyncadd.s32 $0xFFFFC180  }
0x519: {  	[spmem:s3] =	stream.indirect.scatter.add.f32 [tilespmem:s12], [sflag:$0x3], $0x80, s24, s9, $0xb8;
	[tilespmem:$0x1D000] =	vst v63  }
0x51a: {  	_ =	swait.ge [sflag:s6], $0x3E80  }
0x51b: {  	[sflag:s6] =	ssyncset.done $0x0  }
0x51c: {  	s24 =	simm.s32 $0x180;
	[sflag:s6] =	ssyncadd.s32 $0xFFFFC180  }
0x51d: {  	[tilespmem:s12], [sflag:$0x2] =	stream.indirect.gather [hbm4b:s2+s9], $0x80, s24, s9, $0xb8;
	[tilespmem:$0x1D000] =	vst v63  }
0x51e: {  	_ =	swait.ge [sflag:s13], $0x3E80  }
0x51f: {  	[sflag:s13] =	ssyncset.done $0x0  }
0x520: {  	s20 =	simm.s32 $0x900;
	[sflag:s13] =	ssyncadd.s32 $0xFFFFC180  }
0x521: {  	[spmem:s3] =	stream.indirect.scatter.add.f32 [tilespmem:s10], [sflag:$0x3], $0x80, s20, s9, $0xb8;
	[tilespmem:$0x1D000] =	vst v63  }
0x522: {  	_ =	swait.ge [sflag:s6], $0x3E80  }
0x523: {  	[sflag:s6] =	ssyncset.done $0x0  }
0x524: {  	s17 =	simm.s32 $0x200;
	[sflag:s6] =	ssyncadd.s32 $0xFFFFC180  }
0x525: {  	[tilespmem:s10], [sflag:$0x1] =	stream.indirect.gather [hbm4b:s2+s9], $0x80, s17, s9, $0xb8;
	[tilespmem:$0x1D000] =	vst v63  }
0x526: {  	_ =	swait.ge [sflag:s15], $0x3E80  }
0x527: {  	[sflag:s15] =	ssyncset.done $0x0  }
0x528: {  	s4 =	simm.s32 $0x980;
	[sflag:s15] =	ssyncadd.s32 $0xFFFFC180  }
0x529: {  	[spmem:s3] =	stream.indirect.scatter.add.f32 [tilespmem:s12], [sflag:$0x3], $0x80, s4, s9, $0xb8;
	[tilespmem:$0x1D000] =	vst v63  }
0x52a: {  	_ =	swait.ge [sflag:s6], $0x3E80  }
0x52b: {  	[sflag:s6] =	ssyncset.done $0x0  }
0x52c: {  	s21 =	simm.s32 $0x280;
	[sflag:s6] =	ssyncadd.s32 $0xFFFFC180  }
0x52d: {  	[tilespmem:s12], [sflag:$0x2] =	stream.indirect.gather [hbm4b:s2+s9], $0x80, s21, s9, $0xb8;
	[tilespmem:$0x1D000] =	vst v63  }
0x52e: {  	_ =	swait.ge [sflag:s13], $0x3E80  }
0x52f: {  	[sflag:s13] =	ssyncset.done $0x0  }
0x530: {  	s20 =	simm.s32 $0xA00;
	[sflag:s13] =	ssyncadd.s32 $0xFFFFC180  }
0x531: {  	[spmem:s3] =	stream.indirect.scatter.add.f32 [tilespmem:s10], [sflag:$0x3], $0x80, s20, s9, $0xb8;
	[tilespmem:$0x1D000] =	vst v63  }
0x532: {  	_ =	swait.ge [sflag:s6], $0x3E80  }
0x533: {  	[sflag:s6] =	ssyncset.done $0x0  }
0x534: {  	s5 =	simm.s32 $0x300;
	[sflag:s6] =	ssyncadd.s32 $0xFFFFC180  }
0x535: {  	[tilespmem:s10], [sflag:$0x1] =	stream.indirect.gather [hbm4b:s2+s9], $0x80, s5, s9, $0xb8;
	[tilespmem:$0x1D000] =	vst v63  }
0x536: {  	_ =	swait.ge [sflag:s15], $0x3E80  }
0x537: {  	[sflag:s15] =	ssyncset.done $0x0  }
0x538: {  	s7 =	simm.s32 $0xA80;
	[sflag:s15] =	ssyncadd.s32 $0xFFFFC180  }
0x539: {  	[spmem:s3] =	stream.indirect.scatter.add.f32 [tilespmem:s12], [sflag:$0x3], $0x80, s7, s9, $0xb8;
	[tilespmem:$0x1D000] =	vst v63  }
0x53a: {  	_ =	swait.ge [sflag:s6], $0x3E80  }
0x53b: {  	[sflag:s6] =	ssyncset.done $0x0  }
0x53c: {  	s26 =	simm.s32 $0x380;
	[sflag:s6] =	ssyncadd.s32 $0xFFFFC180  }
0x53d: {  	[tilespmem:s12], [sflag:$0x2] =	stream.indirect.gather [hbm4b:s2+s9], $0x80, s26, s9, $0xb8;
	[tilespmem:$0x1D000] =	vst v63  }
0x53e: {  	_ =	swait.ge [sflag:s13], $0x3E80  }
0x53f: {  	[sflag:s13] =	ssyncset.done $0x0  }
0x540: {  	s28 =	simm.s32 $0xB00;
	[sflag:s13] =	ssyncadd.s32 $0xFFFFC180  }
0x541: {  	[spmem:s3] =	stream.indirect.scatter.add.f32 [tilespmem:s10], [sflag:$0x3], $0x80, s28, s9, $0xb8;
	[tilespmem:$0x1D000] =	vst v63  }
0x542: {  	_ =	swait.ge [sflag:s6], $0x3E80  }
0x543: {  	[sflag:s6] =	ssyncset.done $0x0  }
0x544: {  	s29 =	simm.s32 $0x400;
	[sflag:s6] =	ssyncadd.s32 $0xFFFFC180  }
0x545: {  	[tilespmem:s10], [sflag:$0x1] =	stream.indirect.gather [hbm4b:s2+s9], $0x80, s29, s9, $0xb8;
	[tilespmem:$0x1D000] =	vst v63  }
0x546: {  	_ =	swait.ge [sflag:s15], $0x3E80  }
0x547: {  	[sflag:s15] =	ssyncset.done $0x0  }
0x548: {  	s30 =	simm.s32 $0xB80;
	[sflag:s15] =	ssyncadd.s32 $0xFFFFC180  }
0x549: {  	[spmem:s3] =	stream.indirect.scatter.add.f32 [tilespmem:s12], [sflag:$0x3], $0x80, s30, s9, $0xb8;
	[tilespmem:$0x1D000] =	vst v63  }
0x54a: {  	_ =	swait.ge [sflag:s6], $0x3E80  }
0x54b: {  	[sflag:s6] =	ssyncset.done $0x0  }
0x54c: {  	s31 =	simm.s32 $0x480;
	[sflag:s6] =	ssyncadd.s32 $0xFFFFC180  }
0x54d: {  	[tilespmem:s12], [sflag:$0x2] =	stream.indirect.gather [hbm4b:s2+s9], $0x80, s31, s9, $0xb8;
	[tilespmem:$0x1D000] =	vst v63  }
0x54e: {  	_ =	swait.ge [sflag:s13], $0x3E80  }
0x54f: {  	[sflag:s13] =	ssyncset.done $0x0  }
0x550: {  	s8 =	simm.s32 $0xC00;
	[sflag:s13] =	ssyncadd.s32 $0xFFFFC180  }
0x551: {  	[spmem:s3] =	stream.indirect.scatter.add.f32 [tilespmem:s10], [sflag:$0x3], $0x80, s8, s9, $0xb8;
	[tilespmem:$0x1D000] =	vst v63  }
0x552: {  	_ =	swait.ge [sflag:s6], $0x3E80  }
0x553: {  	[sflag:s6] =	ssyncset.done $0x0  }
0x554: {  	s22 =	simm.s32 $0x500;
	[sflag:s6] =	ssyncadd.s32 $0xFFFFC180  }
0x555: {  	[tilespmem:s10], [sflag:$0x1] =	stream.indirect.gather [hbm4b:s2+s9], $0x80, s22, s9, $0xb8;
	[tilespmem:$0x1D000] =	vst v63  }
0x556: {  	_ =	swait.ge [sflag:s15], $0x3E80  }
0x557: {  	[sflag:s15] =	ssyncset.done $0x0  }
0x558: {  	s1 =	simm.s32 $0xC80;
	[sflag:s15] =	ssyncadd.s32 $0xFFFFC180  }
0x559: {  	[spmem:s3] =	stream.indirect.scatter.add.f32 [tilespmem:s12], [sflag:$0x3], $0x80, s1, s9, $0xb8;
	[tilespmem:$0x1D000] =	vst v63  }
0x55a: {  	_ =	swait.ge [sflag:s6], $0x3E80  }
0x55b: {  	[sflag:s6] =	ssyncset.done $0x0  }
0x55c: {  	s21 =	simm.s32 $0x580;
	[sflag:s6] =	ssyncadd.s32 $0xFFFFC180  }
0x55d: {  	[tilespmem:s12], [sflag:$0x2] =	stream.indirect.gather [hbm4b:s2+s9], $0x80, s21, s9, $0xb8;
	[tilespmem:$0x1D000] =	vst v63  }
0x55e: {  	_ =	swait.ge [sflag:s13], $0x3E80  }
0x55f: {  	[sflag:s13] =	ssyncset.done $0x0  }
0x560: {  	s11 =	simm.s32 $0xD00;
	[sflag:s13] =	ssyncadd.s32 $0xFFFFC180  }
0x561: {  	[spmem:s3] =	stream.indirect.scatter.add.f32 [tilespmem:s10], [sflag:$0x3], $0x80, s11, s9, $0xb8;
	[tilespmem:$0x1D000] =	vst v63  }
0x562: {  	_ =	swait.ge [sflag:s6], $0x3E80  }
0x563: {  	[sflag:s6] =	ssyncset.done $0x0  }
0x564: {  	s14 =	simm.s32 $0x600;
	[sflag:s6] =	ssyncadd.s32 $0xFFFFC180  }
0x565: {  	[tilespmem:s10], [sflag:$0x1] =	stream.indirect.gather [hbm4b:s2+s9], $0x80, s14, s9, $0xb8;
	[tilespmem:$0x1D000] =	vst v63  }
0x566: {  	_ =	swait.ge [sflag:s15], $0x3E80  }
0x567: {  	[sflag:s15] =	ssyncset.done $0x0  }
0x568: {  	s25 =	simm.s32 $0xD80;
	[sflag:s15] =	ssyncadd.s32 $0xFFFFC180  }
0x569: {  	[spmem:s3] =	stream.indirect.scatter.add.f32 [tilespmem:s12], [sflag:$0x3], $0x80, s25, s9, $0xb8;
	[tilespmem:$0x1D000] =	vst v63  }
0x56a: {  	_ =	swait.ge [sflag:s6], $0x3E80  }
0x56b: {  	[sflag:s6] =	ssyncset.done $0x0  }
0x56c: {  	s18 =	simm.s32 $0x680;
	[sflag:s6] =	ssyncadd.s32 $0xFFFFC180  }
0x56d: {  	[tilespmem:s12], [sflag:$0x2] =	stream.indirect.gather [hbm4b:s2+s9], $0x80, s18, s9, $0xb8;
	[tilespmem:$0x1D000] =	vst v63  }
0x56e: {  	_ =	swait.ge [sflag:s13], $0x3E80  }
0x56f: {  	[sflag:s13] =	ssyncset.done $0x0  }
0x570: {  	s19 =	simm.s32 $0xE00;
	[sflag:s13] =	ssyncadd.s32 $0xFFFFC180  }
0x571: {  	[spmem:s3] =	stream.indirect.scatter.add.f32 [tilespmem:s10], [sflag:$0x3], $0x80, s19, s9, $0xb8;
	[tilespmem:$0x1D000] =	vst v63  }
0x572: {  	_ =	swait.ge [sflag:s6], $0x3E80  }
0x573: {  	[sflag:s6] =	ssyncset.done $0x0  }
0x574: {  	s22 =	simm.s32 $0x700;
	[sflag:s6] =	ssyncadd.s32 $0xFFFFC180  }
0x575: {  	[tilespmem:s10], [sflag:$0x1] =	stream.indirect.gather [hbm4b:s2+s9], $0x80, s22, s9, $0xb8;
	[tilespmem:$0x1D000] =	vst v63  }
0x576: {  	_ =	swait.ge [sflag:s15], $0x3E80  }
0x577: {  	[sflag:s15] =	ssyncset.done $0x0  }
0x578: {  	s24 =	simm.s32 $0xE80;
	[sflag:s15] =	ssyncadd.s32 $0xFFFFC180  }
0x579: {  	[spmem:s3] =	stream.indirect.scatter.add.f32 [tilespmem:s12], [sflag:$0x3], $0x80, s24, s9, $0xb8;
	[tilespmem:$0x1D000] =	vst v63  }
0x57a: {  	_ =	swait.ge [sflag:s6], $0x3E80  }
0x57b: {  	[sflag:s6] =	ssyncset.done $0x0  }
0x57c: {  	s25 =	simm.s32 $0x780;
	[sflag:s6] =	ssyncadd.s32 $0xFFFFC180  }
0x57d: {  	[tilespmem:s12], [sflag:$0x2] =	stream.indirect.gather [hbm4b:s2+s9], $0x80, s25, s9, $0xb8;
	[tilespmem:$0x1D000] =	vst v63  }
0x57e: {  	_ =	swait.ge [sflag:s13], $0x3E80  }
0x57f: {  	[sflag:s13] =	ssyncset.done $0x0  }
0x580: {  	s26 =	simm.s32 $0xF00;
	[sflag:s13] =	ssyncadd.s32 $0xFFFFC180  }
0x581: {  	[spmem:s3] =	stream.indirect.scatter.add.f32 [tilespmem:s10], [sflag:$0x3], $0x80, s26, s9, $0xb8;
	[tilespmem:$0x1D000] =	vst v63  }
0x582: {  	_ =	swait.ge [sflag:s6], $0x3E80  }
0x583: {  	[sflag:s6] =	ssyncset.done $0x0  }
0x584: {  	[sflag:s6] =	ssyncadd.s32 $0xFFFFC180  }
0x585: {  	_ =	swait.ge [sflag:s15], $0x3E80  }
0x586: {  	[sflag:s15] =	ssyncset.done $0x0  }
0x587: {  	s28 =	simm.s32 $0xF80;
	[sflag:s15] =	ssyncadd.s32 $0xFFFFC180  }
0x588: {  	[spmem:s3] =	stream.indirect.scatter.add.f32 [tilespmem:s12], [sflag:$0x3], $0x80, s28, s9, $0xb8;
	[tilespmem:$0x1D000] =	vst v63  }
0x589: {  	_ =	swait.ge [sflag:s6], $0x3E80  }
0x58a: {  	[sflag:s6] =	ssyncset.done $0x0  }
0x58b: {  	[sflag:s6] =	ssyncadd.s32 $0xFFFFC180  }
0x58c: {  	p0 =	sne.s32 s23, $0x1;
	[bflag:$0x0] =	sbarrier.arrive $0xFFFF  }
.Ltmp1:
0x58d: {  	s29 =	rddreg [dreg:$0xf];
	(pc) =	sbr.rel @p0 .LBB2_1-.Ltmp1, $4  }
0x58e: {  	s30 =	rddreg [dreg:$0x11]  }
0x58f: {  	s31 =	rddreg [dreg:$0x10]  }
0x590: {  	[hbm:s29], [sflag:s31] =	dma.local [spmem:s30], $0x2800  }
0x591: {  	s23 =	sadd.s32 $0xFFFFFFFF, s23;
	_ =	swait.ge [sflag:s6], $0x2800  }
.LBB2_2:
0x592: {  	[sflag:s6] =	ssyncset.done $0x0  }
0x593: {  	[sflag:s6] =	ssyncadd.s32 $0xFFFFD800  }
0x594: {  	_ =	sfence.sel $0x180000  }
0x595: {  	[bflag:$0x0] =	sbarrier.arrive $0xFFFF  }
0x596: {  	_ =	strace $0x9000004D  }
0x597: {  	s0 =	stileid.u32;
	[bflag:$0x2] =	sbarrier.arrive $0xFFFF  }
0x598: {  	p0 =	sne.s32 s0, $0x0;
	s0 =	rddreg [dreg:$0x3]  }
0x599: {  	s0 =	sadd.s32 @!p0 $0x100000, s0  }
0x59a: {  	[sflag:s0] =	ssyncadd.tile.s32 @!p0 $0x1;
	_ =	shalt  }
.Lfunc_end2:
_tile_overlayer_lowered:
.L_overlay_start_2:
0x59b: {  	(tag) =	ssettag $0x2  }
0x59c: {  	s0 =	rddreg [dreg:$0x0];
	s2 =	stileid.u32  }
0x59d: {  	s1 =	rddreg [dreg:$0x1];
	p0 =	sne.s32 s2, $0x0  }
0x59e: {  	s3 =	rddreg [dreg:$0x2];
	[bflag:$0x3] =	sbarrier.arrive $0xFFFF;
	s2 =	simm.s32 @!p0 $0x1C03  }
0x59f: {  	[timem:s3], [sflag:s2] =	dma.local @!p0 [hbm:s0], s1  }
0x5a0: {  	s0 =	simm.s32 @!p0 $0x3  }
0x5a1: {  	_ =	swait.ge @!p0 [sflag:s0], s1  }
0x5a2: {  	s1 =	ssub.s32 @!p0 $0x0, s1;
	[sflag:s0] =	ssyncset.done @!p0 $0x0  }
0x5a3: {  	[sflag:s0] =	ssyncadd.s32 @!p0 s1  }
0x5a4: {  	[bflag:$0x3] =	sbarrier.arrive $0xFFFF  }
0x5a5: {  	_ =	shalt  }

// kernel: kernel.8.cloned.1.call-start
scs
__scs_entry_jumppad:
0x0: {  	(pc) =	sbr.rel $0x88, $3  }
0x1: {  	(tag) =	ssettag $0x0;
	lr =	simm.s32 $0x1  }
0x2: {  	[smem:$0x3F99] =	sst lr;
	_ =	strace $0xD0000000  }
0x3: {  	_ = 	snop  }
0x4: {  	_ = 	snop  }
0x5: {  	_ = 	snop  }
0x6: {  	_ = 	snop  }
0x7: {  	_ = 	snop  }
__scs_overlays_trampoline_lowered:
0x8: {  	[smem:$0x3FA8] =	sst s0  }
0x9: {  	[smem:$0x3FA9] =	sst s1  }
0xa: {  	[smem:$0x3FAA] =	sst s2  }
0xb: {  	[smem:$0x3FAB] =	sst s3  }
0xc: {  	[smem:$0x3FAC] =	sst s4  }
0xd: {  	[smem:$0x3FAD] =	sst s5  }
0xe: {  	[smem:$0x3FAE] =	sst s6  }
0xf: {  	[smem:$0x3FAF] =	sst s7  }
0x10: {  	[smem:$0x3FB0] =	sst s8  }
0x11: {  	[smem:$0x3FB1] =	sst s9;
	s0 =	simm.s32 @!p0 $0x0  }
0x12: {  	s1 =	sld [smem:$0x3F97];
	s0 =	simm.s32 @p0 $0x1  }
0x13: {  	[smem:$0x3FB2] =	sst s0;
	s0 =	simm.s32 @!p1 $0x0  }
0x14: {  	s2 =	sld [smem:$0x3F96];
	s0 =	simm.s32 @p1 $0x1  }
0x15: {  	[smem:$0x3FB3] =	sst s0;
	s0 =	simm.s32 @!p2 $0x0  }
0x16: {  	s3 =	sld [smem:$0x3FDB];
	s0 =	simm.s32 @p2 $0x1  }
0x17: {  	s4 =	simm.s32 $0x1BF5;
	[smem:$0x3FB5] =	sst s0  }
0x18: {  	s0 =	sld [smem:$0x3F98];
	_ =	swait.ge [sflag:s4], $0x0  }
0x19: {  	s7 =	sld [smem:$0x3F99]  }
0x1a: {  	s8 =	sadd.s32 $0xFFFFE003, lr  }
0x1b: {  	s9 =	sadd.s32 $0xFFFFFEF7, lr;
	s5 =	simm.s32 $0xFFFFFFFF;
	p2 =	slt.u32 s8, $0xFFFFF086  }
0x1c: {  	p1 =	slt.u32 s9, $0xF7A;
	s5 =	simm.s32 @!p2 $0x0  }
0x1d: {  	s5 =	simm.s32 @p1 $0x1;
	p0 =	seq.s32 s7, s2  }
0x1e: {  	s7 =	smul.u32 @!p0 $0xF7A, s2;
	p2 =	seq.s32 @!p0 s5, $0x0  }
0x1f: {  	s9 =	smul.u32 $0xF7A, s1;
	s8 =	simm.s32 @!p0 $0x1BF5;
	p2 =	por !p2, p0  }
0x20: {  	[sflag:s8] =	ssyncset.s32 @!p0 $0xFFFFF086;
	s6 =	sadd.s32 @!p0 s3, s7;
	s7 =	simm.s32 @!p0 $0x108  }
0x21: {  	s3 =	sadd.s32 s3, s9;
	s6 =	sadd.s32 @!p0 $0x88, s6;
	s7 =	simm.s32 @p2 $0x1082  }
0x22: {  	[simem:s7], [sflag:s8] =	dma.local @!p0 [hbm:s6], $0xF7A  }
0x23: {  	s9 =	sor.u32 $0xD0000000, s2;
	s6 =	simm.s32 $0x108;
	_ =	swait.ge @!p0 [sflag:s8], $0x0  }
0x24: {  	s3 =	sadd.s32 $0x88, s3;
	s6 =	simm.s32 @!p1 $0x1082;
	[sflag:s4] =	ssyncset.s32 $0xFFFFF086  }
0x25: {  	[simem:s6], [sflag:s4] =	dma.local [hbm:s3], $0xF7A  }
0x26: {  	[smem:$0x3F99] =	sst s1;
	(tag) =	ssettag s2;
	_ =	strace s9  }
0x27: {  	s1 =	sld [smem:$0x3FA9]  }
0x28: {  	s2 =	sld [smem:$0x3FAA]  }
0x29: {  	s4 =	sld [smem:$0x3FAC]  }
0x2a: {  	p0 =	seq.s32 s5, $0x0;
	s5 =	sld [smem:$0x3FAD]  }
0x2b: {  	s6 =	sld [smem:$0x3FAE]  }
0x2c: {  	s7 =	sld [smem:$0x3FAF]  }
0x2d: {  	s3 =	simm.s32 $0x108;
	s8 =	sld [smem:$0x3FB0]  }
0x2e: {  	s3 =	simm.s32 @!p0 $0x1082;
	s9 =	sld [smem:$0x3FB1]  }
0x2f: {  	lr =	sadd.s32 s0, s3;
	s0 =	sld [smem:$0x3FA8]  }
0x30: {  	s3 =	sld [smem:$0x3FAB]  }
0x31: {  	[smem:$0x3FB4] =	sst s10  }
0x32: {  	s10 =	sld [smem:$0x3FB2];
	_ =	sdelay $0x3  }
0x33: {  	p0 =	seq.s32 s10, $0x1;
	s10 =	sld [smem:$0x3FB4];
	_ =	sdelay $0x3  }
0x34: {  	[smem:$0x3FB4] =	sst s10  }
0x35: {  	s10 =	sld [smem:$0x3FB3];
	_ =	sdelay $0x3  }
0x36: {  	p1 =	seq.s32 s10, $0x1;
	s10 =	sld [smem:$0x3FB4];
	_ =	sdelay $0x3  }
0x37: {  	[smem:$0x3FB4] =	sst s10  }
0x38: {  	s10 =	sld [smem:$0x3FB5]  }
0x39: {  	_ = 	snop;
	(pc) =	sbr.ind lr, $3  }
0x3a: {  	_ = 	snop  }
0x3b: {  	_ = 	snop  }
0x3c: {  	p2 =	seq.s32 s10, $0x1;
	s10 =	sld [smem:$0x3FB4]  }
0x3d: {  	_ =	shalt  }
0x3e: {  	_ =	shalt  }
0x3f: {  	_ =	shalt  }
0x40: {  	_ =	shalt  }
0x41: {  	_ =	shalt  }
0x42: {  	_ =	shalt  }
0x43: {  	_ =	shalt  }
0x44: {  	_ =	shalt  }
0x45: {  	_ =	shalt  }
0x46: {  	_ =	shalt  }
0x47: {  	_ =	shalt  }
0x48: {  	_ =	shalt  }
0x49: {  	_ =	shalt  }
0x4a: {  	_ =	shalt  }
0x4b: {  	_ =	shalt  }
0x4c: {  	_ =	shalt  }
0x4d: {  	_ =	shalt  }
0x4e: {  	_ =	shalt  }
0x4f: {  	_ =	shalt  }
0x50: {  	_ =	shalt  }
0x51: {  	_ =	shalt  }
0x52: {  	_ =	shalt  }
0x53: {  	_ =	shalt  }
0x54: {  	_ =	shalt  }
0x55: {  	_ =	shalt  }
0x56: {  	_ =	shalt  }
0x57: {  	_ =	shalt  }
0x58: {  	_ =	shalt  }
0x59: {  	_ =	shalt  }
0x5a: {  	_ =	shalt  }
0x5b: {  	_ =	shalt  }
0x5c: {  	_ =	shalt  }
0x5d: {  	_ =	shalt  }
0x5e: {  	_ =	shalt  }
0x5f: {  	_ =	shalt  }
0x60: {  	_ =	shalt  }
0x61: {  	_ =	shalt  }
0x62: {  	_ =	shalt  }
0x63: {  	_ =	shalt  }
0x64: {  	_ =	shalt  }
0x65: {  	_ =	shalt  }
0x66: {  	_ =	shalt  }
0x67: {  	_ =	shalt  }
0x68: {  	_ =	shalt  }
0x69: {  	_ =	shalt  }
0x6a: {  	_ =	shalt  }
0x6b: {  	_ =	shalt  }
0x6c: {  	_ =	shalt  }
0x6d: {  	_ =	shalt  }
0x6e: {  	_ =	shalt  }
0x6f: {  	_ =	shalt  }
0x70: {  	_ =	shalt  }
0x71: {  	_ =	shalt  }
0x72: {  	_ =	shalt  }
0x73: {  	_ =	shalt  }
0x74: {  	_ =	shalt  }
0x75: {  	_ =	shalt  }
0x76: {  	_ =	shalt  }
0x77: {  	_ =	shalt  }
0x78: {  	_ =	shalt  }
0x79: {  	_ =	shalt  }
0x7a: {  	_ =	shalt  }
0x7b: {  	_ =	shalt  }
0x7c: {  	_ =	shalt  }
0x7d: {  	_ =	shalt  }
0x7e: {  	_ =	shalt  }
0x7f: {  	_ =	shalt  }
0x80: {  	_ =	shalt  }
0x81: {  	_ =	shalt  }
0x82: {  	_ =	shalt  }
0x83: {  	_ =	shalt  }
0x84: {  	_ =	shalt  }
0x85: {  	_ =	shalt  }
0x86: {  	_ =	shalt  }
0x87: {  	_ =	shalt  }
.Lfunc_end0:
.L_simem_size_0:
called_computation_lowered:
.L_overlay_start_0:
0x88: {  	s2 =	sld [smem:$0x3FD9]  }
0x89: {  	s3 =	sld [smem:$0x3FFE];
	_ =	sdelay $0x1  }
0x8a: {  	s1 =	srdreg.scid  }
0x8b: {  	s0 =	sand.u32 $0x1, s1  }
0x8c: {  	s17 =	sshll.u32 s0, $0xA;
	s2 =	sadd.s32 s3, s2  }
0x8d: {  	s2 =	sadd.s32 s2, s17  }
0x8e: {  	[smem:$0x3FC0] =	sst s2  }
0x8f: {  	_ = 	snop  }
0x90: {  	s2 =	sld [smem:$0x3FD0];
	(tm) =	ssettm $0x1  }
0x91: {  	s18 =	sld [smem:$0x3FFB];
	_ =	sdelay $0x3  }
0x92: {  	_ =	strace s18  }
0x93: {  	s3 =	sld [smem:$0x3FFC];
	_ =	sdelay $0x3  }
0x94: {  	_ =	strace s3  }
0x95: {  	s3 =	sld [smem:$0x3FFD];
	_ =	sdelay $0x3  }
0x96: {  	_ =	strace s3  }
0x97: {  	_ =	strace $0x8FFFFFFF  }
0x98: {  	s19 =	sld [smem:$0x3FDB];
	_ =	sdelay $0x1  }
0x99: {  	s4 =	simm.s32 $_scs_section_size  }
0x9a: {  	s5 =	simm.s32 $_size__tile_overlayer_lowered;
	s6 =	simm.s32 $_tile_overlayer_lowered  }
0x9b: {  	s22 =	simm.s32 $0x1BFF;
	s21 =	sshll.u32 s6, $0x1;
	s3 =	sadd.s32 s4, s19  }
0x9c: {  	s7 =	simm.s32 $0x0;
	s20 =	sshll.u32 s5, $0x1;
	s5 =	sadd.s32 s21, s3  }
0x9d: {  	[timem:s7], [sflag:s22] =	dma.local [hbm:s5], s20  }
0x9e: {  	_ =	swait.ge [sflag:s22], s20  }
0x9f: {  	s4 =	ssub.s32 $0x0, s20;
	[sflag:s22] =	ssyncset.done $0x0  }
0xa0: {  	[sflag:s22] =	ssyncadd.s32 s4;
	_ =	sdelay $0x1  }
0xa1: {  	s23 =	simm.s32 $0x1B8B  }
0xa2: {  	_ =	swait.ge [sflag:s23], $0x1  }
0xa3: {  	[sflag:s23] =	ssyncset.done $0x0  }
0xa4: {  	s25 =	simm.s32 $0x1B8E;
	s24 =	sld [smem:$0x3FFE];
	[sflag:s23] =	ssyncadd.s32 $0xFFFFFFFF  }
0xa5: {  	s26 =	simm.s32 $execute0_lowered;
	[smem:$0x3FD2] =	sst s25  }
0xa6: {  	s5 =	sshll.u32 s26, $0x1;
	_ =	strace $0x80000046;
	[dreg:$0x1] =	wrdreg $0xFFFFFFFF  }
0xa7: {  	s28 =	simm.s32 $_size_execute0_lowered;
	s3 =	sadd.s32 s3, s5;
	[dreg:$0x0] =	wrdreg $0x0  }
0xa8: {  	s5 =	sshll.u32 s28, $0x1;
	[dreg:$0x2] =	wrdreg s3  }
0xa9: {  	[dreg:$0x3] =	wrdreg s5  }
0xaa: {  	[dreg:$0x4] =	wrdreg $0xC0  }
0xab: {  	_ =	task [dreg:s7], $0x5FFFF  }
0xac: {  	[dreg:$0x1] =	wrdreg $0xFFFFFFFF  }
0xad: {  	[dreg:$0x0] =	wrdreg $0x60  }
0xae: {  	[dreg:$0x2] =	wrdreg s2  }
0xaf: {  	[dreg:$0x3] =	wrdreg s24  }
0xb0: {  	[dreg:$0x4] =	wrdreg $0x40800  }
0xb1: {  	[dreg:$0x5] =	wrdreg $0x9  }
0xb2: {  	_ =	task.clear_ibuf [dreg:s7], $0x6FFFF;
	_ =	strace $0x90000046  }
0xb3: {  	s29 =	simm.s32 $0x9;
	_ =	strace $0x80000048  }
0xb4: {  	_ =	swait.ge [sflag:s29], $0x1  }
0xb5: {  	[sflag:s29] =	ssyncadd.s32 $0xFFFFFFFF  }
0xb6: {  	_ =	strace $0x90000048  }
0xb7: {  	_ =	sfence  }
0xb8: {  	s30 =	sld [smem:$0x0];
	_ =	sdelay $0x2  }
0xb9: {  	s31 =	sshll.u32 s1, $0xD;
	s1 =	sshrl.u32 s1, $0x2  }
0xba: {  	s3 =	sand.u32 $0x4000, s31;
	s1 =	sadd.s32 s1, s30  }
0xbb: {  	s0 =	sor.u32 s3, s0;
	s1 =	sshll.u32 s1, $0x11  }
0xbc: {  	s0 =	sor.u32 s1, s0  }
0xbd: {  	s0 =	sadd.s32 $0x8F2B, s0  }
0xbe: {  	[sflag:s0] =	ssyncadd.remote.s32 $0x1  }
0xbf: {  	_ =	sfence.sel $0xFFFF  }
0xc0: {  	[dreg:$0x0] =	wrdreg $0xFFFFFFFF;
	(pc) =	sbr.abs _section_cstart, $3  }
0xc1: {  	[dreg:$0x1] =	wrdreg $0xFFFFFFFF  }
0xc2: {  	_ =	task.clear_ibuf [dreg:s7], $0x2FFFF;
	_ =	strace $0x9FFFFFFF  }
0xc3: {  	(tm) =	ssettm $0x7FFFFFFF  }
tec
execute0_lowered:
.L_overlay_start_1:
0x0: {  	(tag) =	ssettag $0x1  }
0x1: {  	s5 =	rddreg [dreg:$0x0]  }
0x2: {  	s1 =	srdreg.scid;
	s6 =	rddreg [dreg:$0x1]  }
0x3: {  	s0 =	stileid.u32;
	s2 =	rddreg [dreg:$0x2];
	s3 =	simm.s32 $0x0  }
0x4: {  	s12 =	simm.s32 $0x4000;
	s7 =	sand.u32 $0x1, s1;
	s1 =	rddreg [dreg:$0x3]  }
0x5: {  	s13 =	simm.s32 $0x0;
	s8 =	smul.u32 $0x280, s0;
	[smem:$0x7FF] =	sst s3  }
0x6: {  	s11 =	sshll.u32 s0, $0xC;
	s31 =	sshll.u32 s0, $0x6;
	s4 =	smul.u32 $0x2800, s7  }
0x7: {  	_ =	strace $0x80000047;
	s28 =	ssub.s32 $0x2, s7;
	s7 =	sshll.u32 s7, $0xB  }
0x8: {  	s10 =	sshrl.u32 s28, $0x1;
	s5 =	sadd.s32 s5, s7;
	s30 =	sadd.s32 s8, s2  }
0x9: {  	s9 =	sadd.s32 s8, s4;
	s4 =	sadd.s32 $0x2400, s6;
	s29 =	ssub.s32 s28, s10  }
0xa: {  	s5 =	sadd.s32 s11, s5;
	s8 =	simm.s32 $0x1;
	s9 =	sshrl.u32 s9, $0x3  }
0xb: {  	s10 =	sshrl.u32 s30, $0x3;
	s11 =	simm.s32 $0x50;
	s6 =	sadd.s32 s9, s6  }
0xc: {  	v0 =	vimm.f32 $1.000000000e+00;
	s7 =	smax.u32 s29, $0x1;
	s9 =	sor.u32 $0x1C01, s31;
	s6 =	sadd.s32 $0x2600, s6  }
.LBB2_1:
0xd: {  	[tilespmem:s3], [sflag:$0x1] =	stream.linear.gather [hbm4b:s5+s3], $0x3E80, $0x38;
	[tilespmem:$0x4300] =	vst v63  }
0xe: {  	_ =	swait.ge [sflag:s8], $0x3E80  }
0xf: {  	[sflag:s8] =	ssyncset.done $0x0  }
0x10: {  	[sflag:s8] =	ssyncadd.s32 $0xFFFFC180  }
0x11: {  	[spmem:s10], [sflag:s9] =	dma.local [hbm:s4], $0x50  }
0x12: {  	_ =	swait.ge [sflag:s8], $0x50  }
0x13: {  	[sflag:s8] =	ssyncset.done $0x0  }
0x14: {  	[sflag:s8] =	ssyncadd.s32 $0xFFFFFFB0  }
0x15: {  	[tilespmem:$0x4000] =	vst v0  }
0x16: {  	[tilespmem:$0x4010] =	vst v0  }
0x17: {  	[tilespmem:$0x4020] =	vst v0  }
0x18: {  	[tilespmem:$0x4030] =	vst v0  }
0x19: {  	[tilespmem:$0x4040] =	vst v0  }
0x1a: {  	s14 =	simm.s32 $0x0;
	[bflag:$0x0] =	sbarrier.arrive $0xFFFF  }
0x1b: {  	[spmem:s2] =	stream.indirect.scatter.add.f32 [tilespmem:s12], [sflag:$0x1], $0x1, s14, s11, $0xb8;
	[tilespmem:$0x4300] =	vst v63  }
0x1c: {  	_ =	swait.ge [sflag:s8], $0x50  }
0x1d: {  	s14 =	simm.s32 $0x200;
	[sflag:s8] =	ssyncset.done $0x0  }
.LBB2_2:
0x1e: {  	s15 =	sshra.s32 s14, $0x2;
	[sflag:s8] =	ssyncadd.s32 $0xFFFFFFB0;
	p0 =	sne.s32 s14, $0xF800  }
0x1f: {  	[spmem:s2] =	stream.indirect.scatter.add.f32 [tilespmem:s12], [sflag:$0x1], $0x1, s15, s11, $0xb8;
	[tilespmem:$0x4300] =	vst v63  }
.Ltmp0:
0x20: {  	_ = 	snop;
	(pc) =	sbr.rel @p0 .LBB2_2-.Ltmp0, $4  }
0x21: {  	_ = 	snop  }
0x22: {  	s14 =	sadd.s32 $0x200, s14  }
0x23: {  	_ =	swait.ge [sflag:s8], $0x50  }
0x24: {  	[sflag:s8] =	ssyncset.done $0x0  }
0x25: {  	s13 =	sadd.s32 $0x1, s13  }
0x26: {  	[sflag:s8] =	ssyncadd.s32 $0xFFFFFFB0;
	p0 =	sne.s32 s13, s7  }
.Ltmp1:
0x27: {  	[bflag:$0x0] =	sbarrier.arrive $0xFFFF;
	(pc) =	sbr.rel @p0 .LBB2_1-.Ltmp1, $4  }
0x28: {  	[hbm:s6], [sflag:s9] =	dma.local [spmem:s10], $0x50  }
0x29: {  	_ =	swait.ge [sflag:s8], $0x50  }
0x2a: {  	[sflag:s8] =	ssyncset.done $0x0  }
0x2b: {  	[sflag:s8] =	ssyncadd.s32 $0xFFFFFFB0  }
0x2c: {  	_ =	sfence.sel $0x180000  }
0x2d: {  	[bflag:$0x0] =	sbarrier.arrive $0xFFFF  }
0x2e: {  	p0 =	sne.s32 s0, $0x0;
	_ =	strace $0x90000047  }
0x2f: {  	s0 =	sadd.s32 @!p0 $0x100000, s1;
	[bflag:$0x2] =	sbarrier.arrive $0xFFFF  }
0x30: {  	[sflag:s0] =	ssyncadd.tile.s32 @!p0 $0x1;
	_ =	shalt  }
.Lfunc_end2:
_tile_overlayer_lowered:
.L_overlay_start_2:
0x31: {  	(tag) =	ssettag $0x2  }
0x32: {  	s0 =	rddreg [dreg:$0x0];
	s2 =	stileid.u32  }
0x33: {  	s1 =	rddreg [dreg:$0x1];
	p0 =	sne.s32 s2, $0x0  }
0x34: {  	s3 =	rddreg [dreg:$0x2];
	[bflag:$0x3] =	sbarrier.arrive $0xFFFF;
	s2 =	simm.s32 @!p0 $0x1C01  }
0x35: {  	[timem:s3], [sflag:s2] =	dma.local @!p0 [hbm:s0], s1  }
0x36: {  	s0 =	simm.s32 @!p0 $0x1  }
0x37: {  	_ =	swait.ge @!p0 [sflag:s0], s1  }
0x38: {  	s1 =	ssub.s32 @!p0 $0x0, s1;
	[sflag:s0] =	ssyncset.done @!p0 $0x0  }
0x39: {  	[sflag:s0] =	ssyncadd.s32 @!p0 s1  }
0x3a: {  	[bflag:$0x3] =	sbarrier.arrive $0xFFFF  }
0x3b: {  	_ =	shalt  }

</sc_bundles>
